<compile_context>
chip_gen: v7x
topology: tpu7x:2x2x1
jax: 0.10.2.dev20260603
libtpu: 0.0.44.dev20260713+nightly
codegen_flags: <defaults>
</compile_context>

<pallas_src>
import functools

import jax
import jax.numpy as jnp
from jax import lax
from jax.experimental import pallas as pl
from jax.experimental.pallas import tpu as pltpu
from jax.experimental.pallas import tpu_sc as plsc

_H = 384
_W = 384
_B = 2
_C = 192
_NW = 32
_RPW = (_B * _H) // _NW
_CHUNK = 48
_GRP = _CHUNK // 16
_NCHUNK = _RPW * 8


def _floor_f32(x):
    t = x.astype(jnp.int32).astype(jnp.float32)
    return jnp.where(t > x, t - 1.0, t)


def _splat(ref, i):
    return plsc.load_gather(ref, [jnp.full((16,), i, jnp.int32)])


def _warp_body(src_t, dispx, dispy, xs, ys, out_t, flow_out, *scr):
    xs_v, ys_v, dx_v, dy_v = scr[:4]
    rowflow = scr[28]
    sets = []
    for par in range(2):
        a = 4 + par * 12
        sets.append(dict(
            idx=scr[a:a + 4], w=scr[a + 4:a + 8], r=scr[a + 8:a + 12],
            acc=scr[29 + par],
            gsem=scr[31 + par], osem=scr[33 + par],
        ))

    cid = lax.axis_index("c")
    sid = lax.axis_index("s")
    wid = sid * 2 + cid
    b = wid // 16
    row0 = wid * _RPW
    y0 = row0 - b * _H
    tbase = b * (_H * _W)

    pltpu.sync_copy(xs.at[:], xs_v)
    pltpu.sync_copy(ys.at[pl.ds(y0, _RPW)], ys_v)
    pltpu.sync_copy(dispx.at[pl.ds(row0, _RPW)], dx_v)
    pltpu.sync_copy(dispy.at[pl.ds(row0, _RPW)], dy_v)

    lanes = lax.iota(jnp.int32, 16)

    def fire(q, S):
        j = q // 8
        c8 = q - j * 8
        yv = _splat(ys_v, j)
        for g in range(_GRP):
            x0 = c8 * _CHUNK + g * 16
            fx = xs_v[pl.ds(x0, 16)] + dx_v[j, pl.ds(x0, 16)]
            fy = yv + dy_v[j, pl.ds(x0, 16)]
            ix = (fx + 1.0) * 0.5 * float(_W - 1)
            iy = (fy + 1.0) * 0.5 * float(_H - 1)
            ix0 = _floor_f32(ix)
            iy0 = _floor_f32(iy)
            ix1 = ix0 + 1.0
            iy1 = iy0 + 1.0
            wx1 = ix - ix0
            wx0 = 1.0 - wx1
            wy1 = iy - iy0
            wy0 = 1.0 - wy1
            inx0 = (ix0 >= 0.0) & (ix0 <= float(_W - 1))
            inx1 = (ix1 >= 0.0) & (ix1 <= float(_W - 1))
            iny0 = (iy0 >= 0.0) & (iy0 <= float(_H - 1))
            iny1 = (iy1 >= 0.0) & (iy1 <= float(_H - 1))
            cx0 = jnp.clip(ix0, 0.0, float(_W - 1)).astype(jnp.int32)
            cx1 = jnp.clip(ix1, 0.0, float(_W - 1)).astype(jnp.int32)
            cy0 = jnp.clip(iy0, 0.0, float(_H - 1)).astype(jnp.int32) * _W + tbase
            cy1 = jnp.clip(iy1, 0.0, float(_H - 1)).astype(jnp.int32) * _W + tbase
            s = pl.ds(g * 16, 16)
            S["idx"][0][s] = cy0 + cx0
            S["idx"][1][s] = cy0 + cx1
            S["idx"][2][s] = cy1 + cx0
            S["idx"][3][s] = cy1 + cx1
            S["w"][0][s] = wy0 * wx0 * (iny0 & inx0).astype(jnp.float32)
            S["w"][1][s] = wy0 * wx1 * (iny0 & inx1).astype(jnp.float32)
            S["w"][2][s] = wy1 * wx0 * (iny1 & inx0).astype(jnp.float32)
            S["w"][3][s] = wy1 * wx1 * (iny1 & inx1).astype(jnp.float32)
            loc = (lanes + x0) * 2
            plsc.store_scatter(rowflow, [loc], fx)
            plsc.store_scatter(rowflow, [loc + 1], fy)
        for t in range(4):
            pltpu.async_copy(src_t.at[S["idx"][t]], S["r"][t], S["gsem"])

    def drain_gathers(S):
        for t in range(4):
            pltpu.make_async_copy(src_t.at[S["idx"][t]], S["r"][t],
                                  S["gsem"]).wait()

    def blend(S):
        def pix_body(i, carry):
            b00 = _splat(S["w"][0], i)
            b01 = _splat(S["w"][1], i)
            b10 = _splat(S["w"][2], i)
            b11 = _splat(S["w"][3], i)
            col = jnp.full((16,), i, jnp.int32)
            for cc in range(_C // 16):
                cs = pl.ds(cc * 16, 16)
                v = (S["r"][0][i, cs] * b00 + S["r"][1][i, cs] * b01
                     + S["r"][2][i, cs] * b10 + S["r"][3][i, cs] * b11)
                plsc.store_scatter(S["acc"], [lanes + cc * 16, col], v)
            return carry

        lax.fori_loop(0, _CHUNK, pix_body, None)

    def out_dst(q):
        j = q // 8
        x0c = (q - j * 8) * _CHUNK
        return out_t.at[b, :, y0 + j, pl.ds(x0c, _CHUNK)]

    def start_out(q, S):
        pltpu.async_copy(S["acc"], out_dst(q), S["osem"])

    def drain_out(q, S):
        pltpu.make_async_copy(S["acc"], out_dst(q), S["osem"]).wait()

    def flush_rowflow(q):
        j = q // 8
        base = (row0 + j) * _W
        pltpu.sync_copy(rowflow, flow_out.at[pl.ds(base * 2, _W * 2)])

    def loop_i(i, carry):
        fire(2 * i, sets[0])

        @pl.when(i > 1)
        def _():
            drain_out(2 * i - 3, sets[1])

        @pl.when(i > 0)
        def _():
            drain_gathers(sets[1])
            blend(sets[1])
            start_out(2 * i - 1, sets[1])

        fire(2 * i + 1, sets[1])
        drain_gathers(sets[0])

        @pl.when(i > 0)
        def _():
            drain_out(2 * i - 2, sets[0])

        blend(sets[0])
        start_out(2 * i, sets[0])

        @pl.when((2 * i + 1) % 8 == 7)
        def _():
            flush_rowflow(2 * i + 1)
        return carry

    lax.fori_loop(0, _NCHUNK // 2, loop_i, None)
    drain_gathers(sets[1])
    drain_out(_NCHUNK - 3, sets[1])
    blend(sets[1])
    pltpu.sync_copy(sets[1]["acc"], out_dst(_NCHUNK - 1))
    drain_out(_NCHUNK - 2, sets[0])


_scratch = [
    pltpu.VMEM((_W,), jnp.float32),
    pltpu.VMEM((_RPW,), jnp.float32),
    pltpu.VMEM((_RPW, _W), jnp.float32),
    pltpu.VMEM((_RPW, _W), jnp.float32),
]
for _par in range(2):
    _scratch += [pltpu.VMEM((_CHUNK,), jnp.int32) for _ in range(4)]
    _scratch += [pltpu.VMEM((_CHUNK,), jnp.float32) for _ in range(4)]
    _scratch += [pltpu.VMEM((_CHUNK, _C), jnp.float32) for _ in range(4)]
_scratch += [pltpu.VMEM((_W * 2,), jnp.float32)]
_scratch += [pltpu.VMEM((_C, _CHUNK), jnp.float32) for _ in range(2)]
_scratch += [pltpu.SemaphoreType.DMA for _ in range(4)]

_warp = functools.partial(
    pl.kernel,
    out_type=(
        jax.ShapeDtypeStruct((_B, _C, _H, _W), jnp.float32),
        jax.ShapeDtypeStruct((_B * _H * _W * 2,), jnp.float32),
    ),
    mesh=plsc.VectorSubcoreMesh(core_axis_name="c", subcore_axis_name="s",
                                num_cores=2, num_subcores=16),
    compiler_params=pltpu.CompilerParams(needs_layout_passes=False,
                                         use_tc_tiling_on_sc=False),
    scratch_types=_scratch,
)(_warp_body)


def kernel(src, disp):
    src_t = src.transpose(0, 2, 3, 1).reshape(_B * _H * _W, _C)
    dispx = disp[:, 0].reshape(_B * _H, _W)
    dispy = disp[:, 1].reshape(_B * _H, _W)
    xs = jnp.linspace(-1.0, 1.0, _W, dtype=jnp.float32)
    ys = jnp.linspace(-1.0, 1.0, _H, dtype=jnp.float32)
    warped, flow_flat = _warp(src_t, dispx, dispy, xs, ys)
    flow = flow_flat.reshape(_B, _H, _W, 2)
    return warped, flow

# --- scband reference (transcript-rebuilt; emitter-appended) ---
"""Pipeline reference for scband-spatial-transformer-13176959664637 (READ-ONLY COPY).

The authoritative reference and input builder live on the scoring server;
editing this copy changes nothing except your own understanding.
"""

import jax, jax.numpy as jnp
import numpy as np

H, W = 384, 384
B, C = 2, 192


def create_meshgrid(h, w):
    # kornia.utils.create_meshgrid with normalized_coordinates=True:
    # returns [1, h, w, 2] with (x, y) in [-1, 1]
    xs = jnp.linspace(-1.0, 1.0, w, dtype=jnp.float32)
    ys = jnp.linspace(-1.0, 1.0, h, dtype=jnp.float32)
    gx, gy = jnp.meshgrid(xs, ys, indexing='xy')
    grid = jnp.stack([gx, gy], axis=-1)
    return grid[None]


def grid_sample_bilinear_zeros(src, flow):
    # src: [B, C, Hi, Wi]; flow: [B, Ho, Wo, 2] normalized coords
    # matches F.grid_sample(mode='bilinear', padding_mode='zeros', align_corners=True)
    Bb, Cc, Hi, Wi = src.shape
    x = flow[..., 0]
    y = flow[..., 1]
    ix = (x + 1.0) * 0.5 * (Wi - 1)
    iy = (y + 1.0) * 0.5 * (Hi - 1)
    ix0 = jnp.floor(ix)
    iy0 = jnp.floor(iy)
    ix1 = ix0 + 1.0
    iy1 = iy0 + 1.0
    wx1 = ix - ix0
    wx0 = 1.0 - wx1
    wy1 = iy - iy0
    wy0 = 1.0 - wy1

    def gather(iy_f, ix_f, w):
        mask = (ix_f >= 0) & (ix_f <= Wi - 1) & (iy_f >= 0) & (iy_f <= Hi - 1)
        iyc = jnp.clip(iy_f, 0, Hi - 1).astype(jnp.int32)
        ixc = jnp.clip(ix_f, 0, Wi - 1).astype(jnp.int32)
        bidx = jnp.arange(Bb)[:, None, None]
        vals = src[bidx, :, iyc, ixc]  # [B, Ho, Wo, C]
        return vals * (w * mask.astype(src.dtype))[..., None]

    out = (gather(iy0, ix0, wy0 * wx0)
           + gather(iy0, ix1, wy0 * wx1)
           + gather(iy1, ix0, wy1 * wx0)
           + gather(iy1, ix1, wy1 * wx1))
    return jnp.transpose(out, (0, 3, 1, 2))


def setup_inputs(seed: int = 0) -> dict:
    key = jax.random.key(seed)
    k1, k2 = jax.random.split(key)
    src = jax.random.normal(k1, (B, C, H, W), dtype=jnp.float32)
    disp = jax.random.normal(k2, (B, 2, H, W), dtype=jnp.float32) * 0.1
    return {"src": src, "disp": disp}


def reference(src, disp):
    grid = create_meshgrid(H, W)  # [1, H, W, 2]
    if disp.shape[1] == 2:
        disp = jnp.transpose(disp, (0, 2, 3, 1))  # [B, H, W, 2]
    flow = grid + disp
    warped = grid_sample_bilinear_zeros(src, flow)
    return warped, flow

if __name__ == "__main__":
    import jax
    _d = setup_inputs()
    print(jax.jit(kernel)(*tuple(_d.values())))

</pallas_src>

<mosaic_0001>
#map = affine_map<(d0, d1) -> (0, 0)>
#map1 = affine_map<(d0, d1) -> (0)>
#map2 = affine_map<(d0, d1) -> (0, 0, 0, 0)>
module attributes {stable_mosaic.version = 14 : i64} {
  func.func @_warp_body(%arg0: i32, %arg1: i32, %arg2: memref<294912x192xf32, #tpu.memory_space<hbm>>, %arg3: memref<768x384xf32, #tpu.memory_space<hbm>>, %arg4: memref<768x384xf32, #tpu.memory_space<hbm>>, %arg5: memref<384xf32, #tpu.memory_space<hbm>>, %arg6: memref<384xf32, #tpu.memory_space<hbm>>, %arg7: memref<2x192x384x384xf32, #tpu.memory_space<hbm>>, %arg8: memref<589824xf32, #tpu.memory_space<hbm>>, %arg9: memref<384xf32, #tpu.memory_space<vmem>>, %arg10: memref<24xf32, #tpu.memory_space<vmem>>, %arg11: memref<24x384xf32, #tpu.memory_space<vmem>>, %arg12: memref<24x384xf32, #tpu.memory_space<vmem>>, %arg13: memref<48xi32, #tpu.memory_space<vmem>>, %arg14: memref<48xi32, #tpu.memory_space<vmem>>, %arg15: memref<48xi32, #tpu.memory_space<vmem>>, %arg16: memref<48xi32, #tpu.memory_space<vmem>>, %arg17: memref<48xf32, #tpu.memory_space<vmem>>, %arg18: memref<48xf32, #tpu.memory_space<vmem>>, %arg19: memref<48xf32, #tpu.memory_space<vmem>>, %arg20: memref<48xf32, #tpu.memory_space<vmem>>, %arg21: memref<48x192xf32, #tpu.memory_space<vmem>>, %arg22: memref<48x192xf32, #tpu.memory_space<vmem>>, %arg23: memref<48x192xf32, #tpu.memory_space<vmem>>, %arg24: memref<48x192xf32, #tpu.memory_space<vmem>>, %arg25: memref<48xi32, #tpu.memory_space<vmem>>, %arg26: memref<48xi32, #tpu.memory_space<vmem>>, %arg27: memref<48xi32, #tpu.memory_space<vmem>>, %arg28: memref<48xi32, #tpu.memory_space<vmem>>, %arg29: memref<48xf32, #tpu.memory_space<vmem>>, %arg30: memref<48xf32, #tpu.memory_space<vmem>>, %arg31: memref<48xf32, #tpu.memory_space<vmem>>, %arg32: memref<48xf32, #tpu.memory_space<vmem>>, %arg33: memref<48x192xf32, #tpu.memory_space<vmem>>, %arg34: memref<48x192xf32, #tpu.memory_space<vmem>>, %arg35: memref<48x192xf32, #tpu.memory_space<vmem>>, %arg36: memref<48x192xf32, #tpu.memory_space<vmem>>, %arg37: memref<768xf32, #tpu.memory_space<vmem>>, %arg38: memref<192x48xf32, #tpu.memory_space<vmem>>, %arg39: memref<192x48xf32, #tpu.memory_space<vmem>>, %arg40: memref<!tpu.dma_semaphore, #tpu.memory_space<semaphore_mem>>, %arg41: memref<!tpu.dma_semaphore, #tpu.memory_space<semaphore_mem>>, %arg42: memref<!tpu.dma_semaphore, #tpu.memory_space<semaphore_mem>>, %arg43: memref<!tpu.dma_semaphore, #tpu.memory_space<semaphore_mem>>) attributes {dimension_semantics = [#tpu.dimension_semantics<core_parallel>, #tpu.dimension_semantics<subcore_parallel>], iteration_bounds = array<i64: 2, 16>, scalar_prefetch = 0 : i64, scratch_operands = 35 : i64, tpu.core_type = #tpu.core_type<sc_vector_subcore>, window_params = [{transform_indices = #map}, {transform_indices = #map}, {transform_indices = #map}, {transform_indices = #map1}, {transform_indices = #map1}, {transform_indices = #map2}, {transform_indices = #map1}]} {
    %mul3A = arith.constant 2 : i32
    %mul3A_0 = arith.muli %arg1, %mul3A : i32
    %add3A = arith.addi %mul3A_0, %arg0 : i32
    %jit3A = arith.constant 16 : i32
    %div3A = arith.divsi %add3A, %jit3A : i32
    %sign3A = arith.constant 0 : i32
    %sign3A_1 = arith.cmpi sgt, %add3A, %sign3A : i32
    %sign3A_2 = arith.extui %sign3A_1 : i1 to i32
    %sign3A_3 = arith.constant 0 : i32
    %sign3A_4 = arith.cmpi slt, %add3A, %sign3A_3 : i32
    %sign3A_5 = arith.extui %sign3A_4 : i1 to i32
    %sign3A_6 = arith.subi %sign3A_2, %sign3A_5 : i32
    %sign3A_7 = arith.constant 0 : i32
    %sign3A_8 = arith.cmpi sgt, %jit3A, %sign3A_7 : i32
    %sign3A_9 = arith.extui %sign3A_8 : i1 to i32
    %sign3A_10 = arith.constant 0 : i32
    %sign3A_11 = arith.cmpi slt, %jit3A, %sign3A_10 : i32
    %sign3A_12 = arith.extui %sign3A_11 : i1 to i32
    %sign3A_13 = arith.subi %sign3A_9, %sign3A_12 : i32
    %ne3A = arith.cmpi ne, %sign3A_6, %sign3A_13 : i32
    %rem3A = arith.remsi %add3A, %jit3A : i32
    %ne3A_14 = arith.constant 0 : i32
    %ne3A_15 = arith.cmpi ne, %rem3A, %ne3A_14 : i32
    %and3A = arith.andi %ne3A, %ne3A_15 : i1
    %sub3A = arith.constant 1 : i32
    %sub3A_16 = arith.subi %div3A, %sub3A : i32
    %select_n3A = arith.select %and3A, %sub3A_16, %div3A : i32
    %mul3A_17 = arith.constant 24 : i32
    %mul3A_18 = arith.muli %add3A, %mul3A_17 : i32
    %mul3A_19 = arith.constant 384 : i32
    %mul3A_20 = arith.muli %select_n3A, %mul3A_19 : i32
    %sub3A_21 = arith.subi %mul3A_18, %mul3A_20 : i32
    %mul3A_22 = arith.constant 147456 : i32
    %mul3A_23 = arith.muli %select_n3A, %mul3A_22 : i32
    "tpu.region"() ({
      %run_scoped3A = tpu.sem_alloc : memref<!tpu.dma_semaphore, #tpu.memory_space<semaphore_mem>>
      %dma_start3A = arith.constant 0 : i32
      %dma_start3A_66 = tpu.memref_slice %arg5[%dma_start3A] : memref<384xf32, #tpu.memory_space<hbm>> -> memref<384xf32, #tpu.memory_space<hbm>>
      %dma_start3A_67 = arith.constant 0 : i32
      %dma_start3A_68 = tpu.memref_slice %arg5[%dma_start3A_67] : memref<384xf32, #tpu.memory_space<hbm>> -> memref<384xf32, #tpu.memory_space<hbm>>
      tpu.enqueue_dma source(%dma_start3A_68 : memref<384xf32, #tpu.memory_space<hbm>>) target(%arg9 : memref<384xf32, #tpu.memory_space<vmem>>) target_semaphore(%run_scoped3A : memref<!tpu.dma_semaphore, #tpu.memory_space<semaphore_mem>>)
      %dma_wait3A_69 = arith.constant 0 : i32
      %dma_wait3A_70 = tpu.memref_slice %arg5[%dma_wait3A_69] : memref<384xf32, #tpu.memory_space<hbm>> -> memref<384xf32, #tpu.memory_space<hbm>>
      %dma_wait3A_71 = arith.constant 0 : i32
      %dma_wait3A_72 = tpu.memref_slice %arg5[%dma_wait3A_71] : memref<384xf32, #tpu.memory_space<hbm>> -> memref<384xf32, #tpu.memory_space<hbm>>
      tpu.wait_dma2 semaphore(%run_scoped3A : memref<!tpu.dma_semaphore, #tpu.memory_space<semaphore_mem>>) src(%dma_wait3A_72 : memref<384xf32, #tpu.memory_space<hbm>>) dst(%arg9 : memref<384xf32, #tpu.memory_space<vmem>>)
      tpu.yield
    }) : () -> ()
    "tpu.region"() ({
      %run_scoped3A = tpu.sem_alloc : memref<!tpu.dma_semaphore, #tpu.memory_space<semaphore_mem>>
      %dma_start3A = tpu.memref_slice %arg6[%sub3A_21] : memref<384xf32, #tpu.memory_space<hbm>> -> memref<24xf32, #tpu.memory_space<hbm>>
      %dma_start3A_66 = tpu.memref_slice %arg6[%sub3A_21] : memref<384xf32, #tpu.memory_space<hbm>> -> memref<24xf32, #tpu.memory_space<hbm>>
      tpu.enqueue_dma source(%dma_start3A_66 : memref<24xf32, #tpu.memory_space<hbm>>) target(%arg10 : memref<24xf32, #tpu.memory_space<vmem>>) target_semaphore(%run_scoped3A : memref<!tpu.dma_semaphore, #tpu.memory_space<semaphore_mem>>)
      %dma_wait3A_67 = tpu.memref_slice %arg6[%sub3A_21] : memref<384xf32, #tpu.memory_space<hbm>> -> memref<24xf32, #tpu.memory_space<hbm>>
      %dma_wait3A_68 = tpu.memref_slice %arg6[%sub3A_21] : memref<384xf32, #tpu.memory_space<hbm>> -> memref<24xf32, #tpu.memory_space<hbm>>
      tpu.wait_dma2 semaphore(%run_scoped3A : memref<!tpu.dma_semaphore, #tpu.memory_space<semaphore_mem>>) src(%dma_wait3A_68 : memref<24xf32, #tpu.memory_space<hbm>>) dst(%arg10 : memref<24xf32, #tpu.memory_space<vmem>>)
      tpu.yield
    }) : () -> ()
    "tpu.region"() ({
      %run_scoped3A = tpu.sem_alloc : memref<!tpu.dma_semaphore, #tpu.memory_space<semaphore_mem>>
      %dma_start3A = arith.constant 0 : i32
      %dma_start3A_66 = tpu.memref_slice %arg3[%mul3A_18, %dma_start3A] : memref<768x384xf32, #tpu.memory_space<hbm>> -> memref<24x384xf32, #tpu.memory_space<hbm>>
      %dma_start3A_67 = arith.constant 0 : i32
      %dma_start3A_68 = tpu.memref_slice %arg3[%mul3A_18, %dma_start3A_67] : memref<768x384xf32, #tpu.memory_space<hbm>> -> memref<24x384xf32, #tpu.memory_space<hbm>>
      tpu.enqueue_dma source(%dma_start3A_68 : memref<24x384xf32, #tpu.memory_space<hbm>>) target(%arg11 : memref<24x384xf32, #tpu.memory_space<vmem>>) target_semaphore(%run_scoped3A : memref<!tpu.dma_semaphore, #tpu.memory_space<semaphore_mem>>)
      %dma_wait3A_69 = arith.constant 0 : i32
      %dma_wait3A_70 = tpu.memref_slice %arg3[%mul3A_18, %dma_wait3A_69] : memref<768x384xf32, #tpu.memory_space<hbm>> -> memref<24x384xf32, #tpu.memory_space<hbm>>
      %dma_wait3A_71 = arith.constant 0 : i32
      %dma_wait3A_72 = tpu.memref_slice %arg3[%mul3A_18, %dma_wait3A_71] : memref<768x384xf32, #tpu.memory_space<hbm>> -> memref<24x384xf32, #tpu.memory_space<hbm>>
      tpu.wait_dma2 semaphore(%run_scoped3A : memref<!tpu.dma_semaphore, #tpu.memory_space<semaphore_mem>>) src(%dma_wait3A_72 : memref<24x384xf32, #tpu.memory_space<hbm>>) dst(%arg11 : memref<24x384xf32, #tpu.memory_space<vmem>>)
      tpu.yield
    }) : () -> ()
    "tpu.region"() ({
      %run_scoped3A = tpu.sem_alloc : memref<!tpu.dma_semaphore, #tpu.memory_space<semaphore_mem>>
      %dma_start3A = arith.constant 0 : i32
      %dma_start3A_66 = tpu.memref_slice %arg4[%mul3A_18, %dma_start3A] : memref<768x384xf32, #tpu.memory_space<hbm>> -> memref<24x384xf32, #tpu.memory_space<hbm>>
      %dma_start3A_67 = arith.constant 0 : i32
      %dma_start3A_68 = tpu.memref_slice %arg4[%mul3A_18, %dma_start3A_67] : memref<768x384xf32, #tpu.memory_space<hbm>> -> memref<24x384xf32, #tpu.memory_space<hbm>>
      tpu.enqueue_dma source(%dma_start3A_68 : memref<24x384xf32, #tpu.memory_space<hbm>>) target(%arg12 : memref<24x384xf32, #tpu.memory_space<vmem>>) target_semaphore(%run_scoped3A : memref<!tpu.dma_semaphore, #tpu.memory_space<semaphore_mem>>)
      %dma_wait3A_69 = arith.constant 0 : i32
      %dma_wait3A_70 = tpu.memref_slice %arg4[%mul3A_18, %dma_wait3A_69] : memref<768x384xf32, #tpu.memory_space<hbm>> -> memref<24x384xf32, #tpu.memory_space<hbm>>
      %dma_wait3A_71 = arith.constant 0 : i32
      %dma_wait3A_72 = tpu.memref_slice %arg4[%mul3A_18, %dma_wait3A_71] : memref<768x384xf32, #tpu.memory_space<hbm>> -> memref<24x384xf32, #tpu.memory_space<hbm>>
      tpu.wait_dma2 semaphore(%run_scoped3A : memref<!tpu.dma_semaphore, #tpu.memory_space<semaphore_mem>>) src(%dma_wait3A_72 : memref<24x384xf32, #tpu.memory_space<hbm>>) dst(%arg12 : memref<24x384xf32, #tpu.memory_space<vmem>>)
      tpu.yield
    }) : () -> ()
    %iota3A = tpu.iota {dimensions = array<i32: 0>} : vector<16xi32>
    %scan3A = arith.constant 0 : i32
    %scan3A_24 = arith.constant 96 : i32
    %scan3A_25 = arith.addi %scan3A, %scan3A_24 : i32
    %scan3A_26 = arith.constant 1 : i32
    scf.for %scan3A_66 = %scan3A to %scan3A_25 step %scan3A_26  : i32 {
      %mul3A_67 = arith.constant 2 : i32
      %mul3A_68 = arith.muli %mul3A_67, %scan3A_66 : i32
      %jit3A_69 = arith.constant 8 : i32
      %div3A_70 = arith.divsi %mul3A_68, %jit3A_69 : i32
      %sign3A_71 = arith.constant 0 : i32
      %sign3A_72 = arith.cmpi sgt, %mul3A_68, %sign3A_71 : i32
      %sign3A_73 = arith.extui %sign3A_72 : i1 to i32
      %sign3A_74 = arith.constant 0 : i32
      %sign3A_75 = arith.cmpi slt, %mul3A_68, %sign3A_74 : i32
      %sign3A_76 = arith.extui %sign3A_75 : i1 to i32
      %sign3A_77 = arith.subi %sign3A_73, %sign3A_76 : i32
      %sign3A_78 = arith.constant 0 : i32
      %sign3A_79 = arith.cmpi sgt, %jit3A_69, %sign3A_78 : i32
      %sign3A_80 = arith.extui %sign3A_79 : i1 to i32
      %sign3A_81 = arith.constant 0 : i32
      %sign3A_82 = arith.cmpi slt, %jit3A_69, %sign3A_81 : i32
      %sign3A_83 = arith.extui %sign3A_82 : i1 to i32
      %sign3A_84 = arith.subi %sign3A_80, %sign3A_83 : i32
      %ne3A_85 = arith.cmpi ne, %sign3A_77, %sign3A_84 : i32
      %rem3A_86 = arith.remsi %mul3A_68, %jit3A_69 : i32
      %ne3A_87 = arith.constant 0 : i32
      %ne3A_88 = arith.cmpi ne, %rem3A_86, %ne3A_87 : i32
      %and3A_89 = arith.andi %ne3A_85, %ne3A_88 : i1
      %sub3A_90 = arith.constant 1 : i32
      %sub3A_91 = arith.subi %div3A_70, %sub3A_90 : i32
      %select_n3A_92 = arith.select %and3A_89, %sub3A_91, %div3A_70 : i32
      %mul3A_93 = arith.constant 8 : i32
      %mul3A_94 = arith.muli %select_n3A_92, %mul3A_93 : i32
      %sub3A_95 = arith.subi %mul3A_68, %mul3A_94 : i32
      %broadcast_in_dim3A = vector.broadcast %select_n3A_92 : i32 to vector<16xi32>
      %gather3A = tpu.vector_load_idx %arg10[%broadcast_in_dim3A] : memref<24xf32, #tpu.memory_space<vmem>>[vector<16xi32>], vector<16xf32>,
      %mul3A_96 = arith.constant 48 : i32
      %mul3A_97 = arith.muli %sub3A_95, %mul3A_96 : i32
      %add3A_98 = arith.constant 0 : i32
      %add3A_99 = arith.addi %mul3A_97, %add3A_98 : i32
      %get3A = arith.index_cast %add3A_99 : i32 to index
      %get3A_100 = tpu.vector_load %arg9[%get3A] {strides = array<i32>} : memref<384xf32, #tpu.memory_space<vmem>>, vector<16xf32>,
      %get3A_101 = arith.index_cast %select_n3A_92 : i32 to index
      %get3A_102 = arith.index_cast %add3A_99 : i32 to index
      %get3A_103 = tpu.vector_load %arg11[%get3A_101, %get3A_102] {strides = array<i32>} : memref<24x384xf32, #tpu.memory_space<vmem>>, vector<16xf32>,
      %add3A_104 = arith.addf %get3A_100, %get3A_103 : vector<16xf32>
      %get3A_105 = arith.index_cast %select_n3A_92 : i32 to index
      %get3A_106 = arith.index_cast %add3A_99 : i32 to index
      %get3A_107 = tpu.vector_load %arg12[%get3A_105, %get3A_106] {strides = array<i32>} : memref<24x384xf32, #tpu.memory_space<vmem>>, vector<16xf32>,
      %add3A_108 = arith.addf %gather3A, %get3A_107 : vector<16xf32>
      %add3A_109 = arith.constant 1.000000e+00 : f32
      %add3A_110 = vector.broadcast %add3A_109 : f32 to vector<16xf32>
      %add3A_111 = arith.addf %add3A_104, %add3A_110 : vector<16xf32>
      %mul3A_112 = arith.constant 5.000000e-01 : f32
      %mul3A_113 = vector.broadcast %mul3A_112 : f32 to vector<16xf32>
      %mul3A_114 = arith.mulf %add3A_111, %mul3A_113 : vector<16xf32>
      %mul3A_115 = arith.constant 3.830000e+02 : f32
      %mul3A_116 = vector.broadcast %mul3A_115 : f32 to vector<16xf32>
      %mul3A_117 = arith.mulf %mul3A_114, %mul3A_116 : vector<16xf32>
      %add3A_118 = arith.constant 1.000000e+00 : f32
      %add3A_119 = vector.broadcast %add3A_118 : f32 to vector<16xf32>
      %add3A_120 = arith.addf %add3A_108, %add3A_119 : vector<16xf32>
      %mul3A_121 = arith.constant 5.000000e-01 : f32
      %mul3A_122 = vector.broadcast %mul3A_121 : f32 to vector<16xf32>
      %mul3A_123 = arith.mulf %add3A_120, %mul3A_122 : vector<16xf32>
      %mul3A_124 = arith.constant 3.830000e+02 : f32
      %mul3A_125 = vector.broadcast %mul3A_124 : f32 to vector<16xf32>
      %mul3A_126 = arith.mulf %mul3A_123, %mul3A_125 : vector<16xf32>
      %convert_element_type3A = arith.fptosi %mul3A_117 : vector<16xf32> to vector<16xi32>
      %convert_element_type3A_127 = arith.sitofp %convert_element_type3A : vector<16xi32> to vector<16xf32>
      %gt3A = arith.cmpf ogt, %convert_element_type3A_127, %mul3A_117 : vector<16xf32>
      %sub3A_128 = arith.constant 1.000000e+00 : f32
      %sub3A_129 = vector.broadcast %sub3A_128 : f32 to vector<16xf32>
      %sub3A_130 = arith.subf %convert_element_type3A_127, %sub3A_129 : vector<16xf32>
      %select_n3A_131 = arith.select %gt3A, %sub3A_130, %convert_element_type3A_127 : vector<16xi1>, vector<16xf32>
      %convert_element_type3A_132 = arith.fptosi %mul3A_126 : vector<16xf32> to vector<16xi32>
      %convert_element_type3A_133 = arith.sitofp %convert_element_type3A_132 : vector<16xi32> to vector<16xf32>
      %gt3A_134 = arith.cmpf ogt, %convert_element_type3A_133, %mul3A_126 : vector<16xf32>
      %sub3A_135 = arith.constant 1.000000e+00 : f32
      %sub3A_136 = vector.broadcast %sub3A_135 : f32 to vector<16xf32>
      %sub3A_137 = arith.subf %convert_element_type3A_133, %sub3A_136 : vector<16xf32>
      %select_n3A_138 = arith.select %gt3A_134, %sub3A_137, %convert_element_type3A_133 : vector<16xi1>, vector<16xf32>
      %add3A_139 = arith.constant 1.000000e+00 : f32
      %add3A_140 = vector.broadcast %add3A_139 : f32 to vector<16xf32>
      %add3A_141 = arith.addf %select_n3A_131, %add3A_140 : vector<16xf32>
      %add3A_142 = arith.constant 1.000000e+00 : f32
      %add3A_143 = vector.broadcast %add3A_142 : f32 to vector<16xf32>
      %add3A_144 = arith.addf %select_n3A_138, %add3A_143 : vector<16xf32>
      %sub3A_145 = arith.subf %mul3A_117, %select_n3A_131 : vector<16xf32>
      %sub3A_146 = arith.constant 1.000000e+00 : f32
      %sub3A_147 = vector.broadcast %sub3A_146 : f32 to vector<16xf32>
      %sub3A_148 = arith.subf %sub3A_147, %sub3A_145 : vector<16xf32>
      %sub3A_149 = arith.subf %mul3A_126, %select_n3A_138 : vector<16xf32>
      %sub3A_150 = arith.constant 1.000000e+00 : f32
      %sub3A_151 = vector.broadcast %sub3A_150 : f32 to vector<16xf32>
      %sub3A_152 = arith.subf %sub3A_151, %sub3A_149 : vector<16xf32>
      %ge3A = arith.constant 0.000000e+00 : f32
      %ge3A_153 = vector.broadcast %ge3A : f32 to vector<16xf32>
      %ge3A_154 = arith.cmpf oge, %select_n3A_131, %ge3A_153 : vector<16xf32>
      %le3A = arith.constant 3.830000e+02 : f32
      %le3A_155 = vector.broadcast %le3A : f32 to vector<16xf32>
      %le3A_156 = arith.cmpf ole, %select_n3A_131, %le3A_155 : vector<16xf32>
      %and3A_157 = arith.andi %ge3A_154, %le3A_156 : vector<16xi1>
      %ge3A_158 = arith.constant 0.000000e+00 : f32
      %ge3A_159 = vector.broadcast %ge3A_158 : f32 to vector<16xf32>
      %ge3A_160 = arith.cmpf oge, %add3A_141, %ge3A_159 : vector<16xf32>
      %le3A_161 = arith.constant 3.830000e+02 : f32
      %le3A_162 = vector.broadcast %le3A_161 : f32 to vector<16xf32>
      %le3A_163 = arith.cmpf ole, %add3A_141, %le3A_162 : vector<16xf32>
      %and3A_164 = arith.andi %ge3A_160, %le3A_163 : vector<16xi1>
      %ge3A_165 = arith.constant 0.000000e+00 : f32
      %ge3A_166 = vector.broadcast %ge3A_165 : f32 to vector<16xf32>
      %ge3A_167 = arith.cmpf oge, %select_n3A_138, %ge3A_166 : vector<16xf32>
      %le3A_168 = arith.constant 3.830000e+02 : f32
      %le3A_169 = vector.broadcast %le3A_168 : f32 to vector<16xf32>
      %le3A_170 = arith.cmpf ole, %select_n3A_138, %le3A_169 : vector<16xf32>
      %and3A_171 = arith.andi %ge3A_167, %le3A_170 : vector<16xi1>
      %ge3A_172 = arith.constant 0.000000e+00 : f32
      %ge3A_173 = vector.broadcast %ge3A_172 : f32 to vector<16xf32>
      %ge3A_174 = arith.cmpf oge, %add3A_144, %ge3A_173 : vector<16xf32>
      %le3A_175 = arith.constant 3.830000e+02 : f32
      %le3A_176 = vector.broadcast %le3A_175 : f32 to vector<16xf32>
      %le3A_177 = arith.cmpf ole, %add3A_144, %le3A_176 : vector<16xf32>
      %and3A_178 = arith.andi %ge3A_174, %le3A_177 : vector<16xi1>
      %jit3A_179 = arith.constant 0.000000e+00 : f32
      %jit3A_180 = arith.constant 3.830000e+02 : f32
      %max3A = vector.broadcast %jit3A_179 : f32 to vector<16xf32>
      %max3A_181 = arith.maximumf %max3A, %select_n3A_131 : vector<16xf32>
      %min3A = vector.broadcast %jit3A_180 : f32 to vector<16xf32>
      %min3A_182 = arith.minimumf %min3A, %max3A_181 : vector<16xf32>
      %convert_element_type3A_183 = arith.fptosi %min3A_182 : vector<16xf32> to vector<16xi32>
      %jit3A_184 = arith.constant 0.000000e+00 : f32
      %jit3A_185 = arith.constant 3.830000e+02 : f32
      %max3A_186 = vector.broadcast %jit3A_184 : f32 to vector<16xf32>
      %max3A_187 = arith.maximumf %max3A_186, %add3A_141 : vector<16xf32>
      %min3A_188 = vector.broadcast %jit3A_185 : f32 to vector<16xf32>
      %min3A_189 = arith.minimumf %min3A_188, %max3A_187 : vector<16xf32>
      %convert_element_type3A_190 = arith.fptosi %min3A_189 : vector<16xf32> to vector<16xi32>
      %jit3A_191 = arith.constant 0.000000e+00 : f32
      %jit3A_192 = arith.constant 3.830000e+02 : f32
      %max3A_193 = vector.broadcast %jit3A_191 : f32 to vector<16xf32>
      %max3A_194 = arith.maximumf %max3A_193, %select_n3A_138 : vector<16xf32>
      %min3A_195 = vector.broadcast %jit3A_192 : f32 to vector<16xf32>
      %min3A_196 = arith.minimumf %min3A_195, %max3A_194 : vector<16xf32>
      %convert_element_type3A_197 = arith.fptosi %min3A_196 : vector<16xf32> to vector<16xi32>
      %mul3A_198 = arith.constant 384 : i32
      %mul3A_199 = vector.broadcast %mul3A_198 : i32 to vector<16xi32>
      %mul3A_200 = arith.muli %convert_element_type3A_197, %mul3A_199 : vector<16xi32>
      %add3A_201 = vector.broadcast %mul3A_23 : i32 to vector<16xi32>
      %add3A_202 = arith.addi %mul3A_200, %add3A_201 : vector<16xi32>
      %jit3A_203 = arith.constant 0.000000e+00 : f32
      %jit3A_204 = arith.constant 3.830000e+02 : f32
      %max3A_205 = vector.broadcast %jit3A_203 : f32 to vector<16xf32>
      %max3A_206 = arith.maximumf %max3A_205, %add3A_144 : vector<16xf32>
      %min3A_207 = vector.broadcast %jit3A_204 : f32 to vector<16xf32>
      %min3A_208 = arith.minimumf %min3A_207, %max3A_206 : vector<16xf32>
      %convert_element_type3A_209 = arith.fptosi %min3A_208 : vector<16xf32> to vector<16xi32>
      %mul3A_210 = arith.constant 384 : i32
      %mul3A_211 = vector.broadcast %mul3A_210 : i32 to vector<16xi32>
      %mul3A_212 = arith.muli %convert_element_type3A_209, %mul3A_211 : vector<16xi32>
      %add3A_213 = vector.broadcast %mul3A_23 : i32 to vector<16xi32>
      %add3A_214 = arith.addi %mul3A_212, %add3A_213 : vector<16xi32>
      %add3A_215 = arith.addi %add3A_202, %convert_element_type3A_183 : vector<16xi32>
      %swap3A = arith.constant 0 : index
      %swap3A_216 = tpu.vector_load %arg13[%swap3A] {strides = array<i32>} : memref<48xi32, #tpu.memory_space<vmem>>, vector<16xi32>,
      tpu.vector_store %arg13[%swap3A], %add3A_215 {strides = array<i32>} : memref<48xi32, #tpu.memory_space<vmem>>, vector<16xi32>,
      %add3A_217 = arith.addi %add3A_202, %convert_element_type3A_190 : vector<16xi32>
      %swap3A_218 = arith.constant 0 : index
      %swap3A_219 = tpu.vector_load %arg14[%swap3A_218] {strides = array<i32>} : memref<48xi32, #tpu.memory_space<vmem>>, vector<16xi32>,
      tpu.vector_store %arg14[%swap3A_218], %add3A_217 {strides = array<i32>} : memref<48xi32, #tpu.memory_space<vmem>>, vector<16xi32>,
      %add3A_220 = arith.addi %add3A_214, %convert_element_type3A_183 : vector<16xi32>
      %swap3A_221 = arith.constant 0 : index
      %swap3A_222 = tpu.vector_load %arg15[%swap3A_221] {strides = array<i32>} : memref<48xi32, #tpu.memory_space<vmem>>, vector<16xi32>,
      tpu.vector_store %arg15[%swap3A_221], %add3A_220 {strides = array<i32>} : memref<48xi32, #tpu.memory_space<vmem>>, vector<16xi32>,
      %add3A_223 = arith.addi %add3A_214, %convert_element_type3A_190 : vector<16xi32>
      %swap3A_224 = arith.constant 0 : index
      %swap3A_225 = tpu.vector_load %arg16[%swap3A_224] {strides = array<i32>} : memref<48xi32, #tpu.memory_space<vmem>>, vector<16xi32>,
      tpu.vector_store %arg16[%swap3A_224], %add3A_223 {strides = array<i32>} : memref<48xi32, #tpu.memory_space<vmem>>, vector<16xi32>,
      %mul3A_226 = arith.mulf %sub3A_152, %sub3A_148 : vector<16xf32>
      %and3A_227 = arith.andi %and3A_171, %and3A_157 : vector<16xi1>
      %convert_element_type3A_228 = arith.extui %and3A_227 : vector<16xi1> to vector<16xi32>
      %convert_element_type3A_229 = arith.sitofp %convert_element_type3A_228 : vector<16xi32> to vector<16xf32>
      %mul3A_230 = arith.mulf %mul3A_226, %convert_element_type3A_229 : vector<16xf32>
      %swap3A_231 = arith.constant 0 : index
      %swap3A_232 = tpu.vector_load %arg17[%swap3A_231] {strides = array<i32>} : memref<48xf32, #tpu.memory_space<vmem>>, vector<16xf32>,
      tpu.vector_store %arg17[%swap3A_231], %mul3A_230 {strides = array<i32>} : memref<48xf32, #tpu.memory_space<vmem>>, vector<16xf32>,
      %mul3A_233 = arith.mulf %sub3A_152, %sub3A_145 : vector<16xf32>
      %and3A_234 = arith.andi %and3A_171, %and3A_164 : vector<16xi1>
      %convert_element_type3A_235 = arith.extui %and3A_234 : vector<16xi1> to vector<16xi32>
      %convert_element_type3A_236 = arith.sitofp %convert_element_type3A_235 : vector<16xi32> to vector<16xf32>
      %mul3A_237 = arith.mulf %mul3A_233, %convert_element_type3A_236 : vector<16xf32>
      %swap3A_238 = arith.constant 0 : index
      %swap3A_239 = tpu.vector_load %arg18[%swap3A_238] {strides = array<i32>} : memref<48xf32, #tpu.memory_space<vmem>>, vector<16xf32>,
      tpu.vector_store %arg18[%swap3A_238], %mul3A_237 {strides = array<i32>} : memref<48xf32, #tpu.memory_space<vmem>>, vector<16xf32>,
      %mul3A_240 = arith.mulf %sub3A_149, %sub3A_148 : vector<16xf32>
      %and3A_241 = arith.andi %and3A_178, %and3A_157 : vector<16xi1>
      %convert_element_type3A_242 = arith.extui %and3A_241 : vector<16xi1> to vector<16xi32>
      %convert_element_type3A_243 = arith.sitofp %convert_element_type3A_242 : vector<16xi32> to vector<16xf32>
      %mul3A_244 = arith.mulf %mul3A_240, %convert_element_type3A_243 : vector<16xf32>
      %swap3A_245 = arith.constant 0 : index
      %swap3A_246 = tpu.vector_load %arg19[%swap3A_245] {strides = array<i32>} : memref<48xf32, #tpu.memory_space<vmem>>, vector<16xf32>,
      tpu.vector_store %arg19[%swap3A_245], %mul3A_244 {strides = array<i32>} : memref<48xf32, #tpu.memory_space<vmem>>, vector<16xf32>,
      %mul3A_247 = arith.mulf %sub3A_149, %sub3A_145 : vector<16xf32>
      %and3A_248 = arith.andi %and3A_178, %and3A_164 : vector<16xi1>
      %convert_element_type3A_249 = arith.extui %and3A_248 : vector<16xi1> to vector<16xi32>
      %convert_element_type3A_250 = arith.sitofp %convert_element_type3A_249 : vector<16xi32> to vector<16xf32>
      %mul3A_251 = arith.mulf %mul3A_247, %convert_element_type3A_250 : vector<16xf32>
      %swap3A_252 = arith.constant 0 : index
      %swap3A_253 = tpu.vector_load %arg20[%swap3A_252] {strides = array<i32>} : memref<48xf32, #tpu.memory_space<vmem>>, vector<16xf32>,
      tpu.vector_store %arg20[%swap3A_252], %mul3A_251 {strides = array<i32>} : memref<48xf32, #tpu.memory_space<vmem>>, vector<16xf32>,
      %add3A_254 = vector.broadcast %add3A_99 : i32 to vector<16xi32>
      %add3A_255 = arith.addi %iota3A, %add3A_254 : vector<16xi32>
      %mul3A_256 = arith.constant 2 : i32
      %mul3A_257 = vector.broadcast %mul3A_256 : i32 to vector<16xi32>
      %mul3A_258 = arith.muli %add3A_255, %mul3A_257 : vector<16xi32>
      tpu.vector_store_idx %arg37[%mul3A_258], %add3A_104 : memref<768xf32, #tpu.memory_space<vmem>>[vector<16xi32>], vector<16xf32>,
      %add3A_259 = arith.constant 1 : i32
      %add3A_260 = vector.broadcast %add3A_259 : i32 to vector<16xi32>
      %add3A_261 = arith.addi %mul3A_258, %add3A_260 : vector<16xi32>
      tpu.vector_store_idx %arg37[%add3A_261], %add3A_108 : memref<768xf32, #tpu.memory_space<vmem>>[vector<16xi32>], vector<16xf32>,
      %mul3A_262 = arith.constant 48 : i32
      %mul3A_263 = arith.muli %sub3A_95, %mul3A_262 : i32
      %add3A_264 = arith.constant 16 : i32
      %add3A_265 = arith.addi %mul3A_263, %add3A_264 : i32
      %get3A_266 = arith.index_cast %add3A_265 : i32 to index
      %get3A_267 = tpu.vector_load %arg9[%get3A_266] {strides = array<i32>} : memref<384xf32, #tpu.memory_space<vmem>>, vector<16xf32>,
      %get3A_268 = arith.index_cast %select_n3A_92 : i32 to index
      %get3A_269 = arith.index_cast %add3A_265 : i32 to index
      %get3A_270 = tpu.vector_load %arg11[%get3A_268, %get3A_269] {strides = array<i32>} : memref<24x384xf32, #tpu.memory_space<vmem>>, vector<16xf32>,
      %add3A_271 = arith.addf %get3A_267, %get3A_270 : vector<16xf32>
      %get3A_272 = arith.index_cast %select_n3A_92 : i32 to index
      %get3A_273 = arith.index_cast %add3A_265 : i32 to index
      %get3A_274 = tpu.vector_load %arg12[%get3A_272, %get3A_273] {strides = array<i32>} : memref<24x384xf32, #tpu.memory_space<vmem>>, vector<16xf32>,
      %add3A_275 = arith.addf %gather3A, %get3A_274 : vector<16xf32>
      %add3A_276 = arith.constant 1.000000e+00 : f32
      %add3A_277 = vector.broadcast %add3A_276 : f32 to vector<16xf32>
      %add3A_278 = arith.addf %add3A_271, %add3A_277 : vector<16xf32>
      %mul3A_279 = arith.constant 5.000000e-01 : f32
      %mul3A_280 = vector.broadcast %mul3A_279 : f32 to vector<16xf32>
      %mul3A_281 = arith.mulf %add3A_278, %mul3A_280 : vector<16xf32>
      %mul3A_282 = arith.constant 3.830000e+02 : f32
      %mul3A_283 = vector.broadcast %mul3A_282 : f32 to vector<16xf32>
      %mul3A_284 = arith.mulf %mul3A_281, %mul3A_283 : vector<16xf32>
      %add3A_285 = arith.constant 1.000000e+00 : f32
      %add3A_286 = vector.broadcast %add3A_285 : f32 to vector<16xf32>
      %add3A_287 = arith.addf %add3A_275, %add3A_286 : vector<16xf32>
      %mul3A_288 = arith.constant 5.000000e-01 : f32
      %mul3A_289 = vector.broadcast %mul3A_288 : f32 to vector<16xf32>
      %mul3A_290 = arith.mulf %add3A_287, %mul3A_289 : vector<16xf32>
      %mul3A_291 = arith.constant 3.830000e+02 : f32
      %mul3A_292 = vector.broadcast %mul3A_291 : f32 to vector<16xf32>
      %mul3A_293 = arith.mulf %mul3A_290, %mul3A_292 : vector<16xf32>
      %convert_element_type3A_294 = arith.fptosi %mul3A_284 : vector<16xf32> to vector<16xi32>
      %convert_element_type3A_295 = arith.sitofp %convert_element_type3A_294 : vector<16xi32> to vector<16xf32>
      %gt3A_296 = arith.cmpf ogt, %convert_element_type3A_295, %mul3A_284 : vector<16xf32>
      %sub3A_297 = arith.constant 1.000000e+00 : f32
      %sub3A_298 = vector.broadcast %sub3A_297 : f32 to vector<16xf32>
      %sub3A_299 = arith.subf %convert_element_type3A_295, %sub3A_298 : vector<16xf32>
      %select_n3A_300 = arith.select %gt3A_296, %sub3A_299, %convert_element_type3A_295 : vector<16xi1>, vector<16xf32>
      %convert_element_type3A_301 = arith.fptosi %mul3A_293 : vector<16xf32> to vector<16xi32>
      %convert_element_type3A_302 = arith.sitofp %convert_element_type3A_301 : vector<16xi32> to vector<16xf32>
      %gt3A_303 = arith.cmpf ogt, %convert_element_type3A_302, %mul3A_293 : vector<16xf32>
      %sub3A_304 = arith.constant 1.000000e+00 : f32
      %sub3A_305 = vector.broadcast %sub3A_304 : f32 to vector<16xf32>
      %sub3A_306 = arith.subf %convert_element_type3A_302, %sub3A_305 : vector<16xf32>
      %select_n3A_307 = arith.select %gt3A_303, %sub3A_306, %convert_element_type3A_302 : vector<16xi1>, vector<16xf32>
      %add3A_308 = arith.constant 1.000000e+00 : f32
      %add3A_309 = vector.broadcast %add3A_308 : f32 to vector<16xf32>
      %add3A_310 = arith.addf %select_n3A_300, %add3A_309 : vector<16xf32>
      %add3A_311 = arith.constant 1.000000e+00 : f32
      %add3A_312 = vector.broadcast %add3A_311 : f32 to vector<16xf32>
      %add3A_313 = arith.addf %select_n3A_307, %add3A_312 : vector<16xf32>
      %sub3A_314 = arith.subf %mul3A_284, %select_n3A_300 : vector<16xf32>
      %sub3A_315 = arith.constant 1.000000e+00 : f32
      %sub3A_316 = vector.broadcast %sub3A_315 : f32 to vector<16xf32>
      %sub3A_317 = arith.subf %sub3A_316, %sub3A_314 : vector<16xf32>
      %sub3A_318 = arith.subf %mul3A_293, %select_n3A_307 : vector<16xf32>
      %sub3A_319 = arith.constant 1.000000e+00 : f32
      %sub3A_320 = vector.broadcast %sub3A_319 : f32 to vector<16xf32>
      %sub3A_321 = arith.subf %sub3A_320, %sub3A_318 : vector<16xf32>
      %ge3A_322 = arith.constant 0.000000e+00 : f32
      %ge3A_323 = vector.broadcast %ge3A_322 : f32 to vector<16xf32>
      %ge3A_324 = arith.cmpf oge, %select_n3A_300, %ge3A_323 : vector<16xf32>
      %le3A_325 = arith.constant 3.830000e+02 : f32
      %le3A_326 = vector.broadcast %le3A_325 : f32 to vector<16xf32>
      %le3A_327 = arith.cmpf ole, %select_n3A_300, %le3A_326 : vector<16xf32>
      %and3A_328 = arith.andi %ge3A_324, %le3A_327 : vector<16xi1>
      %ge3A_329 = arith.constant 0.000000e+00 : f32
      %ge3A_330 = vector.broadcast %ge3A_329 : f32 to vector<16xf32>
      %ge3A_331 = arith.cmpf oge, %add3A_310, %ge3A_330 : vector<16xf32>
      %le3A_332 = arith.constant 3.830000e+02 : f32
      %le3A_333 = vector.broadcast %le3A_332 : f32 to vector<16xf32>
      %le3A_334 = arith.cmpf ole, %add3A_310, %le3A_333 : vector<16xf32>
      %and3A_335 = arith.andi %ge3A_331, %le3A_334 : vector<16xi1>
      %ge3A_336 = arith.constant 0.000000e+00 : f32
      %ge3A_337 = vector.broadcast %ge3A_336 : f32 to vector<16xf32>
      %ge3A_338 = arith.cmpf oge, %select_n3A_307, %ge3A_337 : vector<16xf32>
      %le3A_339 = arith.constant 3.830000e+02 : f32
      %le3A_340 = vector.broadcast %le3A_339 : f32 to vector<16xf32>
      %le3A_341 = arith.cmpf ole, %select_n3A_307, %le3A_340 : vector<16xf32>
      %and3A_342 = arith.andi %ge3A_338, %le3A_341 : vector<16xi1>
      %ge3A_343 = arith.constant 0.000000e+00 : f32
      %ge3A_344 = vector.broadcast %ge3A_343 : f32 to vector<16xf32>
      %ge3A_345 = arith.cmpf oge, %add3A_313, %ge3A_344 : vector<16xf32>
      %le3A_346 = arith.constant 3.830000e+02 : f32
      %le3A_347 = vector.broadcast %le3A_346 : f32 to vector<16xf32>
      %le3A_348 = arith.cmpf ole, %add3A_313, %le3A_347 : vector<16xf32>
      %and3A_349 = arith.andi %ge3A_345, %le3A_348 : vector<16xi1>
      %jit3A_350 = arith.constant 0.000000e+00 : f32
      %jit3A_351 = arith.constant 3.830000e+02 : f32
      %max3A_352 = vector.broadcast %jit3A_350 : f32 to vector<16xf32>
      %max3A_353 = arith.maximumf %max3A_352, %select_n3A_300 : vector<16xf32>
      %min3A_354 = vector.broadcast %jit3A_351 : f32 to vector<16xf32>
      %min3A_355 = arith.minimumf %min3A_354, %max3A_353 : vector<16xf32>
      %convert_element_type3A_356 = arith.fptosi %min3A_355 : vector<16xf32> to vector<16xi32>
      %jit3A_357 = arith.constant 0.000000e+00 : f32
      %jit3A_358 = arith.constant 3.830000e+02 : f32
      %max3A_359 = vector.broadcast %jit3A_357 : f32 to vector<16xf32>
      %max3A_360 = arith.maximumf %max3A_359, %add3A_310 : vector<16xf32>
      %min3A_361 = vector.broadcast %jit3A_358 : f32 to vector<16xf32>
      %min3A_362 = arith.minimumf %min3A_361, %max3A_360 : vector<16xf32>
      %convert_element_type3A_363 = arith.fptosi %min3A_362 : vector<16xf32> to vector<16xi32>
      %jit3A_364 = arith.constant 0.000000e+00 : f32
      %jit3A_365 = arith.constant 3.830000e+02 : f32
      %max3A_366 = vector.broadcast %jit3A_364 : f32 to vector<16xf32>
      %max3A_367 = arith.maximumf %max3A_366, %select_n3A_307 : vector<16xf32>
      %min3A_368 = vector.broadcast %jit3A_365 : f32 to vector<16xf32>
      %min3A_369 = arith.minimumf %min3A_368, %max3A_367 : vector<16xf32>
      %convert_element_type3A_370 = arith.fptosi %min3A_369 : vector<16xf32> to vector<16xi32>
      %mul3A_371 = arith.constant 384 : i32
      %mul3A_372 = vector.broadcast %mul3A_371 : i32 to vector<16xi32>
      %mul3A_373 = arith.muli %convert_element_type3A_370, %mul3A_372 : vector<16xi32>
      %add3A_374 = vector.broadcast %mul3A_23 : i32 to vector<16xi32>
      %add3A_375 = arith.addi %mul3A_373, %add3A_374 : vector<16xi32>
      %jit3A_376 = arith.constant 0.000000e+00 : f32
      %jit3A_377 = arith.constant 3.830000e+02 : f32
      %max3A_378 = vector.broadcast %jit3A_376 : f32 to vector<16xf32>
      %max3A_379 = arith.maximumf %max3A_378, %add3A_313 : vector<16xf32>
      %min3A_380 = vector.broadcast %jit3A_377 : f32 to vector<16xf32>
      %min3A_381 = arith.minimumf %min3A_380, %max3A_379 : vector<16xf32>
      %convert_element_type3A_382 = arith.fptosi %min3A_381 : vector<16xf32> to vector<16xi32>
      %mul3A_383 = arith.constant 384 : i32
      %mul3A_384 = vector.broadcast %mul3A_383 : i32 to vector<16xi32>
      %mul3A_385 = arith.muli %convert_element_type3A_382, %mul3A_384 : vector<16xi32>
      %add3A_386 = vector.broadcast %mul3A_23 : i32 to vector<16xi32>
      %add3A_387 = arith.addi %mul3A_385, %add3A_386 : vector<16xi32>
      %add3A_388 = arith.addi %add3A_375, %convert_element_type3A_356 : vector<16xi32>
      %swap3A_389 = arith.constant 16 : index
      %swap3A_390 = tpu.vector_load %arg13[%swap3A_389] {strides = array<i32>} : memref<48xi32, #tpu.memory_space<vmem>>, vector<16xi32>,
      tpu.vector_store %arg13[%swap3A_389], %add3A_388 {strides = array<i32>} : memref<48xi32, #tpu.memory_space<vmem>>, vector<16xi32>,
      %add3A_391 = arith.addi %add3A_375, %convert_element_type3A_363 : vector<16xi32>
      %swap3A_392 = arith.constant 16 : index
      %swap3A_393 = tpu.vector_load %arg14[%swap3A_392] {strides = array<i32>} : memref<48xi32, #tpu.memory_space<vmem>>, vector<16xi32>,
      tpu.vector_store %arg14[%swap3A_392], %add3A_391 {strides = array<i32>} : memref<48xi32, #tpu.memory_space<vmem>>, vector<16xi32>,
      %add3A_394 = arith.addi %add3A_387, %convert_element_type3A_356 : vector<16xi32>
      %swap3A_395 = arith.constant 16 : index
      %swap3A_396 = tpu.vector_load %arg15[%swap3A_395] {strides = array<i32>} : memref<48xi32, #tpu.memory_space<vmem>>, vector<16xi32>,
      tpu.vector_store %arg15[%swap3A_395], %add3A_394 {strides = array<i32>} : memref<48xi32, #tpu.memory_space<vmem>>, vector<16xi32>,
      %add3A_397 = arith.addi %add3A_387, %convert_element_type3A_363 : vector<16xi32>
      %swap3A_398 = arith.constant 16 : index
      %swap3A_399 = tpu.vector_load %arg16[%swap3A_398] {strides = array<i32>} : memref<48xi32, #tpu.memory_space<vmem>>, vector<16xi32>,
      tpu.vector_store %arg16[%swap3A_398], %add3A_397 {strides = array<i32>} : memref<48xi32, #tpu.memory_space<vmem>>, vector<16xi32>,
      %mul3A_400 = arith.mulf %sub3A_321, %sub3A_317 : vector<16xf32>
      %and3A_401 = arith.andi %and3A_342, %and3A_328 : vector<16xi1>
      %convert_element_type3A_402 = arith.extui %and3A_401 : vector<16xi1> to vector<16xi32>
      %convert_element_type3A_403 = arith.sitofp %convert_element_type3A_402 : vector<16xi32> to vector<16xf32>
      %mul3A_404 = arith.mulf %mul3A_400, %convert_element_type3A_403 : vector<16xf32>
      %swap3A_405 = arith.constant 16 : index
      %swap3A_406 = tpu.vector_load %arg17[%swap3A_405] {strides = array<i32>} : memref<48xf32, #tpu.memory_space<vmem>>, vector<16xf32>,
      tpu.vector_store %arg17[%swap3A_405], %mul3A_404 {strides = array<i32>} : memref<48xf32, #tpu.memory_space<vmem>>, vector<16xf32>,
      %mul3A_407 = arith.mulf %sub3A_321, %sub3A_314 : vector<16xf32>
      %and3A_408 = arith.andi %and3A_342, %and3A_335 : vector<16xi1>
      %convert_element_type3A_409 = arith.extui %and3A_408 : vector<16xi1> to vector<16xi32>
      %convert_element_type3A_410 = arith.sitofp %convert_element_type3A_409 : vector<16xi32> to vector<16xf32>
      %mul3A_411 = arith.mulf %mul3A_407, %convert_element_type3A_410 : vector<16xf32>
      %swap3A_412 = arith.constant 16 : index
      %swap3A_413 = tpu.vector_load %arg18[%swap3A_412] {strides = array<i32>} : memref<48xf32, #tpu.memory_space<vmem>>, vector<16xf32>,
      tpu.vector_store %arg18[%swap3A_412], %mul3A_411 {strides = array<i32>} : memref<48xf32, #tpu.memory_space<vmem>>, vector<16xf32>,
      %mul3A_414 = arith.mulf %sub3A_318, %sub3A_317 : vector<16xf32>
      %and3A_415 = arith.andi %and3A_349, %and3A_328 : vector<16xi1>
      %convert_element_type3A_416 = arith.extui %and3A_415 : vector<16xi1> to vector<16xi32>
      %convert_element_type3A_417 = arith.sitofp %convert_element_type3A_416 : vector<16xi32> to vector<16xf32>
      %mul3A_418 = arith.mulf %mul3A_414, %convert_element_type3A_417 : vector<16xf32>
      %swap3A_419 = arith.constant 16 : index
      %swap3A_420 = tpu.vector_load %arg19[%swap3A_419] {strides = array<i32>} : memref<48xf32, #tpu.memory_space<vmem>>, vector<16xf32>,
      tpu.vector_store %arg19[%swap3A_419], %mul3A_418 {strides = array<i32>} : memref<48xf32, #tpu.memory_space<vmem>>, vector<16xf32>,
      %mul3A_421 = arith.mulf %sub3A_318, %sub3A_314 : vector<16xf32>
      %and3A_422 = arith.andi %and3A_349, %and3A_335 : vector<16xi1>
      %convert_element_type3A_423 = arith.extui %and3A_422 : vector<16xi1> to vector<16xi32>
      %convert_element_type3A_424 = arith.sitofp %convert_element_type3A_423 : vector<16xi32> to vector<16xf32>
      %mul3A_425 = arith.mulf %mul3A_421, %convert_element_type3A_424 : vector<16xf32>
      %swap3A_426 = arith.constant 16 : index
      %swap3A_427 = tpu.vector_load %arg20[%swap3A_426] {strides = array<i32>} : memref<48xf32, #tpu.memory_space<vmem>>, vector<16xf32>,
      tpu.vector_store %arg20[%swap3A_426], %mul3A_425 {strides = array<i32>} : memref<48xf32, #tpu.memory_space<vmem>>, vector<16xf32>,
      %add3A_428 = vector.broadcast %add3A_265 : i32 to vector<16xi32>
      %add3A_429 = arith.addi %iota3A, %add3A_428 : vector<16xi32>
      %mul3A_430 = arith.constant 2 : i32
      %mul3A_431 = vector.broadcast %mul3A_430 : i32 to vector<16xi32>
      %mul3A_432 = arith.muli %add3A_429, %mul3A_431 : vector<16xi32>
      tpu.vector_store_idx %arg37[%mul3A_432], %add3A_271 : memref<768xf32, #tpu.memory_space<vmem>>[vector<16xi32>], vector<16xf32>,
      %add3A_433 = arith.constant 1 : i32
      %add3A_434 = vector.broadcast %add3A_433 : i32 to vector<16xi32>
      %add3A_435 = arith.addi %mul3A_432, %add3A_434 : vector<16xi32>
      tpu.vector_store_idx %arg37[%add3A_435], %add3A_275 : memref<768xf32, #tpu.memory_space<vmem>>[vector<16xi32>], vector<16xf32>,
      %mul3A_436 = arith.constant 48 : i32
      %mul3A_437 = arith.muli %sub3A_95, %mul3A_436 : i32
      %add3A_438 = arith.constant 32 : i32
      %add3A_439 = arith.addi %mul3A_437, %add3A_438 : i32
      %get3A_440 = arith.index_cast %add3A_439 : i32 to index
      %get3A_441 = tpu.vector_load %arg9[%get3A_440] {strides = array<i32>} : memref<384xf32, #tpu.memory_space<vmem>>, vector<16xf32>,
      %get3A_442 = arith.index_cast %select_n3A_92 : i32 to index
      %get3A_443 = arith.index_cast %add3A_439 : i32 to index
      %get3A_444 = tpu.vector_load %arg11[%get3A_442, %get3A_443] {strides = array<i32>} : memref<24x384xf32, #tpu.memory_space<vmem>>, vector<16xf32>,
      %add3A_445 = arith.addf %get3A_441, %get3A_444 : vector<16xf32>
      %get3A_446 = arith.index_cast %select_n3A_92 : i32 to index
      %get3A_447 = arith.index_cast %add3A_439 : i32 to index
      %get3A_448 = tpu.vector_load %arg12[%get3A_446, %get3A_447] {strides = array<i32>} : memref<24x384xf32, #tpu.memory_space<vmem>>, vector<16xf32>,
      %add3A_449 = arith.addf %gather3A, %get3A_448 : vector<16xf32>
      %add3A_450 = arith.constant 1.000000e+00 : f32
      %add3A_451 = vector.broadcast %add3A_450 : f32 to vector<16xf32>
      %add3A_452 = arith.addf %add3A_445, %add3A_451 : vector<16xf32>
      %mul3A_453 = arith.constant 5.000000e-01 : f32
      %mul3A_454 = vector.broadcast %mul3A_453 : f32 to vector<16xf32>
      %mul3A_455 = arith.mulf %add3A_452, %mul3A_454 : vector<16xf32>
      %mul3A_456 = arith.constant 3.830000e+02 : f32
      %mul3A_457 = vector.broadcast %mul3A_456 : f32 to vector<16xf32>
      %mul3A_458 = arith.mulf %mul3A_455, %mul3A_457 : vector<16xf32>
      %add3A_459 = arith.constant 1.000000e+00 : f32
      %add3A_460 = vector.broadcast %add3A_459 : f32 to vector<16xf32>
      %add3A_461 = arith.addf %add3A_449, %add3A_460 : vector<16xf32>
      %mul3A_462 = arith.constant 5.000000e-01 : f32
      %mul3A_463 = vector.broadcast %mul3A_462 : f32 to vector<16xf32>
      %mul3A_464 = arith.mulf %add3A_461, %mul3A_463 : vector<16xf32>
      %mul3A_465 = arith.constant 3.830000e+02 : f32
      %mul3A_466 = vector.broadcast %mul3A_465 : f32 to vector<16xf32>
      %mul3A_467 = arith.mulf %mul3A_464, %mul3A_466 : vector<16xf32>
      %convert_element_type3A_468 = arith.fptosi %mul3A_458 : vector<16xf32> to vector<16xi32>
      %convert_element_type3A_469 = arith.sitofp %convert_element_type3A_468 : vector<16xi32> to vector<16xf32>
      %gt3A_470 = arith.cmpf ogt, %convert_element_type3A_469, %mul3A_458 : vector<16xf32>
      %sub3A_471 = arith.constant 1.000000e+00 : f32
      %sub3A_472 = vector.broadcast %sub3A_471 : f32 to vector<16xf32>
      %sub3A_473 = arith.subf %convert_element_type3A_469, %sub3A_472 : vector<16xf32>
      %select_n3A_474 = arith.select %gt3A_470, %sub3A_473, %convert_element_type3A_469 : vector<16xi1>, vector<16xf32>
      %convert_element_type3A_475 = arith.fptosi %mul3A_467 : vector<16xf32> to vector<16xi32>
      %convert_element_type3A_476 = arith.sitofp %convert_element_type3A_475 : vector<16xi32> to vector<16xf32>
      %gt3A_477 = arith.cmpf ogt, %convert_element_type3A_476, %mul3A_467 : vector<16xf32>
      %sub3A_478 = arith.constant 1.000000e+00 : f32
      %sub3A_479 = vector.broadcast %sub3A_478 : f32 to vector<16xf32>
      %sub3A_480 = arith.subf %convert_element_type3A_476, %sub3A_479 : vector<16xf32>
      %select_n3A_481 = arith.select %gt3A_477, %sub3A_480, %convert_element_type3A_476 : vector<16xi1>, vector<16xf32>
      %add3A_482 = arith.constant 1.000000e+00 : f32
      %add3A_483 = vector.broadcast %add3A_482 : f32 to vector<16xf32>
      %add3A_484 = arith.addf %select_n3A_474, %add3A_483 : vector<16xf32>
      %add3A_485 = arith.constant 1.000000e+00 : f32
      %add3A_486 = vector.broadcast %add3A_485 : f32 to vector<16xf32>
      %add3A_487 = arith.addf %select_n3A_481, %add3A_486 : vector<16xf32>
      %sub3A_488 = arith.subf %mul3A_458, %select_n3A_474 : vector<16xf32>
      %sub3A_489 = arith.constant 1.000000e+00 : f32
      %sub3A_490 = vector.broadcast %sub3A_489 : f32 to vector<16xf32>
      %sub3A_491 = arith.subf %sub3A_490, %sub3A_488 : vector<16xf32>
      %sub3A_492 = arith.subf %mul3A_467, %select_n3A_481 : vector<16xf32>
      %sub3A_493 = arith.constant 1.000000e+00 : f32
      %sub3A_494 = vector.broadcast %sub3A_493 : f32 to vector<16xf32>
      %sub3A_495 = arith.subf %sub3A_494, %sub3A_492 : vector<16xf32>
      %ge3A_496 = arith.constant 0.000000e+00 : f32
      %ge3A_497 = vector.broadcast %ge3A_496 : f32 to vector<16xf32>
      %ge3A_498 = arith.cmpf oge, %select_n3A_474, %ge3A_497 : vector<16xf32>
      %le3A_499 = arith.constant 3.830000e+02 : f32
      %le3A_500 = vector.broadcast %le3A_499 : f32 to vector<16xf32>
      %le3A_501 = arith.cmpf ole, %select_n3A_474, %le3A_500 : vector<16xf32>
      %and3A_502 = arith.andi %ge3A_498, %le3A_501 : vector<16xi1>
      %ge3A_503 = arith.constant 0.000000e+00 : f32
      %ge3A_504 = vector.broadcast %ge3A_503 : f32 to vector<16xf32>
      %ge3A_505 = arith.cmpf oge, %add3A_484, %ge3A_504 : vector<16xf32>
      %le3A_506 = arith.constant 3.830000e+02 : f32
      %le3A_507 = vector.broadcast %le3A_506 : f32 to vector<16xf32>
      %le3A_508 = arith.cmpf ole, %add3A_484, %le3A_507 : vector<16xf32>
      %and3A_509 = arith.andi %ge3A_505, %le3A_508 : vector<16xi1>
      %ge3A_510 = arith.constant 0.000000e+00 : f32
      %ge3A_511 = vector.broadcast %ge3A_510 : f32 to vector<16xf32>
      %ge3A_512 = arith.cmpf oge, %select_n3A_481, %ge3A_511 : vector<16xf32>
      %le3A_513 = arith.constant 3.830000e+02 : f32
      %le3A_514 = vector.broadcast %le3A_513 : f32 to vector<16xf32>
      %le3A_515 = arith.cmpf ole, %select_n3A_481, %le3A_514 : vector<16xf32>
      %and3A_516 = arith.andi %ge3A_512, %le3A_515 : vector<16xi1>
      %ge3A_517 = arith.constant 0.000000e+00 : f32
      %ge3A_518 = vector.broadcast %ge3A_517 : f32 to vector<16xf32>
      %ge3A_519 = arith.cmpf oge, %add3A_487, %ge3A_518 : vector<16xf32>
      %le3A_520 = arith.constant 3.830000e+02 : f32
      %le3A_521 = vector.broadcast %le3A_520 : f32 to vector<16xf32>
      %le3A_522 = arith.cmpf ole, %add3A_487, %le3A_521 : vector<16xf32>
      %and3A_523 = arith.andi %ge3A_519, %le3A_522 : vector<16xi1>
      %jit3A_524 = arith.constant 0.000000e+00 : f32
      %jit3A_525 = arith.constant 3.830000e+02 : f32
      %max3A_526 = vector.broadcast %jit3A_524 : f32 to vector<16xf32>
      %max3A_527 = arith.maximumf %max3A_526, %select_n3A_474 : vector<16xf32>
      %min3A_528 = vector.broadcast %jit3A_525 : f32 to vector<16xf32>
      %min3A_529 = arith.minimumf %min3A_528, %max3A_527 : vector<16xf32>
      %convert_element_type3A_530 = arith.fptosi %min3A_529 : vector<16xf32> to vector<16xi32>
      %jit3A_531 = arith.constant 0.000000e+00 : f32
      %jit3A_532 = arith.constant 3.830000e+02 : f32
      %max3A_533 = vector.broadcast %jit3A_531 : f32 to vector<16xf32>
      %max3A_534 = arith.maximumf %max3A_533, %add3A_484 : vector<16xf32>
      %min3A_535 = vector.broadcast %jit3A_532 : f32 to vector<16xf32>
      %min3A_536 = arith.minimumf %min3A_535, %max3A_534 : vector<16xf32>
      %convert_element_type3A_537 = arith.fptosi %min3A_536 : vector<16xf32> to vector<16xi32>
      %jit3A_538 = arith.constant 0.000000e+00 : f32
      %jit3A_539 = arith.constant 3.830000e+02 : f32
      %max3A_540 = vector.broadcast %jit3A_538 : f32 to vector<16xf32>
      %max3A_541 = arith.maximumf %max3A_540, %select_n3A_481 : vector<16xf32>
      %min3A_542 = vector.broadcast %jit3A_539 : f32 to vector<16xf32>
      %min3A_543 = arith.minimumf %min3A_542, %max3A_541 : vector<16xf32>
      %convert_element_type3A_544 = arith.fptosi %min3A_543 : vector<16xf32> to vector<16xi32>
      %mul3A_545 = arith.constant 384 : i32
      %mul3A_546 = vector.broadcast %mul3A_545 : i32 to vector<16xi32>
      %mul3A_547 = arith.muli %convert_element_type3A_544, %mul3A_546 : vector<16xi32>
      %add3A_548 = vector.broadcast %mul3A_23 : i32 to vector<16xi32>
      %add3A_549 = arith.addi %mul3A_547, %add3A_548 : vector<16xi32>
      %jit3A_550 = arith.constant 0.000000e+00 : f32
      %jit3A_551 = arith.constant 3.830000e+02 : f32
      %max3A_552 = vector.broadcast %jit3A_550 : f32 to vector<16xf32>
      %max3A_553 = arith.maximumf %max3A_552, %add3A_487 : vector<16xf32>
      %min3A_554 = vector.broadcast %jit3A_551 : f32 to vector<16xf32>
      %min3A_555 = arith.minimumf %min3A_554, %max3A_553 : vector<16xf32>
      %convert_element_type3A_556 = arith.fptosi %min3A_555 : vector<16xf32> to vector<16xi32>
      %mul3A_557 = arith.constant 384 : i32
      %mul3A_558 = vector.broadcast %mul3A_557 : i32 to vector<16xi32>
      %mul3A_559 = arith.muli %convert_element_type3A_556, %mul3A_558 : vector<16xi32>
      %add3A_560 = vector.broadcast %mul3A_23 : i32 to vector<16xi32>
      %add3A_561 = arith.addi %mul3A_559, %add3A_560 : vector<16xi32>
      %add3A_562 = arith.addi %add3A_549, %convert_element_type3A_530 : vector<16xi32>
      %swap3A_563 = arith.constant 32 : index
      %swap3A_564 = tpu.vector_load %arg13[%swap3A_563] {strides = array<i32>} : memref<48xi32, #tpu.memory_space<vmem>>, vector<16xi32>,
      tpu.vector_store %arg13[%swap3A_563], %add3A_562 {strides = array<i32>} : memref<48xi32, #tpu.memory_space<vmem>>, vector<16xi32>,
      %add3A_565 = arith.addi %add3A_549, %convert_element_type3A_537 : vector<16xi32>
      %swap3A_566 = arith.constant 32 : index
      %swap3A_567 = tpu.vector_load %arg14[%swap3A_566] {strides = array<i32>} : memref<48xi32, #tpu.memory_space<vmem>>, vector<16xi32>,
      tpu.vector_store %arg14[%swap3A_566], %add3A_565 {strides = array<i32>} : memref<48xi32, #tpu.memory_space<vmem>>, vector<16xi32>,
      %add3A_568 = arith.addi %add3A_561, %convert_element_type3A_530 : vector<16xi32>
      %swap3A_569 = arith.constant 32 : index
      %swap3A_570 = tpu.vector_load %arg15[%swap3A_569] {strides = array<i32>} : memref<48xi32, #tpu.memory_space<vmem>>, vector<16xi32>,
      tpu.vector_store %arg15[%swap3A_569], %add3A_568 {strides = array<i32>} : memref<48xi32, #tpu.memory_space<vmem>>, vector<16xi32>,
      %add3A_571 = arith.addi %add3A_561, %convert_element_type3A_537 : vector<16xi32>
      %swap3A_572 = arith.constant 32 : index
      %swap3A_573 = tpu.vector_load %arg16[%swap3A_572] {strides = array<i32>} : memref<48xi32, #tpu.memory_space<vmem>>, vector<16xi32>,
      tpu.vector_store %arg16[%swap3A_572], %add3A_571 {strides = array<i32>} : memref<48xi32, #tpu.memory_space<vmem>>, vector<16xi32>,
      %mul3A_574 = arith.mulf %sub3A_495, %sub3A_491 : vector<16xf32>
      %and3A_575 = arith.andi %and3A_516, %and3A_502 : vector<16xi1>
      %convert_element_type3A_576 = arith.extui %and3A_575 : vector<16xi1> to vector<16xi32>
      %convert_element_type3A_577 = arith.sitofp %convert_element_type3A_576 : vector<16xi32> to vector<16xf32>
      %mul3A_578 = arith.mulf %mul3A_574, %convert_element_type3A_577 : vector<16xf32>
      %swap3A_579 = arith.constant 32 : index
      %swap3A_580 = tpu.vector_load %arg17[%swap3A_579] {strides = array<i32>} : memref<48xf32, #tpu.memory_space<vmem>>, vector<16xf32>,
      tpu.vector_store %arg17[%swap3A_579], %mul3A_578 {strides = array<i32>} : memref<48xf32, #tpu.memory_space<vmem>>, vector<16xf32>,
      %mul3A_581 = arith.mulf %sub3A_495, %sub3A_488 : vector<16xf32>
      %and3A_582 = arith.andi %and3A_516, %and3A_509 : vector<16xi1>
      %convert_element_type3A_583 = arith.extui %and3A_582 : vector<16xi1> to vector<16xi32>
      %convert_element_type3A_584 = arith.sitofp %convert_element_type3A_583 : vector<16xi32> to vector<16xf32>
      %mul3A_585 = arith.mulf %mul3A_581, %convert_element_type3A_584 : vector<16xf32>
      %swap3A_586 = arith.constant 32 : index
      %swap3A_587 = tpu.vector_load %arg18[%swap3A_586] {strides = array<i32>} : memref<48xf32, #tpu.memory_space<vmem>>, vector<16xf32>,
      tpu.vector_store %arg18[%swap3A_586], %mul3A_585 {strides = array<i32>} : memref<48xf32, #tpu.memory_space<vmem>>, vector<16xf32>,
      %mul3A_588 = arith.mulf %sub3A_492, %sub3A_491 : vector<16xf32>
      %and3A_589 = arith.andi %and3A_523, %and3A_502 : vector<16xi1>
      %convert_element_type3A_590 = arith.extui %and3A_589 : vector<16xi1> to vector<16xi32>
      %convert_element_type3A_591 = arith.sitofp %convert_element_type3A_590 : vector<16xi32> to vector<16xf32>
      %mul3A_592 = arith.mulf %mul3A_588, %convert_element_type3A_591 : vector<16xf32>
      %swap3A_593 = arith.constant 32 : index
      %swap3A_594 = tpu.vector_load %arg19[%swap3A_593] {strides = array<i32>} : memref<48xf32, #tpu.memory_space<vmem>>, vector<16xf32>,
      tpu.vector_store %arg19[%swap3A_593], %mul3A_592 {strides = array<i32>} : memref<48xf32, #tpu.memory_space<vmem>>, vector<16xf32>,
      %mul3A_595 = arith.mulf %sub3A_492, %sub3A_488 : vector<16xf32>
      %and3A_596 = arith.andi %and3A_523, %and3A_509 : vector<16xi1>
      %convert_element_type3A_597 = arith.extui %and3A_596 : vector<16xi1> to vector<16xi32>
      %convert_element_type3A_598 = arith.sitofp %convert_element_type3A_597 : vector<16xi32> to vector<16xf32>
      %mul3A_599 = arith.mulf %mul3A_595, %convert_element_type3A_598 : vector<16xf32>
      %swap3A_600 = arith.constant 32 : index
      %swap3A_601 = tpu.vector_load %arg20[%swap3A_600] {strides = array<i32>} : memref<48xf32, #tpu.memory_space<vmem>>, vector<16xf32>,
      tpu.vector_store %arg20[%swap3A_600], %mul3A_599 {strides = array<i32>} : memref<48xf32, #tpu.memory_space<vmem>>, vector<16xf32>,
      %add3A_602 = vector.broadcast %add3A_439 : i32 to vector<16xi32>
      %add3A_603 = arith.addi %iota3A, %add3A_602 : vector<16xi32>
      %mul3A_604 = arith.constant 2 : i32
      %mul3A_605 = vector.broadcast %mul3A_604 : i32 to vector<16xi32>
      %mul3A_606 = arith.muli %add3A_603, %mul3A_605 : vector<16xi32>
      tpu.vector_store_idx %arg37[%mul3A_606], %add3A_445 : memref<768xf32, #tpu.memory_space<vmem>>[vector<16xi32>], vector<16xf32>,
      %add3A_607 = arith.constant 1 : i32
      %add3A_608 = vector.broadcast %add3A_607 : i32 to vector<16xi32>
      %add3A_609 = arith.addi %mul3A_606, %add3A_608 : vector<16xi32>
      tpu.vector_store_idx %arg37[%add3A_609], %add3A_449 : memref<768xf32, #tpu.memory_space<vmem>>[vector<16xi32>], vector<16xf32>,
      %dma_start3A = arith.constant 0 : i32
      %dma_start3A_610 = arith.constant 0 : i32
      %dma_start3A_611 = tpu.memref_slice %arg2[%dma_start3A, %dma_start3A_610] : memref<294912x192xf32, #tpu.memory_space<hbm>> -> memref<294912x192xf32, #tpu.memory_space<hbm>>
      tpu.enqueue_indirect_dma source(%dma_start3A_611 : memref<294912x192xf32, #tpu.memory_space<hbm>>) target(%arg21 : memref<48x192xf32, #tpu.memory_space<vmem>>) offsets(%arg13 : memref<48xi32, #tpu.memory_space<vmem>>) semaphore(%arg40 : memref<!tpu.dma_semaphore, #tpu.memory_space<semaphore_mem>>)
      %dma_start3A_612 = arith.constant 0 : i32
      %dma_start3A_613 = arith.constant 0 : i32
      %dma_start3A_614 = tpu.memref_slice %arg2[%dma_start3A_612, %dma_start3A_613] : memref<294912x192xf32, #tpu.memory_space<hbm>> -> memref<294912x192xf32, #tpu.memory_space<hbm>>
      tpu.enqueue_indirect_dma source(%dma_start3A_614 : memref<294912x192xf32, #tpu.memory_space<hbm>>) target(%arg22 : memref<48x192xf32, #tpu.memory_space<vmem>>) offsets(%arg14 : memref<48xi32, #tpu.memory_space<vmem>>) semaphore(%arg40 : memref<!tpu.dma_semaphore, #tpu.memory_space<semaphore_mem>>)
      %dma_start3A_615 = arith.constant 0 : i32
      %dma_start3A_616 = arith.constant 0 : i32
      %dma_start3A_617 = tpu.memref_slice %arg2[%dma_start3A_615, %dma_start3A_616] : memref<294912x192xf32, #tpu.memory_space<hbm>> -> memref<294912x192xf32, #tpu.memory_space<hbm>>
      tpu.enqueue_indirect_dma source(%dma_start3A_617 : memref<294912x192xf32, #tpu.memory_space<hbm>>) target(%arg23 : memref<48x192xf32, #tpu.memory_space<vmem>>) offsets(%arg15 : memref<48xi32, #tpu.memory_space<vmem>>) semaphore(%arg40 : memref<!tpu.dma_semaphore, #tpu.memory_space<semaphore_mem>>)
      %dma_start3A_618 = arith.constant 0 : i32
      %dma_start3A_619 = arith.constant 0 : i32
      %dma_start3A_620 = tpu.memref_slice %arg2[%dma_start3A_618, %dma_start3A_619] : memref<294912x192xf32, #tpu.memory_space<hbm>> -> memref<294912x192xf32, #tpu.memory_space<hbm>>
      tpu.enqueue_indirect_dma source(%dma_start3A_620 : memref<294912x192xf32, #tpu.memory_space<hbm>>) target(%arg24 : memref<48x192xf32, #tpu.memory_space<vmem>>) offsets(%arg16 : memref<48xi32, #tpu.memory_space<vmem>>) semaphore(%arg40 : memref<!tpu.dma_semaphore, #tpu.memory_space<semaphore_mem>>)
      %gt3A_621 = arith.constant 1 : i32
      %gt3A_622 = arith.cmpi sgt, %scan3A_66, %gt3A_621 : i32
      %convert_element_type3A_623 = arith.extui %gt3A_622 : i1 to i32
      %cond3A = arith.constant 0 : i32
      %cond3A_624 = arith.cmpi ne, %convert_element_type3A_623, %cond3A : i32
      scf.if %cond3A_624 {
        %mul3A_1280 = arith.constant 2 : i32
        %mul3A_1281 = arith.muli %mul3A_1280, %scan3A_66 : i32
        %sub3A_1282 = arith.constant 3 : i32
        %sub3A_1283 = arith.subi %mul3A_1281, %sub3A_1282 : i32
        %jit3A_1284 = arith.constant 8 : i32
        %div3A_1285 = arith.divsi %sub3A_1283, %jit3A_1284 : i32
        %sign3A_1286 = arith.constant 0 : i32
        %sign3A_1287 = arith.cmpi sgt, %sub3A_1283, %sign3A_1286 : i32
        %sign3A_1288 = arith.extui %sign3A_1287 : i1 to i32
        %sign3A_1289 = arith.constant 0 : i32
        %sign3A_1290 = arith.cmpi slt, %sub3A_1283, %sign3A_1289 : i32
        %sign3A_1291 = arith.extui %sign3A_1290 : i1 to i32
        %sign3A_1292 = arith.subi %sign3A_1288, %sign3A_1291 : i32
        %sign3A_1293 = arith.constant 0 : i32
        %sign3A_1294 = arith.cmpi sgt, %jit3A_1284, %sign3A_1293 : i32
        %sign3A_1295 = arith.extui %sign3A_1294 : i1 to i32
        %sign3A_1296 = arith.constant 0 : i32
        %sign3A_1297 = arith.cmpi slt, %jit3A_1284, %sign3A_1296 : i32
        %sign3A_1298 = arith.extui %sign3A_1297 : i1 to i32
        %sign3A_1299 = arith.subi %sign3A_1295, %sign3A_1298 : i32
        %ne3A_1300 = arith.cmpi ne, %sign3A_1292, %sign3A_1299 : i32
        %rem3A_1301 = arith.remsi %sub3A_1283, %jit3A_1284 : i32
        %ne3A_1302 = arith.constant 0 : i32
        %ne3A_1303 = arith.cmpi ne, %rem3A_1301, %ne3A_1302 : i32
        %and3A_1304 = arith.andi %ne3A_1300, %ne3A_1303 : i1
        %sub3A_1305 = arith.constant 1 : i32
        %sub3A_1306 = arith.subi %div3A_1285, %sub3A_1305 : i32
        %select_n3A_1307 = arith.select %and3A_1304, %sub3A_1306, %div3A_1285 : i32
        %mul3A_1308 = arith.constant 8 : i32
        %mul3A_1309 = arith.muli %select_n3A_1307, %mul3A_1308 : i32
        %sub3A_1310 = arith.subi %sub3A_1283, %mul3A_1309 : i32
        %mul3A_1311 = arith.constant 48 : i32
        %mul3A_1312 = arith.muli %sub3A_1310, %mul3A_1311 : i32
        %add3A_1313 = arith.addi %sub3A_21, %select_n3A_1307 : i32
        %dma_wait3A_1314 = arith.constant 0 : i32
        %dma_wait3A_1315 = tpu.memref_slice %arg7[%select_n3A, %dma_wait3A_1314, %add3A_1313, %mul3A_1312] : memref<2x192x384x384xf32, #tpu.memory_space<hbm>> -> memref<1x192x1x48xf32, #tpu.memory_space<hbm>>
        %dma_wait3A_1316 = tpu.memref_squeeze %dma_wait3A_1315 : memref<1x192x1x48xf32, #tpu.memory_space<hbm>> -> memref<192x48xf32, #tpu.memory_space<hbm>>
        %dma_wait3A_1317 = arith.constant 0 : i32
        %dma_wait3A_1318 = tpu.memref_slice %arg7[%select_n3A, %dma_wait3A_1317, %add3A_1313, %mul3A_1312] : memref<2x192x384x384xf32, #tpu.memory_space<hbm>> -> memref<1x192x1x48xf32, #tpu.memory_space<hbm>>
        %dma_wait3A_1319 = tpu.memref_squeeze %dma_wait3A_1318 : memref<1x192x1x48xf32, #tpu.memory_space<hbm>> -> memref<192x48xf32, #tpu.memory_space<hbm>>
        tpu.wait_dma2 semaphore(%arg43 : memref<!tpu.dma_semaphore, #tpu.memory_space<semaphore_mem>>) src(%arg39 : memref<192x48xf32, #tpu.memory_space<vmem>>) dst(%dma_wait3A_1319 : memref<192x48xf32, #tpu.memory_space<hbm>>)
      } else {
      }
      %gt3A_625 = arith.constant 0 : i32
      %gt3A_626 = arith.cmpi sgt, %scan3A_66, %gt3A_625 : i32
      %convert_element_type3A_627 = arith.extui %gt3A_626 : i1 to i32
      %cond3A_628 = arith.constant 0 : i32
      %cond3A_629 = arith.cmpi ne, %convert_element_type3A_627, %cond3A_628 : i32
      scf.if %cond3A_629 {
        %dma_wait3A_1280 = arith.constant 0 : i32
        %dma_wait3A_1281 = arith.constant 0 : i32
        %dma_wait3A_1282 = tpu.memref_slice %arg2[%dma_wait3A_1280, %dma_wait3A_1281] : memref<294912x192xf32, #tpu.memory_space<hbm>> -> memref<294912x192xf32, #tpu.memory_space<hbm>>
        tpu.wait_indirect_dma semaphore(%arg41 : memref<!tpu.dma_semaphore, #tpu.memory_space<semaphore_mem>>) src(%dma_wait3A_1282 : memref<294912x192xf32, #tpu.memory_space<hbm>>) dst(%arg33 : memref<48x192xf32, #tpu.memory_space<vmem>>)
        %dma_wait3A_1283 = arith.constant 0 : i32
        %dma_wait3A_1284 = arith.constant 0 : i32
        %dma_wait3A_1285 = tpu.memref_slice %arg2[%dma_wait3A_1283, %dma_wait3A_1284] : memref<294912x192xf32, #tpu.memory_space<hbm>> -> memref<294912x192xf32, #tpu.memory_space<hbm>>
        tpu.wait_indirect_dma semaphore(%arg41 : memref<!tpu.dma_semaphore, #tpu.memory_space<semaphore_mem>>) src(%dma_wait3A_1285 : memref<294912x192xf32, #tpu.memory_space<hbm>>) dst(%arg34 : memref<48x192xf32, #tpu.memory_space<vmem>>)
        %dma_wait3A_1286 = arith.constant 0 : i32
        %dma_wait3A_1287 = arith.constant 0 : i32
        %dma_wait3A_1288 = tpu.memref_slice %arg2[%dma_wait3A_1286, %dma_wait3A_1287] : memref<294912x192xf32, #tpu.memory_space<hbm>> -> memref<294912x192xf32, #tpu.memory_space<hbm>>
        tpu.wait_indirect_dma semaphore(%arg41 : memref<!tpu.dma_semaphore, #tpu.memory_space<semaphore_mem>>) src(%dma_wait3A_1288 : memref<294912x192xf32, #tpu.memory_space<hbm>>) dst(%arg35 : memref<48x192xf32, #tpu.memory_space<vmem>>)
        %dma_wait3A_1289 = arith.constant 0 : i32
        %dma_wait3A_1290 = arith.constant 0 : i32
        %dma_wait3A_1291 = tpu.memref_slice %arg2[%dma_wait3A_1289, %dma_wait3A_1290] : memref<294912x192xf32, #tpu.memory_space<hbm>> -> memref<294912x192xf32, #tpu.memory_space<hbm>>
        tpu.wait_indirect_dma semaphore(%arg41 : memref<!tpu.dma_semaphore, #tpu.memory_space<semaphore_mem>>) src(%dma_wait3A_1291 : memref<294912x192xf32, #tpu.memory_space<hbm>>) dst(%arg36 : memref<48x192xf32, #tpu.memory_space<vmem>>)
        %scan3A_1292 = arith.constant 0 : i32
        %scan3A_1293 = arith.constant 48 : i32
        %scan3A_1294 = arith.addi %scan3A_1292, %scan3A_1293 : i32
        %scan3A_1295 = arith.constant 1 : i32
        scf.for %scan3A_1337 = %scan3A_1292 to %scan3A_1294 step %scan3A_1295  : i32 {
          %broadcast_in_dim3A_1338 = vector.broadcast %scan3A_1337 : i32 to vector<16xi32>
          %gather3A_1339 = tpu.vector_load_idx %arg29[%broadcast_in_dim3A_1338] : memref<48xf32, #tpu.memory_space<vmem>>[vector<16xi32>], vector<16xf32>,
          %broadcast_in_dim3A_1340 = vector.broadcast %scan3A_1337 : i32 to vector<16xi32>
          %gather3A_1341 = tpu.vector_load_idx %arg30[%broadcast_in_dim3A_1340] : memref<48xf32, #tpu.memory_space<vmem>>[vector<16xi32>], vector<16xf32>,
          %broadcast_in_dim3A_1342 = vector.broadcast %scan3A_1337 : i32 to vector<16xi32>
          %gather3A_1343 = tpu.vector_load_idx %arg31[%broadcast_in_dim3A_1342] : memref<48xf32, #tpu.memory_space<vmem>>[vector<16xi32>], vector<16xf32>,
          %broadcast_in_dim3A_1344 = vector.broadcast %scan3A_1337 : i32 to vector<16xi32>
          %gather3A_1345 = tpu.vector_load_idx %arg32[%broadcast_in_dim3A_1344] : memref<48xf32, #tpu.memory_space<vmem>>[vector<16xi32>], vector<16xf32>,
          %broadcast_in_dim3A_1346 = vector.broadcast %scan3A_1337 : i32 to vector<16xi32>
          %get3A_1347 = arith.index_cast %scan3A_1337 : i32 to index
          %get3A_1348 = arith.constant 0 : index
          %get3A_1349 = tpu.vector_load %arg33[%get3A_1347, %get3A_1348] {strides = array<i32>} : memref<48x192xf32, #tpu.memory_space<vmem>>, vector<16xf32>,
          %mul3A_1350 = arith.mulf %get3A_1349, %gather3A_1339 : vector<16xf32>
          %get3A_1351 = arith.index_cast %scan3A_1337 : i32 to index
          %get3A_1352 = arith.constant 0 : index
          %get3A_1353 = tpu.vector_load %arg34[%get3A_1351, %get3A_1352] {strides = array<i32>} : memref<48x192xf32, #tpu.memory_space<vmem>>, vector<16xf32>,
          %mul3A_1354 = arith.mulf %get3A_1353, %gather3A_1341 : vector<16xf32>
          %add3A_1355 = arith.addf %mul3A_1350, %mul3A_1354 : vector<16xf32>
          %get3A_1356 = arith.index_cast %scan3A_1337 : i32 to index
          %get3A_1357 = arith.constant 0 : index
          %get3A_1358 = tpu.vector_load %arg35[%get3A_1356, %get3A_1357] {strides = array<i32>} : memref<48x192xf32, #tpu.memory_space<vmem>>, vector<16xf32>,
          %mul3A_1359 = arith.mulf %get3A_1358, %gather3A_1343 : vector<16xf32>
          %add3A_1360 = arith.addf %add3A_1355, %mul3A_1359 : vector<16xf32>
          %get3A_1361 = arith.index_cast %scan3A_1337 : i32 to index
          %get3A_1362 = arith.constant 0 : index
          %get3A_1363 = tpu.vector_load %arg36[%get3A_1361, %get3A_1362] {strides = array<i32>} : memref<48x192xf32, #tpu.memory_space<vmem>>, vector<16xf32>,
          %mul3A_1364 = arith.mulf %get3A_1363, %gather3A_1345 : vector<16xf32>
          %add3A_1365 = arith.addf %add3A_1360, %mul3A_1364 : vector<16xf32>
          %add3A_1366 = arith.constant 0 : i32
          %add3A_1367 = vector.broadcast %add3A_1366 : i32 to vector<16xi32>
          %add3A_1368 = arith.addi %iota3A, %add3A_1367 : vector<16xi32>
          tpu.vector_store_idx %arg39[%add3A_1368, %broadcast_in_dim3A_1346], %add3A_1365 : memref<192x48xf32, #tpu.memory_space<vmem>>[vector<16xi32>, vector<16xi32>], vector<16xf32>,
          %get3A_1369 = arith.index_cast %scan3A_1337 : i32 to index
          %get3A_1370 = arith.constant 16 : index
          %get3A_1371 = tpu.vector_load %arg33[%get3A_1369, %get3A_1370] {strides = array<i32>} : memref<48x192xf32, #tpu.memory_space<vmem>>, vector<16xf32>,
          %mul3A_1372 = arith.mulf %get3A_1371, %gather3A_1339 : vector<16xf32>
          %get3A_1373 = arith.index_cast %scan3A_1337 : i32 to index
          %get3A_1374 = arith.constant 16 : index
          %get3A_1375 = tpu.vector_load %arg34[%get3A_1373, %get3A_1374] {strides = array<i32>} : memref<48x192xf32, #tpu.memory_space<vmem>>, vector<16xf32>,
          %mul3A_1376 = arith.mulf %get3A_1375, %gather3A_1341 : vector<16xf32>
          %add3A_1377 = arith.addf %mul3A_1372, %mul3A_1376 : vector<16xf32>
          %get3A_1378 = arith.index_cast %scan3A_1337 : i32 to index
          %get3A_1379 = arith.constant 16 : index
          %get3A_1380 = tpu.vector_load %arg35[%get3A_1378, %get3A_1379] {strides = array<i32>} : memref<48x192xf32, #tpu.memory_space<vmem>>, vector<16xf32>,
          %mul3A_1381 = arith.mulf %get3A_1380, %gather3A_1343 : vector<16xf32>
          %add3A_1382 = arith.addf %add3A_1377, %mul3A_1381 : vector<16xf32>
          %get3A_1383 = arith.index_cast %scan3A_1337 : i32 to index
          %get3A_1384 = arith.constant 16 : index
          %get3A_1385 = tpu.vector_load %arg36[%get3A_1383, %get3A_1384] {strides = array<i32>} : memref<48x192xf32, #tpu.memory_space<vmem>>, vector<16xf32>,
          %mul3A_1386 = arith.mulf %get3A_1385, %gather3A_1345 : vector<16xf32>
          %add3A_1387 = arith.addf %add3A_1382, %mul3A_1386 : vector<16xf32>
          %add3A_1388 = arith.constant 16 : i32
          %add3A_1389 = vector.broadcast %add3A_1388 : i32 to vector<16xi32>
          %add3A_1390 = arith.addi %iota3A, %add3A_1389 : vector<16xi32>
          tpu.vector_store_idx %arg39[%add3A_1390, %broadcast_in_dim3A_1346], %add3A_1387 : memref<192x48xf32, #tpu.memory_space<vmem>>[vector<16xi32>, vector<16xi32>], vector<16xf32>,
          %get3A_1391 = arith.index_cast %scan3A_1337 : i32 to index
          %get3A_1392 = arith.constant 32 : index
          %get3A_1393 = tpu.vector_load %arg33[%get3A_1391, %get3A_1392] {strides = array<i32>} : memref<48x192xf32, #tpu.memory_space<vmem>>, vector<16xf32>,
          %mul3A_1394 = arith.mulf %get3A_1393, %gather3A_1339 : vector<16xf32>
          %get3A_1395 = arith.index_cast %scan3A_1337 : i32 to index
          %get3A_1396 = arith.constant 32 : index
          %get3A_1397 = tpu.vector_load %arg34[%get3A_1395, %get3A_1396] {strides = array<i32>} : memref<48x192xf32, #tpu.memory_space<vmem>>, vector<16xf32>,
          %mul3A_1398 = arith.mulf %get3A_1397, %gather3A_1341 : vector<16xf32>
          %add3A_1399 = arith.addf %mul3A_1394, %mul3A_1398 : vector<16xf32>
          %get3A_1400 = arith.index_cast %scan3A_1337 : i32 to index
          %get3A_1401 = arith.constant 32 : index
          %get3A_1402 = tpu.vector_load %arg35[%get3A_1400, %get3A_1401] {strides = array<i32>} : memref<48x192xf32, #tpu.memory_space<vmem>>, vector<16xf32>,
          %mul3A_1403 = arith.mulf %get3A_1402, %gather3A_1343 : vector<16xf32>
          %add3A_1404 = arith.addf %add3A_1399, %mul3A_1403 : vector<16xf32>
          %get3A_1405 = arith.index_cast %scan3A_1337 : i32 to index
          %get3A_1406 = arith.constant 32 : index
          %get3A_1407 = tpu.vector_load %arg36[%get3A_1405, %get3A_1406] {strides = array<i32>} : memref<48x192xf32, #tpu.memory_space<vmem>>, vector<16xf32>,
          %mul3A_1408 = arith.mulf %get3A_1407, %gather3A_1345 : vector<16xf32>
          %add3A_1409 = arith.addf %add3A_1404, %mul3A_1408 : vector<16xf32>
          %add3A_1410 = arith.constant 32 : i32
          %add3A_1411 = vector.broadcast %add3A_1410 : i32 to vector<16xi32>
          %add3A_1412 = arith.addi %iota3A, %add3A_1411 : vector<16xi32>
          tpu.vector_store_idx %arg39[%add3A_1412, %broadcast_in_dim3A_1346], %add3A_1409 : memref<192x48xf32, #tpu.memory_space<vmem>>[vector<16xi32>, vector<16xi32>], vector<16xf32>,
          %get3A_1413 = arith.index_cast %scan3A_1337 : i32 to index
          %get3A_1414 = arith.constant 48 : index
          %get3A_1415 = tpu.vector_load %arg33[%get3A_1413, %get3A_1414] {strides = array<i32>} : memref<48x192xf32, #tpu.memory_space<vmem>>, vector<16xf32>,
          %mul3A_1416 = arith.mulf %get3A_1415, %gather3A_1339 : vector<16xf32>
          %get3A_1417 = arith.index_cast %scan3A_1337 : i32 to index
          %get3A_1418 = arith.constant 48 : index
          %get3A_1419 = tpu.vector_load %arg34[%get3A_1417, %get3A_1418] {strides = array<i32>} : memref<48x192xf32, #tpu.memory_space<vmem>>, vector<16xf32>,
          %mul3A_1420 = arith.mulf %get3A_1419, %gather3A_1341 : vector<16xf32>
          %add3A_1421 = arith.addf %mul3A_1416, %mul3A_1420 : vector<16xf32>
          %get3A_1422 = arith.index_cast %scan3A_1337 : i32 to index
          %get3A_1423 = arith.constant 48 : index
          %get3A_1424 = tpu.vector_load %arg35[%get3A_1422, %get3A_1423] {strides = array<i32>} : memref<48x192xf32, #tpu.memory_space<vmem>>, vector<16xf32>,
          %mul3A_1425 = arith.mulf %get3A_1424, %gather3A_1343 : vector<16xf32>
          %add3A_1426 = arith.addf %add3A_1421, %mul3A_1425 : vector<16xf32>
          %get3A_1427 = arith.index_cast %scan3A_1337 : i32 to index
          %get3A_1428 = arith.constant 48 : index
          %get3A_1429 = tpu.vector_load %arg36[%get3A_1427, %get3A_1428] {strides = array<i32>} : memref<48x192xf32, #tpu.memory_space<vmem>>, vector<16xf32>,
          %mul3A_1430 = arith.mulf %get3A_1429, %gather3A_1345 : vector<16xf32>
          %add3A_1431 = arith.addf %add3A_1426, %mul3A_1430 : vector<16xf32>
          %add3A_1432 = arith.constant 48 : i32
          %add3A_1433 = vector.broadcast %add3A_1432 : i32 to vector<16xi32>
          %add3A_1434 = arith.addi %iota3A, %add3A_1433 : vector<16xi32>
          tpu.vector_store_idx %arg39[%add3A_1434, %broadcast_in_dim3A_1346], %add3A_1431 : memref<192x48xf32, #tpu.memory_space<vmem>>[vector<16xi32>, vector<16xi32>], vector<16xf32>,
          %get3A_1435 = arith.index_cast %scan3A_1337 : i32 to index
          %get3A_1436 = arith.constant 64 : index
          %get3A_1437 = tpu.vector_load %arg33[%get3A_1435, %get3A_1436] {strides = array<i32>} : memref<48x192xf32, #tpu.memory_space<vmem>>, vector<16xf32>,
          %mul3A_1438 = arith.mulf %get3A_1437, %gather3A_1339 : vector<16xf32>
          %get3A_1439 = arith.index_cast %scan3A_1337 : i32 to index
          %get3A_1440 = arith.constant 64 : index
          %get3A_1441 = tpu.vector_load %arg34[%get3A_1439, %get3A_1440] {strides = array<i32>} : memref<48x192xf32, #tpu.memory_space<vmem>>, vector<16xf32>,
          %mul3A_1442 = arith.mulf %get3A_1441, %gather3A_1341 : vector<16xf32>
          %add3A_1443 = arith.addf %mul3A_1438, %mul3A_1442 : vector<16xf32>
          %get3A_1444 = arith.index_cast %scan3A_1337 : i32 to index
          %get3A_1445 = arith.constant 64 : index
          %get3A_1446 = tpu.vector_load %arg35[%get3A_1444, %get3A_1445] {strides = array<i32>} : memref<48x192xf32, #tpu.memory_space<vmem>>, vector<16xf32>,
          %mul3A_1447 = arith.mulf %get3A_1446, %gather3A_1343 : vector<16xf32>
          %add3A_1448 = arith.addf %add3A_1443, %mul3A_1447 : vector<16xf32>
          %get3A_1449 = arith.index_cast %scan3A_1337 : i32 to index
          %get3A_1450 = arith.constant 64 : index
          %get3A_1451 = tpu.vector_load %arg36[%get3A_1449, %get3A_1450] {strides = array<i32>} : memref<48x192xf32, #tpu.memory_space<vmem>>, vector<16xf32>,
          %mul3A_1452 = arith.mulf %get3A_1451, %gather3A_1345 : vector<16xf32>
          %add3A_1453 = arith.addf %add3A_1448, %mul3A_1452 : vector<16xf32>
          %add3A_1454 = arith.constant 64 : i32
          %add3A_1455 = vector.broadcast %add3A_1454 : i32 to vector<16xi32>
          %add3A_1456 = arith.addi %iota3A, %add3A_1455 : vector<16xi32>
          tpu.vector_store_idx %arg39[%add3A_1456, %broadcast_in_dim3A_1346], %add3A_1453 : memref<192x48xf32, #tpu.memory_space<vmem>>[vector<16xi32>, vector<16xi32>], vector<16xf32>,
          %get3A_1457 = arith.index_cast %scan3A_1337 : i32 to index
          %get3A_1458 = arith.constant 80 : index
          %get3A_1459 = tpu.vector_load %arg33[%get3A_1457, %get3A_1458] {strides = array<i32>} : memref<48x192xf32, #tpu.memory_space<vmem>>, vector<16xf32>,
          %mul3A_1460 = arith.mulf %get3A_1459, %gather3A_1339 : vector<16xf32>
          %get3A_1461 = arith.index_cast %scan3A_1337 : i32 to index
          %get3A_1462 = arith.constant 80 : index
          %get3A_1463 = tpu.vector_load %arg34[%get3A_1461, %get3A_1462] {strides = array<i32>} : memref<48x192xf32, #tpu.memory_space<vmem>>, vector<16xf32>,
          %mul3A_1464 = arith.mulf %get3A_1463, %gather3A_1341 : vector<16xf32>
          %add3A_1465 = arith.addf %mul3A_1460, %mul3A_1464 : vector<16xf32>
          %get3A_1466 = arith.index_cast %scan3A_1337 : i32 to index
          %get3A_1467 = arith.constant 80 : index
          %get3A_1468 = tpu.vector_load %arg35[%get3A_1466, %get3A_1467] {strides = array<i32>} : memref<48x192xf32, #tpu.memory_space<vmem>>, vector<16xf32>,
          %mul3A_1469 = arith.mulf %get3A_1468, %gather3A_1343 : vector<16xf32>
          %add3A_1470 = arith.addf %add3A_1465, %mul3A_1469 : vector<16xf32>
          %get3A_1471 = arith.index_cast %scan3A_1337 : i32 to index
          %get3A_1472 = arith.constant 80 : index
          %get3A_1473 = tpu.vector_load %arg36[%get3A_1471, %get3A_1472] {strides = array<i32>} : memref<48x192xf32, #tpu.memory_space<vmem>>, vector<16xf32>,
          %mul3A_1474 = arith.mulf %get3A_1473, %gather3A_1345 : vector<16xf32>
          %add3A_1475 = arith.addf %add3A_1470, %mul3A_1474 : vector<16xf32>
          %add3A_1476 = arith.constant 80 : i32
          %add3A_1477 = vector.broadcast %add3A_1476 : i32 to vector<16xi32>
          %add3A_1478 = arith.addi %iota3A, %add3A_1477 : vector<16xi32>
          tpu.vector_store_idx %arg39[%add3A_1478, %broadcast_in_dim3A_1346], %add3A_1475 : memref<192x48xf32, #tpu.memory_space<vmem>>[vector<16xi32>, vector<16xi32>], vector<16xf32>,
          %get3A_1479 = arith.index_cast %scan3A_1337 : i32 to index
          %get3A_1480 = arith.constant 96 : index
          %get3A_1481 = tpu.vector_load %arg33[%get3A_1479, %get3A_1480] {strides = array<i32>} : memref<48x192xf32, #tpu.memory_space<vmem>>, vector<16xf32>,
          %mul3A_1482 = arith.mulf %get3A_1481, %gather3A_1339 : vector<16xf32>
          %get3A_1483 = arith.index_cast %scan3A_1337 : i32 to index
          %get3A_1484 = arith.constant 96 : index
          %get3A_1485 = tpu.vector_load %arg34[%get3A_1483, %get3A_1484] {strides = array<i32>} : memref<48x192xf32, #tpu.memory_space<vmem>>, vector<16xf32>,
          %mul3A_1486 = arith.mulf %get3A_1485, %gather3A_1341 : vector<16xf32>
          %add3A_1487 = arith.addf %mul3A_1482, %mul3A_1486 : vector<16xf32>
          %get3A_1488 = arith.index_cast %scan3A_1337 : i32 to index
          %get3A_1489 = arith.constant 96 : index
          %get3A_1490 = tpu.vector_load %arg35[%get3A_1488, %get3A_1489] {strides = array<i32>} : memref<48x192xf32, #tpu.memory_space<vmem>>, vector<16xf32>,
          %mul3A_1491 = arith.mulf %get3A_1490, %gather3A_1343 : vector<16xf32>
          %add3A_1492 = arith.addf %add3A_1487, %mul3A_1491 : vector<16xf32>
          %get3A_1493 = arith.index_cast %scan3A_1337 : i32 to index
          %get3A_1494 = arith.constant 96 : index
          %get3A_1495 = tpu.vector_load %arg36[%get3A_1493, %get3A_1494] {strides = array<i32>} : memref<48x192xf32, #tpu.memory_space<vmem>>, vector<16xf32>,
          %mul3A_1496 = arith.mulf %get3A_1495, %gather3A_1345 : vector<16xf32>
          %add3A_1497 = arith.addf %add3A_1492, %mul3A_1496 : vector<16xf32>
          %add3A_1498 = arith.constant 96 : i32
          %add3A_1499 = vector.broadcast %add3A_1498 : i32 to vector<16xi32>
          %add3A_1500 = arith.addi %iota3A, %add3A_1499 : vector<16xi32>
          tpu.vector_store_idx %arg39[%add3A_1500, %broadcast_in_dim3A_1346], %add3A_1497 : memref<192x48xf32, #tpu.memory_space<vmem>>[vector<16xi32>, vector<16xi32>], vector<16xf32>,
          %get3A_1501 = arith.index_cast %scan3A_1337 : i32 to index
          %get3A_1502 = arith.constant 112 : index
          %get3A_1503 = tpu.vector_load %arg33[%get3A_1501, %get3A_1502] {strides = array<i32>} : memref<48x192xf32, #tpu.memory_space<vmem>>, vector<16xf32>,
          %mul3A_1504 = arith.mulf %get3A_1503, %gather3A_1339 : vector<16xf32>
          %get3A_1505 = arith.index_cast %scan3A_1337 : i32 to index
          %get3A_1506 = arith.constant 112 : index
          %get3A_1507 = tpu.vector_load %arg34[%get3A_1505, %get3A_1506] {strides = array<i32>} : memref<48x192xf32, #tpu.memory_space<vmem>>, vector<16xf32>,
          %mul3A_1508 = arith.mulf %get3A_1507, %gather3A_1341 : vector<16xf32>
          %add3A_1509 = arith.addf %mul3A_1504, %mul3A_1508 : vector<16xf32>
          %get3A_1510 = arith.index_cast %scan3A_1337 : i32 to index
          %get3A_1511 = arith.constant 112 : index
          %get3A_1512 = tpu.vector_load %arg35[%get3A_1510, %get3A_1511] {strides = array<i32>} : memref<48x192xf32, #tpu.memory_space<vmem>>, vector<16xf32>,
          %mul3A_1513 = arith.mulf %get3A_1512, %gather3A_1343 : vector<16xf32>
          %add3A_1514 = arith.addf %add3A_1509, %mul3A_1513 : vector<16xf32>
          %get3A_1515 = arith.index_cast %scan3A_1337 : i32 to index
          %get3A_1516 = arith.constant 112 : index
          %get3A_1517 = tpu.vector_load %arg36[%get3A_1515, %get3A_1516] {strides = array<i32>} : memref<48x192xf32, #tpu.memory_space<vmem>>, vector<16xf32>,
          %mul3A_1518 = arith.mulf %get3A_1517, %gather3A_1345 : vector<16xf32>
          %add3A_1519 = arith.addf %add3A_1514, %mul3A_1518 : vector<16xf32>
          %add3A_1520 = arith.constant 112 : i32
          %add3A_1521 = vector.broadcast %add3A_1520 : i32 to vector<16xi32>
          %add3A_1522 = arith.addi %iota3A, %add3A_1521 : vector<16xi32>
          tpu.vector_store_idx %arg39[%add3A_1522, %broadcast_in_dim3A_1346], %add3A_1519 : memref<192x48xf32, #tpu.memory_space<vmem>>[vector<16xi32>, vector<16xi32>], vector<16xf32>,
          %get3A_1523 = arith.index_cast %scan3A_1337 : i32 to index
          %get3A_1524 = arith.constant 128 : index
          %get3A_1525 = tpu.vector_load %arg33[%get3A_1523, %get3A_1524] {strides = array<i32>} : memref<48x192xf32, #tpu.memory_space<vmem>>, vector<16xf32>,
          %mul3A_1526 = arith.mulf %get3A_1525, %gather3A_1339 : vector<16xf32>
          %get3A_1527 = arith.index_cast %scan3A_1337 : i32 to index
          %get3A_1528 = arith.constant 128 : index
          %get3A_1529 = tpu.vector_load %arg34[%get3A_1527, %get3A_1528] {strides = array<i32>} : memref<48x192xf32, #tpu.memory_space<vmem>>, vector<16xf32>,
          %mul3A_1530 = arith.mulf %get3A_1529, %gather3A_1341 : vector<16xf32>
          %add3A_1531 = arith.addf %mul3A_1526, %mul3A_1530 : vector<16xf32>
          %get3A_1532 = arith.index_cast %scan3A_1337 : i32 to index
          %get3A_1533 = arith.constant 128 : index
          %get3A_1534 = tpu.vector_load %arg35[%get3A_1532, %get3A_1533] {strides = array<i32>} : memref<48x192xf32, #tpu.memory_space<vmem>>, vector<16xf32>,
          %mul3A_1535 = arith.mulf %get3A_1534, %gather3A_1343 : vector<16xf32>
          %add3A_1536 = arith.addf %add3A_1531, %mul3A_1535 : vector<16xf32>
          %get3A_1537 = arith.index_cast %scan3A_1337 : i32 to index
          %get3A_1538 = arith.constant 128 : index
          %get3A_1539 = tpu.vector_load %arg36[%get3A_1537, %get3A_1538] {strides = array<i32>} : memref<48x192xf32, #tpu.memory_space<vmem>>, vector<16xf32>,
          %mul3A_1540 = arith.mulf %get3A_1539, %gather3A_1345 : vector<16xf32>
          %add3A_1541 = arith.addf %add3A_1536, %mul3A_1540 : vector<16xf32>
          %add3A_1542 = arith.constant 128 : i32
          %add3A_1543 = vector.broadcast %add3A_1542 : i32 to vector<16xi32>
          %add3A_1544 = arith.addi %iota3A, %add3A_1543 : vector<16xi32>
          tpu.vector_store_idx %arg39[%add3A_1544, %broadcast_in_dim3A_1346], %add3A_1541 : memref<192x48xf32, #tpu.memory_space<vmem>>[vector<16xi32>, vector<16xi32>], vector<16xf32>,
          %get3A_1545 = arith.index_cast %scan3A_1337 : i32 to index
          %get3A_1546 = arith.constant 144 : index
          %get3A_1547 = tpu.vector_load %arg33[%get3A_1545, %get3A_1546] {strides = array<i32>} : memref<48x192xf32, #tpu.memory_space<vmem>>, vector<16xf32>,
          %mul3A_1548 = arith.mulf %get3A_1547, %gather3A_1339 : vector<16xf32>
          %get3A_1549 = arith.index_cast %scan3A_1337 : i32 to index
          %get3A_1550 = arith.constant 144 : index
          %get3A_1551 = tpu.vector_load %arg34[%get3A_1549, %get3A_1550] {strides = array<i32>} : memref<48x192xf32, #tpu.memory_space<vmem>>, vector<16xf32>,
          %mul3A_1552 = arith.mulf %get3A_1551, %gather3A_1341 : vector<16xf32>
          %add3A_1553 = arith.addf %mul3A_1548, %mul3A_1552 : vector<16xf32>
          %get3A_1554 = arith.index_cast %scan3A_1337 : i32 to index
          %get3A_1555 = arith.constant 144 : index
          %get3A_1556 = tpu.vector_load %arg35[%get3A_1554, %get3A_1555] {strides = array<i32>} : memref<48x192xf32, #tpu.memory_space<vmem>>, vector<16xf32>,
          %mul3A_1557 = arith.mulf %get3A_1556, %gather3A_1343 : vector<16xf32>
          %add3A_1558 = arith.addf %add3A_1553, %mul3A_1557 : vector<16xf32>
          %get3A_1559 = arith.index_cast %scan3A_1337 : i32 to index
          %get3A_1560 = arith.constant 144 : index
          %get3A_1561 = tpu.vector_load %arg36[%get3A_1559, %get3A_1560] {strides = array<i32>} : memref<48x192xf32, #tpu.memory_space<vmem>>, vector<16xf32>,
          %mul3A_1562 = arith.mulf %get3A_1561, %gather3A_1345 : vector<16xf32>
          %add3A_1563 = arith.addf %add3A_1558, %mul3A_1562 : vector<16xf32>
          %add3A_1564 = arith.constant 144 : i32
          %add3A_1565 = vector.broadcast %add3A_1564 : i32 to vector<16xi32>
          %add3A_1566 = arith.addi %iota3A, %add3A_1565 : vector<16xi32>
          tpu.vector_store_idx %arg39[%add3A_1566, %broadcast_in_dim3A_1346], %add3A_1563 : memref<192x48xf32, #tpu.memory_space<vmem>>[vector<16xi32>, vector<16xi32>], vector<16xf32>,
          %get3A_1567 = arith.index_cast %scan3A_1337 : i32 to index
          %get3A_1568 = arith.constant 160 : index
          %get3A_1569 = tpu.vector_load %arg33[%get3A_1567, %get3A_1568] {strides = array<i32>} : memref<48x192xf32, #tpu.memory_space<vmem>>, vector<16xf32>,
          %mul3A_1570 = arith.mulf %get3A_1569, %gather3A_1339 : vector<16xf32>
          %get3A_1571 = arith.index_cast %scan3A_1337 : i32 to index
          %get3A_1572 = arith.constant 160 : index
          %get3A_1573 = tpu.vector_load %arg34[%get3A_1571, %get3A_1572] {strides = array<i32>} : memref<48x192xf32, #tpu.memory_space<vmem>>, vector<16xf32>,
          %mul3A_1574 = arith.mulf %get3A_1573, %gather3A_1341 : vector<16xf32>
          %add3A_1575 = arith.addf %mul3A_1570, %mul3A_1574 : vector<16xf32>
          %get3A_1576 = arith.index_cast %scan3A_1337 : i32 to index
          %get3A_1577 = arith.constant 160 : index
          %get3A_1578 = tpu.vector_load %arg35[%get3A_1576, %get3A_1577] {strides = array<i32>} : memref<48x192xf32, #tpu.memory_space<vmem>>, vector<16xf32>,
          %mul3A_1579 = arith.mulf %get3A_1578, %gather3A_1343 : vector<16xf32>
          %add3A_1580 = arith.addf %add3A_1575, %mul3A_1579 : vector<16xf32>
          %get3A_1581 = arith.index_cast %scan3A_1337 : i32 to index
          %get3A_1582 = arith.constant 160 : index
          %get3A_1583 = tpu.vector_load %arg36[%get3A_1581, %get3A_1582] {strides = array<i32>} : memref<48x192xf32, #tpu.memory_space<vmem>>, vector<16xf32>,
          %mul3A_1584 = arith.mulf %get3A_1583, %gather3A_1345 : vector<16xf32>
          %add3A_1585 = arith.addf %add3A_1580, %mul3A_1584 : vector<16xf32>
          %add3A_1586 = arith.constant 160 : i32
          %add3A_1587 = vector.broadcast %add3A_1586 : i32 to vector<16xi32>
          %add3A_1588 = arith.addi %iota3A, %add3A_1587 : vector<16xi32>
          tpu.vector_store_idx %arg39[%add3A_1588, %broadcast_in_dim3A_1346], %add3A_1585 : memref<192x48xf32, #tpu.memory_space<vmem>>[vector<16xi32>, vector<16xi32>], vector<16xf32>,
          %get3A_1589 = arith.index_cast %scan3A_1337 : i32 to index
          %get3A_1590 = arith.constant 176 : index
          %get3A_1591 = tpu.vector_load %arg33[%get3A_1589, %get3A_1590] {strides = array<i32>} : memref<48x192xf32, #tpu.memory_space<vmem>>, vector<16xf32>,
          %mul3A_1592 = arith.mulf %get3A_1591, %gather3A_1339 : vector<16xf32>
          %get3A_1593 = arith.index_cast %scan3A_1337 : i32 to index
          %get3A_1594 = arith.constant 176 : index
          %get3A_1595 = tpu.vector_load %arg34[%get3A_1593, %get3A_1594] {strides = array<i32>} : memref<48x192xf32, #tpu.memory_space<vmem>>, vector<16xf32>,
          %mul3A_1596 = arith.mulf %get3A_1595, %gather3A_1341 : vector<16xf32>
          %add3A_1597 = arith.addf %mul3A_1592, %mul3A_1596 : vector<16xf32>
          %get3A_1598 = arith.index_cast %scan3A_1337 : i32 to index
          %get3A_1599 = arith.constant 176 : index
          %get3A_1600 = tpu.vector_load %arg35[%get3A_1598, %get3A_1599] {strides = array<i32>} : memref<48x192xf32, #tpu.memory_space<vmem>>, vector<16xf32>,
          %mul3A_1601 = arith.mulf %get3A_1600, %gather3A_1343 : vector<16xf32>
          %add3A_1602 = arith.addf %add3A_1597, %mul3A_1601 : vector<16xf32>
          %get3A_1603 = arith.index_cast %scan3A_1337 : i32 to index
          %get3A_1604 = arith.constant 176 : index
          %get3A_1605 = tpu.vector_load %arg36[%get3A_1603, %get3A_1604] {strides = array<i32>} : memref<48x192xf32, #tpu.memory_space<vmem>>, vector<16xf32>,
          %mul3A_1606 = arith.mulf %get3A_1605, %gather3A_1345 : vector<16xf32>
          %add3A_1607 = arith.addf %add3A_1602, %mul3A_1606 : vector<16xf32>
          %add3A_1608 = arith.constant 176 : i32
          %add3A_1609 = vector.broadcast %add3A_1608 : i32 to vector<16xi32>
          %add3A_1610 = arith.addi %iota3A, %add3A_1609 : vector<16xi32>
          tpu.vector_store_idx %arg39[%add3A_1610, %broadcast_in_dim3A_1346], %add3A_1607 : memref<192x48xf32, #tpu.memory_space<vmem>>[vector<16xi32>, vector<16xi32>], vector<16xf32>,
        }
        %scan3A_1296 = arith.constant 48 : i32
        %mul3A_1297 = arith.constant 2 : i32
        %mul3A_1298 = arith.muli %mul3A_1297, %scan3A_66 : i32
        %sub3A_1299 = arith.constant 1 : i32
        %sub3A_1300 = arith.subi %mul3A_1298, %sub3A_1299 : i32
        %jit3A_1301 = arith.constant 8 : i32
        %div3A_1302 = arith.divsi %sub3A_1300, %jit3A_1301 : i32
        %sign3A_1303 = arith.constant 0 : i32
        %sign3A_1304 = arith.cmpi sgt, %sub3A_1300, %sign3A_1303 : i32
        %sign3A_1305 = arith.extui %sign3A_1304 : i1 to i32
        %sign3A_1306 = arith.constant 0 : i32
        %sign3A_1307 = arith.cmpi slt, %sub3A_1300, %sign3A_1306 : i32
        %sign3A_1308 = arith.extui %sign3A_1307 : i1 to i32
        %sign3A_1309 = arith.subi %sign3A_1305, %sign3A_1308 : i32
        %sign3A_1310 = arith.constant 0 : i32
        %sign3A_1311 = arith.cmpi sgt, %jit3A_1301, %sign3A_1310 : i32
        %sign3A_1312 = arith.extui %sign3A_1311 : i1 to i32
        %sign3A_1313 = arith.constant 0 : i32
        %sign3A_1314 = arith.cmpi slt, %jit3A_1301, %sign3A_1313 : i32
        %sign3A_1315 = arith.extui %sign3A_1314 : i1 to i32
        %sign3A_1316 = arith.subi %sign3A_1312, %sign3A_1315 : i32
        %ne3A_1317 = arith.cmpi ne, %sign3A_1309, %sign3A_1316 : i32
        %rem3A_1318 = arith.remsi %sub3A_1300, %jit3A_1301 : i32
        %ne3A_1319 = arith.constant 0 : i32
        %ne3A_1320 = arith.cmpi ne, %rem3A_1318, %ne3A_1319 : i32
        %and3A_1321 = arith.andi %ne3A_1317, %ne3A_1320 : i1
        %sub3A_1322 = arith.constant 1 : i32
        %sub3A_1323 = arith.subi %div3A_1302, %sub3A_1322 : i32
        %select_n3A_1324 = arith.select %and3A_1321, %sub3A_1323, %div3A_1302 : i32
        %mul3A_1325 = arith.constant 8 : i32
        %mul3A_1326 = arith.muli %select_n3A_1324, %mul3A_1325 : i32
        %sub3A_1327 = arith.subi %sub3A_1300, %mul3A_1326 : i32
        %mul3A_1328 = arith.constant 48 : i32
        %mul3A_1329 = arith.muli %sub3A_1327, %mul3A_1328 : i32
        %add3A_1330 = arith.addi %sub3A_21, %select_n3A_1324 : i32
        %dma_start3A_1331 = arith.constant 0 : i32
        %dma_start3A_1332 = tpu.memref_slice %arg7[%select_n3A, %dma_start3A_1331, %add3A_1330, %mul3A_1329] : memref<2x192x384x384xf32, #tpu.memory_space<hbm>> -> memref<1x192x1x48xf32, #tpu.memory_space<hbm>>
        %dma_start3A_1333 = tpu.memref_squeeze %dma_start3A_1332 : memref<1x192x1x48xf32, #tpu.memory_space<hbm>> -> memref<192x48xf32, #tpu.memory_space<hbm>>
        %dma_start3A_1334 = arith.constant 0 : i32
        %dma_start3A_1335 = tpu.memref_slice %arg7[%select_n3A, %dma_start3A_1334, %add3A_1330, %mul3A_1329] : memref<2x192x384x384xf32, #tpu.memory_space<hbm>> -> memref<1x192x1x48xf32, #tpu.memory_space<hbm>>
        %dma_start3A_1336 = tpu.memref_squeeze %dma_start3A_1335 : memref<1x192x1x48xf32, #tpu.memory_space<hbm>> -> memref<192x48xf32, #tpu.memory_space<hbm>>
        tpu.enqueue_dma source(%arg39 : memref<192x48xf32, #tpu.memory_space<vmem>>) target(%dma_start3A_1336 : memref<192x48xf32, #tpu.memory_space<hbm>>) target_semaphore(%arg43 : memref<!tpu.dma_semaphore, #tpu.memory_space<semaphore_mem>>)
      } else {
      }
      %mul3A_630 = arith.constant 2 : i32
      %mul3A_631 = arith.muli %mul3A_630, %scan3A_66 : i32
      %add3A_632 = arith.constant 1 : i32
      %add3A_633 = arith.addi %mul3A_631, %add3A_632 : i32
      %jit3A_634 = arith.constant 8 : i32
      %div3A_635 = arith.divsi %add3A_633, %jit3A_634 : i32
      %sign3A_636 = arith.constant 0 : i32
      %sign3A_637 = arith.cmpi sgt, %add3A_633, %sign3A_636 : i32
      %sign3A_638 = arith.extui %sign3A_637 : i1 to i32
      %sign3A_639 = arith.constant 0 : i32
      %sign3A_640 = arith.cmpi slt, %add3A_633, %sign3A_639 : i32
      %sign3A_641 = arith.extui %sign3A_640 : i1 to i32
      %sign3A_642 = arith.subi %sign3A_638, %sign3A_641 : i32
      %sign3A_643 = arith.constant 0 : i32
      %sign3A_644 = arith.cmpi sgt, %jit3A_634, %sign3A_643 : i32
      %sign3A_645 = arith.extui %sign3A_644 : i1 to i32
      %sign3A_646 = arith.constant 0 : i32
      %sign3A_647 = arith.cmpi slt, %jit3A_634, %sign3A_646 : i32
      %sign3A_648 = arith.extui %sign3A_647 : i1 to i32
      %sign3A_649 = arith.subi %sign3A_645, %sign3A_648 : i32
      %ne3A_650 = arith.cmpi ne, %sign3A_642, %sign3A_649 : i32
      %rem3A_651 = arith.remsi %add3A_633, %jit3A_634 : i32
      %ne3A_652 = arith.constant 0 : i32
      %ne3A_653 = arith.cmpi ne, %rem3A_651, %ne3A_652 : i32
      %and3A_654 = arith.andi %ne3A_650, %ne3A_653 : i1
      %sub3A_655 = arith.constant 1 : i32
      %sub3A_656 = arith.subi %div3A_635, %sub3A_655 : i32
      %select_n3A_657 = arith.select %and3A_654, %sub3A_656, %div3A_635 : i32
      %mul3A_658 = arith.constant 8 : i32
      %mul3A_659 = arith.muli %select_n3A_657, %mul3A_658 : i32
      %sub3A_660 = arith.subi %add3A_633, %mul3A_659 : i32
      %broadcast_in_dim3A_661 = vector.broadcast %select_n3A_657 : i32 to vector<16xi32>
      %gather3A_662 = tpu.vector_load_idx %arg10[%broadcast_in_dim3A_661] : memref<24xf32, #tpu.memory_space<vmem>>[vector<16xi32>], vector<16xf32>,
      %mul3A_663 = arith.constant 48 : i32
      %mul3A_664 = arith.muli %sub3A_660, %mul3A_663 : i32
      %add3A_665 = arith.constant 0 : i32
      %add3A_666 = arith.addi %mul3A_664, %add3A_665 : i32
      %get3A_667 = arith.index_cast %add3A_666 : i32 to index
      %get3A_668 = tpu.vector_load %arg9[%get3A_667] {strides = array<i32>} : memref<384xf32, #tpu.memory_space<vmem>>, vector<16xf32>,
      %get3A_669 = arith.index_cast %select_n3A_657 : i32 to index
      %get3A_670 = arith.index_cast %add3A_666 : i32 to index
      %get3A_671 = tpu.vector_load %arg11[%get3A_669, %get3A_670] {strides = array<i32>} : memref<24x384xf32, #tpu.memory_space<vmem>>, vector<16xf32>,
      %add3A_672 = arith.addf %get3A_668, %get3A_671 : vector<16xf32>
      %get3A_673 = arith.index_cast %select_n3A_657 : i32 to index
      %get3A_674 = arith.index_cast %add3A_666 : i32 to index
      %get3A_675 = tpu.vector_load %arg12[%get3A_673, %get3A_674] {strides = array<i32>} : memref<24x384xf32, #tpu.memory_space<vmem>>, vector<16xf32>,
      %add3A_676 = arith.addf %gather3A_662, %get3A_675 : vector<16xf32>
      %add3A_677 = arith.constant 1.000000e+00 : f32
      %add3A_678 = vector.broadcast %add3A_677 : f32 to vector<16xf32>
      %add3A_679 = arith.addf %add3A_672, %add3A_678 : vector<16xf32>
      %mul3A_680 = arith.constant 5.000000e-01 : f32
      %mul3A_681 = vector.broadcast %mul3A_680 : f32 to vector<16xf32>
      %mul3A_682 = arith.mulf %add3A_679, %mul3A_681 : vector<16xf32>
      %mul3A_683 = arith.constant 3.830000e+02 : f32
      %mul3A_684 = vector.broadcast %mul3A_683 : f32 to vector<16xf32>
      %mul3A_685 = arith.mulf %mul3A_682, %mul3A_684 : vector<16xf32>
      %add3A_686 = arith.constant 1.000000e+00 : f32
      %add3A_687 = vector.broadcast %add3A_686 : f32 to vector<16xf32>
      %add3A_688 = arith.addf %add3A_676, %add3A_687 : vector<16xf32>
      %mul3A_689 = arith.constant 5.000000e-01 : f32
      %mul3A_690 = vector.broadcast %mul3A_689 : f32 to vector<16xf32>
      %mul3A_691 = arith.mulf %add3A_688, %mul3A_690 : vector<16xf32>
      %mul3A_692 = arith.constant 3.830000e+02 : f32
      %mul3A_693 = vector.broadcast %mul3A_692 : f32 to vector<16xf32>
      %mul3A_694 = arith.mulf %mul3A_691, %mul3A_693 : vector<16xf32>
      %convert_element_type3A_695 = arith.fptosi %mul3A_685 : vector<16xf32> to vector<16xi32>
      %convert_element_type3A_696 = arith.sitofp %convert_element_type3A_695 : vector<16xi32> to vector<16xf32>
      %gt3A_697 = arith.cmpf ogt, %convert_element_type3A_696, %mul3A_685 : vector<16xf32>
      %sub3A_698 = arith.constant 1.000000e+00 : f32
      %sub3A_699 = vector.broadcast %sub3A_698 : f32 to vector<16xf32>
      %sub3A_700 = arith.subf %convert_element_type3A_696, %sub3A_699 : vector<16xf32>
      %select_n3A_701 = arith.select %gt3A_697, %sub3A_700, %convert_element_type3A_696 : vector<16xi1>, vector<16xf32>
      %convert_element_type3A_702 = arith.fptosi %mul3A_694 : vector<16xf32> to vector<16xi32>
      %convert_element_type3A_703 = arith.sitofp %convert_element_type3A_702 : vector<16xi32> to vector<16xf32>
      %gt3A_704 = arith.cmpf ogt, %convert_element_type3A_703, %mul3A_694 : vector<16xf32>
      %sub3A_705 = arith.constant 1.000000e+00 : f32
      %sub3A_706 = vector.broadcast %sub3A_705 : f32 to vector<16xf32>
      %sub3A_707 = arith.subf %convert_element_type3A_703, %sub3A_706 : vector<16xf32>
      %select_n3A_708 = arith.select %gt3A_704, %sub3A_707, %convert_element_type3A_703 : vector<16xi1>, vector<16xf32>
      %add3A_709 = arith.constant 1.000000e+00 : f32
      %add3A_710 = vector.broadcast %add3A_709 : f32 to vector<16xf32>
      %add3A_711 = arith.addf %select_n3A_701, %add3A_710 : vector<16xf32>
      %add3A_712 = arith.constant 1.000000e+00 : f32
      %add3A_713 = vector.broadcast %add3A_712 : f32 to vector<16xf32>
      %add3A_714 = arith.addf %select_n3A_708, %add3A_713 : vector<16xf32>
      %sub3A_715 = arith.subf %mul3A_685, %select_n3A_701 : vector<16xf32>
      %sub3A_716 = arith.constant 1.000000e+00 : f32
      %sub3A_717 = vector.broadcast %sub3A_716 : f32 to vector<16xf32>
      %sub3A_718 = arith.subf %sub3A_717, %sub3A_715 : vector<16xf32>
      %sub3A_719 = arith.subf %mul3A_694, %select_n3A_708 : vector<16xf32>
      %sub3A_720 = arith.constant 1.000000e+00 : f32
      %sub3A_721 = vector.broadcast %sub3A_720 : f32 to vector<16xf32>
      %sub3A_722 = arith.subf %sub3A_721, %sub3A_719 : vector<16xf32>
      %ge3A_723 = arith.constant 0.000000e+00 : f32
      %ge3A_724 = vector.broadcast %ge3A_723 : f32 to vector<16xf32>
      %ge3A_725 = arith.cmpf oge, %select_n3A_701, %ge3A_724 : vector<16xf32>
      %le3A_726 = arith.constant 3.830000e+02 : f32
      %le3A_727 = vector.broadcast %le3A_726 : f32 to vector<16xf32>
      %le3A_728 = arith.cmpf ole, %select_n3A_701, %le3A_727 : vector<16xf32>
      %and3A_729 = arith.andi %ge3A_725, %le3A_728 : vector<16xi1>
      %ge3A_730 = arith.constant 0.000000e+00 : f32
      %ge3A_731 = vector.broadcast %ge3A_730 : f32 to vector<16xf32>
      %ge3A_732 = arith.cmpf oge, %add3A_711, %ge3A_731 : vector<16xf32>
      %le3A_733 = arith.constant 3.830000e+02 : f32
      %le3A_734 = vector.broadcast %le3A_733 : f32 to vector<16xf32>
      %le3A_735 = arith.cmpf ole, %add3A_711, %le3A_734 : vector<16xf32>
      %and3A_736 = arith.andi %ge3A_732, %le3A_735 : vector<16xi1>
      %ge3A_737 = arith.constant 0.000000e+00 : f32
      %ge3A_738 = vector.broadcast %ge3A_737 : f32 to vector<16xf32>
      %ge3A_739 = arith.cmpf oge, %select_n3A_708, %ge3A_738 : vector<16xf32>
      %le3A_740 = arith.constant 3.830000e+02 : f32
      %le3A_741 = vector.broadcast %le3A_740 : f32 to vector<16xf32>
      %le3A_742 = arith.cmpf ole, %select_n3A_708, %le3A_741 : vector<16xf32>
      %and3A_743 = arith.andi %ge3A_739, %le3A_742 : vector<16xi1>
      %ge3A_744 = arith.constant 0.000000e+00 : f32
      %ge3A_745 = vector.broadcast %ge3A_744 : f32 to vector<16xf32>
      %ge3A_746 = arith.cmpf oge, %add3A_714, %ge3A_745 : vector<16xf32>
      %le3A_747 = arith.constant 3.830000e+02 : f32
      %le3A_748 = vector.broadcast %le3A_747 : f32 to vector<16xf32>
      %le3A_749 = arith.cmpf ole, %add3A_714, %le3A_748 : vector<16xf32>
      %and3A_750 = arith.andi %ge3A_746, %le3A_749 : vector<16xi1>
      %jit3A_751 = arith.constant 0.000000e+00 : f32
      %jit3A_752 = arith.constant 3.830000e+02 : f32
      %max3A_753 = vector.broadcast %jit3A_751 : f32 to vector<16xf32>
      %max3A_754 = arith.maximumf %max3A_753, %select_n3A_701 : vector<16xf32>
      %min3A_755 = vector.broadcast %jit3A_752 : f32 to vector<16xf32>
      %min3A_756 = arith.minimumf %min3A_755, %max3A_754 : vector<16xf32>
      %convert_element_type3A_757 = arith.fptosi %min3A_756 : vector<16xf32> to vector<16xi32>
      %jit3A_758 = arith.constant 0.000000e+00 : f32
      %jit3A_759 = arith.constant 3.830000e+02 : f32
      %max3A_760 = vector.broadcast %jit3A_758 : f32 to vector<16xf32>
      %max3A_761 = arith.maximumf %max3A_760, %add3A_711 : vector<16xf32>
      %min3A_762 = vector.broadcast %jit3A_759 : f32 to vector<16xf32>
      %min3A_763 = arith.minimumf %min3A_762, %max3A_761 : vector<16xf32>
      %convert_element_type3A_764 = arith.fptosi %min3A_763 : vector<16xf32> to vector<16xi32>
      %jit3A_765 = arith.constant 0.000000e+00 : f32
      %jit3A_766 = arith.constant 3.830000e+02 : f32
      %max3A_767 = vector.broadcast %jit3A_765 : f32 to vector<16xf32>
      %max3A_768 = arith.maximumf %max3A_767, %select_n3A_708 : vector<16xf32>
      %min3A_769 = vector.broadcast %jit3A_766 : f32 to vector<16xf32>
      %min3A_770 = arith.minimumf %min3A_769, %max3A_768 : vector<16xf32>
      %convert_element_type3A_771 = arith.fptosi %min3A_770 : vector<16xf32> to vector<16xi32>
      %mul3A_772 = arith.constant 384 : i32
      %mul3A_773 = vector.broadcast %mul3A_772 : i32 to vector<16xi32>
      %mul3A_774 = arith.muli %convert_element_type3A_771, %mul3A_773 : vector<16xi32>
      %add3A_775 = vector.broadcast %mul3A_23 : i32 to vector<16xi32>
      %add3A_776 = arith.addi %mul3A_774, %add3A_775 : vector<16xi32>
      %jit3A_777 = arith.constant 0.000000e+00 : f32
      %jit3A_778 = arith.constant 3.830000e+02 : f32
      %max3A_779 = vector.broadcast %jit3A_777 : f32 to vector<16xf32>
      %max3A_780 = arith.maximumf %max3A_779, %add3A_714 : vector<16xf32>
      %min3A_781 = vector.broadcast %jit3A_778 : f32 to vector<16xf32>
      %min3A_782 = arith.minimumf %min3A_781, %max3A_780 : vector<16xf32>
      %convert_element_type3A_783 = arith.fptosi %min3A_782 : vector<16xf32> to vector<16xi32>
      %mul3A_784 = arith.constant 384 : i32
      %mul3A_785 = vector.broadcast %mul3A_784 : i32 to vector<16xi32>
      %mul3A_786 = arith.muli %convert_element_type3A_783, %mul3A_785 : vector<16xi32>
      %add3A_787 = vector.broadcast %mul3A_23 : i32 to vector<16xi32>
      %add3A_788 = arith.addi %mul3A_786, %add3A_787 : vector<16xi32>
      %add3A_789 = arith.addi %add3A_776, %convert_element_type3A_757 : vector<16xi32>
      %swap3A_790 = arith.constant 0 : index
      %swap3A_791 = tpu.vector_load %arg25[%swap3A_790] {strides = array<i32>} : memref<48xi32, #tpu.memory_space<vmem>>, vector<16xi32>,
      tpu.vector_store %arg25[%swap3A_790], %add3A_789 {strides = array<i32>} : memref<48xi32, #tpu.memory_space<vmem>>, vector<16xi32>,
      %add3A_792 = arith.addi %add3A_776, %convert_element_type3A_764 : vector<16xi32>
      %swap3A_793 = arith.constant 0 : index
      %swap3A_794 = tpu.vector_load %arg26[%swap3A_793] {strides = array<i32>} : memref<48xi32, #tpu.memory_space<vmem>>, vector<16xi32>,
      tpu.vector_store %arg26[%swap3A_793], %add3A_792 {strides = array<i32>} : memref<48xi32, #tpu.memory_space<vmem>>, vector<16xi32>,
      %add3A_795 = arith.addi %add3A_788, %convert_element_type3A_757 : vector<16xi32>
      %swap3A_796 = arith.constant 0 : index
      %swap3A_797 = tpu.vector_load %arg27[%swap3A_796] {strides = array<i32>} : memref<48xi32, #tpu.memory_space<vmem>>, vector<16xi32>,
      tpu.vector_store %arg27[%swap3A_796], %add3A_795 {strides = array<i32>} : memref<48xi32, #tpu.memory_space<vmem>>, vector<16xi32>,
      %add3A_798 = arith.addi %add3A_788, %convert_element_type3A_764 : vector<16xi32>
      %swap3A_799 = arith.constant 0 : index
      %swap3A_800 = tpu.vector_load %arg28[%swap3A_799] {strides = array<i32>} : memref<48xi32, #tpu.memory_space<vmem>>, vector<16xi32>,
      tpu.vector_store %arg28[%swap3A_799], %add3A_798 {strides = array<i32>} : memref<48xi32, #tpu.memory_space<vmem>>, vector<16xi32>,
      %mul3A_801 = arith.mulf %sub3A_722, %sub3A_718 : vector<16xf32>
      %and3A_802 = arith.andi %and3A_743, %and3A_729 : vector<16xi1>
      %convert_element_type3A_803 = arith.extui %and3A_802 : vector<16xi1> to vector<16xi32>
      %convert_element_type3A_804 = arith.sitofp %convert_element_type3A_803 : vector<16xi32> to vector<16xf32>
      %mul3A_805 = arith.mulf %mul3A_801, %convert_element_type3A_804 : vector<16xf32>
      %swap3A_806 = arith.constant 0 : index
      %swap3A_807 = tpu.vector_load %arg29[%swap3A_806] {strides = array<i32>} : memref<48xf32, #tpu.memory_space<vmem>>, vector<16xf32>,
      tpu.vector_store %arg29[%swap3A_806], %mul3A_805 {strides = array<i32>} : memref<48xf32, #tpu.memory_space<vmem>>, vector<16xf32>,
      %mul3A_808 = arith.mulf %sub3A_722, %sub3A_715 : vector<16xf32>
      %and3A_809 = arith.andi %and3A_743, %and3A_736 : vector<16xi1>
      %convert_element_type3A_810 = arith.extui %and3A_809 : vector<16xi1> to vector<16xi32>
      %convert_element_type3A_811 = arith.sitofp %convert_element_type3A_810 : vector<16xi32> to vector<16xf32>
      %mul3A_812 = arith.mulf %mul3A_808, %convert_element_type3A_811 : vector<16xf32>
      %swap3A_813 = arith.constant 0 : index
      %swap3A_814 = tpu.vector_load %arg30[%swap3A_813] {strides = array<i32>} : memref<48xf32, #tpu.memory_space<vmem>>, vector<16xf32>,
      tpu.vector_store %arg30[%swap3A_813], %mul3A_812 {strides = array<i32>} : memref<48xf32, #tpu.memory_space<vmem>>, vector<16xf32>,
      %mul3A_815 = arith.mulf %sub3A_719, %sub3A_718 : vector<16xf32>
      %and3A_816 = arith.andi %and3A_750, %and3A_729 : vector<16xi1>
      %convert_element_type3A_817 = arith.extui %and3A_816 : vector<16xi1> to vector<16xi32>
      %convert_element_type3A_818 = arith.sitofp %convert_element_type3A_817 : vector<16xi32> to vector<16xf32>
      %mul3A_819 = arith.mulf %mul3A_815, %convert_element_type3A_818 : vector<16xf32>
      %swap3A_820 = arith.constant 0 : index
      %swap3A_821 = tpu.vector_load %arg31[%swap3A_820] {strides = array<i32>} : memref<48xf32, #tpu.memory_space<vmem>>, vector<16xf32>,
      tpu.vector_store %arg31[%swap3A_820], %mul3A_819 {strides = array<i32>} : memref<48xf32, #tpu.memory_space<vmem>>, vector<16xf32>,
      %mul3A_822 = arith.mulf %sub3A_719, %sub3A_715 : vector<16xf32>
      %and3A_823 = arith.andi %and3A_750, %and3A_736 : vector<16xi1>
      %convert_element_type3A_824 = arith.extui %and3A_823 : vector<16xi1> to vector<16xi32>
      %convert_element_type3A_825 = arith.sitofp %convert_element_type3A_824 : vector<16xi32> to vector<16xf32>
      %mul3A_826 = arith.mulf %mul3A_822, %convert_element_type3A_825 : vector<16xf32>
      %swap3A_827 = arith.constant 0 : index
      %swap3A_828 = tpu.vector_load %arg32[%swap3A_827] {strides = array<i32>} : memref<48xf32, #tpu.memory_space<vmem>>, vector<16xf32>,
      tpu.vector_store %arg32[%swap3A_827], %mul3A_826 {strides = array<i32>} : memref<48xf32, #tpu.memory_space<vmem>>, vector<16xf32>,
      %add3A_829 = vector.broadcast %add3A_666 : i32 to vector<16xi32>
      %add3A_830 = arith.addi %iota3A, %add3A_829 : vector<16xi32>
      %mul3A_831 = arith.constant 2 : i32
      %mul3A_832 = vector.broadcast %mul3A_831 : i32 to vector<16xi32>
      %mul3A_833 = arith.muli %add3A_830, %mul3A_832 : vector<16xi32>
      tpu.vector_store_idx %arg37[%mul3A_833], %add3A_672 : memref<768xf32, #tpu.memory_space<vmem>>[vector<16xi32>], vector<16xf32>,
      %add3A_834 = arith.constant 1 : i32
      %add3A_835 = vector.broadcast %add3A_834 : i32 to vector<16xi32>
      %add3A_836 = arith.addi %mul3A_833, %add3A_835 : vector<16xi32>
      tpu.vector_store_idx %arg37[%add3A_836], %add3A_676 : memref<768xf32, #tpu.memory_space<vmem>>[vector<16xi32>], vector<16xf32>,
      %mul3A_837 = arith.constant 48 : i32
      %mul3A_838 = arith.muli %sub3A_660, %mul3A_837 : i32
      %add3A_839 = arith.constant 16 : i32
      %add3A_840 = arith.addi %mul3A_838, %add3A_839 : i32
      %get3A_841 = arith.index_cast %add3A_840 : i32 to index
      %get3A_842 = tpu.vector_load %arg9[%get3A_841] {strides = array<i32>} : memref<384xf32, #tpu.memory_space<vmem>>, vector<16xf32>,
      %get3A_843 = arith.index_cast %select_n3A_657 : i32 to index
      %get3A_844 = arith.index_cast %add3A_840 : i32 to index
      %get3A_845 = tpu.vector_load %arg11[%get3A_843, %get3A_844] {strides = array<i32>} : memref<24x384xf32, #tpu.memory_space<vmem>>, vector<16xf32>,
      %add3A_846 = arith.addf %get3A_842, %get3A_845 : vector<16xf32>
      %get3A_847 = arith.index_cast %select_n3A_657 : i32 to index
      %get3A_848 = arith.index_cast %add3A_840 : i32 to index
      %get3A_849 = tpu.vector_load %arg12[%get3A_847, %get3A_848] {strides = array<i32>} : memref<24x384xf32, #tpu.memory_space<vmem>>, vector<16xf32>,
      %add3A_850 = arith.addf %gather3A_662, %get3A_849 : vector<16xf32>
      %add3A_851 = arith.constant 1.000000e+00 : f32
      %add3A_852 = vector.broadcast %add3A_851 : f32 to vector<16xf32>
      %add3A_853 = arith.addf %add3A_846, %add3A_852 : vector<16xf32>
      %mul3A_854 = arith.constant 5.000000e-01 : f32
      %mul3A_855 = vector.broadcast %mul3A_854 : f32 to vector<16xf32>
      %mul3A_856 = arith.mulf %add3A_853, %mul3A_855 : vector<16xf32>
      %mul3A_857 = arith.constant 3.830000e+02 : f32
      %mul3A_858 = vector.broadcast %mul3A_857 : f32 to vector<16xf32>
      %mul3A_859 = arith.mulf %mul3A_856, %mul3A_858 : vector<16xf32>
      %add3A_860 = arith.constant 1.000000e+00 : f32
      %add3A_861 = vector.broadcast %add3A_860 : f32 to vector<16xf32>
      %add3A_862 = arith.addf %add3A_850, %add3A_861 : vector<16xf32>
      %mul3A_863 = arith.constant 5.000000e-01 : f32
      %mul3A_864 = vector.broadcast %mul3A_863 : f32 to vector<16xf32>
      %mul3A_865 = arith.mulf %add3A_862, %mul3A_864 : vector<16xf32>
      %mul3A_866 = arith.constant 3.830000e+02 : f32
      %mul3A_867 = vector.broadcast %mul3A_866 : f32 to vector<16xf32>
      %mul3A_868 = arith.mulf %mul3A_865, %mul3A_867 : vector<16xf32>
      %convert_element_type3A_869 = arith.fptosi %mul3A_859 : vector<16xf32> to vector<16xi32>
      %convert_element_type3A_870 = arith.sitofp %convert_element_type3A_869 : vector<16xi32> to vector<16xf32>
      %gt3A_871 = arith.cmpf ogt, %convert_element_type3A_870, %mul3A_859 : vector<16xf32>
      %sub3A_872 = arith.constant 1.000000e+00 : f32
      %sub3A_873 = vector.broadcast %sub3A_872 : f32 to vector<16xf32>
      %sub3A_874 = arith.subf %convert_element_type3A_870, %sub3A_873 : vector<16xf32>
      %select_n3A_875 = arith.select %gt3A_871, %sub3A_874, %convert_element_type3A_870 : vector<16xi1>, vector<16xf32>
      %convert_element_type3A_876 = arith.fptosi %mul3A_868 : vector<16xf32> to vector<16xi32>
      %convert_element_type3A_877 = arith.sitofp %convert_element_type3A_876 : vector<16xi32> to vector<16xf32>
      %gt3A_878 = arith.cmpf ogt, %convert_element_type3A_877, %mul3A_868 : vector<16xf32>
      %sub3A_879 = arith.constant 1.000000e+00 : f32
      %sub3A_880 = vector.broadcast %sub3A_879 : f32 to vector<16xf32>
      %sub3A_881 = arith.subf %convert_element_type3A_877, %sub3A_880 : vector<16xf32>
      %select_n3A_882 = arith.select %gt3A_878, %sub3A_881, %convert_element_type3A_877 : vector<16xi1>, vector<16xf32>
      %add3A_883 = arith.constant 1.000000e+00 : f32
      %add3A_884 = vector.broadcast %add3A_883 : f32 to vector<16xf32>
      %add3A_885 = arith.addf %select_n3A_875, %add3A_884 : vector<16xf32>
      %add3A_886 = arith.constant 1.000000e+00 : f32
      %add3A_887 = vector.broadcast %add3A_886 : f32 to vector<16xf32>
      %add3A_888 = arith.addf %select_n3A_882, %add3A_887 : vector<16xf32>
      %sub3A_889 = arith.subf %mul3A_859, %select_n3A_875 : vector<16xf32>
      %sub3A_890 = arith.constant 1.000000e+00 : f32
      %sub3A_891 = vector.broadcast %sub3A_890 : f32 to vector<16xf32>
      %sub3A_892 = arith.subf %sub3A_891, %sub3A_889 : vector<16xf32>
      %sub3A_893 = arith.subf %mul3A_868, %select_n3A_882 : vector<16xf32>
      %sub3A_894 = arith.constant 1.000000e+00 : f32
      %sub3A_895 = vector.broadcast %sub3A_894 : f32 to vector<16xf32>
      %sub3A_896 = arith.subf %sub3A_895, %sub3A_893 : vector<16xf32>
      %ge3A_897 = arith.constant 0.000000e+00 : f32
      %ge3A_898 = vector.broadcast %ge3A_897 : f32 to vector<16xf32>
      %ge3A_899 = arith.cmpf oge, %select_n3A_875, %ge3A_898 : vector<16xf32>
      %le3A_900 = arith.constant 3.830000e+02 : f32
      %le3A_901 = vector.broadcast %le3A_900 : f32 to vector<16xf32>
      %le3A_902 = arith.cmpf ole, %select_n3A_875, %le3A_901 : vector<16xf32>
      %and3A_903 = arith.andi %ge3A_899, %le3A_902 : vector<16xi1>
      %ge3A_904 = arith.constant 0.000000e+00 : f32
      %ge3A_905 = vector.broadcast %ge3A_904 : f32 to vector<16xf32>
      %ge3A_906 = arith.cmpf oge, %add3A_885, %ge3A_905 : vector<16xf32>
      %le3A_907 = arith.constant 3.830000e+02 : f32
      %le3A_908 = vector.broadcast %le3A_907 : f32 to vector<16xf32>
      %le3A_909 = arith.cmpf ole, %add3A_885, %le3A_908 : vector<16xf32>
      %and3A_910 = arith.andi %ge3A_906, %le3A_909 : vector<16xi1>
      %ge3A_911 = arith.constant 0.000000e+00 : f32
      %ge3A_912 = vector.broadcast %ge3A_911 : f32 to vector<16xf32>
      %ge3A_913 = arith.cmpf oge, %select_n3A_882, %ge3A_912 : vector<16xf32>
      %le3A_914 = arith.constant 3.830000e+02 : f32
      %le3A_915 = vector.broadcast %le3A_914 : f32 to vector<16xf32>
      %le3A_916 = arith.cmpf ole, %select_n3A_882, %le3A_915 : vector<16xf32>
      %and3A_917 = arith.andi %ge3A_913, %le3A_916 : vector<16xi1>
      %ge3A_918 = arith.constant 0.000000e+00 : f32
      %ge3A_919 = vector.broadcast %ge3A_918 : f32 to vector<16xf32>
      %ge3A_920 = arith.cmpf oge, %add3A_888, %ge3A_919 : vector<16xf32>
      %le3A_921 = arith.constant 3.830000e+02 : f32
      %le3A_922 = vector.broadcast %le3A_921 : f32 to vector<16xf32>
      %le3A_923 = arith.cmpf ole, %add3A_888, %le3A_922 : vector<16xf32>
      %and3A_924 = arith.andi %ge3A_920, %le3A_923 : vector<16xi1>
      %jit3A_925 = arith.constant 0.000000e+00 : f32
      %jit3A_926 = arith.constant 3.830000e+02 : f32
      %max3A_927 = vector.broadcast %jit3A_925 : f32 to vector<16xf32>
      %max3A_928 = arith.maximumf %max3A_927, %select_n3A_875 : vector<16xf32>
      %min3A_929 = vector.broadcast %jit3A_926 : f32 to vector<16xf32>
      %min3A_930 = arith.minimumf %min3A_929, %max3A_928 : vector<16xf32>
      %convert_element_type3A_931 = arith.fptosi %min3A_930 : vector<16xf32> to vector<16xi32>
      %jit3A_932 = arith.constant 0.000000e+00 : f32
      %jit3A_933 = arith.constant 3.830000e+02 : f32
      %max3A_934 = vector.broadcast %jit3A_932 : f32 to vector<16xf32>
      %max3A_935 = arith.maximumf %max3A_934, %add3A_885 : vector<16xf32>
      %min3A_936 = vector.broadcast %jit3A_933 : f32 to vector<16xf32>
      %min3A_937 = arith.minimumf %min3A_936, %max3A_935 : vector<16xf32>
      %convert_element_type3A_938 = arith.fptosi %min3A_937 : vector<16xf32> to vector<16xi32>
      %jit3A_939 = arith.constant 0.000000e+00 : f32
      %jit3A_940 = arith.constant 3.830000e+02 : f32
      %max3A_941 = vector.broadcast %jit3A_939 : f32 to vector<16xf32>
      %max3A_942 = arith.maximumf %max3A_941, %select_n3A_882 : vector<16xf32>
      %min3A_943 = vector.broadcast %jit3A_940 : f32 to vector<16xf32>
      %min3A_944 = arith.minimumf %min3A_943, %max3A_942 : vector<16xf32>
      %convert_element_type3A_945 = arith.fptosi %min3A_944 : vector<16xf32> to vector<16xi32>
      %mul3A_946 = arith.constant 384 : i32
      %mul3A_947 = vector.broadcast %mul3A_946 : i32 to vector<16xi32>
      %mul3A_948 = arith.muli %convert_element_type3A_945, %mul3A_947 : vector<16xi32>
      %add3A_949 = vector.broadcast %mul3A_23 : i32 to vector<16xi32>
      %add3A_950 = arith.addi %mul3A_948, %add3A_949 : vector<16xi32>
      %jit3A_951 = arith.constant 0.000000e+00 : f32
      %jit3A_952 = arith.constant 3.830000e+02 : f32
      %max3A_953 = vector.broadcast %jit3A_951 : f32 to vector<16xf32>
      %max3A_954 = arith.maximumf %max3A_953, %add3A_888 : vector<16xf32>
      %min3A_955 = vector.broadcast %jit3A_952 : f32 to vector<16xf32>
      %min3A_956 = arith.minimumf %min3A_955, %max3A_954 : vector<16xf32>
      %convert_element_type3A_957 = arith.fptosi %min3A_956 : vector<16xf32> to vector<16xi32>
      %mul3A_958 = arith.constant 384 : i32
      %mul3A_959 = vector.broadcast %mul3A_958 : i32 to vector<16xi32>
      %mul3A_960 = arith.muli %convert_element_type3A_957, %mul3A_959 : vector<16xi32>
      %add3A_961 = vector.broadcast %mul3A_23 : i32 to vector<16xi32>
      %add3A_962 = arith.addi %mul3A_960, %add3A_961 : vector<16xi32>
      %add3A_963 = arith.addi %add3A_950, %convert_element_type3A_931 : vector<16xi32>
      %swap3A_964 = arith.constant 16 : index
      %swap3A_965 = tpu.vector_load %arg25[%swap3A_964] {strides = array<i32>} : memref<48xi32, #tpu.memory_space<vmem>>, vector<16xi32>,
      tpu.vector_store %arg25[%swap3A_964], %add3A_963 {strides = array<i32>} : memref<48xi32, #tpu.memory_space<vmem>>, vector<16xi32>,
      %add3A_966 = arith.addi %add3A_950, %convert_element_type3A_938 : vector<16xi32>
      %swap3A_967 = arith.constant 16 : index
      %swap3A_968 = tpu.vector_load %arg26[%swap3A_967] {strides = array<i32>} : memref<48xi32, #tpu.memory_space<vmem>>, vector<16xi32>,
      tpu.vector_store %arg26[%swap3A_967], %add3A_966 {strides = array<i32>} : memref<48xi32, #tpu.memory_space<vmem>>, vector<16xi32>,
      %add3A_969 = arith.addi %add3A_962, %convert_element_type3A_931 : vector<16xi32>
      %swap3A_970 = arith.constant 16 : index
      %swap3A_971 = tpu.vector_load %arg27[%swap3A_970] {strides = array<i32>} : memref<48xi32, #tpu.memory_space<vmem>>, vector<16xi32>,
      tpu.vector_store %arg27[%swap3A_970], %add3A_969 {strides = array<i32>} : memref<48xi32, #tpu.memory_space<vmem>>, vector<16xi32>,
      %add3A_972 = arith.addi %add3A_962, %convert_element_type3A_938 : vector<16xi32>
      %swap3A_973 = arith.constant 16 : index
      %swap3A_974 = tpu.vector_load %arg28[%swap3A_973] {strides = array<i32>} : memref<48xi32, #tpu.memory_space<vmem>>, vector<16xi32>,
      tpu.vector_store %arg28[%swap3A_973], %add3A_972 {strides = array<i32>} : memref<48xi32, #tpu.memory_space<vmem>>, vector<16xi32>,
      %mul3A_975 = arith.mulf %sub3A_896, %sub3A_892 : vector<16xf32>
      %and3A_976 = arith.andi %and3A_917, %and3A_903 : vector<16xi1>
      %convert_element_type3A_977 = arith.extui %and3A_976 : vector<16xi1> to vector<16xi32>
      %convert_element_type3A_978 = arith.sitofp %convert_element_type3A_977 : vector<16xi32> to vector<16xf32>
      %mul3A_979 = arith.mulf %mul3A_975, %convert_element_type3A_978 : vector<16xf32>
      %swap3A_980 = arith.constant 16 : index
      %swap3A_981 = tpu.vector_load %arg29[%swap3A_980] {strides = array<i32>} : memref<48xf32, #tpu.memory_space<vmem>>, vector<16xf32>,
      tpu.vector_store %arg29[%swap3A_980], %mul3A_979 {strides = array<i32>} : memref<48xf32, #tpu.memory_space<vmem>>, vector<16xf32>,
      %mul3A_982 = arith.mulf %sub3A_896, %sub3A_889 : vector<16xf32>
      %and3A_983 = arith.andi %and3A_917, %and3A_910 : vector<16xi1>
      %convert_element_type3A_984 = arith.extui %and3A_983 : vector<16xi1> to vector<16xi32>
      %convert_element_type3A_985 = arith.sitofp %convert_element_type3A_984 : vector<16xi32> to vector<16xf32>
      %mul3A_986 = arith.mulf %mul3A_982, %convert_element_type3A_985 : vector<16xf32>
      %swap3A_987 = arith.constant 16 : index
      %swap3A_988 = tpu.vector_load %arg30[%swap3A_987] {strides = array<i32>} : memref<48xf32, #tpu.memory_space<vmem>>, vector<16xf32>,
      tpu.vector_store %arg30[%swap3A_987], %mul3A_986 {strides = array<i32>} : memref<48xf32, #tpu.memory_space<vmem>>, vector<16xf32>,
      %mul3A_989 = arith.mulf %sub3A_893, %sub3A_892 : vector<16xf32>
      %and3A_990 = arith.andi %and3A_924, %and3A_903 : vector<16xi1>
      %convert_element_type3A_991 = arith.extui %and3A_990 : vector<16xi1> to vector<16xi32>
      %convert_element_type3A_992 = arith.sitofp %convert_element_type3A_991 : vector<16xi32> to vector<16xf32>
      %mul3A_993 = arith.mulf %mul3A_989, %convert_element_type3A_992 : vector<16xf32>
      %swap3A_994 = arith.constant 16 : index
      %swap3A_995 = tpu.vector_load %arg31[%swap3A_994] {strides = array<i32>} : memref<48xf32, #tpu.memory_space<vmem>>, vector<16xf32>,
      tpu.vector_store %arg31[%swap3A_994], %mul3A_993 {strides = array<i32>} : memref<48xf32, #tpu.memory_space<vmem>>, vector<16xf32>,
      %mul3A_996 = arith.mulf %sub3A_893, %sub3A_889 : vector<16xf32>
      %and3A_997 = arith.andi %and3A_924, %and3A_910 : vector<16xi1>
      %convert_element_type3A_998 = arith.extui %and3A_997 : vector<16xi1> to vector<16xi32>
      %convert_element_type3A_999 = arith.sitofp %convert_element_type3A_998 : vector<16xi32> to vector<16xf32>
      %mul3A_1000 = arith.mulf %mul3A_996, %convert_element_type3A_999 : vector<16xf32>
      %swap3A_1001 = arith.constant 16 : index
      %swap3A_1002 = tpu.vector_load %arg32[%swap3A_1001] {strides = array<i32>} : memref<48xf32, #tpu.memory_space<vmem>>, vector<16xf32>,
      tpu.vector_store %arg32[%swap3A_1001], %mul3A_1000 {strides = array<i32>} : memref<48xf32, #tpu.memory_space<vmem>>, vector<16xf32>,
      %add3A_1003 = vector.broadcast %add3A_840 : i32 to vector<16xi32>
      %add3A_1004 = arith.addi %iota3A, %add3A_1003 : vector<16xi32>
      %mul3A_1005 = arith.constant 2 : i32
      %mul3A_1006 = vector.broadcast %mul3A_1005 : i32 to vector<16xi32>
      %mul3A_1007 = arith.muli %add3A_1004, %mul3A_1006 : vector<16xi32>
      tpu.vector_store_idx %arg37[%mul3A_1007], %add3A_846 : memref<768xf32, #tpu.memory_space<vmem>>[vector<16xi32>], vector<16xf32>,
      %add3A_1008 = arith.constant 1 : i32
      %add3A_1009 = vector.broadcast %add3A_1008 : i32 to vector<16xi32>
      %add3A_1010 = arith.addi %mul3A_1007, %add3A_1009 : vector<16xi32>
      tpu.vector_store_idx %arg37[%add3A_1010], %add3A_850 : memref<768xf32, #tpu.memory_space<vmem>>[vector<16xi32>], vector<16xf32>,
      %mul3A_1011 = arith.constant 48 : i32
      %mul3A_1012 = arith.muli %sub3A_660, %mul3A_1011 : i32
      %add3A_1013 = arith.constant 32 : i32
      %add3A_1014 = arith.addi %mul3A_1012, %add3A_1013 : i32
      %get3A_1015 = arith.index_cast %add3A_1014 : i32 to index
      %get3A_1016 = tpu.vector_load %arg9[%get3A_1015] {strides = array<i32>} : memref<384xf32, #tpu.memory_space<vmem>>, vector<16xf32>,
      %get3A_1017 = arith.index_cast %select_n3A_657 : i32 to index
      %get3A_1018 = arith.index_cast %add3A_1014 : i32 to index
      %get3A_1019 = tpu.vector_load %arg11[%get3A_1017, %get3A_1018] {strides = array<i32>} : memref<24x384xf32, #tpu.memory_space<vmem>>, vector<16xf32>,
      %add3A_1020 = arith.addf %get3A_1016, %get3A_1019 : vector<16xf32>
      %get3A_1021 = arith.index_cast %select_n3A_657 : i32 to index
      %get3A_1022 = arith.index_cast %add3A_1014 : i32 to index
      %get3A_1023 = tpu.vector_load %arg12[%get3A_1021, %get3A_1022] {strides = array<i32>} : memref<24x384xf32, #tpu.memory_space<vmem>>, vector<16xf32>,
      %add3A_1024 = arith.addf %gather3A_662, %get3A_1023 : vector<16xf32>
      %add3A_1025 = arith.constant 1.000000e+00 : f32
      %add3A_1026 = vector.broadcast %add3A_1025 : f32 to vector<16xf32>
      %add3A_1027 = arith.addf %add3A_1020, %add3A_1026 : vector<16xf32>
      %mul3A_1028 = arith.constant 5.000000e-01 : f32
      %mul3A_1029 = vector.broadcast %mul3A_1028 : f32 to vector<16xf32>
      %mul3A_1030 = arith.mulf %add3A_1027, %mul3A_1029 : vector<16xf32>
      %mul3A_1031 = arith.constant 3.830000e+02 : f32
      %mul3A_1032 = vector.broadcast %mul3A_1031 : f32 to vector<16xf32>
      %mul3A_1033 = arith.mulf %mul3A_1030, %mul3A_1032 : vector<16xf32>
      %add3A_1034 = arith.constant 1.000000e+00 : f32
      %add3A_1035 = vector.broadcast %add3A_1034 : f32 to vector<16xf32>
      %add3A_1036 = arith.addf %add3A_1024, %add3A_1035 : vector<16xf32>
      %mul3A_1037 = arith.constant 5.000000e-01 : f32
      %mul3A_1038 = vector.broadcast %mul3A_1037 : f32 to vector<16xf32>
      %mul3A_1039 = arith.mulf %add3A_1036, %mul3A_1038 : vector<16xf32>
      %mul3A_1040 = arith.constant 3.830000e+02 : f32
      %mul3A_1041 = vector.broadcast %mul3A_1040 : f32 to vector<16xf32>
      %mul3A_1042 = arith.mulf %mul3A_1039, %mul3A_1041 : vector<16xf32>
      %convert_element_type3A_1043 = arith.fptosi %mul3A_1033 : vector<16xf32> to vector<16xi32>
      %convert_element_type3A_1044 = arith.sitofp %convert_element_type3A_1043 : vector<16xi32> to vector<16xf32>
      %gt3A_1045 = arith.cmpf ogt, %convert_element_type3A_1044, %mul3A_1033 : vector<16xf32>
      %sub3A_1046 = arith.constant 1.000000e+00 : f32
      %sub3A_1047 = vector.broadcast %sub3A_1046 : f32 to vector<16xf32>
      %sub3A_1048 = arith.subf %convert_element_type3A_1044, %sub3A_1047 : vector<16xf32>
      %select_n3A_1049 = arith.select %gt3A_1045, %sub3A_1048, %convert_element_type3A_1044 : vector<16xi1>, vector<16xf32>
      %convert_element_type3A_1050 = arith.fptosi %mul3A_1042 : vector<16xf32> to vector<16xi32>
      %convert_element_type3A_1051 = arith.sitofp %convert_element_type3A_1050 : vector<16xi32> to vector<16xf32>
      %gt3A_1052 = arith.cmpf ogt, %convert_element_type3A_1051, %mul3A_1042 : vector<16xf32>
      %sub3A_1053 = arith.constant 1.000000e+00 : f32
      %sub3A_1054 = vector.broadcast %sub3A_1053 : f32 to vector<16xf32>
      %sub3A_1055 = arith.subf %convert_element_type3A_1051, %sub3A_1054 : vector<16xf32>
      %select_n3A_1056 = arith.select %gt3A_1052, %sub3A_1055, %convert_element_type3A_1051 : vector<16xi1>, vector<16xf32>
      %add3A_1057 = arith.constant 1.000000e+00 : f32
      %add3A_1058 = vector.broadcast %add3A_1057 : f32 to vector<16xf32>
      %add3A_1059 = arith.addf %select_n3A_1049, %add3A_1058 : vector<16xf32>
      %add3A_1060 = arith.constant 1.000000e+00 : f32
      %add3A_1061 = vector.broadcast %add3A_1060 : f32 to vector<16xf32>
      %add3A_1062 = arith.addf %select_n3A_1056, %add3A_1061 : vector<16xf32>
      %sub3A_1063 = arith.subf %mul3A_1033, %select_n3A_1049 : vector<16xf32>
      %sub3A_1064 = arith.constant 1.000000e+00 : f32
      %sub3A_1065 = vector.broadcast %sub3A_1064 : f32 to vector<16xf32>
      %sub3A_1066 = arith.subf %sub3A_1065, %sub3A_1063 : vector<16xf32>
      %sub3A_1067 = arith.subf %mul3A_1042, %select_n3A_1056 : vector<16xf32>
      %sub3A_1068 = arith.constant 1.000000e+00 : f32
      %sub3A_1069 = vector.broadcast %sub3A_1068 : f32 to vector<16xf32>
      %sub3A_1070 = arith.subf %sub3A_1069, %sub3A_1067 : vector<16xf32>
      %ge3A_1071 = arith.constant 0.000000e+00 : f32
      %ge3A_1072 = vector.broadcast %ge3A_1071 : f32 to vector<16xf32>
      %ge3A_1073 = arith.cmpf oge, %select_n3A_1049, %ge3A_1072 : vector<16xf32>
      %le3A_1074 = arith.constant 3.830000e+02 : f32
      %le3A_1075 = vector.broadcast %le3A_1074 : f32 to vector<16xf32>
      %le3A_1076 = arith.cmpf ole, %select_n3A_1049, %le3A_1075 : vector<16xf32>
      %and3A_1077 = arith.andi %ge3A_1073, %le3A_1076 : vector<16xi1>
      %ge3A_1078 = arith.constant 0.000000e+00 : f32
      %ge3A_1079 = vector.broadcast %ge3A_1078 : f32 to vector<16xf32>
      %ge3A_1080 = arith.cmpf oge, %add3A_1059, %ge3A_1079 : vector<16xf32>
      %le3A_1081 = arith.constant 3.830000e+02 : f32
      %le3A_1082 = vector.broadcast %le3A_1081 : f32 to vector<16xf32>
      %le3A_1083 = arith.cmpf ole, %add3A_1059, %le3A_1082 : vector<16xf32>
      %and3A_1084 = arith.andi %ge3A_1080, %le3A_1083 : vector<16xi1>
      %ge3A_1085 = arith.constant 0.000000e+00 : f32
      %ge3A_1086 = vector.broadcast %ge3A_1085 : f32 to vector<16xf32>
      %ge3A_1087 = arith.cmpf oge, %select_n3A_1056, %ge3A_1086 : vector<16xf32>
      %le3A_1088 = arith.constant 3.830000e+02 : f32
      %le3A_1089 = vector.broadcast %le3A_1088 : f32 to vector<16xf32>
      %le3A_1090 = arith.cmpf ole, %select_n3A_1056, %le3A_1089 : vector<16xf32>
      %and3A_1091 = arith.andi %ge3A_1087, %le3A_1090 : vector<16xi1>
      %ge3A_1092 = arith.constant 0.000000e+00 : f32
      %ge3A_1093 = vector.broadcast %ge3A_1092 : f32 to vector<16xf32>
      %ge3A_1094 = arith.cmpf oge, %add3A_1062, %ge3A_1093 : vector<16xf32>
      %le3A_1095 = arith.constant 3.830000e+02 : f32
      %le3A_1096 = vector.broadcast %le3A_1095 : f32 to vector<16xf32>
      %le3A_1097 = arith.cmpf ole, %add3A_1062, %le3A_1096 : vector<16xf32>
      %and3A_1098 = arith.andi %ge3A_1094, %le3A_1097 : vector<16xi1>
      %jit3A_1099 = arith.constant 0.000000e+00 : f32
      %jit3A_1100 = arith.constant 3.830000e+02 : f32
      %max3A_1101 = vector.broadcast %jit3A_1099 : f32 to vector<16xf32>
      %max3A_1102 = arith.maximumf %max3A_1101, %select_n3A_1049 : vector<16xf32>
      %min3A_1103 = vector.broadcast %jit3A_1100 : f32 to vector<16xf32>
      %min3A_1104 = arith.minimumf %min3A_1103, %max3A_1102 : vector<16xf32>
      %convert_element_type3A_1105 = arith.fptosi %min3A_1104 : vector<16xf32> to vector<16xi32>
      %jit3A_1106 = arith.constant 0.000000e+00 : f32
      %jit3A_1107 = arith.constant 3.830000e+02 : f32
      %max3A_1108 = vector.broadcast %jit3A_1106 : f32 to vector<16xf32>
      %max3A_1109 = arith.maximumf %max3A_1108, %add3A_1059 : vector<16xf32>
      %min3A_1110 = vector.broadcast %jit3A_1107 : f32 to vector<16xf32>
      %min3A_1111 = arith.minimumf %min3A_1110, %max3A_1109 : vector<16xf32>
      %convert_element_type3A_1112 = arith.fptosi %min3A_1111 : vector<16xf32> to vector<16xi32>
      %jit3A_1113 = arith.constant 0.000000e+00 : f32
      %jit3A_1114 = arith.constant 3.830000e+02 : f32
      %max3A_1115 = vector.broadcast %jit3A_1113 : f32 to vector<16xf32>
      %max3A_1116 = arith.maximumf %max3A_1115, %select_n3A_1056 : vector<16xf32>
      %min3A_1117 = vector.broadcast %jit3A_1114 : f32 to vector<16xf32>
      %min3A_1118 = arith.minimumf %min3A_1117, %max3A_1116 : vector<16xf32>
      %convert_element_type3A_1119 = arith.fptosi %min3A_1118 : vector<16xf32> to vector<16xi32>
      %mul3A_1120 = arith.constant 384 : i32
      %mul3A_1121 = vector.broadcast %mul3A_1120 : i32 to vector<16xi32>
      %mul3A_1122 = arith.muli %convert_element_type3A_1119, %mul3A_1121 : vector<16xi32>
      %add3A_1123 = vector.broadcast %mul3A_23 : i32 to vector<16xi32>
      %add3A_1124 = arith.addi %mul3A_1122, %add3A_1123 : vector<16xi32>
      %jit3A_1125 = arith.constant 0.000000e+00 : f32
      %jit3A_1126 = arith.constant 3.830000e+02 : f32
      %max3A_1127 = vector.broadcast %jit3A_1125 : f32 to vector<16xf32>
      %max3A_1128 = arith.maximumf %max3A_1127, %add3A_1062 : vector<16xf32>
      %min3A_1129 = vector.broadcast %jit3A_1126 : f32 to vector<16xf32>
      %min3A_1130 = arith.minimumf %min3A_1129, %max3A_1128 : vector<16xf32>
      %convert_element_type3A_1131 = arith.fptosi %min3A_1130 : vector<16xf32> to vector<16xi32>
      %mul3A_1132 = arith.constant 384 : i32
      %mul3A_1133 = vector.broadcast %mul3A_1132 : i32 to vector<16xi32>
      %mul3A_1134 = arith.muli %convert_element_type3A_1131, %mul3A_1133 : vector<16xi32>
      %add3A_1135 = vector.broadcast %mul3A_23 : i32 to vector<16xi32>
      %add3A_1136 = arith.addi %mul3A_1134, %add3A_1135 : vector<16xi32>
      %add3A_1137 = arith.addi %add3A_1124, %convert_element_type3A_1105 : vector<16xi32>
      %swap3A_1138 = arith.constant 32 : index
      %swap3A_1139 = tpu.vector_load %arg25[%swap3A_1138] {strides = array<i32>} : memref<48xi32, #tpu.memory_space<vmem>>, vector<16xi32>,
      tpu.vector_store %arg25[%swap3A_1138], %add3A_1137 {strides = array<i32>} : memref<48xi32, #tpu.memory_space<vmem>>, vector<16xi32>,
      %add3A_1140 = arith.addi %add3A_1124, %convert_element_type3A_1112 : vector<16xi32>
      %swap3A_1141 = arith.constant 32 : index
      %swap3A_1142 = tpu.vector_load %arg26[%swap3A_1141] {strides = array<i32>} : memref<48xi32, #tpu.memory_space<vmem>>, vector<16xi32>,
      tpu.vector_store %arg26[%swap3A_1141], %add3A_1140 {strides = array<i32>} : memref<48xi32, #tpu.memory_space<vmem>>, vector<16xi32>,
      %add3A_1143 = arith.addi %add3A_1136, %convert_element_type3A_1105 : vector<16xi32>
      %swap3A_1144 = arith.constant 32 : index
      %swap3A_1145 = tpu.vector_load %arg27[%swap3A_1144] {strides = array<i32>} : memref<48xi32, #tpu.memory_space<vmem>>, vector<16xi32>,
      tpu.vector_store %arg27[%swap3A_1144], %add3A_1143 {strides = array<i32>} : memref<48xi32, #tpu.memory_space<vmem>>, vector<16xi32>,
      %add3A_1146 = arith.addi %add3A_1136, %convert_element_type3A_1112 : vector<16xi32>
      %swap3A_1147 = arith.constant 32 : index
      %swap3A_1148 = tpu.vector_load %arg28[%swap3A_1147] {strides = array<i32>} : memref<48xi32, #tpu.memory_space<vmem>>, vector<16xi32>,
      tpu.vector_store %arg28[%swap3A_1147], %add3A_1146 {strides = array<i32>} : memref<48xi32, #tpu.memory_space<vmem>>, vector<16xi32>,
      %mul3A_1149 = arith.mulf %sub3A_1070, %sub3A_1066 : vector<16xf32>
      %and3A_1150 = arith.andi %and3A_1091, %and3A_1077 : vector<16xi1>
      %convert_element_type3A_1151 = arith.extui %and3A_1150 : vector<16xi1> to vector<16xi32>
      %convert_element_type3A_1152 = arith.sitofp %convert_element_type3A_1151 : vector<16xi32> to vector<16xf32>
      %mul3A_1153 = arith.mulf %mul3A_1149, %convert_element_type3A_1152 : vector<16xf32>
      %swap3A_1154 = arith.constant 32 : index
      %swap3A_1155 = tpu.vector_load %arg29[%swap3A_1154] {strides = array<i32>} : memref<48xf32, #tpu.memory_space<vmem>>, vector<16xf32>,
      tpu.vector_store %arg29[%swap3A_1154], %mul3A_1153 {strides = array<i32>} : memref<48xf32, #tpu.memory_space<vmem>>, vector<16xf32>,
      %mul3A_1156 = arith.mulf %sub3A_1070, %sub3A_1063 : vector<16xf32>
      %and3A_1157 = arith.andi %and3A_1091, %and3A_1084 : vector<16xi1>
      %convert_element_type3A_1158 = arith.extui %and3A_1157 : vector<16xi1> to vector<16xi32>
      %convert_element_type3A_1159 = arith.sitofp %convert_element_type3A_1158 : vector<16xi32> to vector<16xf32>
      %mul3A_1160 = arith.mulf %mul3A_1156, %convert_element_type3A_1159 : vector<16xf32>
      %swap3A_1161 = arith.constant 32 : index
      %swap3A_1162 = tpu.vector_load %arg30[%swap3A_1161] {strides = array<i32>} : memref<48xf32, #tpu.memory_space<vmem>>, vector<16xf32>,
      tpu.vector_store %arg30[%swap3A_1161], %mul3A_1160 {strides = array<i32>} : memref<48xf32, #tpu.memory_space<vmem>>, vector<16xf32>,
      %mul3A_1163 = arith.mulf %sub3A_1067, %sub3A_1066 : vector<16xf32>
      %and3A_1164 = arith.andi %and3A_1098, %and3A_1077 : vector<16xi1>
      %convert_element_type3A_1165 = arith.extui %and3A_1164 : vector<16xi1> to vector<16xi32>
      %convert_element_type3A_1166 = arith.sitofp %convert_element_type3A_1165 : vector<16xi32> to vector<16xf32>
      %mul3A_1167 = arith.mulf %mul3A_1163, %convert_element_type3A_1166 : vector<16xf32>
      %swap3A_1168 = arith.constant 32 : index
      %swap3A_1169 = tpu.vector_load %arg31[%swap3A_1168] {strides = array<i32>} : memref<48xf32, #tpu.memory_space<vmem>>, vector<16xf32>,
      tpu.vector_store %arg31[%swap3A_1168], %mul3A_1167 {strides = array<i32>} : memref<48xf32, #tpu.memory_space<vmem>>, vector<16xf32>,
      %mul3A_1170 = arith.mulf %sub3A_1067, %sub3A_1063 : vector<16xf32>
      %and3A_1171 = arith.andi %and3A_1098, %and3A_1084 : vector<16xi1>
      %convert_element_type3A_1172 = arith.extui %and3A_1171 : vector<16xi1> to vector<16xi32>
      %convert_element_type3A_1173 = arith.sitofp %convert_element_type3A_1172 : vector<16xi32> to vector<16xf32>
      %mul3A_1174 = arith.mulf %mul3A_1170, %convert_element_type3A_1173 : vector<16xf32>
      %swap3A_1175 = arith.constant 32 : index
      %swap3A_1176 = tpu.vector_load %arg32[%swap3A_1175] {strides = array<i32>} : memref<48xf32, #tpu.memory_space<vmem>>, vector<16xf32>,
      tpu.vector_store %arg32[%swap3A_1175], %mul3A_1174 {strides = array<i32>} : memref<48xf32, #tpu.memory_space<vmem>>, vector<16xf32>,
      %add3A_1177 = vector.broadcast %add3A_1014 : i32 to vector<16xi32>
      %add3A_1178 = arith.addi %iota3A, %add3A_1177 : vector<16xi32>
      %mul3A_1179 = arith.constant 2 : i32
      %mul3A_1180 = vector.broadcast %mul3A_1179 : i32 to vector<16xi32>
      %mul3A_1181 = arith.muli %add3A_1178, %mul3A_1180 : vector<16xi32>
      tpu.vector_store_idx %arg37[%mul3A_1181], %add3A_1020 : memref<768xf32, #tpu.memory_space<vmem>>[vector<16xi32>], vector<16xf32>,
      %add3A_1182 = arith.constant 1 : i32
      %add3A_1183 = vector.broadcast %add3A_1182 : i32 to vector<16xi32>
      %add3A_1184 = arith.addi %mul3A_1181, %add3A_1183 : vector<16xi32>
      tpu.vector_store_idx %arg37[%add3A_1184], %add3A_1024 : memref<768xf32, #tpu.memory_space<vmem>>[vector<16xi32>], vector<16xf32>,
      %dma_start3A_1185 = arith.constant 0 : i32
      %dma_start3A_1186 = arith.constant 0 : i32
      %dma_start3A_1187 = tpu.memref_slice %arg2[%dma_start3A_1185, %dma_start3A_1186] : memref<294912x192xf32, #tpu.memory_space<hbm>> -> memref<294912x192xf32, #tpu.memory_space<hbm>>
      tpu.enqueue_indirect_dma source(%dma_start3A_1187 : memref<294912x192xf32, #tpu.memory_space<hbm>>) target(%arg33 : memref<48x192xf32, #tpu.memory_space<vmem>>) offsets(%arg25 : memref<48xi32, #tpu.memory_space<vmem>>) semaphore(%arg41 : memref<!tpu.dma_semaphore, #tpu.memory_space<semaphore_mem>>)
      %dma_start3A_1188 = arith.constant 0 : i32
      %dma_start3A_1189 = arith.constant 0 : i32
      %dma_start3A_1190 = tpu.memref_slice %arg2[%dma_start3A_1188, %dma_start3A_1189] : memref<294912x192xf32, #tpu.memory_space<hbm>> -> memref<294912x192xf32, #tpu.memory_space<hbm>>
      tpu.enqueue_indirect_dma source(%dma_start3A_1190 : memref<294912x192xf32, #tpu.memory_space<hbm>>) target(%arg34 : memref<48x192xf32, #tpu.memory_space<vmem>>) offsets(%arg26 : memref<48xi32, #tpu.memory_space<vmem>>) semaphore(%arg41 : memref<!tpu.dma_semaphore, #tpu.memory_space<semaphore_mem>>)
      %dma_start3A_1191 = arith.constant 0 : i32
      %dma_start3A_1192 = arith.constant 0 : i32
      %dma_start3A_1193 = tpu.memref_slice %arg2[%dma_start3A_1191, %dma_start3A_1192] : memref<294912x192xf32, #tpu.memory_space<hbm>> -> memref<294912x192xf32, #tpu.memory_space<hbm>>
      tpu.enqueue_indirect_dma source(%dma_start3A_1193 : memref<294912x192xf32, #tpu.memory_space<hbm>>) target(%arg35 : memref<48x192xf32, #tpu.memory_space<vmem>>) offsets(%arg27 : memref<48xi32, #tpu.memory_space<vmem>>) semaphore(%arg41 : memref<!tpu.dma_semaphore, #tpu.memory_space<semaphore_mem>>)
      %dma_start3A_1194 = arith.constant 0 : i32
      %dma_start3A_1195 = arith.constant 0 : i32
      %dma_start3A_1196 = tpu.memref_slice %arg2[%dma_start3A_1194, %dma_start3A_1195] : memref<294912x192xf32, #tpu.memory_space<hbm>> -> memref<294912x192xf32, #tpu.memory_space<hbm>>
      tpu.enqueue_indirect_dma source(%dma_start3A_1196 : memref<294912x192xf32, #tpu.memory_space<hbm>>) target(%arg36 : memref<48x192xf32, #tpu.memory_space<vmem>>) offsets(%arg28 : memref<48xi32, #tpu.memory_space<vmem>>) semaphore(%arg41 : memref<!tpu.dma_semaphore, #tpu.memory_space<semaphore_mem>>)
      %dma_wait3A_1197 = arith.constant 0 : i32
      %dma_wait3A_1198 = arith.constant 0 : i32
      %dma_wait3A_1199 = tpu.memref_slice %arg2[%dma_wait3A_1197, %dma_wait3A_1198] : memref<294912x192xf32, #tpu.memory_space<hbm>> -> memref<294912x192xf32, #tpu.memory_space<hbm>>
      tpu.wait_indirect_dma semaphore(%arg40 : memref<!tpu.dma_semaphore, #tpu.memory_space<semaphore_mem>>) src(%dma_wait3A_1199 : memref<294912x192xf32, #tpu.memory_space<hbm>>) dst(%arg21 : memref<48x192xf32, #tpu.memory_space<vmem>>)
      %dma_wait3A_1200 = arith.constant 0 : i32
      %dma_wait3A_1201 = arith.constant 0 : i32
      %dma_wait3A_1202 = tpu.memref_slice %arg2[%dma_wait3A_1200, %dma_wait3A_1201] : memref<294912x192xf32, #tpu.memory_space<hbm>> -> memref<294912x192xf32, #tpu.memory_space<hbm>>
      tpu.wait_indirect_dma semaphore(%arg40 : memref<!tpu.dma_semaphore, #tpu.memory_space<semaphore_mem>>) src(%dma_wait3A_1202 : memref<294912x192xf32, #tpu.memory_space<hbm>>) dst(%arg22 : memref<48x192xf32, #tpu.memory_space<vmem>>)
      %dma_wait3A_1203 = arith.constant 0 : i32
      %dma_wait3A_1204 = arith.constant 0 : i32
      %dma_wait3A_1205 = tpu.memref_slice %arg2[%dma_wait3A_1203, %dma_wait3A_1204] : memref<294912x192xf32, #tpu.memory_space<hbm>> -> memref<294912x192xf32, #tpu.memory_space<hbm>>
      tpu.wait_indirect_dma semaphore(%arg40 : memref<!tpu.dma_semaphore, #tpu.memory_space<semaphore_mem>>) src(%dma_wait3A_1205 : memref<294912x192xf32, #tpu.memory_space<hbm>>) dst(%arg23 : memref<48x192xf32, #tpu.memory_space<vmem>>)
      %dma_wait3A_1206 = arith.constant 0 : i32
      %dma_wait3A_1207 = arith.constant 0 : i32
      %dma_wait3A_1208 = tpu.memref_slice %arg2[%dma_wait3A_1206, %dma_wait3A_1207] : memref<294912x192xf32, #tpu.memory_space<hbm>> -> memref<294912x192xf32, #tpu.memory_space<hbm>>
      tpu.wait_indirect_dma semaphore(%arg40 : memref<!tpu.dma_semaphore, #tpu.memory_space<semaphore_mem>>) src(%dma_wait3A_1208 : memref<294912x192xf32, #tpu.memory_space<hbm>>) dst(%arg24 : memref<48x192xf32, #tpu.memory_space<vmem>>)
      %gt3A_1209 = arith.constant 0 : i32
      %gt3A_1210 = arith.cmpi sgt, %scan3A_66, %gt3A_1209 : i32
      %convert_element_type3A_1211 = arith.extui %gt3A_1210 : i1 to i32
      %cond3A_1212 = arith.constant 0 : i32
      %cond3A_1213 = arith.cmpi ne, %convert_element_type3A_1211, %cond3A_1212 : i32
      scf.if %cond3A_1213 {
        %mul3A_1280 = arith.constant 2 : i32
        %mul3A_1281 = arith.muli %mul3A_1280, %scan3A_66 : i32
        %sub3A_1282 = arith.constant 2 : i32
        %sub3A_1283 = arith.subi %mul3A_1281, %sub3A_1282 : i32
        %jit3A_1284 = arith.constant 8 : i32
        %div3A_1285 = arith.divsi %sub3A_1283, %jit3A_1284 : i32
        %sign3A_1286 = arith.constant 0 : i32
        %sign3A_1287 = arith.cmpi sgt, %sub3A_1283, %sign3A_1286 : i32
        %sign3A_1288 = arith.extui %sign3A_1287 : i1 to i32
        %sign3A_1289 = arith.constant 0 : i32
        %sign3A_1290 = arith.cmpi slt, %sub3A_1283, %sign3A_1289 : i32
        %sign3A_1291 = arith.extui %sign3A_1290 : i1 to i32
        %sign3A_1292 = arith.subi %sign3A_1288, %sign3A_1291 : i32
        %sign3A_1293 = arith.constant 0 : i32
        %sign3A_1294 = arith.cmpi sgt, %jit3A_1284, %sign3A_1293 : i32
        %sign3A_1295 = arith.extui %sign3A_1294 : i1 to i32
        %sign3A_1296 = arith.constant 0 : i32
        %sign3A_1297 = arith.cmpi slt, %jit3A_1284, %sign3A_1296 : i32
        %sign3A_1298 = arith.extui %sign3A_1297 : i1 to i32
        %sign3A_1299 = arith.subi %sign3A_1295, %sign3A_1298 : i32
        %ne3A_1300 = arith.cmpi ne, %sign3A_1292, %sign3A_1299 : i32
        %rem3A_1301 = arith.remsi %sub3A_1283, %jit3A_1284 : i32
        %ne3A_1302 = arith.constant 0 : i32
        %ne3A_1303 = arith.cmpi ne, %rem3A_1301, %ne3A_1302 : i32
        %and3A_1304 = arith.andi %ne3A_1300, %ne3A_1303 : i1
        %sub3A_1305 = arith.constant 1 : i32
        %sub3A_1306 = arith.subi %div3A_1285, %sub3A_1305 : i32
        %select_n3A_1307 = arith.select %and3A_1304, %sub3A_1306, %div3A_1285 : i32
        %mul3A_1308 = arith.constant 8 : i32
        %mul3A_1309 = arith.muli %select_n3A_1307, %mul3A_1308 : i32
        %sub3A_1310 = arith.subi %sub3A_1283, %mul3A_1309 : i32
        %mul3A_1311 = arith.constant 48 : i32
        %mul3A_1312 = arith.muli %sub3A_1310, %mul3A_1311 : i32
        %add3A_1313 = arith.addi %sub3A_21, %select_n3A_1307 : i32
        %dma_wait3A_1314 = arith.constant 0 : i32
        %dma_wait3A_1315 = tpu.memref_slice %arg7[%select_n3A, %dma_wait3A_1314, %add3A_1313, %mul3A_1312] : memref<2x192x384x384xf32, #tpu.memory_space<hbm>> -> memref<1x192x1x48xf32, #tpu.memory_space<hbm>>
        %dma_wait3A_1316 = tpu.memref_squeeze %dma_wait3A_1315 : memref<1x192x1x48xf32, #tpu.memory_space<hbm>> -> memref<192x48xf32, #tpu.memory_space<hbm>>
        %dma_wait3A_1317 = arith.constant 0 : i32
        %dma_wait3A_1318 = tpu.memref_slice %arg7[%select_n3A, %dma_wait3A_1317, %add3A_1313, %mul3A_1312] : memref<2x192x384x384xf32, #tpu.memory_space<hbm>> -> memref<1x192x1x48xf32, #tpu.memory_space<hbm>>
        %dma_wait3A_1319 = tpu.memref_squeeze %dma_wait3A_1318 : memref<1x192x1x48xf32, #tpu.memory_space<hbm>> -> memref<192x48xf32, #tpu.memory_space<hbm>>
        tpu.wait_dma2 semaphore(%arg42 : memref<!tpu.dma_semaphore, #tpu.memory_space<semaphore_mem>>) src(%arg38 : memref<192x48xf32, #tpu.memory_space<vmem>>) dst(%dma_wait3A_1319 : memref<192x48xf32, #tpu.memory_space<hbm>>)
      } else {
      }
      %scan3A_1214 = arith.constant 0 : i32
      %scan3A_1215 = arith.constant 48 : i32
      %scan3A_1216 = arith.addi %scan3A_1214, %scan3A_1215 : i32
      %scan3A_1217 = arith.constant 1 : i32
      scf.for %scan3A_1280 = %scan3A_1214 to %scan3A_1216 step %scan3A_1217  : i32 {
        %broadcast_in_dim3A_1281 = vector.broadcast %scan3A_1280 : i32 to vector<16xi32>
        %gather3A_1282 = tpu.vector_load_idx %arg17[%broadcast_in_dim3A_1281] : memref<48xf32, #tpu.memory_space<vmem>>[vector<16xi32>], vector<16xf32>,
        %broadcast_in_dim3A_1283 = vector.broadcast %scan3A_1280 : i32 to vector<16xi32>
        %gather3A_1284 = tpu.vector_load_idx %arg18[%broadcast_in_dim3A_1283] : memref<48xf32, #tpu.memory_space<vmem>>[vector<16xi32>], vector<16xf32>,
        %broadcast_in_dim3A_1285 = vector.broadcast %scan3A_1280 : i32 to vector<16xi32>
        %gather3A_1286 = tpu.vector_load_idx %arg19[%broadcast_in_dim3A_1285] : memref<48xf32, #tpu.memory_space<vmem>>[vector<16xi32>], vector<16xf32>,
        %broadcast_in_dim3A_1287 = vector.broadcast %scan3A_1280 : i32 to vector<16xi32>
        %gather3A_1288 = tpu.vector_load_idx %arg20[%broadcast_in_dim3A_1287] : memref<48xf32, #tpu.memory_space<vmem>>[vector<16xi32>], vector<16xf32>,
        %broadcast_in_dim3A_1289 = vector.broadcast %scan3A_1280 : i32 to vector<16xi32>
        %get3A_1290 = arith.index_cast %scan3A_1280 : i32 to index
        %get3A_1291 = arith.constant 0 : index
        %get3A_1292 = tpu.vector_load %arg21[%get3A_1290, %get3A_1291] {strides = array<i32>} : memref<48x192xf32, #tpu.memory_space<vmem>>, vector<16xf32>,
        %mul3A_1293 = arith.mulf %get3A_1292, %gather3A_1282 : vector<16xf32>
        %get3A_1294 = arith.index_cast %scan3A_1280 : i32 to index
        %get3A_1295 = arith.constant 0 : index
        %get3A_1296 = tpu.vector_load %arg22[%get3A_1294, %get3A_1295] {strides = array<i32>} : memref<48x192xf32, #tpu.memory_space<vmem>>, vector<16xf32>,
        %mul3A_1297 = arith.mulf %get3A_1296, %gather3A_1284 : vector<16xf32>
        %add3A_1298 = arith.addf %mul3A_1293, %mul3A_1297 : vector<16xf32>
        %get3A_1299 = arith.index_cast %scan3A_1280 : i32 to index
        %get3A_1300 = arith.constant 0 : index
        %get3A_1301 = tpu.vector_load %arg23[%get3A_1299, %get3A_1300] {strides = array<i32>} : memref<48x192xf32, #tpu.memory_space<vmem>>, vector<16xf32>,
        %mul3A_1302 = arith.mulf %get3A_1301, %gather3A_1286 : vector<16xf32>
        %add3A_1303 = arith.addf %add3A_1298, %mul3A_1302 : vector<16xf32>
        %get3A_1304 = arith.index_cast %scan3A_1280 : i32 to index
        %get3A_1305 = arith.constant 0 : index
        %get3A_1306 = tpu.vector_load %arg24[%get3A_1304, %get3A_1305] {strides = array<i32>} : memref<48x192xf32, #tpu.memory_space<vmem>>, vector<16xf32>,
        %mul3A_1307 = arith.mulf %get3A_1306, %gather3A_1288 : vector<16xf32>
        %add3A_1308 = arith.addf %add3A_1303, %mul3A_1307 : vector<16xf32>
        %add3A_1309 = arith.constant 0 : i32
        %add3A_1310 = vector.broadcast %add3A_1309 : i32 to vector<16xi32>
        %add3A_1311 = arith.addi %iota3A, %add3A_1310 : vector<16xi32>
        tpu.vector_store_idx %arg38[%add3A_1311, %broadcast_in_dim3A_1289], %add3A_1308 : memref<192x48xf32, #tpu.memory_space<vmem>>[vector<16xi32>, vector<16xi32>], vector<16xf32>,
        %get3A_1312 = arith.index_cast %scan3A_1280 : i32 to index
        %get3A_1313 = arith.constant 16 : index
        %get3A_1314 = tpu.vector_load %arg21[%get3A_1312, %get3A_1313] {strides = array<i32>} : memref<48x192xf32, #tpu.memory_space<vmem>>, vector<16xf32>,
        %mul3A_1315 = arith.mulf %get3A_1314, %gather3A_1282 : vector<16xf32>
        %get3A_1316 = arith.index_cast %scan3A_1280 : i32 to index
        %get3A_1317 = arith.constant 16 : index
        %get3A_1318 = tpu.vector_load %arg22[%get3A_1316, %get3A_1317] {strides = array<i32>} : memref<48x192xf32, #tpu.memory_space<vmem>>, vector<16xf32>,
        %mul3A_1319 = arith.mulf %get3A_1318, %gather3A_1284 : vector<16xf32>
        %add3A_1320 = arith.addf %mul3A_1315, %mul3A_1319 : vector<16xf32>
        %get3A_1321 = arith.index_cast %scan3A_1280 : i32 to index
        %get3A_1322 = arith.constant 16 : index
        %get3A_1323 = tpu.vector_load %arg23[%get3A_1321, %get3A_1322] {strides = array<i32>} : memref<48x192xf32, #tpu.memory_space<vmem>>, vector<16xf32>,
        %mul3A_1324 = arith.mulf %get3A_1323, %gather3A_1286 : vector<16xf32>
        %add3A_1325 = arith.addf %add3A_1320, %mul3A_1324 : vector<16xf32>
        %get3A_1326 = arith.index_cast %scan3A_1280 : i32 to index
        %get3A_1327 = arith.constant 16 : index
        %get3A_1328 = tpu.vector_load %arg24[%get3A_1326, %get3A_1327] {strides = array<i32>} : memref<48x192xf32, #tpu.memory_space<vmem>>, vector<16xf32>,
        %mul3A_1329 = arith.mulf %get3A_1328, %gather3A_1288 : vector<16xf32>
        %add3A_1330 = arith.addf %add3A_1325, %mul3A_1329 : vector<16xf32>
        %add3A_1331 = arith.constant 16 : i32
        %add3A_1332 = vector.broadcast %add3A_1331 : i32 to vector<16xi32>
        %add3A_1333 = arith.addi %iota3A, %add3A_1332 : vector<16xi32>
        tpu.vector_store_idx %arg38[%add3A_1333, %broadcast_in_dim3A_1289], %add3A_1330 : memref<192x48xf32, #tpu.memory_space<vmem>>[vector<16xi32>, vector<16xi32>], vector<16xf32>,
        %get3A_1334 = arith.index_cast %scan3A_1280 : i32 to index
        %get3A_1335 = arith.constant 32 : index
        %get3A_1336 = tpu.vector_load %arg21[%get3A_1334, %get3A_1335] {strides = array<i32>} : memref<48x192xf32, #tpu.memory_space<vmem>>, vector<16xf32>,
        %mul3A_1337 = arith.mulf %get3A_1336, %gather3A_1282 : vector<16xf32>
        %get3A_1338 = arith.index_cast %scan3A_1280 : i32 to index
        %get3A_1339 = arith.constant 32 : index
        %get3A_1340 = tpu.vector_load %arg22[%get3A_1338, %get3A_1339] {strides = array<i32>} : memref<48x192xf32, #tpu.memory_space<vmem>>, vector<16xf32>,
        %mul3A_1341 = arith.mulf %get3A_1340, %gather3A_1284 : vector<16xf32>
        %add3A_1342 = arith.addf %mul3A_1337, %mul3A_1341 : vector<16xf32>
        %get3A_1343 = arith.index_cast %scan3A_1280 : i32 to index
        %get3A_1344 = arith.constant 32 : index
        %get3A_1345 = tpu.vector_load %arg23[%get3A_1343, %get3A_1344] {strides = array<i32>} : memref<48x192xf32, #tpu.memory_space<vmem>>, vector<16xf32>,
        %mul3A_1346 = arith.mulf %get3A_1345, %gather3A_1286 : vector<16xf32>
        %add3A_1347 = arith.addf %add3A_1342, %mul3A_1346 : vector<16xf32>
        %get3A_1348 = arith.index_cast %scan3A_1280 : i32 to index
        %get3A_1349 = arith.constant 32 : index
        %get3A_1350 = tpu.vector_load %arg24[%get3A_1348, %get3A_1349] {strides = array<i32>} : memref<48x192xf32, #tpu.memory_space<vmem>>, vector<16xf32>,
        %mul3A_1351 = arith.mulf %get3A_1350, %gather3A_1288 : vector<16xf32>
        %add3A_1352 = arith.addf %add3A_1347, %mul3A_1351 : vector<16xf32>
        %add3A_1353 = arith.constant 32 : i32
        %add3A_1354 = vector.broadcast %add3A_1353 : i32 to vector<16xi32>
        %add3A_1355 = arith.addi %iota3A, %add3A_1354 : vector<16xi32>
        tpu.vector_store_idx %arg38[%add3A_1355, %broadcast_in_dim3A_1289], %add3A_1352 : memref<192x48xf32, #tpu.memory_space<vmem>>[vector<16xi32>, vector<16xi32>], vector<16xf32>,
        %get3A_1356 = arith.index_cast %scan3A_1280 : i32 to index
        %get3A_1357 = arith.constant 48 : index
        %get3A_1358 = tpu.vector_load %arg21[%get3A_1356, %get3A_1357] {strides = array<i32>} : memref<48x192xf32, #tpu.memory_space<vmem>>, vector<16xf32>,
        %mul3A_1359 = arith.mulf %get3A_1358, %gather3A_1282 : vector<16xf32>
        %get3A_1360 = arith.index_cast %scan3A_1280 : i32 to index
        %get3A_1361 = arith.constant 48 : index
        %get3A_1362 = tpu.vector_load %arg22[%get3A_1360, %get3A_1361] {strides = array<i32>} : memref<48x192xf32, #tpu.memory_space<vmem>>, vector<16xf32>,
        %mul3A_1363 = arith.mulf %get3A_1362, %gather3A_1284 : vector<16xf32>
        %add3A_1364 = arith.addf %mul3A_1359, %mul3A_1363 : vector<16xf32>
        %get3A_1365 = arith.index_cast %scan3A_1280 : i32 to index
        %get3A_1366 = arith.constant 48 : index
        %get3A_1367 = tpu.vector_load %arg23[%get3A_1365, %get3A_1366] {strides = array<i32>} : memref<48x192xf32, #tpu.memory_space<vmem>>, vector<16xf32>,
        %mul3A_1368 = arith.mulf %get3A_1367, %gather3A_1286 : vector<16xf32>
        %add3A_1369 = arith.addf %add3A_1364, %mul3A_1368 : vector<16xf32>
        %get3A_1370 = arith.index_cast %scan3A_1280 : i32 to index
        %get3A_1371 = arith.constant 48 : index
        %get3A_1372 = tpu.vector_load %arg24[%get3A_1370, %get3A_1371] {strides = array<i32>} : memref<48x192xf32, #tpu.memory_space<vmem>>, vector<16xf32>,
        %mul3A_1373 = arith.mulf %get3A_1372, %gather3A_1288 : vector<16xf32>
        %add3A_1374 = arith.addf %add3A_1369, %mul3A_1373 : vector<16xf32>
        %add3A_1375 = arith.constant 48 : i32
        %add3A_1376 = vector.broadcast %add3A_1375 : i32 to vector<16xi32>
        %add3A_1377 = arith.addi %iota3A, %add3A_1376 : vector<16xi32>
        tpu.vector_store_idx %arg38[%add3A_1377, %broadcast_in_dim3A_1289], %add3A_1374 : memref<192x48xf32, #tpu.memory_space<vmem>>[vector<16xi32>, vector<16xi32>], vector<16xf32>,
        %get3A_1378 = arith.index_cast %scan3A_1280 : i32 to index
        %get3A_1379 = arith.constant 64 : index
        %get3A_1380 = tpu.vector_load %arg21[%get3A_1378, %get3A_1379] {strides = array<i32>} : memref<48x192xf32, #tpu.memory_space<vmem>>, vector<16xf32>,
        %mul3A_1381 = arith.mulf %get3A_1380, %gather3A_1282 : vector<16xf32>
        %get3A_1382 = arith.index_cast %scan3A_1280 : i32 to index
        %get3A_1383 = arith.constant 64 : index
        %get3A_1384 = tpu.vector_load %arg22[%get3A_1382, %get3A_1383] {strides = array<i32>} : memref<48x192xf32, #tpu.memory_space<vmem>>, vector<16xf32>,
        %mul3A_1385 = arith.mulf %get3A_1384, %gather3A_1284 : vector<16xf32>
        %add3A_1386 = arith.addf %mul3A_1381, %mul3A_1385 : vector<16xf32>
        %get3A_1387 = arith.index_cast %scan3A_1280 : i32 to index
        %get3A_1388 = arith.constant 64 : index
        %get3A_1389 = tpu.vector_load %arg23[%get3A_1387, %get3A_1388] {strides = array<i32>} : memref<48x192xf32, #tpu.memory_space<vmem>>, vector<16xf32>,
        %mul3A_1390 = arith.mulf %get3A_1389, %gather3A_1286 : vector<16xf32>
        %add3A_1391 = arith.addf %add3A_1386, %mul3A_1390 : vector<16xf32>
        %get3A_1392 = arith.index_cast %scan3A_1280 : i32 to index
        %get3A_1393 = arith.constant 64 : index
        %get3A_1394 = tpu.vector_load %arg24[%get3A_1392, %get3A_1393] {strides = array<i32>} : memref<48x192xf32, #tpu.memory_space<vmem>>, vector<16xf32>,
        %mul3A_1395 = arith.mulf %get3A_1394, %gather3A_1288 : vector<16xf32>
        %add3A_1396 = arith.addf %add3A_1391, %mul3A_1395 : vector<16xf32>
        %add3A_1397 = arith.constant 64 : i32
        %add3A_1398 = vector.broadcast %add3A_1397 : i32 to vector<16xi32>
        %add3A_1399 = arith.addi %iota3A, %add3A_1398 : vector<16xi32>
        tpu.vector_store_idx %arg38[%add3A_1399, %broadcast_in_dim3A_1289], %add3A_1396 : memref<192x48xf32, #tpu.memory_space<vmem>>[vector<16xi32>, vector<16xi32>], vector<16xf32>,
        %get3A_1400 = arith.index_cast %scan3A_1280 : i32 to index
        %get3A_1401 = arith.constant 80 : index
        %get3A_1402 = tpu.vector_load %arg21[%get3A_1400, %get3A_1401] {strides = array<i32>} : memref<48x192xf32, #tpu.memory_space<vmem>>, vector<16xf32>,
        %mul3A_1403 = arith.mulf %get3A_1402, %gather3A_1282 : vector<16xf32>
        %get3A_1404 = arith.index_cast %scan3A_1280 : i32 to index
        %get3A_1405 = arith.constant 80 : index
        %get3A_1406 = tpu.vector_load %arg22[%get3A_1404, %get3A_1405] {strides = array<i32>} : memref<48x192xf32, #tpu.memory_space<vmem>>, vector<16xf32>,
        %mul3A_1407 = arith.mulf %get3A_1406, %gather3A_1284 : vector<16xf32>
        %add3A_1408 = arith.addf %mul3A_1403, %mul3A_1407 : vector<16xf32>
        %get3A_1409 = arith.index_cast %scan3A_1280 : i32 to index
        %get3A_1410 = arith.constant 80 : index
        %get3A_1411 = tpu.vector_load %arg23[%get3A_1409, %get3A_1410] {strides = array<i32>} : memref<48x192xf32, #tpu.memory_space<vmem>>, vector<16xf32>,
        %mul3A_1412 = arith.mulf %get3A_1411, %gather3A_1286 : vector<16xf32>
        %add3A_1413 = arith.addf %add3A_1408, %mul3A_1412 : vector<16xf32>
        %get3A_1414 = arith.index_cast %scan3A_1280 : i32 to index
        %get3A_1415 = arith.constant 80 : index
        %get3A_1416 = tpu.vector_load %arg24[%get3A_1414, %get3A_1415] {strides = array<i32>} : memref<48x192xf32, #tpu.memory_space<vmem>>, vector<16xf32>,
        %mul3A_1417 = arith.mulf %get3A_1416, %gather3A_1288 : vector<16xf32>
        %add3A_1418 = arith.addf %add3A_1413, %mul3A_1417 : vector<16xf32>
        %add3A_1419 = arith.constant 80 : i32
        %add3A_1420 = vector.broadcast %add3A_1419 : i32 to vector<16xi32>
        %add3A_1421 = arith.addi %iota3A, %add3A_1420 : vector<16xi32>
        tpu.vector_store_idx %arg38[%add3A_1421, %broadcast_in_dim3A_1289], %add3A_1418 : memref<192x48xf32, #tpu.memory_space<vmem>>[vector<16xi32>, vector<16xi32>], vector<16xf32>,
        %get3A_1422 = arith.index_cast %scan3A_1280 : i32 to index
        %get3A_1423 = arith.constant 96 : index
        %get3A_1424 = tpu.vector_load %arg21[%get3A_1422, %get3A_1423] {strides = array<i32>} : memref<48x192xf32, #tpu.memory_space<vmem>>, vector<16xf32>,
        %mul3A_1425 = arith.mulf %get3A_1424, %gather3A_1282 : vector<16xf32>
        %get3A_1426 = arith.index_cast %scan3A_1280 : i32 to index
        %get3A_1427 = arith.constant 96 : index
        %get3A_1428 = tpu.vector_load %arg22[%get3A_1426, %get3A_1427] {strides = array<i32>} : memref<48x192xf32, #tpu.memory_space<vmem>>, vector<16xf32>,
        %mul3A_1429 = arith.mulf %get3A_1428, %gather3A_1284 : vector<16xf32>
        %add3A_1430 = arith.addf %mul3A_1425, %mul3A_1429 : vector<16xf32>
        %get3A_1431 = arith.index_cast %scan3A_1280 : i32 to index
        %get3A_1432 = arith.constant 96 : index
        %get3A_1433 = tpu.vector_load %arg23[%get3A_1431, %get3A_1432] {strides = array<i32>} : memref<48x192xf32, #tpu.memory_space<vmem>>, vector<16xf32>,
        %mul3A_1434 = arith.mulf %get3A_1433, %gather3A_1286 : vector<16xf32>
        %add3A_1435 = arith.addf %add3A_1430, %mul3A_1434 : vector<16xf32>
        %get3A_1436 = arith.index_cast %scan3A_1280 : i32 to index
        %get3A_1437 = arith.constant 96 : index
        %get3A_1438 = tpu.vector_load %arg24[%get3A_1436, %get3A_1437] {strides = array<i32>} : memref<48x192xf32, #tpu.memory_space<vmem>>, vector<16xf32>,
        %mul3A_1439 = arith.mulf %get3A_1438, %gather3A_1288 : vector<16xf32>
        %add3A_1440 = arith.addf %add3A_1435, %mul3A_1439 : vector<16xf32>
        %add3A_1441 = arith.constant 96 : i32
        %add3A_1442 = vector.broadcast %add3A_1441 : i32 to vector<16xi32>
        %add3A_1443 = arith.addi %iota3A, %add3A_1442 : vector<16xi32>
        tpu.vector_store_idx %arg38[%add3A_1443, %broadcast_in_dim3A_1289], %add3A_1440 : memref<192x48xf32, #tpu.memory_space<vmem>>[vector<16xi32>, vector<16xi32>], vector<16xf32>,
        %get3A_1444 = arith.index_cast %scan3A_1280 : i32 to index
        %get3A_1445 = arith.constant 112 : index
        %get3A_1446 = tpu.vector_load %arg21[%get3A_1444, %get3A_1445] {strides = array<i32>} : memref<48x192xf32, #tpu.memory_space<vmem>>, vector<16xf32>,
        %mul3A_1447 = arith.mulf %get3A_1446, %gather3A_1282 : vector<16xf32>
        %get3A_1448 = arith.index_cast %scan3A_1280 : i32 to index
        %get3A_1449 = arith.constant 112 : index
        %get3A_1450 = tpu.vector_load %arg22[%get3A_1448, %get3A_1449] {strides = array<i32>} : memref<48x192xf32, #tpu.memory_space<vmem>>, vector<16xf32>,
        %mul3A_1451 = arith.mulf %get3A_1450, %gather3A_1284 : vector<16xf32>
        %add3A_1452 = arith.addf %mul3A_1447, %mul3A_1451 : vector<16xf32>
        %get3A_1453 = arith.index_cast %scan3A_1280 : i32 to index
        %get3A_1454 = arith.constant 112 : index
        %get3A_1455 = tpu.vector_load %arg23[%get3A_1453, %get3A_1454] {strides = array<i32>} : memref<48x192xf32, #tpu.memory_space<vmem>>, vector<16xf32>,
        %mul3A_1456 = arith.mulf %get3A_1455, %gather3A_1286 : vector<16xf32>
        %add3A_1457 = arith.addf %add3A_1452, %mul3A_1456 : vector<16xf32>
        %get3A_1458 = arith.index_cast %scan3A_1280 : i32 to index
        %get3A_1459 = arith.constant 112 : index
        %get3A_1460 = tpu.vector_load %arg24[%get3A_1458, %get3A_1459] {strides = array<i32>} : memref<48x192xf32, #tpu.memory_space<vmem>>, vector<16xf32>,
        %mul3A_1461 = arith.mulf %get3A_1460, %gather3A_1288 : vector<16xf32>
        %add3A_1462 = arith.addf %add3A_1457, %mul3A_1461 : vector<16xf32>
        %add3A_1463 = arith.constant 112 : i32
        %add3A_1464 = vector.broadcast %add3A_1463 : i32 to vector<16xi32>
        %add3A_1465 = arith.addi %iota3A, %add3A_1464 : vector<16xi32>
        tpu.vector_store_idx %arg38[%add3A_1465, %broadcast_in_dim3A_1289], %add3A_1462 : memref<192x48xf32, #tpu.memory_space<vmem>>[vector<16xi32>, vector<16xi32>], vector<16xf32>,
        %get3A_1466 = arith.index_cast %scan3A_1280 : i32 to index
        %get3A_1467 = arith.constant 128 : index
        %get3A_1468 = tpu.vector_load %arg21[%get3A_1466, %get3A_1467] {strides = array<i32>} : memref<48x192xf32, #tpu.memory_space<vmem>>, vector<16xf32>,
        %mul3A_1469 = arith.mulf %get3A_1468, %gather3A_1282 : vector<16xf32>
        %get3A_1470 = arith.index_cast %scan3A_1280 : i32 to index
        %get3A_1471 = arith.constant 128 : index
        %get3A_1472 = tpu.vector_load %arg22[%get3A_1470, %get3A_1471] {strides = array<i32>} : memref<48x192xf32, #tpu.memory_space<vmem>>, vector<16xf32>,
        %mul3A_1473 = arith.mulf %get3A_1472, %gather3A_1284 : vector<16xf32>
        %add3A_1474 = arith.addf %mul3A_1469, %mul3A_1473 : vector<16xf32>
        %get3A_1475 = arith.index_cast %scan3A_1280 : i32 to index
        %get3A_1476 = arith.constant 128 : index
        %get3A_1477 = tpu.vector_load %arg23[%get3A_1475, %get3A_1476] {strides = array<i32>} : memref<48x192xf32, #tpu.memory_space<vmem>>, vector<16xf32>,
        %mul3A_1478 = arith.mulf %get3A_1477, %gather3A_1286 : vector<16xf32>
        %add3A_1479 = arith.addf %add3A_1474, %mul3A_1478 : vector<16xf32>
        %get3A_1480 = arith.index_cast %scan3A_1280 : i32 to index
        %get3A_1481 = arith.constant 128 : index
        %get3A_1482 = tpu.vector_load %arg24[%get3A_1480, %get3A_1481] {strides = array<i32>} : memref<48x192xf32, #tpu.memory_space<vmem>>, vector<16xf32>,
        %mul3A_1483 = arith.mulf %get3A_1482, %gather3A_1288 : vector<16xf32>
        %add3A_1484 = arith.addf %add3A_1479, %mul3A_1483 : vector<16xf32>
        %add3A_1485 = arith.constant 128 : i32
        %add3A_1486 = vector.broadcast %add3A_1485 : i32 to vector<16xi32>
        %add3A_1487 = arith.addi %iota3A, %add3A_1486 : vector<16xi32>
        tpu.vector_store_idx %arg38[%add3A_1487, %broadcast_in_dim3A_1289], %add3A_1484 : memref<192x48xf32, #tpu.memory_space<vmem>>[vector<16xi32>, vector<16xi32>], vector<16xf32>,
        %get3A_1488 = arith.index_cast %scan3A_1280 : i32 to index
        %get3A_1489 = arith.constant 144 : index
        %get3A_1490 = tpu.vector_load %arg21[%get3A_1488, %get3A_1489] {strides = array<i32>} : memref<48x192xf32, #tpu.memory_space<vmem>>, vector<16xf32>,
        %mul3A_1491 = arith.mulf %get3A_1490, %gather3A_1282 : vector<16xf32>
        %get3A_1492 = arith.index_cast %scan3A_1280 : i32 to index
        %get3A_1493 = arith.constant 144 : index
        %get3A_1494 = tpu.vector_load %arg22[%get3A_1492, %get3A_1493] {strides = array<i32>} : memref<48x192xf32, #tpu.memory_space<vmem>>, vector<16xf32>,
        %mul3A_1495 = arith.mulf %get3A_1494, %gather3A_1284 : vector<16xf32>
        %add3A_1496 = arith.addf %mul3A_1491, %mul3A_1495 : vector<16xf32>
        %get3A_1497 = arith.index_cast %scan3A_1280 : i32 to index
        %get3A_1498 = arith.constant 144 : index
        %get3A_1499 = tpu.vector_load %arg23[%get3A_1497, %get3A_1498] {strides = array<i32>} : memref<48x192xf32, #tpu.memory_space<vmem>>, vector<16xf32>,
        %mul3A_1500 = arith.mulf %get3A_1499, %gather3A_1286 : vector<16xf32>
        %add3A_1501 = arith.addf %add3A_1496, %mul3A_1500 : vector<16xf32>
        %get3A_1502 = arith.index_cast %scan3A_1280 : i32 to index
        %get3A_1503 = arith.constant 144 : index
        %get3A_1504 = tpu.vector_load %arg24[%get3A_1502, %get3A_1503] {strides = array<i32>} : memref<48x192xf32, #tpu.memory_space<vmem>>, vector<16xf32>,
        %mul3A_1505 = arith.mulf %get3A_1504, %gather3A_1288 : vector<16xf32>
        %add3A_1506 = arith.addf %add3A_1501, %mul3A_1505 : vector<16xf32>
        %add3A_1507 = arith.constant 144 : i32
        %add3A_1508 = vector.broadcast %add3A_1507 : i32 to vector<16xi32>
        %add3A_1509 = arith.addi %iota3A, %add3A_1508 : vector<16xi32>
        tpu.vector_store_idx %arg38[%add3A_1509, %broadcast_in_dim3A_1289], %add3A_1506 : memref<192x48xf32, #tpu.memory_space<vmem>>[vector<16xi32>, vector<16xi32>], vector<16xf32>,
        %get3A_1510 = arith.index_cast %scan3A_1280 : i32 to index
        %get3A_1511 = arith.constant 160 : index
        %get3A_1512 = tpu.vector_load %arg21[%get3A_1510, %get3A_1511] {strides = array<i32>} : memref<48x192xf32, #tpu.memory_space<vmem>>, vector<16xf32>,
        %mul3A_1513 = arith.mulf %get3A_1512, %gather3A_1282 : vector<16xf32>
        %get3A_1514 = arith.index_cast %scan3A_1280 : i32 to index
        %get3A_1515 = arith.constant 160 : index
        %get3A_1516 = tpu.vector_load %arg22[%get3A_1514, %get3A_1515] {strides = array<i32>} : memref<48x192xf32, #tpu.memory_space<vmem>>, vector<16xf32>,
        %mul3A_1517 = arith.mulf %get3A_1516, %gather3A_1284 : vector<16xf32>
        %add3A_1518 = arith.addf %mul3A_1513, %mul3A_1517 : vector<16xf32>
        %get3A_1519 = arith.index_cast %scan3A_1280 : i32 to index
        %get3A_1520 = arith.constant 160 : index
        %get3A_1521 = tpu.vector_load %arg23[%get3A_1519, %get3A_1520] {strides = array<i32>} : memref<48x192xf32, #tpu.memory_space<vmem>>, vector<16xf32>,
        %mul3A_1522 = arith.mulf %get3A_1521, %gather3A_1286 : vector<16xf32>
        %add3A_1523 = arith.addf %add3A_1518, %mul3A_1522 : vector<16xf32>
        %get3A_1524 = arith.index_cast %scan3A_1280 : i32 to index
        %get3A_1525 = arith.constant 160 : index
        %get3A_1526 = tpu.vector_load %arg24[%get3A_1524, %get3A_1525] {strides = array<i32>} : memref<48x192xf32, #tpu.memory_space<vmem>>, vector<16xf32>,
        %mul3A_1527 = arith.mulf %get3A_1526, %gather3A_1288 : vector<16xf32>
        %add3A_1528 = arith.addf %add3A_1523, %mul3A_1527 : vector<16xf32>
        %add3A_1529 = arith.constant 160 : i32
        %add3A_1530 = vector.broadcast %add3A_1529 : i32 to vector<16xi32>
        %add3A_1531 = arith.addi %iota3A, %add3A_1530 : vector<16xi32>
        tpu.vector_store_idx %arg38[%add3A_1531, %broadcast_in_dim3A_1289], %add3A_1528 : memref<192x48xf32, #tpu.memory_space<vmem>>[vector<16xi32>, vector<16xi32>], vector<16xf32>,
        %get3A_1532 = arith.index_cast %scan3A_1280 : i32 to index
        %get3A_1533 = arith.constant 176 : index
        %get3A_1534 = tpu.vector_load %arg21[%get3A_1532, %get3A_1533] {strides = array<i32>} : memref<48x192xf32, #tpu.memory_space<vmem>>, vector<16xf32>,
        %mul3A_1535 = arith.mulf %get3A_1534, %gather3A_1282 : vector<16xf32>
        %get3A_1536 = arith.index_cast %scan3A_1280 : i32 to index
        %get3A_1537 = arith.constant 176 : index
        %get3A_1538 = tpu.vector_load %arg22[%get3A_1536, %get3A_1537] {strides = array<i32>} : memref<48x192xf32, #tpu.memory_space<vmem>>, vector<16xf32>,
        %mul3A_1539 = arith.mulf %get3A_1538, %gather3A_1284 : vector<16xf32>
        %add3A_1540 = arith.addf %mul3A_1535, %mul3A_1539 : vector<16xf32>
        %get3A_1541 = arith.index_cast %scan3A_1280 : i32 to index
        %get3A_1542 = arith.constant 176 : index
        %get3A_1543 = tpu.vector_load %arg23[%get3A_1541, %get3A_1542] {strides = array<i32>} : memref<48x192xf32, #tpu.memory_space<vmem>>, vector<16xf32>,
        %mul3A_1544 = arith.mulf %get3A_1543, %gather3A_1286 : vector<16xf32>
        %add3A_1545 = arith.addf %add3A_1540, %mul3A_1544 : vector<16xf32>
        %get3A_1546 = arith.index_cast %scan3A_1280 : i32 to index
        %get3A_1547 = arith.constant 176 : index
        %get3A_1548 = tpu.vector_load %arg24[%get3A_1546, %get3A_1547] {strides = array<i32>} : memref<48x192xf32, #tpu.memory_space<vmem>>, vector<16xf32>,
        %mul3A_1549 = arith.mulf %get3A_1548, %gather3A_1288 : vector<16xf32>
        %add3A_1550 = arith.addf %add3A_1545, %mul3A_1549 : vector<16xf32>
        %add3A_1551 = arith.constant 176 : i32
        %add3A_1552 = vector.broadcast %add3A_1551 : i32 to vector<16xi32>
        %add3A_1553 = arith.addi %iota3A, %add3A_1552 : vector<16xi32>
        tpu.vector_store_idx %arg38[%add3A_1553, %broadcast_in_dim3A_1289], %add3A_1550 : memref<192x48xf32, #tpu.memory_space<vmem>>[vector<16xi32>, vector<16xi32>], vector<16xf32>,
      }
      %scan3A_1218 = arith.constant 48 : i32
      %mul3A_1219 = arith.constant 2 : i32
      %mul3A_1220 = arith.muli %mul3A_1219, %scan3A_66 : i32
      %jit3A_1221 = arith.constant 8 : i32
      %div3A_1222 = arith.divsi %mul3A_1220, %jit3A_1221 : i32
      %sign3A_1223 = arith.constant 0 : i32
      %sign3A_1224 = arith.cmpi sgt, %mul3A_1220, %sign3A_1223 : i32
      %sign3A_1225 = arith.extui %sign3A_1224 : i1 to i32
      %sign3A_1226 = arith.constant 0 : i32
      %sign3A_1227 = arith.cmpi slt, %mul3A_1220, %sign3A_1226 : i32
      %sign3A_1228 = arith.extui %sign3A_1227 : i1 to i32
      %sign3A_1229 = arith.subi %sign3A_1225, %sign3A_1228 : i32
      %sign3A_1230 = arith.constant 0 : i32
      %sign3A_1231 = arith.cmpi sgt, %jit3A_1221, %sign3A_1230 : i32
      %sign3A_1232 = arith.extui %sign3A_1231 : i1 to i32
      %sign3A_1233 = arith.constant 0 : i32
      %sign3A_1234 = arith.cmpi slt, %jit3A_1221, %sign3A_1233 : i32
      %sign3A_1235 = arith.extui %sign3A_1234 : i1 to i32
      %sign3A_1236 = arith.subi %sign3A_1232, %sign3A_1235 : i32
      %ne3A_1237 = arith.cmpi ne, %sign3A_1229, %sign3A_1236 : i32
      %rem3A_1238 = arith.remsi %mul3A_1220, %jit3A_1221 : i32
      %ne3A_1239 = arith.constant 0 : i32
      %ne3A_1240 = arith.cmpi ne, %rem3A_1238, %ne3A_1239 : i32
      %and3A_1241 = arith.andi %ne3A_1237, %ne3A_1240 : i1
      %sub3A_1242 = arith.constant 1 : i32
      %sub3A_1243 = arith.subi %div3A_1222, %sub3A_1242 : i32
      %select_n3A_1244 = arith.select %and3A_1241, %sub3A_1243, %div3A_1222 : i32
      %mul3A_1245 = arith.constant 8 : i32
      %mul3A_1246 = arith.muli %select_n3A_1244, %mul3A_1245 : i32
      %sub3A_1247 = arith.subi %mul3A_1220, %mul3A_1246 : i32
      %mul3A_1248 = arith.constant 48 : i32
      %mul3A_1249 = arith.muli %sub3A_1247, %mul3A_1248 : i32
      %add3A_1250 = arith.addi %sub3A_21, %select_n3A_1244 : i32
      %dma_start3A_1251 = arith.constant 0 : i32
      %dma_start3A_1252 = tpu.memref_slice %arg7[%select_n3A, %dma_start3A_1251, %add3A_1250, %mul3A_1249] : memref<2x192x384x384xf32, #tpu.memory_space<hbm>> -> memref<1x192x1x48xf32, #tpu.memory_space<hbm>>
      %dma_start3A_1253 = tpu.memref_squeeze %dma_start3A_1252 : memref<1x192x1x48xf32, #tpu.memory_space<hbm>> -> memref<192x48xf32, #tpu.memory_space<hbm>>
      %dma_start3A_1254 = arith.constant 0 : i32
      %dma_start3A_1255 = tpu.memref_slice %arg7[%select_n3A, %dma_start3A_1254, %add3A_1250, %mul3A_1249] : memref<2x192x384x384xf32, #tpu.memory_space<hbm>> -> memref<1x192x1x48xf32, #tpu.memory_space<hbm>>
      %dma_start3A_1256 = tpu.memref_squeeze %dma_start3A_1255 : memref<1x192x1x48xf32, #tpu.memory_space<hbm>> -> memref<192x48xf32, #tpu.memory_space<hbm>>
      tpu.enqueue_dma source(%arg38 : memref<192x48xf32, #tpu.memory_space<vmem>>) target(%dma_start3A_1256 : memref<192x48xf32, #tpu.memory_space<hbm>>) target_semaphore(%arg42 : memref<!tpu.dma_semaphore, #tpu.memory_space<semaphore_mem>>)
      %mul3A_1257 = arith.constant 2 : i32
      %mul3A_1258 = arith.muli %mul3A_1257, %scan3A_66 : i32
      %add3A_1259 = arith.constant 1 : i32
      %add3A_1260 = arith.addi %mul3A_1258, %add3A_1259 : i32
      %jit3A_1261 = arith.constant 8 : i32
      %eq3A = arith.constant 0 : i32
      %eq3A_1262 = arith.cmpi eq, %jit3A_1261, %eq3A : i32
      %jit3A_1263 = arith.constant 1 : i32
      %select_n3A_1264 = arith.select %eq3A_1262, %jit3A_1263, %jit3A_1261 : i32
      %rem3A_1265 = arith.remsi %add3A_1260, %select_n3A_1264 : i32
      %ne3A_1266 = arith.constant 0 : i32
      %ne3A_1267 = arith.cmpi ne, %rem3A_1265, %ne3A_1266 : i32
      %lt3A = arith.constant 0 : i32
      %lt3A_1268 = arith.cmpi slt, %rem3A_1265, %lt3A : i32
      %lt3A_1269 = arith.constant 0 : i32
      %lt3A_1270 = arith.cmpi slt, %select_n3A_1264, %lt3A_1269 : i32
      %ne3A_1271 = arith.xori %lt3A_1268, %lt3A_1270 : i1
      %and3A_1272 = arith.andi %ne3A_1271, %ne3A_1267 : i1
      %add3A_1273 = arith.addi %rem3A_1265, %select_n3A_1264 : i32
      %select_n3A_1274 = arith.select %and3A_1272, %add3A_1273, %rem3A_1265 : i32
      %eq3A_1275 = arith.constant 7 : i32
      %eq3A_1276 = arith.cmpi eq, %select_n3A_1274, %eq3A_1275 : i32
      %convert_element_type3A_1277 = arith.extui %eq3A_1276 : i1 to i32
      %cond3A_1278 = arith.constant 0 : i32
      %cond3A_1279 = arith.cmpi ne, %convert_element_type3A_1277, %cond3A_1278 : i32
      scf.if %cond3A_1279 {
        %mul3A_1280 = arith.constant 2 : i32
        %mul3A_1281 = arith.muli %mul3A_1280, %scan3A_66 : i32
        %add3A_1282 = arith.constant 1 : i32
        %add3A_1283 = arith.addi %mul3A_1281, %add3A_1282 : i32
        %jit3A_1284 = arith.constant 8 : i32
        %div3A_1285 = arith.divsi %add3A_1283, %jit3A_1284 : i32
        %sign3A_1286 = arith.constant 0 : i32
        %sign3A_1287 = arith.cmpi sgt, %add3A_1283, %sign3A_1286 : i32
        %sign3A_1288 = arith.extui %sign3A_1287 : i1 to i32
        %sign3A_1289 = arith.constant 0 : i32
        %sign3A_1290 = arith.cmpi slt, %add3A_1283, %sign3A_1289 : i32
        %sign3A_1291 = arith.extui %sign3A_1290 : i1 to i32
        %sign3A_1292 = arith.subi %sign3A_1288, %sign3A_1291 : i32
        %sign3A_1293 = arith.constant 0 : i32
        %sign3A_1294 = arith.cmpi sgt, %jit3A_1284, %sign3A_1293 : i32
        %sign3A_1295 = arith.extui %sign3A_1294 : i1 to i32
        %sign3A_1296 = arith.constant 0 : i32
        %sign3A_1297 = arith.cmpi slt, %jit3A_1284, %sign3A_1296 : i32
        %sign3A_1298 = arith.extui %sign3A_1297 : i1 to i32
        %sign3A_1299 = arith.subi %sign3A_1295, %sign3A_1298 : i32
        %ne3A_1300 = arith.cmpi ne, %sign3A_1292, %sign3A_1299 : i32
        %rem3A_1301 = arith.remsi %add3A_1283, %jit3A_1284 : i32
        %ne3A_1302 = arith.constant 0 : i32
        %ne3A_1303 = arith.cmpi ne, %rem3A_1301, %ne3A_1302 : i32
        %and3A_1304 = arith.andi %ne3A_1300, %ne3A_1303 : i1
        %sub3A_1305 = arith.constant 1 : i32
        %sub3A_1306 = arith.subi %div3A_1285, %sub3A_1305 : i32
        %select_n3A_1307 = arith.select %and3A_1304, %sub3A_1306, %div3A_1285 : i32
        %add3A_1308 = arith.addi %mul3A_18, %select_n3A_1307 : i32
        %mul3A_1309 = arith.constant 384 : i32
        %mul3A_1310 = arith.muli %add3A_1308, %mul3A_1309 : i32
        %mul3A_1311 = arith.constant 2 : i32
        %mul3A_1312 = arith.muli %mul3A_1310, %mul3A_1311 : i32
        "tpu.region"() ({
          %run_scoped3A = tpu.sem_alloc : memref<!tpu.dma_semaphore, #tpu.memory_space<semaphore_mem>>
          %dma_start3A_1313 = tpu.memref_slice %arg8[%mul3A_1312] : memref<589824xf32, #tpu.memory_space<hbm>> -> memref<768xf32, #tpu.memory_space<hbm>>
          %dma_start3A_1314 = tpu.memref_slice %arg8[%mul3A_1312] : memref<589824xf32, #tpu.memory_space<hbm>> -> memref<768xf32, #tpu.memory_space<hbm>>
          tpu.enqueue_dma source(%arg37 : memref<768xf32, #tpu.memory_space<vmem>>) target(%dma_start3A_1314 : memref<768xf32, #tpu.memory_space<hbm>>) target_semaphore(%run_scoped3A : memref<!tpu.dma_semaphore, #tpu.memory_space<semaphore_mem>>)
          %dma_wait3A_1315 = tpu.memref_slice %arg8[%mul3A_1312] : memref<589824xf32, #tpu.memory_space<hbm>> -> memref<768xf32, #tpu.memory_space<hbm>>
          %dma_wait3A_1316 = tpu.memref_slice %arg8[%mul3A_1312] : memref<589824xf32, #tpu.memory_space<hbm>> -> memref<768xf32, #tpu.memory_space<hbm>>
          tpu.wait_dma2 semaphore(%run_scoped3A : memref<!tpu.dma_semaphore, #tpu.memory_space<semaphore_mem>>) src(%arg37 : memref<768xf32, #tpu.memory_space<vmem>>) dst(%dma_wait3A_1316 : memref<768xf32, #tpu.memory_space<hbm>>)
          tpu.yield
        }) : () -> ()
      } else {
      }
    }
    %scan3A_27 = arith.constant 96 : i32
    %dma_wait3A = arith.constant 0 : i32
    %dma_wait3A_28 = arith.constant 0 : i32
    %dma_wait3A_29 = tpu.memref_slice %arg2[%dma_wait3A, %dma_wait3A_28] : memref<294912x192xf32, #tpu.memory_space<hbm>> -> memref<294912x192xf32, #tpu.memory_space<hbm>>
    tpu.wait_indirect_dma semaphore(%arg41 : memref<!tpu.dma_semaphore, #tpu.memory_space<semaphore_mem>>) src(%dma_wait3A_29 : memref<294912x192xf32, #tpu.memory_space<hbm>>) dst(%arg33 : memref<48x192xf32, #tpu.memory_space<vmem>>)
    %dma_wait3A_30 = arith.constant 0 : i32
    %dma_wait3A_31 = arith.constant 0 : i32
    %dma_wait3A_32 = tpu.memref_slice %arg2[%dma_wait3A_30, %dma_wait3A_31] : memref<294912x192xf32, #tpu.memory_space<hbm>> -> memref<294912x192xf32, #tpu.memory_space<hbm>>
    tpu.wait_indirect_dma semaphore(%arg41 : memref<!tpu.dma_semaphore, #tpu.memory_space<semaphore_mem>>) src(%dma_wait3A_32 : memref<294912x192xf32, #tpu.memory_space<hbm>>) dst(%arg34 : memref<48x192xf32, #tpu.memory_space<vmem>>)
    %dma_wait3A_33 = arith.constant 0 : i32
    %dma_wait3A_34 = arith.constant 0 : i32
    %dma_wait3A_35 = tpu.memref_slice %arg2[%dma_wait3A_33, %dma_wait3A_34] : memref<294912x192xf32, #tpu.memory_space<hbm>> -> memref<294912x192xf32, #tpu.memory_space<hbm>>
    tpu.wait_indirect_dma semaphore(%arg41 : memref<!tpu.dma_semaphore, #tpu.memory_space<semaphore_mem>>) src(%dma_wait3A_35 : memref<294912x192xf32, #tpu.memory_space<hbm>>) dst(%arg35 : memref<48x192xf32, #tpu.memory_space<vmem>>)
    %dma_wait3A_36 = arith.constant 0 : i32
    %dma_wait3A_37 = arith.constant 0 : i32
    %dma_wait3A_38 = tpu.memref_slice %arg2[%dma_wait3A_36, %dma_wait3A_37] : memref<294912x192xf32, #tpu.memory_space<hbm>> -> memref<294912x192xf32, #tpu.memory_space<hbm>>
    tpu.wait_indirect_dma semaphore(%arg41 : memref<!tpu.dma_semaphore, #tpu.memory_space<semaphore_mem>>) src(%dma_wait3A_38 : memref<294912x192xf32, #tpu.memory_space<hbm>>) dst(%arg36 : memref<48x192xf32, #tpu.memory_space<vmem>>)
    %add3A_39 = arith.constant 23 : i32
    %add3A_40 = arith.addi %sub3A_21, %add3A_39 : i32
    %dma_wait3A_41 = arith.constant 0 : i32
    %dma_wait3A_42 = arith.constant 240 : i32
    %dma_wait3A_43 = tpu.memref_slice %arg7[%select_n3A, %dma_wait3A_41, %add3A_40, %dma_wait3A_42] : memref<2x192x384x384xf32, #tpu.memory_space<hbm>> -> memref<1x192x1x48xf32, #tpu.memory_space<hbm>>
    %dma_wait3A_44 = tpu.memref_squeeze %dma_wait3A_43 : memref<1x192x1x48xf32, #tpu.memory_space<hbm>> -> memref<192x48xf32, #tpu.memory_space<hbm>>
    %dma_wait3A_45 = arith.constant 0 : i32
    %dma_wait3A_46 = arith.constant 240 : i32
    %dma_wait3A_47 = tpu.memref_slice %arg7[%select_n3A, %dma_wait3A_45, %add3A_40, %dma_wait3A_46] : memref<2x192x384x384xf32, #tpu.memory_space<hbm>> -> memref<1x192x1x48xf32, #tpu.memory_space<hbm>>
    %dma_wait3A_48 = tpu.memref_squeeze %dma_wait3A_47 : memref<1x192x1x48xf32, #tpu.memory_space<hbm>> -> memref<192x48xf32, #tpu.memory_space<hbm>>
    tpu.wait_dma2 semaphore(%arg43 : memref<!tpu.dma_semaphore, #tpu.memory_space<semaphore_mem>>) src(%arg39 : memref<192x48xf32, #tpu.memory_space<vmem>>) dst(%dma_wait3A_48 : memref<192x48xf32, #tpu.memory_space<hbm>>)
    %scan3A_49 = arith.constant 0 : i32
    %scan3A_50 = arith.constant 48 : i32
    %scan3A_51 = arith.addi %scan3A_49, %scan3A_50 : i32
    %scan3A_52 = arith.constant 1 : i32
    scf.for %scan3A_66 = %scan3A_49 to %scan3A_51 step %scan3A_52  : i32 {
      %broadcast_in_dim3A = vector.broadcast %scan3A_66 : i32 to vector<16xi32>
      %gather3A = tpu.vector_load_idx %arg29[%broadcast_in_dim3A] : memref<48xf32, #tpu.memory_space<vmem>>[vector<16xi32>], vector<16xf32>,
      %broadcast_in_dim3A_67 = vector.broadcast %scan3A_66 : i32 to vector<16xi32>
      %gather3A_68 = tpu.vector_load_idx %arg30[%broadcast_in_dim3A_67] : memref<48xf32, #tpu.memory_space<vmem>>[vector<16xi32>], vector<16xf32>,
      %broadcast_in_dim3A_69 = vector.broadcast %scan3A_66 : i32 to vector<16xi32>
      %gather3A_70 = tpu.vector_load_idx %arg31[%broadcast_in_dim3A_69] : memref<48xf32, #tpu.memory_space<vmem>>[vector<16xi32>], vector<16xf32>,
      %broadcast_in_dim3A_71 = vector.broadcast %scan3A_66 : i32 to vector<16xi32>
      %gather3A_72 = tpu.vector_load_idx %arg32[%broadcast_in_dim3A_71] : memref<48xf32, #tpu.memory_space<vmem>>[vector<16xi32>], vector<16xf32>,
      %broadcast_in_dim3A_73 = vector.broadcast %scan3A_66 : i32 to vector<16xi32>
      %get3A = arith.index_cast %scan3A_66 : i32 to index
      %get3A_74 = arith.constant 0 : index
      %get3A_75 = tpu.vector_load %arg33[%get3A, %get3A_74] {strides = array<i32>} : memref<48x192xf32, #tpu.memory_space<vmem>>, vector<16xf32>,
      %mul3A_76 = arith.mulf %get3A_75, %gather3A : vector<16xf32>
      %get3A_77 = arith.index_cast %scan3A_66 : i32 to index
      %get3A_78 = arith.constant 0 : index
      %get3A_79 = tpu.vector_load %arg34[%get3A_77, %get3A_78] {strides = array<i32>} : memref<48x192xf32, #tpu.memory_space<vmem>>, vector<16xf32>,
      %mul3A_80 = arith.mulf %get3A_79, %gather3A_68 : vector<16xf32>
      %add3A_81 = arith.addf %mul3A_76, %mul3A_80 : vector<16xf32>
      %get3A_82 = arith.index_cast %scan3A_66 : i32 to index
      %get3A_83 = arith.constant 0 : index
      %get3A_84 = tpu.vector_load %arg35[%get3A_82, %get3A_83] {strides = array<i32>} : memref<48x192xf32, #tpu.memory_space<vmem>>, vector<16xf32>,
      %mul3A_85 = arith.mulf %get3A_84, %gather3A_70 : vector<16xf32>
      %add3A_86 = arith.addf %add3A_81, %mul3A_85 : vector<16xf32>
      %get3A_87 = arith.index_cast %scan3A_66 : i32 to index
      %get3A_88 = arith.constant 0 : index
      %get3A_89 = tpu.vector_load %arg36[%get3A_87, %get3A_88] {strides = array<i32>} : memref<48x192xf32, #tpu.memory_space<vmem>>, vector<16xf32>,
      %mul3A_90 = arith.mulf %get3A_89, %gather3A_72 : vector<16xf32>
      %add3A_91 = arith.addf %add3A_86, %mul3A_90 : vector<16xf32>
      %add3A_92 = arith.constant 0 : i32
      %add3A_93 = vector.broadcast %add3A_92 : i32 to vector<16xi32>
      %add3A_94 = arith.addi %iota3A, %add3A_93 : vector<16xi32>
      tpu.vector_store_idx %arg39[%add3A_94, %broadcast_in_dim3A_73], %add3A_91 : memref<192x48xf32, #tpu.memory_space<vmem>>[vector<16xi32>, vector<16xi32>], vector<16xf32>,
      %get3A_95 = arith.index_cast %scan3A_66 : i32 to index
      %get3A_96 = arith.constant 16 : index
      %get3A_97 = tpu.vector_load %arg33[%get3A_95, %get3A_96] {strides = array<i32>} : memref<48x192xf32, #tpu.memory_space<vmem>>, vector<16xf32>,
      %mul3A_98 = arith.mulf %get3A_97, %gather3A : vector<16xf32>
      %get3A_99 = arith.index_cast %scan3A_66 : i32 to index
      %get3A_100 = arith.constant 16 : index
      %get3A_101 = tpu.vector_load %arg34[%get3A_99, %get3A_100] {strides = array<i32>} : memref<48x192xf32, #tpu.memory_space<vmem>>, vector<16xf32>,
      %mul3A_102 = arith.mulf %get3A_101, %gather3A_68 : vector<16xf32>
      %add3A_103 = arith.addf %mul3A_98, %mul3A_102 : vector<16xf32>
      %get3A_104 = arith.index_cast %scan3A_66 : i32 to index
      %get3A_105 = arith.constant 16 : index
      %get3A_106 = tpu.vector_load %arg35[%get3A_104, %get3A_105] {strides = array<i32>} : memref<48x192xf32, #tpu.memory_space<vmem>>, vector<16xf32>,
      %mul3A_107 = arith.mulf %get3A_106, %gather3A_70 : vector<16xf32>
      %add3A_108 = arith.addf %add3A_103, %mul3A_107 : vector<16xf32>
      %get3A_109 = arith.index_cast %scan3A_66 : i32 to index
      %get3A_110 = arith.constant 16 : index
      %get3A_111 = tpu.vector_load %arg36[%get3A_109, %get3A_110] {strides = array<i32>} : memref<48x192xf32, #tpu.memory_space<vmem>>, vector<16xf32>,
      %mul3A_112 = arith.mulf %get3A_111, %gather3A_72 : vector<16xf32>
      %add3A_113 = arith.addf %add3A_108, %mul3A_112 : vector<16xf32>
      %add3A_114 = arith.constant 16 : i32
      %add3A_115 = vector.broadcast %add3A_114 : i32 to vector<16xi32>
      %add3A_116 = arith.addi %iota3A, %add3A_115 : vector<16xi32>
      tpu.vector_store_idx %arg39[%add3A_116, %broadcast_in_dim3A_73], %add3A_113 : memref<192x48xf32, #tpu.memory_space<vmem>>[vector<16xi32>, vector<16xi32>], vector<16xf32>,
      %get3A_117 = arith.index_cast %scan3A_66 : i32 to index
      %get3A_118 = arith.constant 32 : index
      %get3A_119 = tpu.vector_load %arg33[%get3A_117, %get3A_118] {strides = array<i32>} : memref<48x192xf32, #tpu.memory_space<vmem>>, vector<16xf32>,
      %mul3A_120 = arith.mulf %get3A_119, %gather3A : vector<16xf32>
      %get3A_121 = arith.index_cast %scan3A_66 : i32 to index
      %get3A_122 = arith.constant 32 : index
      %get3A_123 = tpu.vector_load %arg34[%get3A_121, %get3A_122] {strides = array<i32>} : memref<48x192xf32, #tpu.memory_space<vmem>>, vector<16xf32>,
      %mul3A_124 = arith.mulf %get3A_123, %gather3A_68 : vector<16xf32>
      %add3A_125 = arith.addf %mul3A_120, %mul3A_124 : vector<16xf32>
      %get3A_126 = arith.index_cast %scan3A_66 : i32 to index
      %get3A_127 = arith.constant 32 : index
      %get3A_128 = tpu.vector_load %arg35[%get3A_126, %get3A_127] {strides = array<i32>} : memref<48x192xf32, #tpu.memory_space<vmem>>, vector<16xf32>,
      %mul3A_129 = arith.mulf %get3A_128, %gather3A_70 : vector<16xf32>
      %add3A_130 = arith.addf %add3A_125, %mul3A_129 : vector<16xf32>
      %get3A_131 = arith.index_cast %scan3A_66 : i32 to index
      %get3A_132 = arith.constant 32 : index
      %get3A_133 = tpu.vector_load %arg36[%get3A_131, %get3A_132] {strides = array<i32>} : memref<48x192xf32, #tpu.memory_space<vmem>>, vector<16xf32>,
      %mul3A_134 = arith.mulf %get3A_133, %gather3A_72 : vector<16xf32>
      %add3A_135 = arith.addf %add3A_130, %mul3A_134 : vector<16xf32>
      %add3A_136 = arith.constant 32 : i32
      %add3A_137 = vector.broadcast %add3A_136 : i32 to vector<16xi32>
      %add3A_138 = arith.addi %iota3A, %add3A_137 : vector<16xi32>
      tpu.vector_store_idx %arg39[%add3A_138, %broadcast_in_dim3A_73], %add3A_135 : memref<192x48xf32, #tpu.memory_space<vmem>>[vector<16xi32>, vector<16xi32>], vector<16xf32>,
      %get3A_139 = arith.index_cast %scan3A_66 : i32 to index
      %get3A_140 = arith.constant 48 : index
      %get3A_141 = tpu.vector_load %arg33[%get3A_139, %get3A_140] {strides = array<i32>} : memref<48x192xf32, #tpu.memory_space<vmem>>, vector<16xf32>,
      %mul3A_142 = arith.mulf %get3A_141, %gather3A : vector<16xf32>
      %get3A_143 = arith.index_cast %scan3A_66 : i32 to index
      %get3A_144 = arith.constant 48 : index
      %get3A_145 = tpu.vector_load %arg34[%get3A_143, %get3A_144] {strides = array<i32>} : memref<48x192xf32, #tpu.memory_space<vmem>>, vector<16xf32>,
      %mul3A_146 = arith.mulf %get3A_145, %gather3A_68 : vector<16xf32>
      %add3A_147 = arith.addf %mul3A_142, %mul3A_146 : vector<16xf32>
      %get3A_148 = arith.index_cast %scan3A_66 : i32 to index
      %get3A_149 = arith.constant 48 : index
      %get3A_150 = tpu.vector_load %arg35[%get3A_148, %get3A_149] {strides = array<i32>} : memref<48x192xf32, #tpu.memory_space<vmem>>, vector<16xf32>,
      %mul3A_151 = arith.mulf %get3A_150, %gather3A_70 : vector<16xf32>
      %add3A_152 = arith.addf %add3A_147, %mul3A_151 : vector<16xf32>
      %get3A_153 = arith.index_cast %scan3A_66 : i32 to index
      %get3A_154 = arith.constant 48 : index
      %get3A_155 = tpu.vector_load %arg36[%get3A_153, %get3A_154] {strides = array<i32>} : memref<48x192xf32, #tpu.memory_space<vmem>>, vector<16xf32>,
      %mul3A_156 = arith.mulf %get3A_155, %gather3A_72 : vector<16xf32>
      %add3A_157 = arith.addf %add3A_152, %mul3A_156 : vector<16xf32>
      %add3A_158 = arith.constant 48 : i32
      %add3A_159 = vector.broadcast %add3A_158 : i32 to vector<16xi32>
      %add3A_160 = arith.addi %iota3A, %add3A_159 : vector<16xi32>
      tpu.vector_store_idx %arg39[%add3A_160, %broadcast_in_dim3A_73], %add3A_157 : memref<192x48xf32, #tpu.memory_space<vmem>>[vector<16xi32>, vector<16xi32>], vector<16xf32>,
      %get3A_161 = arith.index_cast %scan3A_66 : i32 to index
      %get3A_162 = arith.constant 64 : index
      %get3A_163 = tpu.vector_load %arg33[%get3A_161, %get3A_162] {strides = array<i32>} : memref<48x192xf32, #tpu.memory_space<vmem>>, vector<16xf32>,
      %mul3A_164 = arith.mulf %get3A_163, %gather3A : vector<16xf32>
      %get3A_165 = arith.index_cast %scan3A_66 : i32 to index
      %get3A_166 = arith.constant 64 : index
      %get3A_167 = tpu.vector_load %arg34[%get3A_165, %get3A_166] {strides = array<i32>} : memref<48x192xf32, #tpu.memory_space<vmem>>, vector<16xf32>,
      %mul3A_168 = arith.mulf %get3A_167, %gather3A_68 : vector<16xf32>
      %add3A_169 = arith.addf %mul3A_164, %mul3A_168 : vector<16xf32>
      %get3A_170 = arith.index_cast %scan3A_66 : i32 to index
      %get3A_171 = arith.constant 64 : index
      %get3A_172 = tpu.vector_load %arg35[%get3A_170, %get3A_171] {strides = array<i32>} : memref<48x192xf32, #tpu.memory_space<vmem>>, vector<16xf32>,
      %mul3A_173 = arith.mulf %get3A_172, %gather3A_70 : vector<16xf32>
      %add3A_174 = arith.addf %add3A_169, %mul3A_173 : vector<16xf32>
      %get3A_175 = arith.index_cast %scan3A_66 : i32 to index
      %get3A_176 = arith.constant 64 : index
      %get3A_177 = tpu.vector_load %arg36[%get3A_175, %get3A_176] {strides = array<i32>} : memref<48x192xf32, #tpu.memory_space<vmem>>, vector<16xf32>,
      %mul3A_178 = arith.mulf %get3A_177, %gather3A_72 : vector<16xf32>
      %add3A_179 = arith.addf %add3A_174, %mul3A_178 : vector<16xf32>
      %add3A_180 = arith.constant 64 : i32
      %add3A_181 = vector.broadcast %add3A_180 : i32 to vector<16xi32>
      %add3A_182 = arith.addi %iota3A, %add3A_181 : vector<16xi32>
      tpu.vector_store_idx %arg39[%add3A_182, %broadcast_in_dim3A_73], %add3A_179 : memref<192x48xf32, #tpu.memory_space<vmem>>[vector<16xi32>, vector<16xi32>], vector<16xf32>,
      %get3A_183 = arith.index_cast %scan3A_66 : i32 to index
      %get3A_184 = arith.constant 80 : index
      %get3A_185 = tpu.vector_load %arg33[%get3A_183, %get3A_184] {strides = array<i32>} : memref<48x192xf32, #tpu.memory_space<vmem>>, vector<16xf32>,
      %mul3A_186 = arith.mulf %get3A_185, %gather3A : vector<16xf32>
      %get3A_187 = arith.index_cast %scan3A_66 : i32 to index
      %get3A_188 = arith.constant 80 : index
      %get3A_189 = tpu.vector_load %arg34[%get3A_187, %get3A_188] {strides = array<i32>} : memref<48x192xf32, #tpu.memory_space<vmem>>, vector<16xf32>,
      %mul3A_190 = arith.mulf %get3A_189, %gather3A_68 : vector<16xf32>
      %add3A_191 = arith.addf %mul3A_186, %mul3A_190 : vector<16xf32>
      %get3A_192 = arith.index_cast %scan3A_66 : i32 to index
      %get3A_193 = arith.constant 80 : index
      %get3A_194 = tpu.vector_load %arg35[%get3A_192, %get3A_193] {strides = array<i32>} : memref<48x192xf32, #tpu.memory_space<vmem>>, vector<16xf32>,
      %mul3A_195 = arith.mulf %get3A_194, %gather3A_70 : vector<16xf32>
      %add3A_196 = arith.addf %add3A_191, %mul3A_195 : vector<16xf32>
      %get3A_197 = arith.index_cast %scan3A_66 : i32 to index
      %get3A_198 = arith.constant 80 : index
      %get3A_199 = tpu.vector_load %arg36[%get3A_197, %get3A_198] {strides = array<i32>} : memref<48x192xf32, #tpu.memory_space<vmem>>, vector<16xf32>,
      %mul3A_200 = arith.mulf %get3A_199, %gather3A_72 : vector<16xf32>
      %add3A_201 = arith.addf %add3A_196, %mul3A_200 : vector<16xf32>
      %add3A_202 = arith.constant 80 : i32
      %add3A_203 = vector.broadcast %add3A_202 : i32 to vector<16xi32>
      %add3A_204 = arith.addi %iota3A, %add3A_203 : vector<16xi32>
      tpu.vector_store_idx %arg39[%add3A_204, %broadcast_in_dim3A_73], %add3A_201 : memref<192x48xf32, #tpu.memory_space<vmem>>[vector<16xi32>, vector<16xi32>], vector<16xf32>,
      %get3A_205 = arith.index_cast %scan3A_66 : i32 to index
      %get3A_206 = arith.constant 96 : index
      %get3A_207 = tpu.vector_load %arg33[%get3A_205, %get3A_206] {strides = array<i32>} : memref<48x192xf32, #tpu.memory_space<vmem>>, vector<16xf32>,
      %mul3A_208 = arith.mulf %get3A_207, %gather3A : vector<16xf32>
      %get3A_209 = arith.index_cast %scan3A_66 : i32 to index
      %get3A_210 = arith.constant 96 : index
      %get3A_211 = tpu.vector_load %arg34[%get3A_209, %get3A_210] {strides = array<i32>} : memref<48x192xf32, #tpu.memory_space<vmem>>, vector<16xf32>,
      %mul3A_212 = arith.mulf %get3A_211, %gather3A_68 : vector<16xf32>
      %add3A_213 = arith.addf %mul3A_208, %mul3A_212 : vector<16xf32>
      %get3A_214 = arith.index_cast %scan3A_66 : i32 to index
      %get3A_215 = arith.constant 96 : index
      %get3A_216 = tpu.vector_load %arg35[%get3A_214, %get3A_215] {strides = array<i32>} : memref<48x192xf32, #tpu.memory_space<vmem>>, vector<16xf32>,
      %mul3A_217 = arith.mulf %get3A_216, %gather3A_70 : vector<16xf32>
      %add3A_218 = arith.addf %add3A_213, %mul3A_217 : vector<16xf32>
      %get3A_219 = arith.index_cast %scan3A_66 : i32 to index
      %get3A_220 = arith.constant 96 : index
      %get3A_221 = tpu.vector_load %arg36[%get3A_219, %get3A_220] {strides = array<i32>} : memref<48x192xf32, #tpu.memory_space<vmem>>, vector<16xf32>,
      %mul3A_222 = arith.mulf %get3A_221, %gather3A_72 : vector<16xf32>
      %add3A_223 = arith.addf %add3A_218, %mul3A_222 : vector<16xf32>
      %add3A_224 = arith.constant 96 : i32
      %add3A_225 = vector.broadcast %add3A_224 : i32 to vector<16xi32>
      %add3A_226 = arith.addi %iota3A, %add3A_225 : vector<16xi32>
      tpu.vector_store_idx %arg39[%add3A_226, %broadcast_in_dim3A_73], %add3A_223 : memref<192x48xf32, #tpu.memory_space<vmem>>[vector<16xi32>, vector<16xi32>], vector<16xf32>,
      %get3A_227 = arith.index_cast %scan3A_66 : i32 to index
      %get3A_228 = arith.constant 112 : index
      %get3A_229 = tpu.vector_load %arg33[%get3A_227, %get3A_228] {strides = array<i32>} : memref<48x192xf32, #tpu.memory_space<vmem>>, vector<16xf32>,
      %mul3A_230 = arith.mulf %get3A_229, %gather3A : vector<16xf32>
      %get3A_231 = arith.index_cast %scan3A_66 : i32 to index
      %get3A_232 = arith.constant 112 : index
      %get3A_233 = tpu.vector_load %arg34[%get3A_231, %get3A_232] {strides = array<i32>} : memref<48x192xf32, #tpu.memory_space<vmem>>, vector<16xf32>,
      %mul3A_234 = arith.mulf %get3A_233, %gather3A_68 : vector<16xf32>
      %add3A_235 = arith.addf %mul3A_230, %mul3A_234 : vector<16xf32>
      %get3A_236 = arith.index_cast %scan3A_66 : i32 to index
      %get3A_237 = arith.constant 112 : index
      %get3A_238 = tpu.vector_load %arg35[%get3A_236, %get3A_237] {strides = array<i32>} : memref<48x192xf32, #tpu.memory_space<vmem>>, vector<16xf32>,
      %mul3A_239 = arith.mulf %get3A_238, %gather3A_70 : vector<16xf32>
      %add3A_240 = arith.addf %add3A_235, %mul3A_239 : vector<16xf32>
      %get3A_241 = arith.index_cast %scan3A_66 : i32 to index
      %get3A_242 = arith.constant 112 : index
      %get3A_243 = tpu.vector_load %arg36[%get3A_241, %get3A_242] {strides = array<i32>} : memref<48x192xf32, #tpu.memory_space<vmem>>, vector<16xf32>,
      %mul3A_244 = arith.mulf %get3A_243, %gather3A_72 : vector<16xf32>
      %add3A_245 = arith.addf %add3A_240, %mul3A_244 : vector<16xf32>
      %add3A_246 = arith.constant 112 : i32
      %add3A_247 = vector.broadcast %add3A_246 : i32 to vector<16xi32>
      %add3A_248 = arith.addi %iota3A, %add3A_247 : vector<16xi32>
      tpu.vector_store_idx %arg39[%add3A_248, %broadcast_in_dim3A_73], %add3A_245 : memref<192x48xf32, #tpu.memory_space<vmem>>[vector<16xi32>, vector<16xi32>], vector<16xf32>,
      %get3A_249 = arith.index_cast %scan3A_66 : i32 to index
      %get3A_250 = arith.constant 128 : index
      %get3A_251 = tpu.vector_load %arg33[%get3A_249, %get3A_250] {strides = array<i32>} : memref<48x192xf32, #tpu.memory_space<vmem>>, vector<16xf32>,
      %mul3A_252 = arith.mulf %get3A_251, %gather3A : vector<16xf32>
      %get3A_253 = arith.index_cast %scan3A_66 : i32 to index
      %get3A_254 = arith.constant 128 : index
      %get3A_255 = tpu.vector_load %arg34[%get3A_253, %get3A_254] {strides = array<i32>} : memref<48x192xf32, #tpu.memory_space<vmem>>, vector<16xf32>,
      %mul3A_256 = arith.mulf %get3A_255, %gather3A_68 : vector<16xf32>
      %add3A_257 = arith.addf %mul3A_252, %mul3A_256 : vector<16xf32>
      %get3A_258 = arith.index_cast %scan3A_66 : i32 to index
      %get3A_259 = arith.constant 128 : index
      %get3A_260 = tpu.vector_load %arg35[%get3A_258, %get3A_259] {strides = array<i32>} : memref<48x192xf32, #tpu.memory_space<vmem>>, vector<16xf32>,
      %mul3A_261 = arith.mulf %get3A_260, %gather3A_70 : vector<16xf32>
      %add3A_262 = arith.addf %add3A_257, %mul3A_261 : vector<16xf32>
      %get3A_263 = arith.index_cast %scan3A_66 : i32 to index
      %get3A_264 = arith.constant 128 : index
      %get3A_265 = tpu.vector_load %arg36[%get3A_263, %get3A_264] {strides = array<i32>} : memref<48x192xf32, #tpu.memory_space<vmem>>, vector<16xf32>,
      %mul3A_266 = arith.mulf %get3A_265, %gather3A_72 : vector<16xf32>
      %add3A_267 = arith.addf %add3A_262, %mul3A_266 : vector<16xf32>
      %add3A_268 = arith.constant 128 : i32
      %add3A_269 = vector.broadcast %add3A_268 : i32 to vector<16xi32>
      %add3A_270 = arith.addi %iota3A, %add3A_269 : vector<16xi32>
      tpu.vector_store_idx %arg39[%add3A_270, %broadcast_in_dim3A_73], %add3A_267 : memref<192x48xf32, #tpu.memory_space<vmem>>[vector<16xi32>, vector<16xi32>], vector<16xf32>,
      %get3A_271 = arith.index_cast %scan3A_66 : i32 to index
      %get3A_272 = arith.constant 144 : index
      %get3A_273 = tpu.vector_load %arg33[%get3A_271, %get3A_272] {strides = array<i32>} : memref<48x192xf32, #tpu.memory_space<vmem>>, vector<16xf32>,
      %mul3A_274 = arith.mulf %get3A_273, %gather3A : vector<16xf32>
      %get3A_275 = arith.index_cast %scan3A_66 : i32 to index
      %get3A_276 = arith.constant 144 : index
      %get3A_277 = tpu.vector_load %arg34[%get3A_275, %get3A_276] {strides = array<i32>} : memref<48x192xf32, #tpu.memory_space<vmem>>, vector<16xf32>,
      %mul3A_278 = arith.mulf %get3A_277, %gather3A_68 : vector<16xf32>
      %add3A_279 = arith.addf %mul3A_274, %mul3A_278 : vector<16xf32>
      %get3A_280 = arith.index_cast %scan3A_66 : i32 to index
      %get3A_281 = arith.constant 144 : index
      %get3A_282 = tpu.vector_load %arg35[%get3A_280, %get3A_281] {strides = array<i32>} : memref<48x192xf32, #tpu.memory_space<vmem>>, vector<16xf32>,
      %mul3A_283 = arith.mulf %get3A_282, %gather3A_70 : vector<16xf32>
      %add3A_284 = arith.addf %add3A_279, %mul3A_283 : vector<16xf32>
      %get3A_285 = arith.index_cast %scan3A_66 : i32 to index
      %get3A_286 = arith.constant 144 : index
      %get3A_287 = tpu.vector_load %arg36[%get3A_285, %get3A_286] {strides = array<i32>} : memref<48x192xf32, #tpu.memory_space<vmem>>, vector<16xf32>,
      %mul3A_288 = arith.mulf %get3A_287, %gather3A_72 : vector<16xf32>
      %add3A_289 = arith.addf %add3A_284, %mul3A_288 : vector<16xf32>
      %add3A_290 = arith.constant 144 : i32
      %add3A_291 = vector.broadcast %add3A_290 : i32 to vector<16xi32>
      %add3A_292 = arith.addi %iota3A, %add3A_291 : vector<16xi32>
      tpu.vector_store_idx %arg39[%add3A_292, %broadcast_in_dim3A_73], %add3A_289 : memref<192x48xf32, #tpu.memory_space<vmem>>[vector<16xi32>, vector<16xi32>], vector<16xf32>,
      %get3A_293 = arith.index_cast %scan3A_66 : i32 to index
      %get3A_294 = arith.constant 160 : index
      %get3A_295 = tpu.vector_load %arg33[%get3A_293, %get3A_294] {strides = array<i32>} : memref<48x192xf32, #tpu.memory_space<vmem>>, vector<16xf32>,
      %mul3A_296 = arith.mulf %get3A_295, %gather3A : vector<16xf32>
      %get3A_297 = arith.index_cast %scan3A_66 : i32 to index
      %get3A_298 = arith.constant 160 : index
      %get3A_299 = tpu.vector_load %arg34[%get3A_297, %get3A_298] {strides = array<i32>} : memref<48x192xf32, #tpu.memory_space<vmem>>, vector<16xf32>,
      %mul3A_300 = arith.mulf %get3A_299, %gather3A_68 : vector<16xf32>
      %add3A_301 = arith.addf %mul3A_296, %mul3A_300 : vector<16xf32>
      %get3A_302 = arith.index_cast %scan3A_66 : i32 to index
      %get3A_303 = arith.constant 160 : index
      %get3A_304 = tpu.vector_load %arg35[%get3A_302, %get3A_303] {strides = array<i32>} : memref<48x192xf32, #tpu.memory_space<vmem>>, vector<16xf32>,
      %mul3A_305 = arith.mulf %get3A_304, %gather3A_70 : vector<16xf32>
      %add3A_306 = arith.addf %add3A_301, %mul3A_305 : vector<16xf32>
      %get3A_307 = arith.index_cast %scan3A_66 : i32 to index
      %get3A_308 = arith.constant 160 : index
      %get3A_309 = tpu.vector_load %arg36[%get3A_307, %get3A_308] {strides = array<i32>} : memref<48x192xf32, #tpu.memory_space<vmem>>, vector<16xf32>,
      %mul3A_310 = arith.mulf %get3A_309, %gather3A_72 : vector<16xf32>
      %add3A_311 = arith.addf %add3A_306, %mul3A_310 : vector<16xf32>
      %add3A_312 = arith.constant 160 : i32
      %add3A_313 = vector.broadcast %add3A_312 : i32 to vector<16xi32>
      %add3A_314 = arith.addi %iota3A, %add3A_313 : vector<16xi32>
      tpu.vector_store_idx %arg39[%add3A_314, %broadcast_in_dim3A_73], %add3A_311 : memref<192x48xf32, #tpu.memory_space<vmem>>[vector<16xi32>, vector<16xi32>], vector<16xf32>,
      %get3A_315 = arith.index_cast %scan3A_66 : i32 to index
      %get3A_316 = arith.constant 176 : index
      %get3A_317 = tpu.vector_load %arg33[%get3A_315, %get3A_316] {strides = array<i32>} : memref<48x192xf32, #tpu.memory_space<vmem>>, vector<16xf32>,
      %mul3A_318 = arith.mulf %get3A_317, %gather3A : vector<16xf32>
      %get3A_319 = arith.index_cast %scan3A_66 : i32 to index
      %get3A_320 = arith.constant 176 : index
      %get3A_321 = tpu.vector_load %arg34[%get3A_319, %get3A_320] {strides = array<i32>} : memref<48x192xf32, #tpu.memory_space<vmem>>, vector<16xf32>,
      %mul3A_322 = arith.mulf %get3A_321, %gather3A_68 : vector<16xf32>
      %add3A_323 = arith.addf %mul3A_318, %mul3A_322 : vector<16xf32>
      %get3A_324 = arith.index_cast %scan3A_66 : i32 to index
      %get3A_325 = arith.constant 176 : index
      %get3A_326 = tpu.vector_load %arg35[%get3A_324, %get3A_325] {strides = array<i32>} : memref<48x192xf32, #tpu.memory_space<vmem>>, vector<16xf32>,
      %mul3A_327 = arith.mulf %get3A_326, %gather3A_70 : vector<16xf32>
      %add3A_328 = arith.addf %add3A_323, %mul3A_327 : vector<16xf32>
      %get3A_329 = arith.index_cast %scan3A_66 : i32 to index
      %get3A_330 = arith.constant 176 : index
      %get3A_331 = tpu.vector_load %arg36[%get3A_329, %get3A_330] {strides = array<i32>} : memref<48x192xf32, #tpu.memory_space<vmem>>, vector<16xf32>,
      %mul3A_332 = arith.mulf %get3A_331, %gather3A_72 : vector<16xf32>
      %add3A_333 = arith.addf %add3A_328, %mul3A_332 : vector<16xf32>
      %add3A_334 = arith.constant 176 : i32
      %add3A_335 = vector.broadcast %add3A_334 : i32 to vector<16xi32>
      %add3A_336 = arith.addi %iota3A, %add3A_335 : vector<16xi32>
      tpu.vector_store_idx %arg39[%add3A_336, %broadcast_in_dim3A_73], %add3A_333 : memref<192x48xf32, #tpu.memory_space<vmem>>[vector<16xi32>, vector<16xi32>], vector<16xf32>,
    }
    %scan3A_53 = arith.constant 48 : i32
    %add3A_54 = arith.constant 23 : i32
    %add3A_55 = arith.addi %sub3A_21, %add3A_54 : i32
    "tpu.region"() ({
      %run_scoped3A = tpu.sem_alloc : memref<!tpu.dma_semaphore, #tpu.memory_space<semaphore_mem>>
      %dma_start3A = arith.constant 0 : i32
      %dma_start3A_66 = arith.constant 336 : i32
      %dma_start3A_67 = tpu.memref_slice %arg7[%select_n3A, %dma_start3A, %add3A_55, %dma_start3A_66] : memref<2x192x384x384xf32, #tpu.memory_space<hbm>> -> memref<1x192x1x48xf32, #tpu.memory_space<hbm>>
      %dma_start3A_68 = tpu.memref_squeeze %dma_start3A_67 : memref<1x192x1x48xf32, #tpu.memory_space<hbm>> -> memref<192x48xf32, #tpu.memory_space<hbm>>
      %dma_start3A_69 = arith.constant 0 : i32
      %dma_start3A_70 = arith.constant 336 : i32
      %dma_start3A_71 = tpu.memref_slice %arg7[%select_n3A, %dma_start3A_69, %add3A_55, %dma_start3A_70] : memref<2x192x384x384xf32, #tpu.memory_space<hbm>> -> memref<1x192x1x48xf32, #tpu.memory_space<hbm>>
      %dma_start3A_72 = tpu.memref_squeeze %dma_start3A_71 : memref<1x192x1x48xf32, #tpu.memory_space<hbm>> -> memref<192x48xf32, #tpu.memory_space<hbm>>
      tpu.enqueue_dma source(%arg39 : memref<192x48xf32, #tpu.memory_space<vmem>>) target(%dma_start3A_72 : memref<192x48xf32, #tpu.memory_space<hbm>>) target_semaphore(%run_scoped3A : memref<!tpu.dma_semaphore, #tpu.memory_space<semaphore_mem>>)
      %dma_wait3A_73 = arith.constant 0 : i32
      %dma_wait3A_74 = arith.constant 336 : i32
      %dma_wait3A_75 = tpu.memref_slice %arg7[%select_n3A, %dma_wait3A_73, %add3A_55, %dma_wait3A_74] : memref<2x192x384x384xf32, #tpu.memory_space<hbm>> -> memref<1x192x1x48xf32, #tpu.memory_space<hbm>>
      %dma_wait3A_76 = tpu.memref_squeeze %dma_wait3A_75 : memref<1x192x1x48xf32, #tpu.memory_space<hbm>> -> memref<192x48xf32, #tpu.memory_space<hbm>>
      %dma_wait3A_77 = arith.constant 0 : i32
      %dma_wait3A_78 = arith.constant 336 : i32
      %dma_wait3A_79 = tpu.memref_slice %arg7[%select_n3A, %dma_wait3A_77, %add3A_55, %dma_wait3A_78] : memref<2x192x384x384xf32, #tpu.memory_space<hbm>> -> memref<1x192x1x48xf32, #tpu.memory_space<hbm>>
      %dma_wait3A_80 = tpu.memref_squeeze %dma_wait3A_79 : memref<1x192x1x48xf32, #tpu.memory_space<hbm>> -> memref<192x48xf32, #tpu.memory_space<hbm>>
      tpu.wait_dma2 semaphore(%run_scoped3A : memref<!tpu.dma_semaphore, #tpu.memory_space<semaphore_mem>>) src(%arg39 : memref<192x48xf32, #tpu.memory_space<vmem>>) dst(%dma_wait3A_80 : memref<192x48xf32, #tpu.memory_space<hbm>>)
      tpu.yield
    }) : () -> ()
    %add3A_56 = arith.constant 23 : i32
    %add3A_57 = arith.addi %sub3A_21, %add3A_56 : i32
    %dma_wait3A_58 = arith.constant 0 : i32
    %dma_wait3A_59 = arith.constant 288 : i32
    %dma_wait3A_60 = tpu.memref_slice %arg7[%select_n3A, %dma_wait3A_58, %add3A_57, %dma_wait3A_59] : memref<2x192x384x384xf32, #tpu.memory_space<hbm>> -> memref<1x192x1x48xf32, #tpu.memory_space<hbm>>
    %dma_wait3A_61 = tpu.memref_squeeze %dma_wait3A_60 : memref<1x192x1x48xf32, #tpu.memory_space<hbm>> -> memref<192x48xf32, #tpu.memory_space<hbm>>
    %dma_wait3A_62 = arith.constant 0 : i32
    %dma_wait3A_63 = arith.constant 288 : i32
    %dma_wait3A_64 = tpu.memref_slice %arg7[%select_n3A, %dma_wait3A_62, %add3A_57, %dma_wait3A_63] : memref<2x192x384x384xf32, #tpu.memory_space<hbm>> -> memref<1x192x1x48xf32, #tpu.memory_space<hbm>>
    %dma_wait3A_65 = tpu.memref_squeeze %dma_wait3A_64 : memref<1x192x1x48xf32, #tpu.memory_space<hbm>> -> memref<192x48xf32, #tpu.memory_space<hbm>>
    tpu.wait_dma2 semaphore(%arg42 : memref<!tpu.dma_semaphore, #tpu.memory_space<semaphore_mem>>) src(%arg38 : memref<192x48xf32, #tpu.memory_space<vmem>>) dst(%dma_wait3A_65 : memref<192x48xf32, #tpu.memory_space<hbm>>)
    return
  }
}

</mosaic_0001>

<sc_bundles>
// kernel: kernel.3.cloned.1.call-start
scs
__scs_entry_jumppad:
0x0: {  	(pc) =	sbr.rel $0x88, $3  }
0x1: {  	(tag) =	ssettag $0x0;
	lr =	simm.s32 $0x1  }
0x2: {  	[smem:$0x3F9F] =	sst lr;
	_ =	strace $0xD0000000  }
0x3: {  	_ = 	snop  }
0x4: {  	_ = 	snop  }
0x5: {  	_ = 	snop  }
0x6: {  	_ = 	snop  }
0x7: {  	_ = 	snop  }
__scs_overlays_trampoline_lowered:
0x8: {  	[smem:$0x3FAE] =	sst s0  }
0x9: {  	[smem:$0x3FAF] =	sst s1  }
0xa: {  	[smem:$0x3FB0] =	sst s2  }
0xb: {  	[smem:$0x3FB1] =	sst s3  }
0xc: {  	[smem:$0x3FB2] =	sst s4  }
0xd: {  	[smem:$0x3FB3] =	sst s5  }
0xe: {  	[smem:$0x3FB4] =	sst s6  }
0xf: {  	[smem:$0x3FB5] =	sst s7  }
0x10: {  	[smem:$0x3FB6] =	sst s8  }
0x11: {  	[smem:$0x3FB7] =	sst s9;
	s0 =	simm.s32 @!p0 $0x0  }
0x12: {  	s1 =	sld [smem:$0x3F9D];
	s0 =	simm.s32 @p0 $0x1  }
0x13: {  	[smem:$0x3FB8] =	sst s0;
	s0 =	simm.s32 @!p1 $0x0  }
0x14: {  	s2 =	sld [smem:$0x3F9C];
	s0 =	simm.s32 @p1 $0x1  }
0x15: {  	[smem:$0x3FB9] =	sst s0;
	s0 =	simm.s32 @!p2 $0x0  }
0x16: {  	s3 =	sld [smem:$0x3FDB];
	s0 =	simm.s32 @p2 $0x1  }
0x17: {  	s4 =	simm.s32 $0x1BF5;
	[smem:$0x3FBB] =	sst s0  }
0x18: {  	s0 =	sld [smem:$0x3F9E];
	_ =	swait.ge [sflag:s4], $0x0  }
0x19: {  	s7 =	sld [smem:$0x3F9F]  }
0x1a: {  	s8 =	sadd.s32 $0xFFFFE003, lr  }
0x1b: {  	s9 =	sadd.s32 $0xFFFFFEF7, lr;
	s5 =	simm.s32 $0xFFFFFFFF;
	p2 =	slt.u32 s8, $0xFFFFF086  }
0x1c: {  	p1 =	slt.u32 s9, $0xF7A;
	s5 =	simm.s32 @!p2 $0x0  }
0x1d: {  	s5 =	simm.s32 @p1 $0x1;
	p0 =	seq.s32 s7, s2  }
0x1e: {  	s7 =	smul.u32 @!p0 $0xF7A, s2;
	p2 =	seq.s32 @!p0 s5, $0x0  }
0x1f: {  	s9 =	smul.u32 $0xF7A, s1;
	s8 =	simm.s32 @!p0 $0x1BF5;
	p2 =	por !p2, p0  }
0x20: {  	[sflag:s8] =	ssyncset.s32 @!p0 $0xFFFFF086;
	s6 =	sadd.s32 @!p0 s3, s7;
	s7 =	simm.s32 @!p0 $0x108  }
0x21: {  	s3 =	sadd.s32 s3, s9;
	s6 =	sadd.s32 @!p0 $0x88, s6;
	s7 =	simm.s32 @p2 $0x1082  }
0x22: {  	[simem:s7], [sflag:s8] =	dma.local @!p0 [hbm:s6], $0xF7A  }
0x23: {  	s9 =	sor.u32 $0xD0000000, s2;
	s6 =	simm.s32 $0x108;
	_ =	swait.ge @!p0 [sflag:s8], $0x0  }
0x24: {  	s3 =	sadd.s32 $0x88, s3;
	s6 =	simm.s32 @!p1 $0x1082;
	[sflag:s4] =	ssyncset.s32 $0xFFFFF086  }
0x25: {  	[simem:s6], [sflag:s4] =	dma.local [hbm:s3], $0xF7A  }
0x26: {  	[smem:$0x3F9F] =	sst s1;
	(tag) =	ssettag s2;
	_ =	strace s9  }
0x27: {  	s1 =	sld [smem:$0x3FAF]  }
0x28: {  	s2 =	sld [smem:$0x3FB0]  }
0x29: {  	s4 =	sld [smem:$0x3FB2]  }
0x2a: {  	p0 =	seq.s32 s5, $0x0;
	s5 =	sld [smem:$0x3FB3]  }
0x2b: {  	s6 =	sld [smem:$0x3FB4]  }
0x2c: {  	s7 =	sld [smem:$0x3FB5]  }
0x2d: {  	s3 =	simm.s32 $0x108;
	s8 =	sld [smem:$0x3FB6]  }
0x2e: {  	s3 =	simm.s32 @!p0 $0x1082;
	s9 =	sld [smem:$0x3FB7]  }
0x2f: {  	lr =	sadd.s32 s0, s3;
	s0 =	sld [smem:$0x3FAE]  }
0x30: {  	s3 =	sld [smem:$0x3FB1]  }
0x31: {  	[smem:$0x3FBA] =	sst s10  }
0x32: {  	s10 =	sld [smem:$0x3FB8];
	_ =	sdelay $0x3  }
0x33: {  	p0 =	seq.s32 s10, $0x1;
	s10 =	sld [smem:$0x3FBA];
	_ =	sdelay $0x3  }
0x34: {  	[smem:$0x3FBA] =	sst s10  }
0x35: {  	s10 =	sld [smem:$0x3FB9];
	_ =	sdelay $0x3  }
0x36: {  	p1 =	seq.s32 s10, $0x1;
	s10 =	sld [smem:$0x3FBA];
	_ =	sdelay $0x3  }
0x37: {  	[smem:$0x3FBA] =	sst s10  }
0x38: {  	s10 =	sld [smem:$0x3FBB]  }
0x39: {  	_ = 	snop;
	(pc) =	sbr.ind lr, $3  }
0x3a: {  	_ = 	snop  }
0x3b: {  	_ = 	snop  }
0x3c: {  	p2 =	seq.s32 s10, $0x1;
	s10 =	sld [smem:$0x3FBA]  }
0x3d: {  	_ =	shalt  }
0x3e: {  	_ =	shalt  }
0x3f: {  	_ =	shalt  }
0x40: {  	_ =	shalt  }
0x41: {  	_ =	shalt  }
0x42: {  	_ =	shalt  }
0x43: {  	_ =	shalt  }
0x44: {  	_ =	shalt  }
0x45: {  	_ =	shalt  }
0x46: {  	_ =	shalt  }
0x47: {  	_ =	shalt  }
0x48: {  	_ =	shalt  }
0x49: {  	_ =	shalt  }
0x4a: {  	_ =	shalt  }
0x4b: {  	_ =	shalt  }
0x4c: {  	_ =	shalt  }
0x4d: {  	_ =	shalt  }
0x4e: {  	_ =	shalt  }
0x4f: {  	_ =	shalt  }
0x50: {  	_ =	shalt  }
0x51: {  	_ =	shalt  }
0x52: {  	_ =	shalt  }
0x53: {  	_ =	shalt  }
0x54: {  	_ =	shalt  }
0x55: {  	_ =	shalt  }
0x56: {  	_ =	shalt  }
0x57: {  	_ =	shalt  }
0x58: {  	_ =	shalt  }
0x59: {  	_ =	shalt  }
0x5a: {  	_ =	shalt  }
0x5b: {  	_ =	shalt  }
0x5c: {  	_ =	shalt  }
0x5d: {  	_ =	shalt  }
0x5e: {  	_ =	shalt  }
0x5f: {  	_ =	shalt  }
0x60: {  	_ =	shalt  }
0x61: {  	_ =	shalt  }
0x62: {  	_ =	shalt  }
0x63: {  	_ =	shalt  }
0x64: {  	_ =	shalt  }
0x65: {  	_ =	shalt  }
0x66: {  	_ =	shalt  }
0x67: {  	_ =	shalt  }
0x68: {  	_ =	shalt  }
0x69: {  	_ =	shalt  }
0x6a: {  	_ =	shalt  }
0x6b: {  	_ =	shalt  }
0x6c: {  	_ =	shalt  }
0x6d: {  	_ =	shalt  }
0x6e: {  	_ =	shalt  }
0x6f: {  	_ =	shalt  }
0x70: {  	_ =	shalt  }
0x71: {  	_ =	shalt  }
0x72: {  	_ =	shalt  }
0x73: {  	_ =	shalt  }
0x74: {  	_ =	shalt  }
0x75: {  	_ =	shalt  }
0x76: {  	_ =	shalt  }
0x77: {  	_ =	shalt  }
0x78: {  	_ =	shalt  }
0x79: {  	_ =	shalt  }
0x7a: {  	_ =	shalt  }
0x7b: {  	_ =	shalt  }
0x7c: {  	_ =	shalt  }
0x7d: {  	_ =	shalt  }
0x7e: {  	_ =	shalt  }
0x7f: {  	_ =	shalt  }
0x80: {  	_ =	shalt  }
0x81: {  	_ =	shalt  }
0x82: {  	_ =	shalt  }
0x83: {  	_ =	shalt  }
0x84: {  	_ =	shalt  }
0x85: {  	_ =	shalt  }
0x86: {  	_ =	shalt  }
0x87: {  	_ =	shalt  }
.Lfunc_end0:
.L_simem_size_0:
called_computation.1_lowered:
.L_overlay_start_0:
0x88: {  	s2 =	sld [smem:$0x3FD9]  }
0x89: {  	s3 =	sld [smem:$0x3FFE];
	_ =	sdelay $0x1  }
0x8a: {  	s1 =	srdreg.scid  }
0x8b: {  	s0 =	sand.u32 $0x1, s1  }
0x8c: {  	s14 =	sshll.u32 s0, $0xA;
	s2 =	sadd.s32 s3, s2  }
0x8d: {  	s2 =	sadd.s32 s2, s14  }
0x8e: {  	[smem:$0x3FC6] =	sst s2  }
0x8f: {  	_ = 	snop  }
0x90: {  	s2 =	sld [smem:$0x3FD0];
	_ =	sdelay $0x2  }
0x91: {  	s15 =	simm.s32 $0xA;
	s4 =	simm.s32 $0x10  }
0x92: {  	[smem:s4], [sflag:s15] =	dma.local [hbm:s2], $0x1  }
0x93: {  	_ =	swait.eq [sflag:s15], $0x1  }
0x94: {  	[sflag:s15] =	ssyncset.done $0x0  }
0x95: {  	s16 =	sld [smem:$0x10];
	[sflag:s15] =	ssyncadd.s32 $0xFFFFFFFF  }
0x96: {  	s17 =	sld [smem:$0x11];
	(tm) =	ssettm $0x1  }
0x97: {  	s18 =	sld [smem:$0x3FFB];
	_ =	sdelay $0x3  }
0x98: {  	_ =	strace s18  }
0x99: {  	s4 =	sld [smem:$0x3FFC];
	_ =	sdelay $0x3  }
0x9a: {  	_ =	strace s4  }
0x9b: {  	s4 =	sld [smem:$0x3FFD];
	_ =	sdelay $0x3  }
0x9c: {  	_ =	strace s4  }
0x9d: {  	_ =	strace $0x8FFFFFFF  }
0x9e: {  	s19 =	sld [smem:$0x3FDB];
	_ =	sdelay $0x1  }
0x9f: {  	s5 =	simm.s32 $_scs_section_size  }
0xa0: {  	s6 =	simm.s32 $_size__tile_overlayer_lowered;
	s7 =	simm.s32 $_tile_overlayer_lowered  }
0xa1: {  	s22 =	simm.s32 $0x1BFF;
	s21 =	sshll.u32 s7, $0x1;
	s4 =	sadd.s32 s5, s19  }
0xa2: {  	s8 =	simm.s32 $0x0;
	s20 =	sshll.u32 s6, $0x1;
	s6 =	sadd.s32 s21, s4  }
0xa3: {  	[timem:s8], [sflag:s22] =	dma.local [hbm:s6], s20  }
0xa4: {  	_ =	swait.ge [sflag:s22], s20  }
0xa5: {  	s5 =	ssub.s32 $0x0, s20;
	[sflag:s22] =	ssyncset.done $0x0  }
0xa6: {  	[sflag:s22] =	ssyncadd.s32 s5;
	_ =	sdelay $0x1  }
0xa7: {  	s23 =	simm.s32 $0x1B8B  }
0xa8: {  	_ =	swait.ge [sflag:s23], $0x1  }
0xa9: {  	[sflag:s23] =	ssyncset.done $0x0  }
0xaa: {  	s25 =	simm.s32 $0x1B8E;
	s24 =	sld [smem:$0x3FFE];
	[sflag:s23] =	ssyncadd.s32 $0xFFFFFFFF  }
0xab: {  	s26 =	simm.s32 $execute0_lowered;
	[smem:$0x3FD2] =	sst s25  }
0xac: {  	s6 =	sshll.u32 s26, $0x1;
	_ =	strace $0x80000049;
	[dreg:$0x1] =	wrdreg $0xFFFFFFFF  }
0xad: {  	s28 =	simm.s32 $_size_execute0_lowered;
	s4 =	sadd.s32 s4, s6;
	[dreg:$0x0] =	wrdreg $0x0  }
0xae: {  	s6 =	sshll.u32 s28, $0x1;
	[dreg:$0x2] =	wrdreg s4  }
0xaf: {  	[dreg:$0x3] =	wrdreg s6  }
0xb0: {  	[dreg:$0x4] =	wrdreg $0xC0  }
0xb1: {  	_ =	task [dreg:s8], $0x5FFFF  }
0xb2: {  	[dreg:$0x1] =	wrdreg $0xFFFFFFFF  }
0xb3: {  	[dreg:$0x0] =	wrdreg $0x60  }
0xb4: {  	[dreg:$0x2] =	wrdreg s16  }
0xb5: {  	[dreg:$0x3] =	wrdreg s24  }
0xb6: {  	[dreg:$0x4] =	wrdreg s17  }
0xb7: {  	[dreg:$0x5] =	wrdreg $0x9  }
0xb8: {  	_ =	task.clear_ibuf [dreg:s8], $0x6FFFF;
	_ =	strace $0x90000049  }
0xb9: {  	s29 =	simm.s32 $0x9;
	_ =	strace $0x8000004B  }
0xba: {  	_ =	swait.ge [sflag:s29], $0x1  }
0xbb: {  	[sflag:s29] =	ssyncadd.s32 $0xFFFFFFFF  }
0xbc: {  	_ =	strace $0x9000004B  }
0xbd: {  	_ =	sfence  }
0xbe: {  	s30 =	sld [smem:$0x0];
	_ =	sdelay $0x2  }
0xbf: {  	s31 =	sshll.u32 s1, $0xD;
	s1 =	sshrl.u32 s1, $0x2  }
0xc0: {  	s3 =	sand.u32 $0x4000, s31;
	s1 =	sadd.s32 s1, s30  }
0xc1: {  	s0 =	sor.u32 s3, s0;
	s1 =	sshll.u32 s1, $0x11  }
0xc2: {  	s0 =	sor.u32 s1, s0  }
0xc3: {  	s0 =	sadd.s32 $0x8F2B, s0  }
0xc4: {  	[sflag:s0] =	ssyncadd.remote.s32 $0x1  }
0xc5: {  	_ =	sfence.sel $0xFFFF  }
0xc6: {  	[dreg:$0x0] =	wrdreg $0xFFFFFFFF;
	(pc) =	sbr.abs _section_cstart, $3  }
0xc7: {  	[dreg:$0x1] =	wrdreg $0xFFFFFFFF  }
0xc8: {  	_ =	task.clear_ibuf [dreg:s8], $0x2FFFF;
	_ =	strace $0x9FFFFFFF  }
0xc9: {  	(tm) =	ssettm $0x7FFFFFFF  }
tec
execute0_lowered:
.L_overlay_start_1:
0x0: {  	(tag) =	ssettag $0x1  }
0x1: {  	s0 =	srdreg.scid  }
0x2: {  	s4 =	stileid.u32;
	s1 =	rddreg [dreg:$0x0]  }
0x3: {  	s3 =	rddreg [dreg:$0x1];
	s7 =	simm.s32 $0x0;
	s19 =	simm.s32 $0x180  }
0x4: {  	s20 =	simm.s32 $0x16C98;
	s17 =	simm.s32 $0xDC38;
	s18 =	simm.s32 $0xDC68  }
0x5: {  	s10 =	simm.s32 $0x19398;
	s2 =	sshll.u32 s4, $0x1;
	s4 =	sshrl.u32 s4, $0x3  }
0x6: {  	s22 =	simm.s32 $0x1;
	s23 =	simm.s32 $0x4A58;
	s5 =	smul.u32 $0xFFFFFE80, s4  }
0x7: {  	s28 =	simm.s32 $0x16F98;
	s0 =	sand.u32 $0x1, s0;
	s30 =	smul.u32 $0x1B00000, s4  }
0x8: {  	[smem:$0x7FF] =	sst s7;
	s2 =	sor.u32 s0, s2;
	s16 =	smul.u32 $0x24000, s4  }
0x9: {  	s14 =	sadd.s32 $0x913200, s3;
	s0 =	ssub.s32 $0x2, s0;
	s6 =	smul.u32 $0x18, s2  }
0xa: {  	s31 =	sadd.s32 $0x1200, s3;
	s2 =	smul.u32 $0x480, s2;
	s15 =	sshrl.u32 s0, $0x1  }
0xb: {  	s0 =	ssub.s32 s0, s15;
	s15 =	simm.s32 $0x30;
	[dreg:$0x4] =	wrdreg s6  }
0xc: {  	s21 =	sadd.s32 s5, s6;
	s2 =	sadd.s32 s2, s3;
	s0 =	smax.u32 s0, $0x1  }
0xd: {  	s6 =	simm.s32 $0x0;
	s5 =	smul.u32 $0x180, s21;
	_ =	strace $0x8000004A  }
0xe: {  	s25 =	sshrl.u32 s21, $0x3;
	s26 =	sadd.s32 $0x901200, s2;
	[dreg:$0x5] =	wrdreg s14  }
0xf: {  	s2 =	sadd.s32 $0x90A200, s2;
	[dreg:$0xa] =	wrdreg s0;
	s5 =	sadd.s32 s30, s5  }
0x10: {  	s0 =	simm.s32 $0xDC08;
	[dreg:$0x6] =	wrdreg s26;
	s5 =	sadd.s32 $0x2280, s5  }
0x11: {  	v3 =	vlaneseq.u32;
	[dreg:$0x8] =	wrdreg s2;
	s2 =	simm.s32 $0xDBD8;
	s24 =	sshrl.u32 s5, $0x3  }
0x12: {  	v0 =	vmul.u32 $0x30, v3;
	s26 =	simm.s32 $0x4AE8;
	s5 =	sadd.s32 s14, s25;
	s4 =	sadd.s32 s24, s31  }
0x13: {  	v2 =	vimm.s32 $0x0;
	s25 =	simm.s32 $0x4AB8;
	[dreg:$0x7] =	wrdreg s5;
	s29 =	sadd.s32 $0x2A, s4  }
0x14: {  	v3 =	vmul.u32 $0x2, v3;
	v4 =	vadd.s32 $0x300, v0;
	v1 =	vmov s16;
	s5 =	simm.s32 $0x5;
	s24 =	simm.s32 $0x4A88;
	[dreg:$0x9] =	wrdreg s29  }
.LBB2_1:
0x15: {  	[dreg:$0xb] =	wrdreg s6  }
0x16: {  	s3 =	simm.s32 $0x0;
	s4 =	rddreg [dreg:$0x5]  }
0x17: {  	[tilespmem:s3], [sflag:$0x5] =	stream.linear.gather [hbm4b:s4+s3], $0x180, $0x38;
	[tilespmem:$0x1B798] =	vst v63  }
0x18: {  	_ =	swait.ge [sflag:s5], $0x180  }
0x19: {  	[sflag:s5] =	ssyncset.done $0x0  }
0x1a: {  	s11 =	rddreg [dreg:$0x7];
	[sflag:s5] =	ssyncadd.s32 $0xFFFFFE80  }
0x1b: {  	[tilespmem:s19], [sflag:$0x5] =	stream.linear.gather [hbm4b:s11+s3], $0x18, $0x38;
	[tilespmem:$0x1B798] =	vst v63  }
0x1c: {  	_ =	swait.ge [sflag:s5], $0x18  }
0x1d: {  	[sflag:s5] =	ssyncset.done $0x0  }
0x1e: {  	s13 =	simm.s32 $0x198;
	s12 =	rddreg [dreg:$0x6];
	[sflag:s5] =	ssyncadd.s32 $0xFFFFFFE8  }
0x1f: {  	[tilespmem:s13], [sflag:$0x5] =	stream.linear.gather [hbm4b:s12+s3], $0x2400, $0x38;
	[tilespmem:$0x1B798] =	vst v63  }
0x20: {  	_ =	swait.ge [sflag:s5], $0x2400  }
0x21: {  	[sflag:s5] =	ssyncset.done $0x0  }
0x22: {  	s16 =	simm.s32 $0x2598;
	s14 =	rddreg [dreg:$0x8];
	[sflag:s5] =	ssyncadd.s32 $0xFFFFDC00  }
0x23: {  	[tilespmem:s16], [sflag:$0x5] =	stream.linear.gather [hbm4b:s14+s3], $0x2400, $0x38;
	[tilespmem:$0x1B798] =	vst v63  }
0x24: {  	_ =	swait.ge [sflag:s5], $0x2400  }
0x25: {  	[sflag:s5] =	ssyncset.done $0x0  }
0x26: {  	s29 =	simm.s32 $0x0;
	[sflag:s5] =	ssyncadd.s32 $0xFFFFDC00  }
.LBB2_2:
0x27: {  	s12 =	sshrl.u32 s29, $0x2  }
0x28: {  	s8 =	sshll.u32 s29, $0x1;
	s5 =	sshll.u32 s12, $0x3  }
0x29: {  	v5 =	vmov s12;
	s14 =	smul.u32 $0x180, s12;
	s3 =	ssub.s32 s8, s5  }
0x2a: {  	s13 =	smul.u32 $0x30, s3;
	_ =	sdelay $0x1  }
0x2b: {  	v7 =	vld [tilespmem:s13+$0x0];
	s3 =	sadd.s32 s14, s13  }
0x2c: {  	v8 =	vld [tilespmem:s3+$0x198]  }
0x2d: {  	v6 =	vld.idx.msk [tilespmem:v5+s19+$0x0], $0xffff  }
0x2e: {  	v9 =	vld [tilespmem:s3+$0x2598];
	_ =	sdelay $0x3  }
0x2f: {  	v7 =	vadd.f32 v8, v7  }
0x30: {  	v54 =	vadd.f32 v9, v6  }
0x31: {  	v55 =	vadd.f32 $1.000000000e+00, v7  }
0x32: {  	v10 =	vadd.f32 $1.000000000e+00, v54  }
0x33: {  	v9 =	vmul.f32 $5.000000000e-01, v55  }
0x34: {  	v10 =	vmul.f32 $5.000000000e-01, v10  }
0x35: {  	v9 =	vmul.f32 $3.830000000e+02, v9  }
0x36: {  	v10 =	vmul.f32 $3.830000000e+02, v10  }
0x37: {  	v11 =	vtrunc.f32 v9  }
0x38: {  	v12 =	vtrunc.f32 v10;
	v11 =	vcvt.f32.s32 v11  }
0x39: {  	v12 =	vcvt.f32.s32 v12  }
0x3a: {  	v11 =	vcvt.s32.f32 v11  }
0x3b: {  	v12 =	vcvt.s32.f32 v12  }
0x3c: {  	v13 =	vadd.f32 $-1.000000000e+00, v11  }
0x3d: {  	vm0 =	vlt.f32 v9, v11;
	v56 =	vadd.f32 $-1.000000000e+00, v12  }
0x3e: {  	v61 =	vmov s13;
	vm10 =	vlt.f32 v10, v12;
	v11 =	vsel vm0, v13, v11  }
0x3f: {  	v12 =	vsel vm10, v56, v12;
	v9 =	vsub.f32 v9, v11;
	v57 =	vadd.f32 $1.000000000e+00, v11  }
0x40: {  	v14 =	vadd.f32 $1.000000000e+00, v12;
	v10 =	vsub.f32 v10, v12;
	vm11 =	vge.f32 v11, $0.0e+00  }
0x41: {  	vm1 =	vle.f32 v11, $3.830000000e+02;
	vm13 =	vge.f32 v12, $0.0e+00;
	vm3 =	vle.f32 v12, $3.830000000e+02  }
0x42: {  	v12 =	vmax.f32 v12, $0.0e+00;
	v11 =	vmax.f32 v11, $0.0e+00;
	vm1 =	vmand vm11, vm1  }
0x43: {  	v12 =	vmin.f32 v12, $3.830000000e+02;
	v11 =	vmin.f32 v11, $3.830000000e+02;
	v15 =	vsub.f32 $1.000000000e+00, v9  }
0x44: {  	vm12 =	vge.f32 v57, $0.0e+00;
	vm2 =	vle.f32 v57, $3.830000000e+02;
	vm14 =	vge.f32 v14, $0.0e+00  }
0x45: {  	vm4 =	vle.f32 v14, $3.830000000e+02;
	v14 =	vmax.f32 v14, $0.0e+00;
	v12 =	vtrunc.f32 v12  }
0x46: {  	v13 =	vmax.f32 v57, $0.0e+00;
	v11 =	vtrunc.f32 v11;
	v16 =	vsub.f32 $1.000000000e+00, v10  }
0x47: {  	vm0 =	vmand vm12, vm2;
	vm2 =	vmand vm13, vm3;
	v14 =	vmin.f32 v14, $3.830000000e+02  }
0x48: {  	v12 =	vcvt.f32.s32 v12;
	v13 =	vmin.f32 v13, $3.830000000e+02;
	v11 =	vcvt.f32.s32 v11  }
0x49: {  	vm3 =	vmand vm14, vm4;
	v14 =	vtrunc.f32 v14;
	v13 =	vtrunc.f32 v13  }
0x4a: {  	v18 =	vmul.f32 v16, v15;
	vm15 =	vmand vm1, vm2;
	v16 =	vmul.f32 v16, v9  }
0x4b: {  	vm2 =	vmand vm2, vm0;
	v9 =	vmul.f32 v10, v9;
	v19 =	vsel vm15, $0x3F800000, v2  }
0x4c: {  	v12 =	vmul.u32 $0x180, v12;
	v59 =	vsel vm2, $0x3F800000, v2;
	v58 =	vmul.f32 v19, v18  }
0x4d: {  	vm1 =	vmand vm1, vm3;
	v14 =	vcvt.f32.s32 v14;
	v60 =	vmul.f32 v59, v16  }
0x4e: {  	vm0 =	vmand vm0, vm3;
	v13 =	vcvt.f32.s32 v13;
	v12 =	vadd.s32 v1, v12;
	[tilespmem:$0x4A58] =	vst v58  }
0x4f: {  	v19 =	vsel vm0, $0x3F800000, v2;
	v14 =	vmul.u32 $0x180, v14;
	v17 =	vadd.s32 v11, v12;
	[tilespmem:$0x4A88] =	vst v60  }
0x50: {  	v16 =	vshll.u32 v61, $0x1;
	v9 =	vmul.f32 v19, v9;
	v12 =	vadd.s32 v13, v12;
	[tilespmem:$0x4998] =	vst v17  }
0x51: {  	v62 =	vmul.f32 v15, v10;
	v18 =	vor.u32 v3, v16;
	v14 =	vadd.s32 v1, v14;
	[tilespmem:$0x49C8] =	vst v12  }
0x52: {  	v63 =	vsel vm1, $0x3F800000, v2;
	v20 =	vor.u32 $0x1, v18;
	[tilespmem:$0x4AE8] =	vst v9;
	v11 =	vadd.s32 v11, v14  }
0x53: {  	v13 =	vadd.s32 v13, v14;
	[tilespmem:$0x49F8] =	vst v11;
	v11 =	vmul.f32 v63, v62  }
0x54: {  	[tilespmem:$0x4A28] =	vst v13  }
0x55: {  	[tilespmem:$0x4AB8] =	vst v11  }
0x56: {  	[tilespmem:v18+s20+$0x0] =	vst.idx.msk $0xffff, v7  }
0x57: {  	s6 =	sor.u32 $0x10, s13;
	[tilespmem:v20+s20+$0x0] =	vst.idx.msk $0xffff, v54  }
0x58: {  	s4 =	sadd.s32 s14, s6;
	v7 =	vld [tilespmem:s13+$0x10]  }
0x59: {  	v8 =	vld [tilespmem:s4+$0x198]  }
0x5a: {  	v9 =	vld [tilespmem:s4+$0x2598];
	_ =	sdelay $0x3  }
0x5b: {  	v7 =	vadd.f32 v8, v7  }
0x5c: {  	v21 =	vadd.f32 v9, v6  }
0x5d: {  	v22 =	vadd.f32 $1.000000000e+00, v7  }
0x5e: {  	v23 =	vadd.f32 $1.000000000e+00, v21  }
0x5f: {  	v9 =	vmul.f32 $5.000000000e-01, v22  }
0x60: {  	v10 =	vmul.f32 $5.000000000e-01, v23  }
0x61: {  	v9 =	vmul.f32 $3.830000000e+02, v9  }
0x62: {  	v10 =	vmul.f32 $3.830000000e+02, v10  }
0x63: {  	v24 =	vtrunc.f32 v9  }
0x64: {  	v25 =	vtrunc.f32 v10;
	v11 =	vcvt.f32.s32 v24  }
0x65: {  	v12 =	vcvt.f32.s32 v25  }
0x66: {  	v11 =	vcvt.s32.f32 v11  }
0x67: {  	v12 =	vcvt.s32.f32 v12  }
0x68: {  	v26 =	vadd.f32 $-1.000000000e+00, v11  }
0x69: {  	vm5 =	vlt.f32 v9, v11;
	v27 =	vadd.f32 $-1.000000000e+00, v12  }
0x6a: {  	v38 =	vmov s6;
	vm6 =	vlt.f32 v10, v12;
	v11 =	vsel vm5, v26, v11  }
0x6b: {  	v12 =	vsel vm6, v27, v12;
	v9 =	vsub.f32 v9, v11;
	v28 =	vadd.f32 $1.000000000e+00, v11  }
0x6c: {  	v29 =	vadd.f32 $1.000000000e+00, v12;
	v10 =	vsub.f32 v10, v12;
	vm7 =	vge.f32 v11, $0.0e+00  }
0x6d: {  	vm8 =	vle.f32 v11, $3.830000000e+02;
	vm11 =	vge.f32 v12, $0.0e+00;
	vm12 =	vle.f32 v12, $3.830000000e+02  }
0x6e: {  	v12 =	vmax.f32 v12, $0.0e+00;
	v11 =	vmax.f32 v11, $0.0e+00;
	vm1 =	vmand vm7, vm8  }
0x6f: {  	vm2 =	vmand vm11, vm12;
	v12 =	vmin.f32 v12, $3.830000000e+02;
	v11 =	vmin.f32 v11, $3.830000000e+02  }
0x70: {  	v30 =	vsub.f32 $1.000000000e+00, v9;
	vm9 =	vge.f32 v28, $0.0e+00;
	vm10 =	vle.f32 v28, $3.830000000e+02  }
0x71: {  	vm13 =	vge.f32 v29, $0.0e+00;
	vm14 =	vle.f32 v29, $3.830000000e+02;
	v14 =	vmax.f32 v29, $0.0e+00  }
0x72: {  	v12 =	vtrunc.f32 v12;
	v13 =	vmax.f32 v28, $0.0e+00;
	v11 =	vtrunc.f32 v11  }
0x73: {  	v31 =	vsub.f32 $1.000000000e+00, v10;
	vm15 =	vmand vm1, vm2;
	vm0 =	vmand vm9, vm10  }
0x74: {  	v14 =	vmin.f32 v14, $3.830000000e+02;
	v12 =	vcvt.f32.s32 v12;
	v13 =	vmin.f32 v13, $3.830000000e+02  }
0x75: {  	v11 =	vcvt.f32.s32 v11;
	vm3 =	vmand vm13, vm14;
	v14 =	vtrunc.f32 v14  }
0x76: {  	v34 =	vsel vm15, $0x3F800000, v2;
	v33 =	vmul.f32 v31, v30;
	v16 =	vmul.f32 v31, v9  }
0x77: {  	vm2 =	vmand vm2, vm0;
	v9 =	vmul.f32 v10, v9;
	vm0 =	vmand vm0, vm3  }
0x78: {  	v14 =	vcvt.f32.s32 v14;
	v36 =	vsel vm2, $0x3F800000, v2;
	v35 =	vmul.f32 v34, v33  }
0x79: {  	v12 =	vmul.u32 $0x180, v12;
	v42 =	vsel vm0, $0x3F800000, v2;
	v37 =	vmul.f32 v36, v16  }
0x7a: {  	v13 =	vtrunc.f32 v13;
	vm1 =	vmand vm1, vm3;
	v9 =	vmul.f32 v42, v9;
	[tilespmem:$0x4A68] =	vst v35  }
0x7b: {  	v13 =	vcvt.f32.s32 v13;
	v14 =	vmul.u32 $0x180, v14;
	v12 =	vadd.s32 v1, v12;
	[tilespmem:$0x4A98] =	vst v37  }
0x7c: {  	v39 =	vmul.f32 v30, v10;
	v16 =	vshll.u32 v38, $0x1;
	v32 =	vadd.s32 v11, v12;
	[tilespmem:$0x4AF8] =	vst v9  }
0x7d: {  	v41 =	vor.u32 v3, v16;
	v12 =	vadd.s32 v13, v12;
	v14 =	vadd.s32 v1, v14;
	[tilespmem:$0x49A8] =	vst v32  }
0x7e: {  	v40 =	vsel vm1, $0x3F800000, v2;
	v43 =	vor.u32 $0x1, v41;
	[tilespmem:$0x49D8] =	vst v12;
	v11 =	vadd.s32 v11, v14  }
0x7f: {  	v13 =	vadd.s32 v13, v14;
	[tilespmem:$0x4A08] =	vst v11;
	v11 =	vmul.f32 v40, v39  }
0x80: {  	[tilespmem:$0x4A38] =	vst v13  }
0x81: {  	[tilespmem:$0x4AC8] =	vst v11  }
0x82: {  	[tilespmem:v41+s20+$0x0] =	vst.idx.msk $0xffff, v7  }
0x83: {  	s7 =	sadd.s32 $0x20, s13;
	[tilespmem:v43+s20+$0x0] =	vst.idx.msk $0xffff, v21  }
0x84: {  	s9 =	sadd.s32 s14, s7;
	v7 =	vld [tilespmem:s13+$0x20]  }
0x85: {  	v8 =	vld [tilespmem:s9+$0x198]  }
0x86: {  	v9 =	vld [tilespmem:s9+$0x2598];
	_ =	sdelay $0x3  }
0x87: {  	v7 =	vadd.f32 v8, v7  }
0x88: {  	v6 =	vadd.f32 v9, v6  }
0x89: {  	v8 =	vadd.f32 $1.000000000e+00, v7  }
0x8a: {  	v9 =	vadd.f32 $1.000000000e+00, v6  }
0x8b: {  	v8 =	vmul.f32 $5.000000000e-01, v8  }
0x8c: {  	v9 =	vmul.f32 $5.000000000e-01, v9  }
0x8d: {  	v8 =	vmul.f32 $3.830000000e+02, v8  }
0x8e: {  	v9 =	vmul.f32 $3.830000000e+02, v9  }
0x8f: {  	v44 =	vtrunc.f32 v8  }
0x90: {  	v45 =	vtrunc.f32 v9;
	v10 =	vcvt.f32.s32 v44  }
0x91: {  	v11 =	vcvt.f32.s32 v45  }
0x92: {  	v10 =	vcvt.s32.f32 v10  }
0x93: {  	v11 =	vcvt.s32.f32 v11  }
0x94: {  	v46 =	vadd.f32 $-1.000000000e+00, v10  }
0x95: {  	vm5 =	vlt.f32 v8, v10;
	v47 =	vadd.f32 $-1.000000000e+00, v11  }
0x96: {  	v58 =	vmov s7;
	vm6 =	vlt.f32 v9, v11;
	v10 =	vsel vm5, v46, v10  }
0x97: {  	v11 =	vsel vm6, v47, v11;
	v8 =	vsub.f32 v8, v10;
	v48 =	vadd.f32 $1.000000000e+00, v10  }
0x98: {  	v49 =	vadd.f32 $1.000000000e+00, v11;
	v9 =	vsub.f32 v9, v11;
	vm7 =	vge.f32 v10, $0.0e+00  }
0x99: {  	vm8 =	vle.f32 v10, $3.830000000e+02;
	vm11 =	vge.f32 v11, $0.0e+00;
	vm12 =	vle.f32 v11, $3.830000000e+02  }
0x9a: {  	v11 =	vmax.f32 v11, $0.0e+00;
	v10 =	vmax.f32 v10, $0.0e+00;
	vm1 =	vmand vm7, vm8  }
0x9b: {  	vm2 =	vmand vm11, vm12;
	v11 =	vmin.f32 v11, $3.830000000e+02;
	v10 =	vmin.f32 v10, $3.830000000e+02  }
0x9c: {  	v50 =	vsub.f32 $1.000000000e+00, v8;
	vm9 =	vge.f32 v48, $0.0e+00;
	vm10 =	vle.f32 v48, $3.830000000e+02  }
0x9d: {  	vm13 =	vge.f32 v49, $0.0e+00;
	vm14 =	vle.f32 v49, $3.830000000e+02;
	v13 =	vmax.f32 v49, $0.0e+00  }
0x9e: {  	v11 =	vtrunc.f32 v11;
	v12 =	vmax.f32 v48, $0.0e+00;
	v10 =	vtrunc.f32 v10  }
0x9f: {  	v51 =	vsub.f32 $1.000000000e+00, v9;
	vm15 =	vmand vm1, vm2;
	vm0 =	vmand vm9, vm10  }
0xa0: {  	v13 =	vmin.f32 v13, $3.830000000e+02;
	v11 =	vcvt.f32.s32 v11;
	v12 =	vmin.f32 v12, $3.830000000e+02  }
0xa1: {  	v10 =	vcvt.f32.s32 v10;
	vm3 =	vmand vm13, vm14;
	v13 =	vtrunc.f32 v13  }
0xa2: {  	v54 =	vsel vm15, $0x3F800000, v2;
	v53 =	vmul.f32 v51, v50;
	v15 =	vmul.f32 v51, v8  }
0xa3: {  	vm2 =	vmand vm2, vm0;
	v8 =	vmul.f32 v9, v8;
	vm0 =	vmand vm0, vm3  }
0xa4: {  	v13 =	vcvt.f32.s32 v13;
	v56 =	vsel vm2, $0x3F800000, v2;
	v55 =	vmul.f32 v54, v53  }
0xa5: {  	v11 =	vmul.u32 $0x180, v11;
	v62 =	vsel vm0, $0x3F800000, v2;
	v57 =	vmul.f32 v56, v15  }
0xa6: {  	v12 =	vtrunc.f32 v12;
	vm1 =	vmand vm1, vm3;
	v8 =	vmul.f32 v62, v8;
	[tilespmem:$0x4A78] =	vst v55  }
0xa7: {  	v12 =	vcvt.f32.s32 v12;
	v13 =	vmul.u32 $0x180, v13;
	v11 =	vadd.s32 v1, v11;
	[tilespmem:$0x4AA8] =	vst v57  }
0xa8: {  	v59 =	vmul.f32 v50, v9;
	v15 =	vshll.u32 v58, $0x1;
	v52 =	vadd.s32 v10, v11;
	[tilespmem:$0x4B08] =	vst v8  }
0xa9: {  	v61 =	vor.u32 v3, v15;
	v11 =	vadd.s32 v12, v11;
	v13 =	vadd.s32 v1, v13;
	[tilespmem:$0x49B8] =	vst v52  }
0xaa: {  	v60 =	vsel vm1, $0x3F800000, v2;
	v63 =	vor.u32 $0x1, v61;
	[tilespmem:$0x49E8] =	vst v11;
	v10 =	vadd.s32 v10, v13  }
0xab: {  	v12 =	vadd.s32 v12, v13;
	[tilespmem:$0x4A18] =	vst v10;
	v10 =	vmul.f32 v60, v59  }
0xac: {  	[tilespmem:$0x4A48] =	vst v12  }
0xad: {  	[tilespmem:$0x4AD8] =	vst v10  }
0xae: {  	[tilespmem:v61+s20+$0x0] =	vst.idx.msk $0xffff, v7  }
0xaf: {  	s11 =	simm.s32 $0x4998;
	s16 =	simm.s32 $0x4B18;
	[tilespmem:v63+s20+$0x0] =	vst.idx.msk $0xffff, v6  }
0xb0: {  	[tilespmem:s16], [sflag:$0x1] =	stream.indirect.gather [hbm4b:s1+s15], $0xC0, s11, s15, $0xb8;
	[tilespmem:$0x1B798] =	vst v63  }
0xb1: {  	p0 =	slt.u32 s29, $0x2;
	s6 =	simm.s32 $0x6F18;
	s4 =	simm.s32 $0x49C8  }
0xb2: {  	[tilespmem:s6], [sflag:$0x1] =	stream.indirect.gather [hbm4b:s1+s15], $0xC0, s4, s15, $0xb8;
	[tilespmem:$0x1B798] =	vst v63  }
.Ltmp0:
0xb3: {  	_ = 	snop;
	(pc) =	sbr.rel @p0 .LBB2_7-.Ltmp0, $4  }
0xb4: {  	s7 =	simm.s32 $0x49F8;
	s9 =	simm.s32 $0x9318  }
0xb5: {  	[tilespmem:s9], [sflag:$0x1] =	stream.indirect.gather [hbm4b:s1+s15], $0xC0, s7, s15, $0xb8;
	[tilespmem:$0x1B798] =	vst v63  }
0xb6: {  	s11 =	simm.s32 $0x4A28;
	s16 =	simm.s32 $0xB718  }
0xb7: {  	[tilespmem:s16], [sflag:$0x1] =	stream.indirect.gather [hbm4b:s1+s15], $0xC0, s11, s15, $0xb8;
	[tilespmem:$0x1B798] =	vst v63  }
.Ltmp1:
0xb8: {  	(pc) =	sbr.rel .LBB2_4-.Ltmp1, $4  }
0xb9: {  	s3 =	simm.s32 $0x4  }
0xba: {  	_ =	swait.ge [sflag:s3], $0x2400  }
0xbb: {  	[sflag:s3] =	ssyncset.done $0x0  }
0xbc: {  	[sflag:s3] =	ssyncadd.s32 $0xFFFFDC00  }
.LBB2_7:
0xbd: {  	p0 =	seq.s32 s29, $0x0  }
.Ltmp2:
0xbe: {  	_ = 	snop;
	(pc) =	sbr.rel @p0 .LBB2_8-.Ltmp2, $1  }
0xbf: {  	_ =	sdelay $0x3  }
.LBB2_4:
0xc0: {  	s4 =	simm.s32 $0x2  }
0xc1: {  	_ =	swait.ge [sflag:s4], $0x2400  }
0xc2: {  	[sflag:s4] =	ssyncset.done $0x0  }
0xc3: {  	[sflag:s4] =	ssyncadd.s32 $0xFFFFDC00  }
0xc4: {  	_ =	swait.ge [sflag:s4], $0x2400  }
0xc5: {  	[sflag:s4] =	ssyncset.done $0x0  }
0xc6: {  	[sflag:s4] =	ssyncadd.s32 $0xFFFFDC00  }
0xc7: {  	_ =	swait.ge [sflag:s4], $0x2400  }
0xc8: {  	s3 =	simm.s32 $0x0;
	[sflag:s4] =	ssyncset.done $0x0  }
0xc9: {  	v6 =	vmov s3;
	[sflag:s4] =	ssyncadd.s32 $0xFFFFDC00  }
0xca: {  	_ =	swait.ge [sflag:s4], $0x2400  }
0xcb: {  	s20 =	smov.u32 s1;
	[sflag:s4] =	ssyncset.done $0x0  }
0xcc: {  	s1 =	smov.u32 s21;
	s21 =	simm.s32 $0x100F8;
	[sflag:s4] =	ssyncadd.s32 $0xFFFFDC00  }
0xcd: {  	v11 =	vld [tilespmem:s21+$0xFFFFFFA0]  }
0xce: {  	v8 =	vld.idx.msk [tilespmem:v6+s0+$0x0], $0xffff  }
0xcf: {  	s19 =	smov.u32 s31;
	s31 =	smov.u32 s30;
	s30 =	simm.s32 $0xDCF8;
	v9 =	vld.idx.msk [tilespmem:v6+s2+$0x0], $0xffff  }
0xd0: {  	s15 =	simm.s32 $0x124F8;
	v12 =	vld [tilespmem:s30+$0xFFFFFFA0]  }
0xd1: {  	v13 =	vld [tilespmem:s15+$0xFFFFFFA0]  }
0xd2: {  	v10 =	vld.idx.msk [tilespmem:v6+s17+$0x0], $0xffff  }
0xd3: {  	s4 =	simm.s32 $0x148F8;
	v7 =	vld.idx.msk [tilespmem:v6+s18+$0x0], $0xffff  }
0xd4: {  	v14 =	vld [tilespmem:s4+$0xFFFFFFA0]  }
0xd5: {  	v12 =	vmul.f32 v12, v9;
	v11 =	vmul.f32 v11, v8;
	_ =	sdelay $0x1  }
0xd6: {  	v6 =	vand.u32 $0x3F, v6;
	v11 =	vadd.f32 v11, v12;
	v12 =	vmul.f32 v13, v10  }
0xd7: {  	v13 =	vadd.s32 v0, v6  }
0xd8: {  	v14 =	vmul.f32 v14, v7;
	v11 =	vadd.f32 v12, v11;
	_ =	sdelay $0x1  }
0xd9: {  	v11 =	vadd.f32 v14, v11;
	_ =	sdelay $0x1  }
0xda: {  	[tilespmem:v13+s10+$0x0] =	vst.idx.msk $0xffff, v11  }
0xdb: {  	v11 =	vld [tilespmem:s30+$0xFFFFFFB0]  }
0xdc: {  	v12 =	vld [tilespmem:s21+$0xFFFFFFB0];
	_ =	sdelay $0x1  }
0xdd: {  	v13 =	vld [tilespmem:s15+$0xFFFFFFB0];
	_ =	sdelay $0x1  }
0xde: {  	v14 =	vld [tilespmem:s4+$0xFFFFFFB0]  }
0xdf: {  	v11 =	vmul.f32 v11, v9;
	v12 =	vmul.f32 v12, v8;
	_ =	sdelay $0x1  }
0xe0: {  	v11 =	vadd.f32 v12, v11;
	v12 =	vmul.f32 v13, v10  }
0xe1: {  	v13 =	vadd.s32 v4, v6  }
0xe2: {  	v11 =	vadd.f32 v12, v11;
	v12 =	vmul.f32 v14, v7;
	_ =	sdelay $0x1  }
0xe3: {  	v11 =	vadd.f32 v12, v11;
	_ =	sdelay $0x1  }
0xe4: {  	[tilespmem:v13+s10+$0x0] =	vst.idx.msk $0xffff, v11  }
0xe5: {  	v11 =	vld [tilespmem:s21+$0xFFFFFFC0]  }
0xe6: {  	v12 =	vld [tilespmem:s30+$0xFFFFFFC0];
	_ =	sdelay $0x1  }
0xe7: {  	v13 =	vld [tilespmem:s15+$0xFFFFFFC0];
	_ =	sdelay $0x1  }
0xe8: {  	v14 =	vld [tilespmem:s4+$0xFFFFFFC0]  }
0xe9: {  	v11 =	vmul.f32 v11, v8;
	v12 =	vmul.f32 v12, v9;
	_ =	sdelay $0x1  }
0xea: {  	v13 =	vmul.f32 v13, v10;
	v12 =	vadd.f32 v11, v12;
	v11 =	vadd.s32 $0x600, v0  }
0xeb: {  	v15 =	vadd.s32 v11, v6  }
0xec: {  	v12 =	vadd.f32 v13, v12;
	v13 =	vmul.f32 v14, v7;
	_ =	sdelay $0x1  }
0xed: {  	v12 =	vadd.f32 v13, v12;
	_ =	sdelay $0x1  }
0xee: {  	[tilespmem:v15+s10+$0x0] =	vst.idx.msk $0xffff, v12  }
0xef: {  	v12 =	vld [tilespmem:s30+$0xFFFFFFD0]  }
0xf0: {  	v13 =	vld [tilespmem:s21+$0xFFFFFFD0];
	_ =	sdelay $0x1  }
0xf1: {  	v14 =	vld [tilespmem:s15+$0xFFFFFFD0];
	_ =	sdelay $0x1  }
0xf2: {  	v15 =	vld [tilespmem:s4+$0xFFFFFFD0]  }
0xf3: {  	v12 =	vmul.f32 v12, v9;
	v13 =	vmul.f32 v13, v8;
	_ =	sdelay $0x1  }
0xf4: {  	v14 =	vmul.f32 v14, v10;
	v13 =	vadd.f32 v13, v12;
	v12 =	vadd.s32 $0x900, v0  }
0xf5: {  	v16 =	vadd.s32 v12, v6  }
0xf6: {  	v13 =	vadd.f32 v14, v13;
	v14 =	vmul.f32 v15, v7;
	_ =	sdelay $0x1  }
0xf7: {  	v13 =	vadd.f32 v14, v13;
	_ =	sdelay $0x1  }
0xf8: {  	[tilespmem:v16+s10+$0x0] =	vst.idx.msk $0xffff, v13  }
0xf9: {  	v13 =	vld [tilespmem:s30+$0xFFFFFFE0]  }
0xfa: {  	v14 =	vld [tilespmem:s21+$0xFFFFFFE0];
	_ =	sdelay $0x1  }
0xfb: {  	v15 =	vld [tilespmem:s15+$0xFFFFFFE0];
	_ =	sdelay $0x1  }
0xfc: {  	v16 =	vld [tilespmem:s4+$0xFFFFFFE0]  }
0xfd: {  	v13 =	vmul.f32 v13, v9;
	v14 =	vmul.f32 v14, v8;
	_ =	sdelay $0x1  }
0xfe: {  	v15 =	vmul.f32 v15, v10;
	v14 =	vadd.f32 v14, v13;
	v13 =	vor.u32 $0xC00, v0  }
0xff: {  	v17 =	vadd.s32 v13, v6  }
0x100: {  	v16 =	vmul.f32 v16, v7;
	v14 =	vadd.f32 v15, v14;
	_ =	sdelay $0x1  }
0x101: {  	v14 =	vadd.f32 v16, v14;
	_ =	sdelay $0x1  }
0x102: {  	[tilespmem:v17+s10+$0x0] =	vst.idx.msk $0xffff, v14  }
0x103: {  	v14 =	vld [tilespmem:s30+$0xFFFFFFF0]  }
0x104: {  	v15 =	vld [tilespmem:s21+$0xFFFFFFF0];
	_ =	sdelay $0x1  }
0x105: {  	v16 =	vld [tilespmem:s15+$0xFFFFFFF0];
	_ =	sdelay $0x1  }
0x106: {  	v17 =	vld [tilespmem:s4+$0xFFFFFFF0]  }
0x107: {  	v14 =	vmul.f32 v14, v9;
	v15 =	vmul.f32 v15, v8;
	_ =	sdelay $0x1  }
0x108: {  	v16 =	vmul.f32 v16, v10;
	v15 =	vadd.f32 v15, v14;
	v14 =	vadd.s32 $0xF00, v0  }
0x109: {  	v18 =	vadd.s32 v14, v6  }
0x10a: {  	v17 =	vmul.f32 v17, v7;
	v15 =	vadd.f32 v16, v15;
	_ =	sdelay $0x1  }
0x10b: {  	v15 =	vadd.f32 v17, v15;
	_ =	sdelay $0x1  }
0x10c: {  	[tilespmem:v18+s10+$0x0] =	vst.idx.msk $0xffff, v15  }
0x10d: {  	v15 =	vld [tilespmem:s21+$0x0]  }
0x10e: {  	v16 =	vld [tilespmem:s30+$0x0];
	_ =	sdelay $0x1  }
0x10f: {  	v17 =	vld [tilespmem:s15+$0x0];
	_ =	sdelay $0x1  }
0x110: {  	v18 =	vld [tilespmem:s4+$0x0]  }
0x111: {  	v15 =	vmul.f32 v15, v8;
	v16 =	vmul.f32 v16, v9;
	_ =	sdelay $0x1  }
0x112: {  	v17 =	vmul.f32 v17, v10;
	v16 =	vadd.f32 v15, v16;
	v15 =	vadd.s32 $0x1200, v0  }
0x113: {  	v19 =	vadd.s32 v15, v6  }
0x114: {  	v18 =	vmul.f32 v18, v7;
	v16 =	vadd.f32 v17, v16;
	_ =	sdelay $0x1  }
0x115: {  	v16 =	vadd.f32 v18, v16;
	_ =	sdelay $0x1  }
0x116: {  	[tilespmem:v19+s10+$0x0] =	vst.idx.msk $0xffff, v16  }
0x117: {  	v16 =	vld [tilespmem:s30+$0x10]  }
0x118: {  	v17 =	vld [tilespmem:s21+$0x10];
	_ =	sdelay $0x1  }
0x119: {  	v18 =	vld [tilespmem:s15+$0x10];
	_ =	sdelay $0x1  }
0x11a: {  	v19 =	vld [tilespmem:s4+$0x10]  }
0x11b: {  	v20 =	vmul.f32 v16, v9;
	v17 =	vmul.f32 v17, v8;
	_ =	sdelay $0x1  }
0x11c: {  	v16 =	vadd.s32 $0x1500, v0;
	v18 =	vmul.f32 v18, v10;
	v17 =	vadd.f32 v17, v20  }
0x11d: {  	v20 =	vadd.s32 v16, v6  }
0x11e: {  	v19 =	vmul.f32 v19, v7;
	v17 =	vadd.f32 v18, v17;
	_ =	sdelay $0x1  }
0x11f: {  	v17 =	vadd.f32 v19, v17;
	_ =	sdelay $0x1  }
0x120: {  	[tilespmem:v20+s10+$0x0] =	vst.idx.msk $0xffff, v17  }
0x121: {  	v17 =	vld [tilespmem:s30+$0x20]  }
0x122: {  	v18 =	vld [tilespmem:s21+$0x20];
	_ =	sdelay $0x1  }
0x123: {  	v19 =	vld [tilespmem:s15+$0x20];
	_ =	sdelay $0x1  }
0x124: {  	v20 =	vld [tilespmem:s4+$0x20]  }
0x125: {  	v21 =	vmul.f32 v17, v9;
	v18 =	vmul.f32 v18, v8;
	_ =	sdelay $0x1  }
0x126: {  	v17 =	vor.u32 $0x1800, v0;
	v19 =	vmul.f32 v19, v10;
	v18 =	vadd.f32 v18, v21  }
0x127: {  	v21 =	vadd.s32 v17, v6  }
0x128: {  	v20 =	vmul.f32 v20, v7;
	v18 =	vadd.f32 v19, v18;
	_ =	sdelay $0x1  }
0x129: {  	v18 =	vadd.f32 v20, v18;
	_ =	sdelay $0x1  }
0x12a: {  	[tilespmem:v21+s10+$0x0] =	vst.idx.msk $0xffff, v18  }
0x12b: {  	s16 =	simm.s32 $0x1;
	s7 =	simm.s32 $0x149B8;
	v21 =	vld [tilespmem:s30+$0x30]  }
0x12c: {  	s6 =	simm.s32 $0x124F8;
	s11 =	simm.s32 $0xDCF8;
	s3 =	simm.s32 $0x100F8;
	v22 =	vld [tilespmem:s21+$0x30]  }
.LBB2_5:
0x12d: {  	v19 =	vld [tilespmem:s15+$0x30];
	s30 =	sadd.s32 $0xC0, s30;
	s21 =	sadd.s32 $0xC0, s21;
	s6 =	sadd.s32 $0xC0, s6  }
0x12e: {  	p0 =	sne.s32 s16, $0x2F;
	s9 =	smov.u32 s16;
	s16 =	sadd.s32 $0x1, s16;
	v20 =	vld [tilespmem:s4+$0x30]  }
0x12f: {  	_ = 	snop  }
0x130: {  	v21 =	vmul.f32 v21, v9  }
0x131: {  	v22 =	vmul.f32 v22, v8  }
0x132: {  	v18 =	vadd.s32 $0x1B00, v0  }
0x133: {  	v19 =	vmul.f32 v19, v10;
	v21 =	vadd.f32 v22, v21;
	v20 =	vmul.f32 v20, v7  }
0x134: {  	v22 =	vadd.s32 v18, v6  }
0x135: {  	v19 =	vadd.f32 v19, v21;
	_ =	sdelay $0x1  }
0x136: {  	v21 =	vmov s9;
	v19 =	vadd.f32 v20, v19  }
0x137: {  	v23 =	vand.u32 $0x3F, v21  }
0x138: {  	[tilespmem:v22+s10+$0x0] =	vst.idx.msk $0xffff, v19  }
0x139: {  	v19 =	vld [tilespmem:s11+$0x40]  }
0x13a: {  	v20 =	vld [tilespmem:s3+$0x40]  }
0x13b: {  	v22 =	vld [tilespmem:s15+$0x40]  }
0x13c: {  	v24 =	vld [tilespmem:s4+$0x40];
	_ =	sdelay $0x1  }
0x13d: {  	v19 =	vmul.f32 v19, v9  }
0x13e: {  	v20 =	vmul.f32 v20, v8  }
0x13f: {  	v22 =	vmul.f32 v22, v10  }
0x140: {  	v20 =	vadd.f32 v20, v19;
	v24 =	vmul.f32 v24, v7;
	v19 =	vadd.s32 $0x1E00, v0  }
0x141: {  	v25 =	vadd.s32 v19, v6  }
0x142: {  	v20 =	vadd.f32 v22, v20;
	_ =	sdelay $0x1  }
0x143: {  	v20 =	vadd.f32 v24, v20;
	_ =	sdelay $0x1  }
0x144: {  	[tilespmem:v25+s10+$0x0] =	vst.idx.msk $0xffff, v20  }
0x145: {  	v20 =	vld [tilespmem:s3+$0x50];
	s3 =	smov.u32 s21  }
0x146: {  	v22 =	vld [tilespmem:s11+$0x50];
	s11 =	smov.u32 s30  }
0x147: {  	v24 =	vld [tilespmem:s15+$0x50];
	s15 =	smov.u32 s6  }
0x148: {  	v25 =	vld [tilespmem:s4+$0x50];
	s4 =	smov.u32 s7;
	_ =	sdelay $0x1  }
0x149: {  	v8 =	vmul.f32 v20, v8  }
0x14a: {  	v9 =	vmul.f32 v22, v9  }
0x14b: {  	v20 =	vadd.s32 $0x2100, v0  }
0x14c: {  	v8 =	vadd.f32 v8, v9;
	v9 =	vmul.f32 v24, v10;
	v7 =	vmul.f32 v25, v7  }
0x14d: {  	v10 =	vadd.s32 v20, v6;
	v6 =	vmov v23  }
0x14e: {  	v8 =	vadd.f32 v9, v8;
	_ =	sdelay $0x1  }
0x14f: {  	v7 =	vadd.f32 v7, v8;
	_ =	sdelay $0x1  }
0x150: {  	[tilespmem:v10+s10+$0x0] =	vst.idx.msk $0xffff, v7  }
0x151: {  	v22 =	vld [tilespmem:s21+$0xFFFFFFA0]  }
0x152: {  	v8 =	vld.idx.msk [tilespmem:v21+s0+$0x0], $0xffff  }
0x153: {  	v9 =	vld.idx.msk [tilespmem:v21+s2+$0x0], $0xffff  }
0x154: {  	v23 =	vld [tilespmem:s6+$0xFFFFFFA0]  }
0x155: {  	v24 =	vld [tilespmem:s30+$0xFFFFFFA0]  }
0x156: {  	v10 =	vld.idx.msk [tilespmem:v21+s17+$0x0], $0xffff  }
0x157: {  	v7 =	vld.idx.msk [tilespmem:v21+s18+$0x0], $0xffff  }
0x158: {  	v21 =	vld [tilespmem:s7+$0xFFFFFFA0];
	_ =	sdelay $0x1  }
0x159: {  	v22 =	vmul.f32 v22, v8;
	v24 =	vmul.f32 v24, v9;
	_ =	sdelay $0x1  }
0x15a: {  	v23 =	vmul.f32 v23, v10;
	v22 =	vadd.f32 v22, v24  }
0x15b: {  	v24 =	vadd.s32 v0, v6;
	v21 =	vmul.f32 v21, v7  }
0x15c: {  	v22 =	vadd.f32 v23, v22;
	_ =	sdelay $0x1  }
0x15d: {  	v21 =	vadd.f32 v21, v22;
	_ =	sdelay $0x1  }
0x15e: {  	[tilespmem:v24+s10+$0x0] =	vst.idx.msk $0xffff, v21  }
0x15f: {  	v21 =	vld [tilespmem:s30+$0xFFFFFFB0]  }
0x160: {  	v22 =	vld [tilespmem:s21+$0xFFFFFFB0];
	_ =	sdelay $0x1  }
0x161: {  	v23 =	vld [tilespmem:s6+$0xFFFFFFB0];
	_ =	sdelay $0x1  }
0x162: {  	v21 =	vmul.f32 v21, v9;
	v24 =	vld [tilespmem:s7+$0xFFFFFFB0]  }
0x163: {  	v22 =	vmul.f32 v22, v8;
	_ =	sdelay $0x1  }
0x164: {  	v21 =	vadd.f32 v22, v21;
	v22 =	vmul.f32 v23, v10  }
0x165: {  	v23 =	vadd.s32 v4, v6  }
0x166: {  	v21 =	vadd.f32 v22, v21;
	v22 =	vmul.f32 v24, v7;
	_ =	sdelay $0x1  }
0x167: {  	v21 =	vadd.f32 v22, v21;
	_ =	sdelay $0x1  }
0x168: {  	[tilespmem:v23+s10+$0x0] =	vst.idx.msk $0xffff, v21  }
0x169: {  	v21 =	vld [tilespmem:s21+$0xFFFFFFC0]  }
0x16a: {  	v22 =	vld [tilespmem:s30+$0xFFFFFFC0]  }
0x16b: {  	v23 =	vld [tilespmem:s6+$0xFFFFFFC0];
	_ =	sdelay $0x2  }
0x16c: {  	v21 =	vmul.f32 v21, v8;
	v24 =	vld [tilespmem:s7+$0xFFFFFFC0]  }
0x16d: {  	v22 =	vmul.f32 v22, v9  }
0x16e: {  	v23 =	vmul.f32 v23, v10  }
0x16f: {  	v21 =	vadd.f32 v21, v22  }
0x170: {  	v22 =	vadd.s32 v11, v6  }
0x171: {  	v21 =	vadd.f32 v23, v21;
	v23 =	vmul.f32 v24, v7;
	_ =	sdelay $0x1  }
0x172: {  	v21 =	vadd.f32 v23, v21;
	_ =	sdelay $0x1  }
0x173: {  	[tilespmem:v22+s10+$0x0] =	vst.idx.msk $0xffff, v21  }
0x174: {  	v21 =	vld [tilespmem:s30+$0xFFFFFFD0]  }
0x175: {  	v22 =	vld [tilespmem:s21+$0xFFFFFFD0];
	_ =	sdelay $0x1  }
0x176: {  	v23 =	vld [tilespmem:s6+$0xFFFFFFD0];
	_ =	sdelay $0x1  }
0x177: {  	v21 =	vmul.f32 v21, v9;
	v24 =	vld [tilespmem:s7+$0xFFFFFFD0]  }
0x178: {  	v22 =	vmul.f32 v22, v8;
	_ =	sdelay $0x1  }
0x179: {  	v21 =	vadd.f32 v22, v21;
	v22 =	vmul.f32 v23, v10  }
0x17a: {  	v23 =	vadd.s32 v12, v6  }
0x17b: {  	v21 =	vadd.f32 v22, v21;
	v22 =	vmul.f32 v24, v7;
	_ =	sdelay $0x1  }
0x17c: {  	v21 =	vadd.f32 v22, v21;
	_ =	sdelay $0x1  }
0x17d: {  	[tilespmem:v23+s10+$0x0] =	vst.idx.msk $0xffff, v21  }
0x17e: {  	v21 =	vld [tilespmem:s30+$0xFFFFFFE0]  }
0x17f: {  	v22 =	vld [tilespmem:s21+$0xFFFFFFE0]  }
0x180: {  	v23 =	vld [tilespmem:s6+$0xFFFFFFE0]  }
0x181: {  	v24 =	vld [tilespmem:s7+$0xFFFFFFE0];
	_ =	sdelay $0x1  }
0x182: {  	v21 =	vmul.f32 v21, v9  }
0x183: {  	v22 =	vmul.f32 v22, v8  }
0x184: {  	v23 =	vmul.f32 v23, v10  }
0x185: {  	v21 =	vadd.f32 v22, v21;
	v22 =	vmul.f32 v24, v7  }
0x186: {  	v24 =	vadd.s32 v13, v6  }
0x187: {  	v21 =	vadd.f32 v23, v21;
	_ =	sdelay $0x1  }
0x188: {  	v21 =	vadd.f32 v22, v21;
	_ =	sdelay $0x1  }
0x189: {  	[tilespmem:v24+s10+$0x0] =	vst.idx.msk $0xffff, v21  }
0x18a: {  	v21 =	vld [tilespmem:s30+$0xFFFFFFF0]  }
0x18b: {  	v22 =	vld [tilespmem:s21+$0xFFFFFFF0]  }
0x18c: {  	v23 =	vld [tilespmem:s6+$0xFFFFFFF0]  }
0x18d: {  	v24 =	vld [tilespmem:s7+$0xFFFFFFF0];
	_ =	sdelay $0x1  }
0x18e: {  	v21 =	vmul.f32 v21, v9  }
0x18f: {  	v22 =	vmul.f32 v22, v8  }
0x190: {  	v23 =	vmul.f32 v23, v10  }
0x191: {  	v21 =	vadd.f32 v22, v21;
	v22 =	vmul.f32 v24, v7  }
0x192: {  	v24 =	vadd.s32 v14, v6  }
0x193: {  	v21 =	vadd.f32 v23, v21;
	_ =	sdelay $0x1  }
0x194: {  	v21 =	vadd.f32 v22, v21;
	_ =	sdelay $0x1  }
0x195: {  	[tilespmem:v24+s10+$0x0] =	vst.idx.msk $0xffff, v21  }
0x196: {  	v21 =	vld [tilespmem:s21+$0x0]  }
0x197: {  	v22 =	vld [tilespmem:s30+$0x0]  }
0x198: {  	v23 =	vld [tilespmem:s6+$0x0]  }
0x199: {  	v24 =	vld [tilespmem:s7+$0x0];
	_ =	sdelay $0x1  }
0x19a: {  	v21 =	vmul.f32 v21, v8  }
0x19b: {  	v22 =	vmul.f32 v22, v9  }
0x19c: {  	v23 =	vmul.f32 v23, v10  }
0x19d: {  	v21 =	vadd.f32 v21, v22;
	v22 =	vmul.f32 v24, v7  }
0x19e: {  	v24 =	vadd.s32 v15, v6  }
0x19f: {  	v21 =	vadd.f32 v23, v21;
	_ =	sdelay $0x1  }
0x1a0: {  	v21 =	vadd.f32 v22, v21;
	_ =	sdelay $0x1  }
0x1a1: {  	[tilespmem:v24+s10+$0x0] =	vst.idx.msk $0xffff, v21  }
0x1a2: {  	v21 =	vld [tilespmem:s30+$0x10]  }
0x1a3: {  	v22 =	vld [tilespmem:s21+$0x10]  }
0x1a4: {  	v23 =	vld [tilespmem:s6+$0x10]  }
0x1a5: {  	v24 =	vld [tilespmem:s7+$0x10];
	_ =	sdelay $0x1  }
0x1a6: {  	v21 =	vmul.f32 v21, v9  }
0x1a7: {  	v22 =	vmul.f32 v22, v8;
	_ =	sdelay $0x1  }
0x1a8: {  	v21 =	vadd.f32 v22, v21;
	v22 =	vmul.f32 v23, v10;
	v23 =	vmul.f32 v24, v7  }
0x1a9: {  	v24 =	vadd.s32 v16, v6  }
0x1aa: {  	v21 =	vadd.f32 v22, v21;
	_ =	sdelay $0x1  }
0x1ab: {  	v21 =	vadd.f32 v23, v21;
	_ =	sdelay $0x1  }
0x1ac: {  	[tilespmem:v24+s10+$0x0] =	vst.idx.msk $0xffff, v21  }
0x1ad: {  	v21 =	vld [tilespmem:s30+$0x20]  }
0x1ae: {  	v22 =	vld [tilespmem:s21+$0x20]  }
0x1af: {  	v23 =	vld [tilespmem:s6+$0x20]  }
0x1b0: {  	v24 =	vld [tilespmem:s7+$0x20];
	_ =	sdelay $0x1  }
0x1b1: {  	v21 =	vmul.f32 v21, v9  }
0x1b2: {  	v22 =	vmul.f32 v22, v8;
	_ =	sdelay $0x1  }
0x1b3: {  	v21 =	vadd.f32 v22, v21;
	v22 =	vmul.f32 v23, v10;
	v23 =	vmul.f32 v24, v7  }
0x1b4: {  	v24 =	vadd.s32 v17, v6  }
0x1b5: {  	v21 =	vadd.f32 v22, v21;
	_ =	sdelay $0x1  }
.Ltmp3:
0x1b6: {  	v21 =	vadd.f32 v23, v21;
	(pc) =	sbr.rel @p0 .LBB2_5-.Ltmp3, $4  }
0x1b7: {  	_ = 	snop  }
0x1b8: {  	[tilespmem:v24+s10+$0x0] =	vst.idx.msk $0xffff, v21  }
0x1b9: {  	v21 =	vld [tilespmem:s30+$0x30]  }
0x1ba: {  	s7 =	sadd.s32 $0xC0, s7;
	v22 =	vld [tilespmem:s21+$0x30]  }
0x1bb: {  	_ = 	snop  }
0x1bc: {  	v11 =	vld [tilespmem:s15+$0x30];
	_ =	sdelay $0x1  }
0x1bd: {  	v12 =	vld [tilespmem:s4+$0x30]  }
0x1be: {  	v13 =	vmul.f32 v21, v9;
	v14 =	vmul.f32 v22, v8;
	_ =	sdelay $0x1  }
0x1bf: {  	v11 =	vmul.f32 v11, v10;
	v13 =	vadd.f32 v14, v13  }
0x1c0: {  	v55 =	vadd.s32 v18, v6  }
0x1c1: {  	v12 =	vmul.f32 v12, v7;
	v11 =	vadd.f32 v11, v13;
	_ =	sdelay $0x1  }
0x1c2: {  	v11 =	vadd.f32 v12, v11;
	_ =	sdelay $0x1  }
0x1c3: {  	[tilespmem:v55+s10+$0x0] =	vst.idx.msk $0xffff, v11  }
0x1c4: {  	v11 =	vld [tilespmem:s11+$0x40]  }
0x1c5: {  	v56 =	vld [tilespmem:s3+$0x40];
	_ =	sdelay $0x1  }
0x1c6: {  	v57 =	vld [tilespmem:s15+$0x40];
	_ =	sdelay $0x1  }
0x1c7: {  	v14 =	vld [tilespmem:s4+$0x40]  }
0x1c8: {  	v11 =	vmul.f32 v11, v9;
	v12 =	vmul.f32 v56, v8;
	_ =	sdelay $0x1  }
0x1c9: {  	v13 =	vmul.f32 v57, v10;
	v11 =	vadd.f32 v12, v11  }
0x1ca: {  	v58 =	vadd.s32 v19, v6  }
0x1cb: {  	v14 =	vmul.f32 v14, v7;
	v11 =	vadd.f32 v13, v11;
	_ =	sdelay $0x1  }
0x1cc: {  	v11 =	vadd.f32 v14, v11;
	_ =	sdelay $0x1  }
0x1cd: {  	[tilespmem:v58+s10+$0x0] =	vst.idx.msk $0xffff, v11  }
0x1ce: {  	v11 =	vld [tilespmem:s3+$0x50]  }
0x1cf: {  	v12 =	vld [tilespmem:s11+$0x50]  }
0x1d0: {  	s11 =	sadd.s32 $0xFFFFFFFF, s8  }
0x1d1: {  	v59 =	vld [tilespmem:s15+$0x50];
	s6 =	sshra.s32 s11, $0x1F  }
0x1d2: {  	s7 =	sshrl.u32 s6, $0x1D  }
0x1d3: {  	v60 =	vld [tilespmem:s4+$0x50];
	s15 =	sadd.s32 s7, s11  }
0x1d4: {  	s4 =	sshra.s32 s15, $0x3;
	v61 =	vmul.f32 v11, v8;
	v62 =	vmul.f32 v12, v9  }
0x1d5: {  	s4 =	sadd.s32 s6, s4  }
0x1d6: {  	v63 =	vmul.f32 v59, v10;
	s6 =	sadd.s32 s1, s4;
	s4 =	sshll.u32 s4, $0x3;
	v8 =	vadd.f32 v61, v62  }
0x1d7: {  	v6 =	vadd.s32 v20, v6;
	s6 =	smul.u32 $0x180, s6;
	s3 =	ssub.s32 s11, s4  }
0x1d8: {  	v7 =	vmul.f32 v60, v7;
	s3 =	smul.u32 $0x30, s3;
	v8 =	vadd.f32 v63, v8  }
0x1d9: {  	s16 =	sadd.s32 s31, s6  }
0x1da: {  	s21 =	smov.u32 s1;
	s30 =	smov.u32 s31;
	s3 =	sadd.s32 s3, s16;
	v7 =	vadd.f32 v7, v8  }
0x1db: {  	p0 =	por $0x0, $0x0;
	s15 =	simm.s32 $0x30;
	s3 =	sshrl.u32 s3, $0x3  }
0x1dc: {  	s31 =	smov.u32 s19;
	s3 =	sadd.s32 s19, s3;
	s19 =	simm.s32 $0x24000;
	[tilespmem:v6+s10+$0x0] =	vst.idx.msk $0xffff, v7  }
0x1dd: {  	[hbm4b:s3+s15] =	stream.strided.scatter [tilespmem:s10], [sflag:$0x4], $0x2400, s19, s15, $0x38;
	[tilespmem:$0x1B798] =	vst v63  }
0x1de: {  	s1 =	smov.u32 s20;
	s20 =	simm.s32 $0x16C98;
	s19 =	simm.s32 $0x180  }
.LBB2_9:
0x1df: {  	s8 =	sor.u32 $0x1, s8  }
0x1e0: {  	s3 =	ssub.s32 s8, s5  }
0x1e1: {  	s3 =	smul.u32 $0x30, s3;
	_ =	sdelay $0x1  }
0x1e2: {  	v6 =	vld [tilespmem:s3+$0x0];
	s4 =	sadd.s32 s14, s3  }
0x1e3: {  	v7 =	vld [tilespmem:s4+$0x198]  }
0x1e4: {  	v5 =	vld.idx.msk [tilespmem:v5+s19+$0x0], $0xffff  }
0x1e5: {  	v8 =	vld [tilespmem:s4+$0x2598];
	_ =	sdelay $0x2  }
0x1e6: {  	v6 =	vadd.f32 v7, v6;
	_ =	sdelay $0x1  }
0x1e7: {  	v7 =	vadd.f32 v8, v5;
	v8 =	vadd.f32 $1.000000000e+00, v6;
	_ =	sdelay $0x1  }
0x1e8: {  	v9 =	vadd.f32 $1.000000000e+00, v7;
	v8 =	vmul.f32 $5.000000000e-01, v8;
	_ =	sdelay $0x1  }
0x1e9: {  	v9 =	vmul.f32 $5.000000000e-01, v9;
	v8 =	vmul.f32 $3.830000000e+02, v8;
	_ =	sdelay $0x1  }
0x1ea: {  	v9 =	vmul.f32 $3.830000000e+02, v9;
	v10 =	vtrunc.f32 v8  }
0x1eb: {  	v10 =	vcvt.f32.s32 v10  }
0x1ec: {  	v11 =	vtrunc.f32 v9  }
0x1ed: {  	v11 =	vcvt.f32.s32 v11;
	v10 =	vcvt.s32.f32 v10;
	_ =	sdelay $0x1  }
0x1ee: {  	v11 =	vcvt.s32.f32 v11;
	v12 =	vadd.f32 $-1.000000000e+00, v10  }
0x1ef: {  	vm0 =	vlt.f32 v8, v10  }
0x1f0: {  	v10 =	vsel vm0, v12, v10;
	v12 =	vadd.f32 $-1.000000000e+00, v11  }
0x1f1: {  	vm10 =	vlt.f32 v9, v11;
	v8 =	vsub.f32 v8, v10;
	vm11 =	vge.f32 v10, $0.0e+00  }
0x1f2: {  	vm1 =	vle.f32 v10, $3.830000000e+02;
	v11 =	vsel vm10, v12, v11;
	v12 =	vadd.f32 $1.000000000e+00, v10  }
0x1f3: {  	vm1 =	vmand vm11, vm1;
	v10 =	vmax.f32 v10, $0.0e+00;
	v13 =	vadd.f32 $1.000000000e+00, v11  }
0x1f4: {  	v14 =	vsub.f32 $1.000000000e+00, v8;
	v9 =	vsub.f32 v9, v11;
	vm13 =	vge.f32 v11, $0.0e+00  }
0x1f5: {  	vm3 =	vle.f32 v11, $3.830000000e+02;
	v11 =	vmax.f32 v11, $0.0e+00;
	v10 =	vmin.f32 v10, $3.830000000e+02  }
0x1f6: {  	vm12 =	vge.f32 v12, $0.0e+00;
	vm2 =	vle.f32 v12, $3.830000000e+02;
	v11 =	vmin.f32 v11, $3.830000000e+02  }
0x1f7: {  	v12 =	vmax.f32 v12, $0.0e+00;
	v10 =	vtrunc.f32 v10;
	vm0 =	vmand vm12, vm2  }
0x1f8: {  	vm2 =	vmand vm13, vm3;
	vm14 =	vge.f32 v13, $0.0e+00;
	vm4 =	vle.f32 v13, $3.830000000e+02  }
0x1f9: {  	v13 =	vmax.f32 v13, $0.0e+00;
	v11 =	vtrunc.f32 v11;
	v12 =	vmin.f32 v12, $3.830000000e+02  }
0x1fa: {  	v10 =	vcvt.f32.s32 v10;
	v15 =	vsub.f32 $1.000000000e+00, v9;
	v13 =	vmin.f32 v13, $3.830000000e+02  }
0x1fb: {  	v11 =	vcvt.f32.s32 v11;
	v12 =	vtrunc.f32 v12;
	vm3 =	vmand vm14, vm4  }
0x1fc: {  	vm15 =	vmand vm1, vm2;
	vm2 =	vmand vm2, vm0;
	v13 =	vtrunc.f32 v13  }
0x1fd: {  	v12 =	vcvt.f32.s32 v12;
	v13 =	vcvt.f32.s32 v13;
	v11 =	vmul.u32 $0x180, v11  }
0x1fe: {  	v17 =	vmul.f32 v15, v14;
	v18 =	vsel vm15, $0x3F800000, v2;
	v15 =	vmul.f32 v15, v8  }
0x1ff: {  	vm1 =	vmand vm1, vm3;
	v13 =	vmul.u32 $0x180, v13;
	v11 =	vadd.s32 v1, v11  }
0x200: {  	v8 =	vmul.f32 v9, v8;
	vm0 =	vmand vm0, vm3;
	v16 =	vadd.s32 v10, v11  }
0x201: {  	v11 =	vadd.s32 v12, v11;
	v13 =	vadd.s32 v1, v13;
	[tilespmem:$0xDB18] =	vst v16;
	v16 =	vsel vm2, $0x3F800000, v2  }
0x202: {  	[tilespmem:$0xDB48] =	vst v11;
	v10 =	vadd.s32 v10, v13;
	v11 =	vmul.f32 v16, v15;
	v15 =	vmov s3  }
0x203: {  	v12 =	vadd.s32 v12, v13;
	v13 =	vmul.f32 v18, v17;
	[tilespmem:$0xDB78] =	vst v10;
	v15 =	vshll.u32 v15, $0x1  }
0x204: {  	v10 =	vmul.f32 v14, v9;
	[tilespmem:$0xDBA8] =	vst v12;
	v12 =	vsel vm0, $0x3F800000, v2;
	v9 =	vor.u32 v3, v15  }
0x205: {  	v14 =	vsel vm1, $0x3F800000, v2;
	[tilespmem:$0xDBD8] =	vst v13;
	v8 =	vmul.f32 v12, v8;
	v13 =	vor.u32 $0x1, v9  }
0x206: {  	[tilespmem:$0xDC08] =	vst v11;
	v10 =	vmul.f32 v14, v10  }
0x207: {  	[tilespmem:$0xDC68] =	vst v8  }
0x208: {  	[tilespmem:$0xDC38] =	vst v10  }
0x209: {  	[tilespmem:v9+s20+$0x0] =	vst.idx.msk $0xffff, v6  }
0x20a: {  	s6 =	sadd.s32 $0x10, s3;
	[tilespmem:v13+s20+$0x0] =	vst.idx.msk $0xffff, v7  }
0x20b: {  	s7 =	sadd.s32 s14, s6;
	v6 =	vld [tilespmem:s3+$0x10]  }
0x20c: {  	v7 =	vld [tilespmem:s7+$0x198];
	_ =	sdelay $0x1  }
0x20d: {  	v8 =	vld [tilespmem:s7+$0x2598];
	_ =	sdelay $0x2  }
0x20e: {  	v6 =	vadd.f32 v7, v6;
	_ =	sdelay $0x1  }
0x20f: {  	v7 =	vadd.f32 v8, v5;
	v8 =	vadd.f32 $1.000000000e+00, v6;
	_ =	sdelay $0x1  }
0x210: {  	v9 =	vadd.f32 $1.000000000e+00, v7;
	v8 =	vmul.f32 $5.000000000e-01, v8;
	_ =	sdelay $0x1  }
0x211: {  	v9 =	vmul.f32 $5.000000000e-01, v9;
	v8 =	vmul.f32 $3.830000000e+02, v8;
	_ =	sdelay $0x1  }
0x212: {  	v9 =	vmul.f32 $3.830000000e+02, v9;
	v10 =	vtrunc.f32 v8  }
0x213: {  	v10 =	vcvt.f32.s32 v10  }
0x214: {  	v11 =	vtrunc.f32 v9  }
0x215: {  	v11 =	vcvt.f32.s32 v11;
	v10 =	vcvt.s32.f32 v10;
	_ =	sdelay $0x1  }
0x216: {  	v11 =	vcvt.s32.f32 v11;
	v12 =	vadd.f32 $-1.000000000e+00, v10  }
0x217: {  	vm5 =	vlt.f32 v8, v10  }
0x218: {  	v10 =	vsel vm5, v12, v10;
	v12 =	vadd.f32 $-1.000000000e+00, v11  }
0x219: {  	vm6 =	vlt.f32 v9, v11;
	v8 =	vsub.f32 v8, v10;
	vm7 =	vge.f32 v10, $0.0e+00  }
0x21a: {  	vm8 =	vle.f32 v10, $3.830000000e+02;
	v11 =	vsel vm6, v12, v11;
	v12 =	vadd.f32 $1.000000000e+00, v10  }
0x21b: {  	vm1 =	vmand vm7, vm8;
	v10 =	vmax.f32 v10, $0.0e+00;
	v13 =	vadd.f32 $1.000000000e+00, v11  }
0x21c: {  	v14 =	vsub.f32 $1.000000000e+00, v8;
	v9 =	vsub.f32 v9, v11;
	vm11 =	vge.f32 v11, $0.0e+00  }
0x21d: {  	vm12 =	vle.f32 v11, $3.830000000e+02;
	v11 =	vmax.f32 v11, $0.0e+00;
	v10 =	vmin.f32 v10, $3.830000000e+02  }
0x21e: {  	vm9 =	vge.f32 v12, $0.0e+00;
	vm10 =	vle.f32 v12, $3.830000000e+02;
	vm2 =	vmand vm11, vm12  }
0x21f: {  	v11 =	vmin.f32 v11, $3.830000000e+02;
	v12 =	vmax.f32 v12, $0.0e+00;
	v10 =	vtrunc.f32 v10  }
0x220: {  	vm0 =	vmand vm9, vm10;
	vm13 =	vge.f32 v13, $0.0e+00;
	vm14 =	vle.f32 v13, $3.830000000e+02  }
0x221: {  	v13 =	vmax.f32 v13, $0.0e+00;
	v11 =	vtrunc.f32 v11;
	v12 =	vmin.f32 v12, $3.830000000e+02  }
0x222: {  	v10 =	vcvt.f32.s32 v10;
	v15 =	vsub.f32 $1.000000000e+00, v9;
	vm15 =	vmand vm1, vm2  }
0x223: {  	v13 =	vmin.f32 v13, $3.830000000e+02;
	v11 =	vcvt.f32.s32 v11;
	v12 =	vtrunc.f32 v12  }
0x224: {  	vm3 =	vmand vm13, vm14;
	v18 =	vsel vm15, $0x3F800000, v2;
	v13 =	vtrunc.f32 v13  }
0x225: {  	v12 =	vcvt.f32.s32 v12;
	v13 =	vcvt.f32.s32 v13;
	v11 =	vmul.u32 $0x180, v11  }
0x226: {  	vm2 =	vmand vm2, vm0;
	v17 =	vmul.f32 v15, v14;
	v15 =	vmul.f32 v15, v8  }
0x227: {  	vm1 =	vmand vm1, vm3;
	v13 =	vmul.u32 $0x180, v13;
	v11 =	vadd.s32 v1, v11  }
0x228: {  	v8 =	vmul.f32 v9, v8;
	vm0 =	vmand vm0, vm3;
	v16 =	vadd.s32 v10, v11  }
0x229: {  	v11 =	vadd.s32 v12, v11;
	v13 =	vadd.s32 v1, v13;
	[tilespmem:$0xDB28] =	vst v16;
	v16 =	vsel vm2, $0x3F800000, v2  }
0x22a: {  	[tilespmem:$0xDB58] =	vst v11;
	v10 =	vadd.s32 v10, v13;
	v11 =	vmul.f32 v16, v15;
	v15 =	vmov s6  }
0x22b: {  	v12 =	vadd.s32 v12, v13;
	v13 =	vmul.f32 v18, v17;
	[tilespmem:$0xDB88] =	vst v10;
	v15 =	vshll.u32 v15, $0x1  }
0x22c: {  	v10 =	vmul.f32 v14, v9;
	[tilespmem:$0xDBB8] =	vst v12;
	v12 =	vsel vm0, $0x3F800000, v2;
	v9 =	vor.u32 v3, v15  }
0x22d: {  	v14 =	vsel vm1, $0x3F800000, v2;
	[tilespmem:$0xDBE8] =	vst v13;
	v8 =	vmul.f32 v12, v8;
	v13 =	vor.u32 $0x1, v9  }
0x22e: {  	[tilespmem:$0xDC18] =	vst v11;
	v10 =	vmul.f32 v14, v10  }
0x22f: {  	[tilespmem:$0xDC78] =	vst v8  }
0x230: {  	[tilespmem:$0xDC48] =	vst v10  }
0x231: {  	[tilespmem:v9+s20+$0x0] =	vst.idx.msk $0xffff, v6  }
0x232: {  	s9 =	sadd.s32 $0x20, s3;
	[tilespmem:v13+s20+$0x0] =	vst.idx.msk $0xffff, v7  }
0x233: {  	s11 =	sadd.s32 s14, s9;
	v6 =	vld [tilespmem:s3+$0x20]  }
0x234: {  	v7 =	vld [tilespmem:s11+$0x198];
	_ =	sdelay $0x1  }
0x235: {  	v8 =	vld [tilespmem:s11+$0x2598];
	_ =	sdelay $0x2  }
0x236: {  	v6 =	vadd.f32 v7, v6;
	_ =	sdelay $0x1  }
0x237: {  	v5 =	vadd.f32 v8, v5;
	v7 =	vadd.f32 $1.000000000e+00, v6;
	_ =	sdelay $0x1  }
0x238: {  	v8 =	vadd.f32 $1.000000000e+00, v5;
	v7 =	vmul.f32 $5.000000000e-01, v7;
	_ =	sdelay $0x1  }
0x239: {  	v8 =	vmul.f32 $5.000000000e-01, v8;
	v7 =	vmul.f32 $3.830000000e+02, v7;
	_ =	sdelay $0x1  }
0x23a: {  	v8 =	vmul.f32 $3.830000000e+02, v8;
	v9 =	vtrunc.f32 v7  }
0x23b: {  	v9 =	vcvt.f32.s32 v9  }
0x23c: {  	v10 =	vtrunc.f32 v8  }
0x23d: {  	v10 =	vcvt.f32.s32 v10;
	v9 =	vcvt.s32.f32 v9;
	_ =	sdelay $0x1  }
0x23e: {  	v10 =	vcvt.s32.f32 v10;
	v11 =	vadd.f32 $-1.000000000e+00, v9  }
0x23f: {  	vm5 =	vlt.f32 v7, v9  }
0x240: {  	v9 =	vsel vm5, v11, v9;
	v11 =	vadd.f32 $-1.000000000e+00, v10  }
0x241: {  	vm6 =	vlt.f32 v8, v10;
	v7 =	vsub.f32 v7, v9;
	vm7 =	vge.f32 v9, $0.0e+00  }
0x242: {  	vm8 =	vle.f32 v9, $3.830000000e+02;
	v10 =	vsel vm6, v11, v10;
	v11 =	vadd.f32 $1.000000000e+00, v9  }
0x243: {  	vm1 =	vmand vm7, vm8;
	v9 =	vmax.f32 v9, $0.0e+00;
	v12 =	vadd.f32 $1.000000000e+00, v10  }
0x244: {  	v13 =	vsub.f32 $1.000000000e+00, v7;
	v8 =	vsub.f32 v8, v10;
	vm11 =	vge.f32 v10, $0.0e+00  }
0x245: {  	vm12 =	vle.f32 v10, $3.830000000e+02;
	v10 =	vmax.f32 v10, $0.0e+00;
	v9 =	vmin.f32 v9, $3.830000000e+02  }
0x246: {  	vm9 =	vge.f32 v11, $0.0e+00;
	vm10 =	vle.f32 v11, $3.830000000e+02;
	vm2 =	vmand vm11, vm12  }
0x247: {  	v10 =	vmin.f32 v10, $3.830000000e+02;
	v11 =	vmax.f32 v11, $0.0e+00;
	v9 =	vtrunc.f32 v9  }
0x248: {  	vm0 =	vmand vm9, vm10;
	vm13 =	vge.f32 v12, $0.0e+00;
	vm14 =	vle.f32 v12, $3.830000000e+02  }
0x249: {  	v12 =	vmax.f32 v12, $0.0e+00;
	v10 =	vtrunc.f32 v10;
	v11 =	vmin.f32 v11, $3.830000000e+02  }
0x24a: {  	v9 =	vcvt.f32.s32 v9;
	v14 =	vsub.f32 $1.000000000e+00, v8;
	vm15 =	vmand vm1, vm2  }
0x24b: {  	v12 =	vmin.f32 v12, $3.830000000e+02;
	v10 =	vcvt.f32.s32 v10;
	v11 =	vtrunc.f32 v11  }
0x24c: {  	vm3 =	vmand vm13, vm14;
	v17 =	vsel vm15, $0x3F800000, v2;
	v12 =	vtrunc.f32 v12  }
0x24d: {  	v11 =	vcvt.f32.s32 v11;
	v12 =	vcvt.f32.s32 v12;
	v10 =	vmul.u32 $0x180, v10  }
0x24e: {  	vm2 =	vmand vm2, vm0;
	v16 =	vmul.f32 v14, v13;
	v14 =	vmul.f32 v14, v7  }
0x24f: {  	vm1 =	vmand vm1, vm3;
	v12 =	vmul.u32 $0x180, v12;
	v10 =	vadd.s32 v1, v10  }
0x250: {  	v7 =	vmul.f32 v8, v7;
	vm0 =	vmand vm0, vm3;
	v15 =	vadd.s32 v9, v10  }
0x251: {  	v10 =	vadd.s32 v11, v10;
	v12 =	vadd.s32 v1, v12;
	[tilespmem:$0xDB38] =	vst v15;
	v15 =	vsel vm2, $0x3F800000, v2  }
0x252: {  	[tilespmem:$0xDB68] =	vst v10;
	v9 =	vadd.s32 v9, v12;
	v10 =	vmul.f32 v15, v14;
	v14 =	vmov s9  }
0x253: {  	v11 =	vadd.s32 v11, v12;
	v12 =	vmul.f32 v17, v16;
	[tilespmem:$0xDB98] =	vst v9;
	v14 =	vshll.u32 v14, $0x1  }
0x254: {  	v9 =	vmul.f32 v13, v8;
	[tilespmem:$0xDBC8] =	vst v11;
	v11 =	vsel vm0, $0x3F800000, v2;
	v8 =	vor.u32 v3, v14  }
0x255: {  	v13 =	vsel vm1, $0x3F800000, v2;
	[tilespmem:$0xDBF8] =	vst v12;
	v7 =	vmul.f32 v11, v7;
	v12 =	vor.u32 $0x1, v8  }
0x256: {  	[tilespmem:$0xDC28] =	vst v10;
	v9 =	vmul.f32 v13, v9  }
0x257: {  	[tilespmem:$0xDC88] =	vst v7  }
0x258: {  	[tilespmem:$0xDC58] =	vst v9  }
0x259: {  	[tilespmem:v8+s20+$0x0] =	vst.idx.msk $0xffff, v6  }
0x25a: {  	s16 =	simm.s32 $0xDC98;
	s14 =	simm.s32 $0xDB18;
	[tilespmem:v12+s20+$0x0] =	vst.idx.msk $0xffff, v5  }
0x25b: {  	[tilespmem:s16], [sflag:$0x2] =	stream.indirect.gather [hbm4b:s1+s15], $0xC0, s14, s15, $0xb8;
	[tilespmem:$0x1B798] =	vst v63  }
0x25c: {  	s5 =	simm.s32 $0xDB48;
	s6 =	simm.s32 $0x10098  }
0x25d: {  	[tilespmem:s6], [sflag:$0x2] =	stream.indirect.gather [hbm4b:s1+s15], $0xC0, s5, s15, $0xb8;
	[tilespmem:$0x1B798] =	vst v63  }
0x25e: {  	s7 =	simm.s32 $0xDB78;
	s9 =	simm.s32 $0x12498  }
0x25f: {  	[tilespmem:s9], [sflag:$0x2] =	stream.indirect.gather [hbm4b:s1+s15], $0xC0, s7, s15, $0xb8;
	[tilespmem:$0x1B798] =	vst v63  }
0x260: {  	s11 =	simm.s32 $0xDBA8;
	s14 =	simm.s32 $0x14898  }
0x261: {  	[tilespmem:s14], [sflag:$0x2] =	stream.indirect.gather [hbm4b:s1+s15], $0xC0, s11, s15, $0xb8;
	[tilespmem:$0x1B798] =	vst v63  }
0x262: {  	_ =	swait.ge [sflag:s22], $0x2400  }
0x263: {  	[sflag:s22] =	ssyncset.done $0x0  }
0x264: {  	[sflag:s22] =	ssyncadd.s32 $0xFFFFDC00  }
0x265: {  	_ =	swait.ge [sflag:s22], $0x2400  }
0x266: {  	[sflag:s22] =	ssyncset.done $0x0  }
0x267: {  	[sflag:s22] =	ssyncadd.s32 $0xFFFFDC00  }
0x268: {  	_ =	swait.ge [sflag:s22], $0x2400  }
0x269: {  	[sflag:s22] =	ssyncset.done $0x0  }
0x26a: {  	[sflag:s22] =	ssyncadd.s32 $0xFFFFDC00  }
0x26b: {  	_ =	swait.ge [sflag:s22], $0x2400  }
0x26c: {  	s16 =	simm.s32 $0x0;
	[sflag:s22] =	ssyncset.done $0x0  }
0x26d: {  	s4 =	simm.s32 @!p0 $0x3;
	v5 =	vmov s16;
	[sflag:s22] =	ssyncadd.s32 $0xFFFFDC00  }
0x26e: {  	_ =	swait.ge @!p0 [sflag:s4], $0x2400  }
0x26f: {  	[sflag:s4] =	ssyncset.done @!p0 $0x0  }
0x270: {  	s14 =	simm.s32 $0x6F78;
	[sflag:s4] =	ssyncadd.s32 @!p0 $0xFFFFDC00  }
0x271: {  	v6 =	vld [tilespmem:s14+$0xFFFFFFA0]  }
0x272: {  	v16 =	vld.idx.msk [tilespmem:v5+s24+$0x0], $0xffff  }
0x273: {  	s15 =	simm.s32 $0x4B78;
	v17 =	vld.idx.msk [tilespmem:v5+s23+$0x0], $0xffff  }
0x274: {  	s4 =	simm.s32 $0x9378;
	v7 =	vld [tilespmem:s15+$0xFFFFFFA0]  }
0x275: {  	v8 =	vld [tilespmem:s4+$0xFFFFFFA0]  }
0x276: {  	v19 =	vld.idx.msk [tilespmem:v5+s25+$0x0], $0xffff  }
0x277: {  	s5 =	simm.s32 $0xB778;
	v18 =	vld.idx.msk [tilespmem:v5+s26+$0x0], $0xffff  }
0x278: {  	v9 =	vld [tilespmem:s5+$0xFFFFFFA0]  }
0x279: {  	v7 =	vmul.f32 v7, v17;
	v6 =	vmul.f32 v6, v16;
	_ =	sdelay $0x1  }
0x27a: {  	v15 =	vand.u32 $0x3F, v5;
	v5 =	vadd.f32 v6, v7;
	v6 =	vmul.f32 v8, v19  }
0x27b: {  	v7 =	vadd.s32 v0, v15  }
0x27c: {  	v8 =	vmul.f32 v9, v18;
	v5 =	vadd.f32 v6, v5;
	_ =	sdelay $0x1  }
0x27d: {  	v5 =	vadd.f32 v8, v5;
	_ =	sdelay $0x1  }
0x27e: {  	[tilespmem:v7+s28+$0x0] =	vst.idx.msk $0xffff, v5  }
0x27f: {  	v5 =	vld [tilespmem:s15+$0xFFFFFFB0]  }
0x280: {  	v6 =	vld [tilespmem:s14+$0xFFFFFFB0];
	_ =	sdelay $0x1  }
0x281: {  	v7 =	vld [tilespmem:s4+$0xFFFFFFB0];
	_ =	sdelay $0x1  }
0x282: {  	v8 =	vld [tilespmem:s5+$0xFFFFFFB0]  }
0x283: {  	v5 =	vmul.f32 v5, v17;
	v6 =	vmul.f32 v6, v16;
	_ =	sdelay $0x1  }
0x284: {  	v5 =	vadd.f32 v6, v5;
	v6 =	vmul.f32 v7, v19  }
0x285: {  	v7 =	vadd.s32 v4, v15  }
0x286: {  	v5 =	vadd.f32 v6, v5;
	v6 =	vmul.f32 v8, v18;
	_ =	sdelay $0x1  }
0x287: {  	v5 =	vadd.f32 v6, v5;
	_ =	sdelay $0x1  }
0x288: {  	[tilespmem:v7+s28+$0x0] =	vst.idx.msk $0xffff, v5  }
0x289: {  	v5 =	vld [tilespmem:s14+$0xFFFFFFC0]  }
0x28a: {  	v6 =	vld [tilespmem:s15+$0xFFFFFFC0];
	_ =	sdelay $0x1  }
0x28b: {  	v7 =	vld [tilespmem:s4+$0xFFFFFFC0];
	_ =	sdelay $0x1  }
0x28c: {  	v8 =	vld [tilespmem:s5+$0xFFFFFFC0]  }
0x28d: {  	v5 =	vmul.f32 v5, v16;
	v6 =	vmul.f32 v6, v17;
	_ =	sdelay $0x1  }
0x28e: {  	v7 =	vmul.f32 v7, v19;
	v6 =	vadd.f32 v5, v6;
	v5 =	vadd.s32 $0x600, v0  }
0x28f: {  	v9 =	vadd.s32 v5, v15  }
0x290: {  	v6 =	vadd.f32 v7, v6;
	v7 =	vmul.f32 v8, v18;
	_ =	sdelay $0x1  }
0x291: {  	v6 =	vadd.f32 v7, v6;
	_ =	sdelay $0x1  }
0x292: {  	[tilespmem:v9+s28+$0x0] =	vst.idx.msk $0xffff, v6  }
0x293: {  	v6 =	vld [tilespmem:s15+$0xFFFFFFD0]  }
0x294: {  	v7 =	vld [tilespmem:s14+$0xFFFFFFD0];
	_ =	sdelay $0x1  }
0x295: {  	v8 =	vld [tilespmem:s4+$0xFFFFFFD0];
	_ =	sdelay $0x1  }
0x296: {  	v9 =	vld [tilespmem:s5+$0xFFFFFFD0]  }
0x297: {  	v6 =	vmul.f32 v6, v17;
	v7 =	vmul.f32 v7, v16;
	_ =	sdelay $0x1  }
0x298: {  	v8 =	vmul.f32 v8, v19;
	v7 =	vadd.f32 v7, v6;
	v6 =	vadd.s32 $0x900, v0  }
0x299: {  	v10 =	vadd.s32 v6, v15  }
0x29a: {  	v7 =	vadd.f32 v8, v7;
	v8 =	vmul.f32 v9, v18;
	_ =	sdelay $0x1  }
0x29b: {  	v7 =	vadd.f32 v8, v7;
	_ =	sdelay $0x1  }
0x29c: {  	[tilespmem:v10+s28+$0x0] =	vst.idx.msk $0xffff, v7  }
0x29d: {  	v7 =	vld [tilespmem:s15+$0xFFFFFFE0]  }
0x29e: {  	v8 =	vld [tilespmem:s14+$0xFFFFFFE0];
	_ =	sdelay $0x1  }
0x29f: {  	v9 =	vld [tilespmem:s4+$0xFFFFFFE0];
	_ =	sdelay $0x1  }
0x2a0: {  	v10 =	vld [tilespmem:s5+$0xFFFFFFE0]  }
0x2a1: {  	v7 =	vmul.f32 v7, v17;
	v8 =	vmul.f32 v8, v16;
	_ =	sdelay $0x1  }
0x2a2: {  	v9 =	vmul.f32 v9, v19;
	v8 =	vadd.f32 v8, v7;
	v7 =	vor.u32 $0xC00, v0  }
0x2a3: {  	v11 =	vadd.s32 v7, v15  }
0x2a4: {  	v10 =	vmul.f32 v10, v18;
	v8 =	vadd.f32 v9, v8;
	_ =	sdelay $0x1  }
0x2a5: {  	v8 =	vadd.f32 v10, v8;
	_ =	sdelay $0x1  }
0x2a6: {  	[tilespmem:v11+s28+$0x0] =	vst.idx.msk $0xffff, v8  }
0x2a7: {  	v8 =	vld [tilespmem:s15+$0xFFFFFFF0]  }
0x2a8: {  	v9 =	vld [tilespmem:s14+$0xFFFFFFF0];
	_ =	sdelay $0x1  }
0x2a9: {  	v10 =	vld [tilespmem:s4+$0xFFFFFFF0];
	_ =	sdelay $0x1  }
0x2aa: {  	v11 =	vld [tilespmem:s5+$0xFFFFFFF0]  }
0x2ab: {  	v8 =	vmul.f32 v8, v17;
	v9 =	vmul.f32 v9, v16;
	_ =	sdelay $0x1  }
0x2ac: {  	v10 =	vmul.f32 v10, v19;
	v9 =	vadd.f32 v9, v8;
	v8 =	vadd.s32 $0xF00, v0  }
0x2ad: {  	v12 =	vadd.s32 v8, v15  }
0x2ae: {  	v11 =	vmul.f32 v11, v18;
	v9 =	vadd.f32 v10, v9;
	_ =	sdelay $0x1  }
0x2af: {  	v9 =	vadd.f32 v11, v9;
	_ =	sdelay $0x1  }
0x2b0: {  	[tilespmem:v12+s28+$0x0] =	vst.idx.msk $0xffff, v9  }
0x2b1: {  	v9 =	vld [tilespmem:s14+$0x0]  }
0x2b2: {  	v10 =	vld [tilespmem:s15+$0x0];
	_ =	sdelay $0x1  }
0x2b3: {  	v11 =	vld [tilespmem:s4+$0x0];
	_ =	sdelay $0x1  }
0x2b4: {  	v12 =	vld [tilespmem:s5+$0x0]  }
0x2b5: {  	v9 =	vmul.f32 v9, v16;
	v10 =	vmul.f32 v10, v17;
	_ =	sdelay $0x1  }
0x2b6: {  	v11 =	vmul.f32 v11, v19;
	v10 =	vadd.f32 v9, v10;
	v9 =	vadd.s32 $0x1200, v0  }
0x2b7: {  	v13 =	vadd.s32 v9, v15  }
0x2b8: {  	v12 =	vmul.f32 v12, v18;
	v10 =	vadd.f32 v11, v10;
	_ =	sdelay $0x1  }
0x2b9: {  	v10 =	vadd.f32 v12, v10;
	_ =	sdelay $0x1  }
0x2ba: {  	[tilespmem:v13+s28+$0x0] =	vst.idx.msk $0xffff, v10  }
0x2bb: {  	v10 =	vld [tilespmem:s15+$0x10]  }
0x2bc: {  	v11 =	vld [tilespmem:s14+$0x10];
	_ =	sdelay $0x1  }
0x2bd: {  	v12 =	vld [tilespmem:s4+$0x10];
	_ =	sdelay $0x1  }
0x2be: {  	v13 =	vld [tilespmem:s5+$0x10]  }
0x2bf: {  	v14 =	vmul.f32 v10, v17;
	v11 =	vmul.f32 v11, v16;
	_ =	sdelay $0x1  }
0x2c0: {  	v10 =	vadd.s32 $0x1500, v0;
	v12 =	vmul.f32 v12, v19;
	v11 =	vadd.f32 v11, v14  }
0x2c1: {  	v14 =	vadd.s32 v10, v15  }
0x2c2: {  	v13 =	vmul.f32 v13, v18;
	v11 =	vadd.f32 v12, v11;
	_ =	sdelay $0x1  }
0x2c3: {  	v11 =	vadd.f32 v13, v11;
	_ =	sdelay $0x1  }
0x2c4: {  	[tilespmem:v14+s28+$0x0] =	vst.idx.msk $0xffff, v11  }
0x2c5: {  	v11 =	vld [tilespmem:s15+$0x20]  }
0x2c6: {  	v12 =	vld [tilespmem:s14+$0x20];
	_ =	sdelay $0x1  }
0x2c7: {  	v13 =	vld [tilespmem:s4+$0x20];
	_ =	sdelay $0x1  }
0x2c8: {  	v14 =	vld [tilespmem:s5+$0x20]  }
0x2c9: {  	v20 =	vmul.f32 v11, v17;
	v12 =	vmul.f32 v12, v16;
	_ =	sdelay $0x1  }
0x2ca: {  	v11 =	vor.u32 $0x1800, v0;
	v13 =	vmul.f32 v13, v19;
	v12 =	vadd.f32 v12, v20  }
0x2cb: {  	v20 =	vadd.s32 v11, v15  }
0x2cc: {  	v14 =	vmul.f32 v14, v18;
	v12 =	vadd.f32 v13, v12;
	_ =	sdelay $0x1  }
0x2cd: {  	v12 =	vadd.f32 v14, v12;
	_ =	sdelay $0x1  }
0x2ce: {  	[tilespmem:v20+s28+$0x0] =	vst.idx.msk $0xffff, v12  }
0x2cf: {  	s3 =	simm.s32 $0x6F78;
	s16 =	simm.s32 $0x1;
	v20 =	vld [tilespmem:s15+$0x30]  }
0x2d0: {  	s6 =	simm.s32 $0x9378;
	s7 =	simm.s32 $0xB838;
	s11 =	simm.s32 $0x4B78;
	v21 =	vld [tilespmem:s14+$0x30]  }
.LBB2_10:
0x2d1: {  	v13 =	vld [tilespmem:s4+$0x30];
	s15 =	sadd.s32 $0xC0, s15;
	s14 =	sadd.s32 $0xC0, s14;
	s6 =	sadd.s32 $0xC0, s6  }
0x2d2: {  	p0 =	sne.s32 s16, $0x2F;
	s9 =	smov.u32 s16;
	s16 =	sadd.s32 $0x1, s16;
	v14 =	vld [tilespmem:s5+$0x30]  }
0x2d3: {  	_ = 	snop  }
0x2d4: {  	v20 =	vmul.f32 v20, v17  }
0x2d5: {  	v21 =	vmul.f32 v21, v16  }
0x2d6: {  	v12 =	vadd.s32 $0x1B00, v0  }
0x2d7: {  	v13 =	vmul.f32 v13, v19;
	v20 =	vadd.f32 v21, v20;
	v14 =	vmul.f32 v14, v18  }
0x2d8: {  	v21 =	vadd.s32 v12, v15  }
0x2d9: {  	v13 =	vadd.f32 v13, v20;
	_ =	sdelay $0x1  }
0x2da: {  	v20 =	vmov s9;
	v13 =	vadd.f32 v14, v13  }
0x2db: {  	v22 =	vand.u32 $0x3F, v20  }
0x2dc: {  	[tilespmem:v21+s28+$0x0] =	vst.idx.msk $0xffff, v13  }
0x2dd: {  	v13 =	vld [tilespmem:s11+$0x40]  }
0x2de: {  	v14 =	vld [tilespmem:s3+$0x40]  }
0x2df: {  	v21 =	vld [tilespmem:s4+$0x40]  }
0x2e0: {  	v23 =	vld [tilespmem:s5+$0x40];
	_ =	sdelay $0x1  }
0x2e1: {  	v13 =	vmul.f32 v13, v17  }
0x2e2: {  	v14 =	vmul.f32 v14, v16  }
0x2e3: {  	v21 =	vmul.f32 v21, v19  }
0x2e4: {  	v14 =	vadd.f32 v14, v13;
	v23 =	vmul.f32 v23, v18;
	v13 =	vadd.s32 $0x1E00, v0  }
0x2e5: {  	v24 =	vadd.s32 v13, v15  }
0x2e6: {  	v14 =	vadd.f32 v21, v14;
	_ =	sdelay $0x1  }
0x2e7: {  	v14 =	vadd.f32 v23, v14;
	_ =	sdelay $0x1  }
0x2e8: {  	[tilespmem:v24+s28+$0x0] =	vst.idx.msk $0xffff, v14  }
0x2e9: {  	v14 =	vld [tilespmem:s3+$0x50];
	s3 =	smov.u32 s14  }
0x2ea: {  	v21 =	vld [tilespmem:s11+$0x50];
	s11 =	smov.u32 s15  }
0x2eb: {  	v23 =	vld [tilespmem:s4+$0x50];
	s4 =	smov.u32 s6  }
0x2ec: {  	v24 =	vld [tilespmem:s5+$0x50];
	s5 =	smov.u32 s7;
	_ =	sdelay $0x1  }
0x2ed: {  	v16 =	vmul.f32 v14, v16  }
0x2ee: {  	v17 =	vmul.f32 v21, v17  }
0x2ef: {  	v14 =	vadd.s32 $0x2100, v0  }
0x2f0: {  	v16 =	vadd.f32 v16, v17;
	v17 =	vmul.f32 v23, v19;
	v18 =	vmul.f32 v24, v18  }
0x2f1: {  	v19 =	vadd.s32 v14, v15;
	v15 =	vmov v22  }
0x2f2: {  	v16 =	vadd.f32 v17, v16;
	_ =	sdelay $0x1  }
0x2f3: {  	v16 =	vadd.f32 v18, v16;
	_ =	sdelay $0x1  }
0x2f4: {  	[tilespmem:v19+s28+$0x0] =	vst.idx.msk $0xffff, v16  }
0x2f5: {  	v21 =	vld [tilespmem:s14+$0xFFFFFFA0]  }
0x2f6: {  	v16 =	vld.idx.msk [tilespmem:v20+s24+$0x0], $0xffff  }
0x2f7: {  	v17 =	vld.idx.msk [tilespmem:v20+s23+$0x0], $0xffff  }
0x2f8: {  	v22 =	vld [tilespmem:s6+$0xFFFFFFA0]  }
0x2f9: {  	v23 =	vld [tilespmem:s15+$0xFFFFFFA0]  }
0x2fa: {  	v19 =	vld.idx.msk [tilespmem:v20+s25+$0x0], $0xffff  }
0x2fb: {  	v18 =	vld.idx.msk [tilespmem:v20+s26+$0x0], $0xffff  }
0x2fc: {  	v20 =	vld [tilespmem:s7+$0xFFFFFFA0];
	_ =	sdelay $0x1  }
0x2fd: {  	v21 =	vmul.f32 v21, v16;
	v23 =	vmul.f32 v23, v17;
	_ =	sdelay $0x1  }
0x2fe: {  	v22 =	vmul.f32 v22, v19;
	v21 =	vadd.f32 v21, v23  }
0x2ff: {  	v23 =	vadd.s32 v0, v15;
	v20 =	vmul.f32 v20, v18  }
0x300: {  	v21 =	vadd.f32 v22, v21;
	_ =	sdelay $0x1  }
0x301: {  	v20 =	vadd.f32 v20, v21;
	_ =	sdelay $0x1  }
0x302: {  	[tilespmem:v23+s28+$0x0] =	vst.idx.msk $0xffff, v20  }
0x303: {  	v20 =	vld [tilespmem:s15+$0xFFFFFFB0]  }
0x304: {  	v21 =	vld [tilespmem:s14+$0xFFFFFFB0];
	_ =	sdelay $0x1  }
0x305: {  	v22 =	vld [tilespmem:s6+$0xFFFFFFB0];
	_ =	sdelay $0x1  }
0x306: {  	v20 =	vmul.f32 v20, v17;
	v23 =	vld [tilespmem:s7+$0xFFFFFFB0]  }
0x307: {  	v21 =	vmul.f32 v21, v16;
	_ =	sdelay $0x1  }
0x308: {  	v20 =	vadd.f32 v21, v20;
	v21 =	vmul.f32 v22, v19  }
0x309: {  	v22 =	vadd.s32 v4, v15  }
0x30a: {  	v20 =	vadd.f32 v21, v20;
	v21 =	vmul.f32 v23, v18;
	_ =	sdelay $0x1  }
0x30b: {  	v20 =	vadd.f32 v21, v20;
	_ =	sdelay $0x1  }
0x30c: {  	[tilespmem:v22+s28+$0x0] =	vst.idx.msk $0xffff, v20  }
0x30d: {  	v20 =	vld [tilespmem:s14+$0xFFFFFFC0]  }
0x30e: {  	v21 =	vld [tilespmem:s15+$0xFFFFFFC0]  }
0x30f: {  	v22 =	vld [tilespmem:s6+$0xFFFFFFC0];
	_ =	sdelay $0x2  }
0x310: {  	v20 =	vmul.f32 v20, v16;
	v23 =	vld [tilespmem:s7+$0xFFFFFFC0]  }
0x311: {  	v21 =	vmul.f32 v21, v17  }
0x312: {  	v22 =	vmul.f32 v22, v19  }
0x313: {  	v20 =	vadd.f32 v20, v21  }
0x314: {  	v21 =	vadd.s32 v5, v15  }
0x315: {  	v20 =	vadd.f32 v22, v20;
	v22 =	vmul.f32 v23, v18;
	_ =	sdelay $0x1  }
0x316: {  	v20 =	vadd.f32 v22, v20;
	_ =	sdelay $0x1  }
0x317: {  	[tilespmem:v21+s28+$0x0] =	vst.idx.msk $0xffff, v20  }
0x318: {  	v20 =	vld [tilespmem:s15+$0xFFFFFFD0]  }
0x319: {  	v21 =	vld [tilespmem:s14+$0xFFFFFFD0];
	_ =	sdelay $0x1  }
0x31a: {  	v22 =	vld [tilespmem:s6+$0xFFFFFFD0];
	_ =	sdelay $0x1  }
0x31b: {  	v20 =	vmul.f32 v20, v17;
	v23 =	vld [tilespmem:s7+$0xFFFFFFD0]  }
0x31c: {  	v21 =	vmul.f32 v21, v16;
	_ =	sdelay $0x1  }
0x31d: {  	v20 =	vadd.f32 v21, v20;
	v21 =	vmul.f32 v22, v19  }
0x31e: {  	v22 =	vadd.s32 v6, v15  }
0x31f: {  	v20 =	vadd.f32 v21, v20;
	v21 =	vmul.f32 v23, v18;
	_ =	sdelay $0x1  }
0x320: {  	v20 =	vadd.f32 v21, v20;
	_ =	sdelay $0x1  }
0x321: {  	[tilespmem:v22+s28+$0x0] =	vst.idx.msk $0xffff, v20  }
0x322: {  	v20 =	vld [tilespmem:s15+$0xFFFFFFE0]  }
0x323: {  	v21 =	vld [tilespmem:s14+$0xFFFFFFE0]  }
0x324: {  	v22 =	vld [tilespmem:s6+$0xFFFFFFE0]  }
0x325: {  	v23 =	vld [tilespmem:s7+$0xFFFFFFE0];
	_ =	sdelay $0x1  }
0x326: {  	v20 =	vmul.f32 v20, v17  }
0x327: {  	v21 =	vmul.f32 v21, v16  }
0x328: {  	v22 =	vmul.f32 v22, v19  }
0x329: {  	v20 =	vadd.f32 v21, v20;
	v21 =	vmul.f32 v23, v18  }
0x32a: {  	v23 =	vadd.s32 v7, v15  }
0x32b: {  	v20 =	vadd.f32 v22, v20;
	_ =	sdelay $0x1  }
0x32c: {  	v20 =	vadd.f32 v21, v20;
	_ =	sdelay $0x1  }
0x32d: {  	[tilespmem:v23+s28+$0x0] =	vst.idx.msk $0xffff, v20  }
0x32e: {  	v20 =	vld [tilespmem:s15+$0xFFFFFFF0]  }
0x32f: {  	v21 =	vld [tilespmem:s14+$0xFFFFFFF0]  }
0x330: {  	v22 =	vld [tilespmem:s6+$0xFFFFFFF0]  }
0x331: {  	v23 =	vld [tilespmem:s7+$0xFFFFFFF0];
	_ =	sdelay $0x1  }
0x332: {  	v20 =	vmul.f32 v20, v17  }
0x333: {  	v21 =	vmul.f32 v21, v16  }
0x334: {  	v22 =	vmul.f32 v22, v19  }
0x335: {  	v20 =	vadd.f32 v21, v20;
	v21 =	vmul.f32 v23, v18  }
0x336: {  	v23 =	vadd.s32 v8, v15  }
0x337: {  	v20 =	vadd.f32 v22, v20;
	_ =	sdelay $0x1  }
0x338: {  	v20 =	vadd.f32 v21, v20;
	_ =	sdelay $0x1  }
0x339: {  	[tilespmem:v23+s28+$0x0] =	vst.idx.msk $0xffff, v20  }
0x33a: {  	v20 =	vld [tilespmem:s14+$0x0]  }
0x33b: {  	v21 =	vld [tilespmem:s15+$0x0]  }
0x33c: {  	v22 =	vld [tilespmem:s6+$0x0]  }
0x33d: {  	v23 =	vld [tilespmem:s7+$0x0];
	_ =	sdelay $0x1  }
0x33e: {  	v20 =	vmul.f32 v20, v16  }
0x33f: {  	v21 =	vmul.f32 v21, v17  }
0x340: {  	v22 =	vmul.f32 v22, v19  }
0x341: {  	v20 =	vadd.f32 v20, v21;
	v21 =	vmul.f32 v23, v18  }
0x342: {  	v23 =	vadd.s32 v9, v15  }
0x343: {  	v20 =	vadd.f32 v22, v20;
	_ =	sdelay $0x1  }
0x344: {  	v20 =	vadd.f32 v21, v20;
	_ =	sdelay $0x1  }
0x345: {  	[tilespmem:v23+s28+$0x0] =	vst.idx.msk $0xffff, v20  }
0x346: {  	v20 =	vld [tilespmem:s15+$0x10]  }
0x347: {  	v21 =	vld [tilespmem:s14+$0x10]  }
0x348: {  	v22 =	vld [tilespmem:s6+$0x10]  }
0x349: {  	v23 =	vld [tilespmem:s7+$0x10];
	_ =	sdelay $0x1  }
0x34a: {  	v20 =	vmul.f32 v20, v17  }
0x34b: {  	v21 =	vmul.f32 v21, v16;
	_ =	sdelay $0x1  }
0x34c: {  	v20 =	vadd.f32 v21, v20;
	v21 =	vmul.f32 v22, v19;
	v22 =	vmul.f32 v23, v18  }
0x34d: {  	v23 =	vadd.s32 v10, v15  }
0x34e: {  	v20 =	vadd.f32 v21, v20;
	_ =	sdelay $0x1  }
0x34f: {  	v20 =	vadd.f32 v22, v20;
	_ =	sdelay $0x1  }
0x350: {  	[tilespmem:v23+s28+$0x0] =	vst.idx.msk $0xffff, v20  }
0x351: {  	v20 =	vld [tilespmem:s15+$0x20]  }
0x352: {  	v21 =	vld [tilespmem:s14+$0x20]  }
0x353: {  	v22 =	vld [tilespmem:s6+$0x20]  }
0x354: {  	v23 =	vld [tilespmem:s7+$0x20];
	_ =	sdelay $0x1  }
0x355: {  	v20 =	vmul.f32 v20, v17  }
0x356: {  	v21 =	vmul.f32 v21, v16;
	_ =	sdelay $0x1  }
0x357: {  	v20 =	vadd.f32 v21, v20;
	v21 =	vmul.f32 v22, v19;
	v22 =	vmul.f32 v23, v18  }
0x358: {  	v23 =	vadd.s32 v11, v15  }
0x359: {  	v20 =	vadd.f32 v21, v20;
	_ =	sdelay $0x1  }
.Ltmp4:
0x35a: {  	v20 =	vadd.f32 v22, v20;
	(pc) =	sbr.rel @p0 .LBB2_10-.Ltmp4, $4  }
0x35b: {  	_ = 	snop  }
0x35c: {  	[tilespmem:v23+s28+$0x0] =	vst.idx.msk $0xffff, v20  }
0x35d: {  	v20 =	vld [tilespmem:s15+$0x30]  }
0x35e: {  	s7 =	sadd.s32 $0xC0, s7;
	v21 =	vld [tilespmem:s14+$0x30]  }
0x35f: {  	_ = 	snop  }
0x360: {  	v22 =	vld [tilespmem:s4+$0x30];
	_ =	sdelay $0x1  }
0x361: {  	v23 =	vld [tilespmem:s5+$0x30]  }
0x362: {  	v20 =	vmul.f32 v20, v17;
	v21 =	vmul.f32 v21, v16;
	_ =	sdelay $0x1  }
0x363: {  	v53 =	vmul.f32 v22, v19;
	v20 =	vadd.f32 v21, v20  }
0x364: {  	v54 =	vadd.s32 v12, v15  }
0x365: {  	v23 =	vmul.f32 v23, v18;
	v20 =	vadd.f32 v53, v20;
	_ =	sdelay $0x1  }
0x366: {  	v20 =	vadd.f32 v23, v20;
	_ =	sdelay $0x1  }
0x367: {  	[tilespmem:v54+s28+$0x0] =	vst.idx.msk $0xffff, v20  }
0x368: {  	v20 =	vld [tilespmem:s11+$0x40]  }
0x369: {  	v55 =	vld [tilespmem:s3+$0x40];
	_ =	sdelay $0x1  }
0x36a: {  	v22 =	vld [tilespmem:s4+$0x40];
	_ =	sdelay $0x1  }
0x36b: {  	v56 =	vld [tilespmem:s5+$0x40]  }
0x36c: {  	v20 =	vmul.f32 v20, v17;
	v21 =	vmul.f32 v55, v16;
	_ =	sdelay $0x1  }
0x36d: {  	v22 =	vmul.f32 v22, v19;
	v20 =	vadd.f32 v21, v20  }
0x36e: {  	v57 =	vadd.s32 v13, v15  }
0x36f: {  	v23 =	vmul.f32 v56, v18;
	v20 =	vadd.f32 v22, v20;
	_ =	sdelay $0x1  }
0x370: {  	v20 =	vadd.f32 v23, v20;
	_ =	sdelay $0x1  }
0x371: {  	[tilespmem:v57+s28+$0x0] =	vst.idx.msk $0xffff, v20  }
0x372: {  	v20 =	vld [tilespmem:s3+$0x50]  }
0x373: {  	v21 =	vld [tilespmem:s11+$0x50];
	_ =	sdelay $0x1  }
0x374: {  	v58 =	vld [tilespmem:s4+$0x50];
	_ =	sdelay $0x1  }
0x375: {  	v59 =	vld [tilespmem:s5+$0x50]  }
0x376: {  	v60 =	vmul.f32 v20, v16;
	v61 =	vmul.f32 v21, v17;
	_ =	sdelay $0x1  }
0x377: {  	s14 =	sadd.s32 s21, s12;
	v62 =	vmul.f32 v58, v19;
	v16 =	vadd.f32 v60, v61  }
0x378: {  	v15 =	vadd.s32 v14, v15;
	s3 =	smul.u32 $0x180, s14  }
0x379: {  	v63 =	vmul.f32 v59, v18;
	v16 =	vadd.f32 v62, v16  }
0x37a: {  	s15 =	sand.u32 $0x7, s8;
	s16 =	simm.s32 $0x24000;
	s3 =	sadd.s32 s30, s3  }
0x37b: {  	p0 =	sne.s32 s15, $0x7;
	s4 =	rddreg [dreg:$0x4];
	s3 =	sadd.s32 s13, s3;
	v16 =	vadd.f32 v63, v16  }
0x37c: {  	s29 =	sadd.s32 $0x1, s29;
	s4 =	sadd.s32 @!p0 s4, s12;
	s3 =	sshrl.u32 s3, $0x3  }
0x37d: {  	s15 =	simm.s32 $0x30;
	s4 =	smul.u32 @!p0 $0x60, s4;
	s3 =	sadd.s32 s31, s3;
	[tilespmem:v15+s28+$0x0] =	vst.idx.msk $0xffff, v16  }
0x37e: {  	[hbm4b:s3+s15] =	stream.strided.scatter [tilespmem:s28], [sflag:$0x3], $0x2400, s16, s15, $0x38;
	[tilespmem:$0x1B798] =	vst v63  }
0x37f: {  	p1 =	sne.s32 s29, $0x60;
	s3 =	rddreg [dreg:$0x2]  }
0x380: {  	s5 =	simm.s32 @!p0 $0x16C98;
	s3 =	sadd.s32 @!p0 s3, s4;
	s4 =	simm.s32 @!p0 $0x0  }
0x381: {  	[hbm4b:s3+s4] =	stream.linear.scatter @!p0 [tilespmem:s5], [sflag:$0x5], $0x300, $0x38;
	[tilespmem:$0x1B798] =	vst v63  }
.Ltmp5:
0x382: {  	_ = 	snop;
	(pc) =	sbr.rel @p1 .LBB2_2-.Ltmp5, $4  }
.Ltmp6:
0x383: {  	s3 =	simm.s32 @!p0 $0x5;
	(pc) =	sbr.rel @!p1 .LBB2_12-.Ltmp6, $4  }
0x384: {  	_ =	swait.ge @!p0 [sflag:s3], $0x300  }
0x385: {  	[sflag:s3] =	ssyncset.done @!p0 $0x0  }
0x386: {  	[sflag:s3] =	ssyncadd.s32 @!p0 $0xFFFFFD00  }
0x387: {  	_ = 	snop  }
.LBB2_8:
.Ltmp7:
0x388: {  	(pc) =	sbr.rel .LBB2_9-.Ltmp7, $2  }
0x389: {  	_ =	sdelay $0x2  }
0x38a: {  	p0 =	por $0x1, $0x1  }
.LBB2_12:
0x38b: {  	s4 =	simm.s32 $0x2  }
0x38c: {  	_ =	swait.ge [sflag:s4], $0x2400  }
0x38d: {  	[sflag:s4] =	ssyncset.done $0x0  }
0x38e: {  	[sflag:s4] =	ssyncadd.s32 $0xFFFFDC00  }
0x38f: {  	_ =	swait.ge [sflag:s4], $0x2400  }
0x390: {  	[sflag:s4] =	ssyncset.done $0x0  }
0x391: {  	[sflag:s4] =	ssyncadd.s32 $0xFFFFDC00  }
0x392: {  	_ =	swait.ge [sflag:s4], $0x2400  }
0x393: {  	[sflag:s4] =	ssyncset.done $0x0  }
0x394: {  	[sflag:s4] =	ssyncadd.s32 $0xFFFFDC00  }
0x395: {  	s3 =	simm.s32 $0x0;
	_ =	swait.ge [sflag:s4], $0x2400  }
0x396: {  	v15 =	vmov s3;
	[sflag:s4] =	ssyncset.done $0x0  }
0x397: {  	s29 =	simm.s32 $0x4;
	[sflag:s4] =	ssyncadd.s32 $0xFFFFDC00  }
0x398: {  	_ =	swait.ge [sflag:s29], $0x2400  }
0x399: {  	[sflag:s29] =	ssyncset.done $0x0  }
0x39a: {  	[sflag:s29] =	ssyncadd.s32 $0xFFFFDC00  }
0x39b: {  	s8 =	simm.s32 $0xDCF8;
	v16 =	vld.idx.msk [tilespmem:v15+s2+$0x0], $0xffff  }
0x39c: {  	v20 =	vld [tilespmem:s8+$0xFFFFFFA0]  }
0x39d: {  	s4 =	simm.s32 $0x100F8;
	v17 =	vld.idx.msk [tilespmem:v15+s0+$0x0], $0xffff  }
0x39e: {  	v21 =	vld [tilespmem:s4+$0xFFFFFFA0]  }
0x39f: {  	s12 =	simm.s32 $0x124F8;
	v19 =	vld.idx.msk [tilespmem:v15+s17+$0x0], $0xffff  }
0x3a0: {  	v22 =	vld [tilespmem:s12+$0xFFFFFFA0]  }
0x3a1: {  	s5 =	simm.s32 $0x148F8;
	v18 =	vld.idx.msk [tilespmem:v15+s18+$0x0], $0xffff  }
0x3a2: {  	v23 =	vld [tilespmem:s5+$0xFFFFFFA0]  }
0x3a3: {  	v20 =	vmul.f32 v20, v16;
	v21 =	vmul.f32 v21, v17;
	_ =	sdelay $0x1  }
0x3a4: {  	v15 =	vand.u32 $0x3F, v15;
	v20 =	vadd.f32 v21, v20;
	v21 =	vmul.f32 v22, v19  }
0x3a5: {  	v22 =	vadd.s32 v0, v15  }
0x3a6: {  	v20 =	vadd.f32 v21, v20;
	v21 =	vmul.f32 v23, v18;
	_ =	sdelay $0x1  }
0x3a7: {  	v20 =	vadd.f32 v21, v20;
	_ =	sdelay $0x1  }
0x3a8: {  	[tilespmem:v22+s10+$0x0] =	vst.idx.msk $0xffff, v20  }
0x3a9: {  	v20 =	vld [tilespmem:s8+$0xFFFFFFB0]  }
0x3aa: {  	v21 =	vld [tilespmem:s4+$0xFFFFFFB0];
	_ =	sdelay $0x1  }
0x3ab: {  	v22 =	vld [tilespmem:s12+$0xFFFFFFB0];
	_ =	sdelay $0x1  }
0x3ac: {  	v23 =	vld [tilespmem:s5+$0xFFFFFFB0]  }
0x3ad: {  	v20 =	vmul.f32 v20, v16;
	v21 =	vmul.f32 v21, v17;
	_ =	sdelay $0x1  }
0x3ae: {  	v22 =	vmul.f32 v22, v19;
	v20 =	vadd.f32 v21, v20  }
0x3af: {  	v21 =	vadd.s32 v4, v15  }
0x3b0: {  	v20 =	vadd.f32 v22, v20;
	v22 =	vmul.f32 v23, v18;
	_ =	sdelay $0x1  }
0x3b1: {  	v20 =	vadd.f32 v22, v20;
	_ =	sdelay $0x1  }
0x3b2: {  	[tilespmem:v21+s10+$0x0] =	vst.idx.msk $0xffff, v20  }
0x3b3: {  	v20 =	vld [tilespmem:s8+$0xFFFFFFC0]  }
0x3b4: {  	v21 =	vld [tilespmem:s4+$0xFFFFFFC0];
	_ =	sdelay $0x1  }
0x3b5: {  	v22 =	vld [tilespmem:s12+$0xFFFFFFC0];
	_ =	sdelay $0x1  }
0x3b6: {  	v23 =	vld [tilespmem:s5+$0xFFFFFFC0]  }
0x3b7: {  	v20 =	vmul.f32 v20, v16;
	v21 =	vmul.f32 v21, v17;
	_ =	sdelay $0x1  }
0x3b8: {  	v20 =	vadd.f32 v21, v20;
	v21 =	vmul.f32 v22, v19  }
0x3b9: {  	v22 =	vadd.s32 v5, v15  }
0x3ba: {  	v20 =	vadd.f32 v21, v20;
	v21 =	vmul.f32 v23, v18;
	_ =	sdelay $0x1  }
0x3bb: {  	v20 =	vadd.f32 v21, v20;
	_ =	sdelay $0x1  }
0x3bc: {  	[tilespmem:v22+s10+$0x0] =	vst.idx.msk $0xffff, v20  }
0x3bd: {  	v20 =	vld [tilespmem:s8+$0xFFFFFFD0]  }
0x3be: {  	v21 =	vld [tilespmem:s4+$0xFFFFFFD0];
	_ =	sdelay $0x1  }
0x3bf: {  	v22 =	vld [tilespmem:s12+$0xFFFFFFD0];
	_ =	sdelay $0x1  }
0x3c0: {  	v23 =	vld [tilespmem:s5+$0xFFFFFFD0]  }
0x3c1: {  	v20 =	vmul.f32 v20, v16;
	v21 =	vmul.f32 v21, v17;
	_ =	sdelay $0x1  }
0x3c2: {  	v20 =	vadd.f32 v21, v20;
	v21 =	vmul.f32 v22, v19  }
0x3c3: {  	v22 =	vadd.s32 v6, v15  }
0x3c4: {  	v20 =	vadd.f32 v21, v20;
	v21 =	vmul.f32 v23, v18;
	_ =	sdelay $0x1  }
0x3c5: {  	v20 =	vadd.f32 v21, v20;
	_ =	sdelay $0x1  }
0x3c6: {  	[tilespmem:v22+s10+$0x0] =	vst.idx.msk $0xffff, v20  }
0x3c7: {  	v20 =	vld [tilespmem:s8+$0xFFFFFFE0]  }
0x3c8: {  	v21 =	vld [tilespmem:s4+$0xFFFFFFE0];
	_ =	sdelay $0x1  }
0x3c9: {  	v22 =	vld [tilespmem:s12+$0xFFFFFFE0];
	_ =	sdelay $0x1  }
0x3ca: {  	v23 =	vld [tilespmem:s5+$0xFFFFFFE0]  }
0x3cb: {  	v20 =	vmul.f32 v20, v16;
	v21 =	vmul.f32 v21, v17;
	_ =	sdelay $0x1  }
0x3cc: {  	v22 =	vmul.f32 v22, v19;
	v20 =	vadd.f32 v21, v20  }
0x3cd: {  	v21 =	vadd.s32 v7, v15  }
0x3ce: {  	v20 =	vadd.f32 v22, v20;
	v22 =	vmul.f32 v23, v18;
	_ =	sdelay $0x1  }
0x3cf: {  	v20 =	vadd.f32 v22, v20;
	_ =	sdelay $0x1  }
0x3d0: {  	[tilespmem:v21+s10+$0x0] =	vst.idx.msk $0xffff, v20  }
0x3d1: {  	v20 =	vld [tilespmem:s4+$0xFFFFFFF0]  }
0x3d2: {  	v21 =	vld [tilespmem:s8+$0xFFFFFFF0];
	_ =	sdelay $0x1  }
0x3d3: {  	v22 =	vld [tilespmem:s12+$0xFFFFFFF0];
	_ =	sdelay $0x1  }
0x3d4: {  	v23 =	vld [tilespmem:s5+$0xFFFFFFF0]  }
0x3d5: {  	v20 =	vmul.f32 v20, v17;
	v21 =	vmul.f32 v21, v16;
	_ =	sdelay $0x1  }
0x3d6: {  	v22 =	vmul.f32 v22, v19;
	v20 =	vadd.f32 v20, v21  }
0x3d7: {  	v21 =	vadd.s32 v8, v15  }
0x3d8: {  	v20 =	vadd.f32 v22, v20;
	v22 =	vmul.f32 v23, v18;
	_ =	sdelay $0x1  }
0x3d9: {  	v20 =	vadd.f32 v22, v20;
	_ =	sdelay $0x1  }
0x3da: {  	[tilespmem:v21+s10+$0x0] =	vst.idx.msk $0xffff, v20  }
0x3db: {  	v20 =	vld [tilespmem:s8+$0x0]  }
0x3dc: {  	v21 =	vld [tilespmem:s4+$0x0];
	_ =	sdelay $0x1  }
0x3dd: {  	v22 =	vld [tilespmem:s12+$0x0];
	_ =	sdelay $0x1  }
0x3de: {  	v23 =	vld [tilespmem:s5+$0x0]  }
0x3df: {  	v20 =	vmul.f32 v20, v16;
	v21 =	vmul.f32 v21, v17;
	_ =	sdelay $0x1  }
0x3e0: {  	v20 =	vadd.f32 v21, v20;
	v21 =	vmul.f32 v22, v19  }
0x3e1: {  	v22 =	vadd.s32 v9, v15  }
0x3e2: {  	v20 =	vadd.f32 v21, v20;
	v21 =	vmul.f32 v23, v18;
	_ =	sdelay $0x1  }
0x3e3: {  	v20 =	vadd.f32 v21, v20;
	_ =	sdelay $0x1  }
0x3e4: {  	[tilespmem:v22+s10+$0x0] =	vst.idx.msk $0xffff, v20  }
0x3e5: {  	v20 =	vld [tilespmem:s8+$0x10]  }
0x3e6: {  	v21 =	vld [tilespmem:s4+$0x10];
	_ =	sdelay $0x1  }
0x3e7: {  	v22 =	vld [tilespmem:s12+$0x10];
	_ =	sdelay $0x1  }
0x3e8: {  	v23 =	vld [tilespmem:s5+$0x10]  }
0x3e9: {  	v20 =	vmul.f32 v20, v16;
	v21 =	vmul.f32 v21, v17;
	_ =	sdelay $0x1  }
0x3ea: {  	v20 =	vadd.f32 v21, v20;
	v21 =	vmul.f32 v22, v19  }
0x3eb: {  	v22 =	vadd.s32 v10, v15  }
0x3ec: {  	v20 =	vadd.f32 v21, v20;
	v21 =	vmul.f32 v23, v18;
	_ =	sdelay $0x1  }
0x3ed: {  	v20 =	vadd.f32 v21, v20;
	_ =	sdelay $0x1  }
0x3ee: {  	[tilespmem:v22+s10+$0x0] =	vst.idx.msk $0xffff, v20  }
0x3ef: {  	v20 =	vld [tilespmem:s8+$0x20]  }
0x3f0: {  	v21 =	vld [tilespmem:s4+$0x20];
	_ =	sdelay $0x1  }
0x3f1: {  	v22 =	vld [tilespmem:s12+$0x20];
	_ =	sdelay $0x1  }
0x3f2: {  	v23 =	vld [tilespmem:s5+$0x20]  }
0x3f3: {  	v20 =	vmul.f32 v20, v16;
	v21 =	vmul.f32 v21, v17;
	_ =	sdelay $0x1  }
0x3f4: {  	v20 =	vadd.f32 v21, v20;
	v21 =	vmul.f32 v22, v19  }
0x3f5: {  	v22 =	vadd.s32 v11, v15  }
0x3f6: {  	v20 =	vadd.f32 v21, v20;
	v21 =	vmul.f32 v23, v18;
	_ =	sdelay $0x1  }
0x3f7: {  	v20 =	vadd.f32 v21, v20;
	_ =	sdelay $0x1  }
0x3f8: {  	s7 =	simm.s32 $0x1;
	s6 =	simm.s32 $0x149B8;
	[tilespmem:v22+s10+$0x0] =	vst.idx.msk $0xffff, v20  }
0x3f9: {  	s13 =	simm.s32 $0x100F8;
	s11 =	simm.s32 $0x124F8;
	s3 =	simm.s32 $0xDCF8;
	v20 =	vld [tilespmem:s8+$0x30]  }
.LBB2_13:
0x3fa: {  	v21 =	vld [tilespmem:s4+$0x30];
	s8 =	sadd.s32 $0xC0, s8;
	s13 =	sadd.s32 $0xC0, s13;
	s12 =	sadd.s32 $0xC0, s12  }
0x3fb: {  	p0 =	sne.s32 s7, $0x2F;
	s9 =	smov.u32 s7;
	s7 =	sadd.s32 $0x1, s7;
	v22 =	vld [tilespmem:s11+$0x30]  }
0x3fc: {  	v23 =	vld [tilespmem:s5+$0x30];
	_ =	sdelay $0x2  }
0x3fd: {  	v20 =	vmul.f32 v20, v16;
	v21 =	vmul.f32 v21, v17;
	_ =	sdelay $0x1  }
0x3fe: {  	v20 =	vadd.f32 v21, v20;
	v21 =	vmul.f32 v22, v19  }
0x3ff: {  	v22 =	vadd.s32 v12, v15  }
0x400: {  	v20 =	vadd.f32 v21, v20;
	v21 =	vmul.f32 v23, v18  }
0x401: {  	v23 =	vmov s9  }
0x402: {  	v24 =	vand.u32 $0x3F, v23;
	v20 =	vadd.f32 v21, v20;
	_ =	sdelay $0x1  }
0x403: {  	[tilespmem:v22+s10+$0x0] =	vst.idx.msk $0xffff, v20  }
0x404: {  	v20 =	vld [tilespmem:s3+$0x40]  }
0x405: {  	v21 =	vld [tilespmem:s4+$0x40]  }
0x406: {  	v22 =	vld [tilespmem:s11+$0x40]  }
0x407: {  	v25 =	vld [tilespmem:s5+$0x40];
	_ =	sdelay $0x1  }
0x408: {  	v20 =	vmul.f32 v20, v16  }
0x409: {  	v21 =	vmul.f32 v21, v17;
	_ =	sdelay $0x1  }
0x40a: {  	v20 =	vadd.f32 v21, v20;
	v21 =	vmul.f32 v22, v19  }
0x40b: {  	v22 =	vadd.s32 v13, v15  }
0x40c: {  	v20 =	vadd.f32 v21, v20;
	v21 =	vmul.f32 v25, v18;
	_ =	sdelay $0x1  }
0x40d: {  	v20 =	vadd.f32 v21, v20;
	_ =	sdelay $0x1  }
0x40e: {  	[tilespmem:v22+s10+$0x0] =	vst.idx.msk $0xffff, v20  }
0x40f: {  	v20 =	vld [tilespmem:s3+$0x50];
	s3 =	smov.u32 s8  }
0x410: {  	v21 =	vld [tilespmem:s4+$0x50];
	s4 =	smov.u32 s13  }
0x411: {  	v22 =	vld [tilespmem:s11+$0x50];
	s11 =	smov.u32 s12  }
0x412: {  	v25 =	vld [tilespmem:s5+$0x50];
	s5 =	smov.u32 s6;
	_ =	sdelay $0x1  }
0x413: {  	v16 =	vmul.f32 v20, v16  }
0x414: {  	v17 =	vmul.f32 v21, v17  }
0x415: {  	v19 =	vmul.f32 v22, v19  }
0x416: {  	v16 =	vadd.f32 v17, v16;
	v17 =	vadd.s32 v14, v15;
	v15 =	vmov v24  }
0x417: {  	v18 =	vmul.f32 v25, v18  }
0x418: {  	v16 =	vadd.f32 v19, v16;
	_ =	sdelay $0x1  }
0x419: {  	v16 =	vadd.f32 v18, v16;
	_ =	sdelay $0x1  }
0x41a: {  	[tilespmem:v17+s10+$0x0] =	vst.idx.msk $0xffff, v16  }
0x41b: {  	v16 =	vld.idx.msk [tilespmem:v23+s2+$0x0], $0xffff  }
0x41c: {  	v20 =	vld [tilespmem:s8+$0xFFFFFFA0]  }
0x41d: {  	v17 =	vld.idx.msk [tilespmem:v23+s0+$0x0], $0xffff  }
0x41e: {  	v21 =	vld [tilespmem:s13+$0xFFFFFFA0]  }
0x41f: {  	v19 =	vld.idx.msk [tilespmem:v23+s17+$0x0], $0xffff  }
0x420: {  	v22 =	vld [tilespmem:s12+$0xFFFFFFA0]  }
0x421: {  	v18 =	vld.idx.msk [tilespmem:v23+s18+$0x0], $0xffff  }
0x422: {  	v23 =	vld [tilespmem:s6+$0xFFFFFFA0]  }
0x423: {  	v20 =	vmul.f32 v20, v16;
	v21 =	vmul.f32 v21, v17;
	_ =	sdelay $0x1  }
0x424: {  	v20 =	vadd.f32 v21, v20;
	v21 =	vmul.f32 v22, v19  }
0x425: {  	v22 =	vadd.s32 v0, v15  }
0x426: {  	v20 =	vadd.f32 v21, v20;
	v21 =	vmul.f32 v23, v18;
	_ =	sdelay $0x1  }
0x427: {  	v20 =	vadd.f32 v21, v20;
	_ =	sdelay $0x1  }
0x428: {  	[tilespmem:v22+s10+$0x0] =	vst.idx.msk $0xffff, v20  }
0x429: {  	v20 =	vld [tilespmem:s8+$0xFFFFFFB0]  }
0x42a: {  	v21 =	vld [tilespmem:s13+$0xFFFFFFB0]  }
0x42b: {  	v22 =	vld [tilespmem:s12+$0xFFFFFFB0];
	_ =	sdelay $0x2  }
0x42c: {  	v20 =	vmul.f32 v20, v16;
	v23 =	vld [tilespmem:s6+$0xFFFFFFB0]  }
0x42d: {  	v21 =	vmul.f32 v21, v17  }
0x42e: {  	v22 =	vmul.f32 v22, v19  }
0x42f: {  	v20 =	vadd.f32 v21, v20  }
0x430: {  	v21 =	vadd.s32 v4, v15  }
0x431: {  	v20 =	vadd.f32 v22, v20;
	v22 =	vmul.f32 v23, v18;
	_ =	sdelay $0x1  }
0x432: {  	v20 =	vadd.f32 v22, v20;
	_ =	sdelay $0x1  }
0x433: {  	[tilespmem:v21+s10+$0x0] =	vst.idx.msk $0xffff, v20  }
0x434: {  	v20 =	vld [tilespmem:s8+$0xFFFFFFC0]  }
0x435: {  	v21 =	vld [tilespmem:s13+$0xFFFFFFC0];
	_ =	sdelay $0x1  }
0x436: {  	v22 =	vld [tilespmem:s12+$0xFFFFFFC0];
	_ =	sdelay $0x1  }
0x437: {  	v20 =	vmul.f32 v20, v16;
	v23 =	vld [tilespmem:s6+$0xFFFFFFC0]  }
0x438: {  	v21 =	vmul.f32 v21, v17;
	_ =	sdelay $0x1  }
0x439: {  	v20 =	vadd.f32 v21, v20;
	v21 =	vmul.f32 v22, v19  }
0x43a: {  	v22 =	vadd.s32 v5, v15  }
0x43b: {  	v20 =	vadd.f32 v21, v20;
	v21 =	vmul.f32 v23, v18;
	_ =	sdelay $0x1  }
0x43c: {  	v20 =	vadd.f32 v21, v20;
	_ =	sdelay $0x1  }
0x43d: {  	[tilespmem:v22+s10+$0x0] =	vst.idx.msk $0xffff, v20  }
0x43e: {  	v20 =	vld [tilespmem:s8+$0xFFFFFFD0]  }
0x43f: {  	v21 =	vld [tilespmem:s13+$0xFFFFFFD0];
	_ =	sdelay $0x1  }
0x440: {  	v22 =	vld [tilespmem:s12+$0xFFFFFFD0];
	_ =	sdelay $0x1  }
0x441: {  	v20 =	vmul.f32 v20, v16;
	v23 =	vld [tilespmem:s6+$0xFFFFFFD0]  }
0x442: {  	v21 =	vmul.f32 v21, v17;
	_ =	sdelay $0x1  }
0x443: {  	v20 =	vadd.f32 v21, v20;
	v21 =	vmul.f32 v22, v19  }
0x444: {  	v22 =	vadd.s32 v6, v15  }
0x445: {  	v20 =	vadd.f32 v21, v20;
	v21 =	vmul.f32 v23, v18;
	_ =	sdelay $0x1  }
0x446: {  	v20 =	vadd.f32 v21, v20;
	_ =	sdelay $0x1  }
0x447: {  	[tilespmem:v22+s10+$0x0] =	vst.idx.msk $0xffff, v20  }
0x448: {  	v20 =	vld [tilespmem:s8+$0xFFFFFFE0]  }
0x449: {  	v21 =	vld [tilespmem:s13+$0xFFFFFFE0]  }
0x44a: {  	v22 =	vld [tilespmem:s12+$0xFFFFFFE0];
	_ =	sdelay $0x2  }
0x44b: {  	v20 =	vmul.f32 v20, v16;
	v23 =	vld [tilespmem:s6+$0xFFFFFFE0]  }
0x44c: {  	v21 =	vmul.f32 v21, v17  }
0x44d: {  	v22 =	vmul.f32 v22, v19  }
0x44e: {  	v20 =	vadd.f32 v21, v20  }
0x44f: {  	v21 =	vadd.s32 v7, v15  }
0x450: {  	v20 =	vadd.f32 v22, v20;
	v22 =	vmul.f32 v23, v18;
	_ =	sdelay $0x1  }
0x451: {  	v20 =	vadd.f32 v22, v20;
	_ =	sdelay $0x1  }
0x452: {  	[tilespmem:v21+s10+$0x0] =	vst.idx.msk $0xffff, v20  }
0x453: {  	v20 =	vld [tilespmem:s13+$0xFFFFFFF0]  }
0x454: {  	v21 =	vld [tilespmem:s8+$0xFFFFFFF0]  }
0x455: {  	v22 =	vld [tilespmem:s12+$0xFFFFFFF0];
	_ =	sdelay $0x2  }
0x456: {  	v20 =	vmul.f32 v20, v17;
	v23 =	vld [tilespmem:s6+$0xFFFFFFF0]  }
0x457: {  	v21 =	vmul.f32 v21, v16  }
0x458: {  	v22 =	vmul.f32 v22, v19  }
0x459: {  	v20 =	vadd.f32 v20, v21  }
0x45a: {  	v21 =	vadd.s32 v8, v15  }
0x45b: {  	v20 =	vadd.f32 v22, v20;
	v22 =	vmul.f32 v23, v18;
	_ =	sdelay $0x1  }
0x45c: {  	v20 =	vadd.f32 v22, v20;
	_ =	sdelay $0x1  }
0x45d: {  	[tilespmem:v21+s10+$0x0] =	vst.idx.msk $0xffff, v20  }
0x45e: {  	v20 =	vld [tilespmem:s8+$0x0];
	_ =	sdelay $0x1  }
0x45f: {  	v21 =	vld [tilespmem:s13+$0x0];
	_ =	sdelay $0x1  }
0x460: {  	v22 =	vld [tilespmem:s12+$0x0]  }
0x461: {  	v20 =	vmul.f32 v20, v16  }
0x462: {  	v23 =	vld [tilespmem:s6+$0x0]  }
0x463: {  	v21 =	vmul.f32 v21, v17;
	_ =	sdelay $0x1  }
0x464: {  	v20 =	vadd.f32 v21, v20;
	v21 =	vmul.f32 v22, v19  }
0x465: {  	v22 =	vadd.s32 v9, v15  }
0x466: {  	v20 =	vadd.f32 v21, v20;
	v21 =	vmul.f32 v23, v18;
	_ =	sdelay $0x1  }
0x467: {  	v20 =	vadd.f32 v21, v20;
	_ =	sdelay $0x1  }
0x468: {  	[tilespmem:v22+s10+$0x0] =	vst.idx.msk $0xffff, v20  }
0x469: {  	v20 =	vld [tilespmem:s8+$0x10]  }
0x46a: {  	v21 =	vld [tilespmem:s13+$0x10]  }
0x46b: {  	v22 =	vld [tilespmem:s12+$0x10]  }
0x46c: {  	v23 =	vld [tilespmem:s6+$0x10];
	_ =	sdelay $0x1  }
0x46d: {  	v20 =	vmul.f32 v20, v16  }
0x46e: {  	v21 =	vmul.f32 v21, v17;
	_ =	sdelay $0x1  }
0x46f: {  	v20 =	vadd.f32 v21, v20;
	v21 =	vmul.f32 v22, v19  }
0x470: {  	v22 =	vadd.s32 v10, v15  }
0x471: {  	v20 =	vadd.f32 v21, v20;
	v21 =	vmul.f32 v23, v18;
	_ =	sdelay $0x1  }
0x472: {  	v20 =	vadd.f32 v21, v20;
	_ =	sdelay $0x1  }
0x473: {  	[tilespmem:v22+s10+$0x0] =	vst.idx.msk $0xffff, v20  }
0x474: {  	v20 =	vld [tilespmem:s8+$0x20]  }
0x475: {  	v21 =	vld [tilespmem:s13+$0x20]  }
0x476: {  	v22 =	vld [tilespmem:s12+$0x20]  }
0x477: {  	v23 =	vld [tilespmem:s6+$0x20];
	_ =	sdelay $0x1  }
0x478: {  	v20 =	vmul.f32 v20, v16  }
0x479: {  	v21 =	vmul.f32 v21, v17;
	_ =	sdelay $0x1  }
0x47a: {  	v20 =	vadd.f32 v21, v20;
	v21 =	vmul.f32 v22, v19  }
0x47b: {  	v22 =	vadd.s32 v11, v15  }
0x47c: {  	v20 =	vadd.f32 v21, v20;
	v21 =	vmul.f32 v23, v18  }
.Ltmp8:
0x47d: {  	(pc) =	sbr.rel @p0 .LBB2_13-.Ltmp8, $3  }
0x47e: {  	v20 =	vadd.f32 v21, v20;
	_ =	sdelay $0x1  }
0x47f: {  	[tilespmem:v22+s10+$0x0] =	vst.idx.msk $0xffff, v20  }
0x480: {  	s6 =	sadd.s32 $0xC0, s6;
	v20 =	vld [tilespmem:s8+$0x30]  }
0x481: {  	v5 =	vld [tilespmem:s4+$0x30];
	_ =	sdelay $0x1  }
0x482: {  	v6 =	vld [tilespmem:s11+$0x30];
	_ =	sdelay $0x1  }
0x483: {  	v7 =	vld [tilespmem:s5+$0x30]  }
0x484: {  	v8 =	vmul.f32 v20, v16;
	v5 =	vmul.f32 v5, v17;
	_ =	sdelay $0x1  }
0x485: {  	v6 =	vmul.f32 v6, v19;
	v5 =	vadd.f32 v5, v8  }
0x486: {  	v62 =	vadd.s32 v12, v15  }
0x487: {  	v5 =	vadd.f32 v6, v5;
	v6 =	vmul.f32 v7, v18;
	_ =	sdelay $0x1  }
0x488: {  	v5 =	vadd.f32 v6, v5;
	_ =	sdelay $0x1  }
0x489: {  	[tilespmem:v62+s10+$0x0] =	vst.idx.msk $0xffff, v5  }
0x48a: {  	v5 =	vld [tilespmem:s3+$0x40]  }
0x48b: {  	v6 =	vld [tilespmem:s4+$0x40];
	_ =	sdelay $0x1  }
0x48c: {  	v7 =	vld [tilespmem:s11+$0x40];
	_ =	sdelay $0x1  }
0x48d: {  	v8 =	vld [tilespmem:s5+$0x40]  }
0x48e: {  	v5 =	vmul.f32 v5, v16;
	v6 =	vmul.f32 v6, v17;
	_ =	sdelay $0x1  }
0x48f: {  	v5 =	vadd.f32 v6, v5;
	v6 =	vmul.f32 v7, v19  }
0x490: {  	v7 =	vadd.s32 v13, v15  }
0x491: {  	v5 =	vadd.f32 v6, v5;
	v6 =	vmul.f32 v8, v18;
	_ =	sdelay $0x1  }
0x492: {  	v5 =	vadd.f32 v6, v5;
	_ =	sdelay $0x1  }
0x493: {  	[tilespmem:v7+s10+$0x0] =	vst.idx.msk $0xffff, v5  }
0x494: {  	v5 =	vld [tilespmem:s3+$0x50]  }
0x495: {  	v6 =	vld [tilespmem:s4+$0x50];
	_ =	sdelay $0x1  }
0x496: {  	v7 =	vld [tilespmem:s11+$0x50];
	_ =	sdelay $0x1  }
0x497: {  	v63 =	vld [tilespmem:s5+$0x50]  }
0x498: {  	v5 =	vmul.f32 v5, v16;
	v6 =	vmul.f32 v6, v17;
	_ =	sdelay $0x1  }
0x499: {  	v7 =	vmul.f32 v7, v19;
	v5 =	vadd.f32 v6, v5  }
0x49a: {  	v6 =	vadd.s32 v14, v15  }
0x49b: {  	v8 =	vmul.f32 v63, v18;
	v5 =	vadd.f32 v7, v5;
	_ =	sdelay $0x1  }
0x49c: {  	v5 =	vadd.f32 v8, v5;
	_ =	sdelay $0x1  }
0x49d: {  	s13 =	rddreg [dreg:$0x9];
	s14 =	simm.s32 $0x24000;
	s5 =	simm.s32 $0x5;
	[tilespmem:v6+s10+$0x0] =	vst.idx.msk $0xffff, v5  }
0x49e: {  	[hbm4b:s13+s15] =	stream.strided.scatter [tilespmem:s10], [sflag:$0x5], $0x2400, s14, s15, $0x38;
	[tilespmem:$0x1B798] =	vst v63  }
0x49f: {  	_ =	swait.ge [sflag:s5], $0x2400  }
0x4a0: {  	[sflag:s5] =	ssyncset.done $0x0  }
0x4a1: {  	s16 =	simm.s32 $0x3;
	[sflag:s5] =	ssyncadd.s32 $0xFFFFDC00  }
0x4a2: {  	_ =	swait.ge [sflag:s16], $0x2400  }
0x4a3: {  	s6 =	rddreg [dreg:$0xb]  }
0x4a4: {  	s29 =	rddreg [dreg:$0xa];
	s6 =	sadd.s32 $0x1, s6  }
0x4a5: {  	p0 =	sne.s32 s6, s29  }
.Ltmp9:
0x4a6: {  	_ = 	snop;
	(pc) =	sbr.rel @p0 .LBB2_1-.Ltmp9, $3  }
0x4a7: {  	_ =	sdelay $0x1  }
0x4a8: {  	[sflag:s16] =	ssyncset.done $0x0  }
0x4a9: {  	[sflag:s16] =	ssyncadd.s32 $0xFFFFDC00  }
0x4aa: {  	_ =	sfence.sel $0x180000  }
0x4ab: {  	[bflag:$0x0] =	sbarrier.arrive $0xFFFF  }
0x4ac: {  	_ =	strace $0x9000004A  }
0x4ad: {  	s0 =	stileid.u32;
	[bflag:$0x2] =	sbarrier.arrive $0xFFFF  }
0x4ae: {  	p0 =	sne.s32 s0, $0x0;
	s0 =	rddreg [dreg:$0x3]  }
0x4af: {  	s0 =	sadd.s32 @!p0 $0x100000, s0  }
0x4b0: {  	[sflag:s0] =	ssyncadd.tile.s32 @!p0 $0x1;
	_ =	shalt  }
.Lfunc_end2:
_tile_overlayer_lowered:
.L_overlay_start_2:
0x4b1: {  	(tag) =	ssettag $0x2  }
0x4b2: {  	s0 =	rddreg [dreg:$0x0];
	s2 =	stileid.u32  }
0x4b3: {  	s1 =	rddreg [dreg:$0x1];
	p0 =	sne.s32 s2, $0x0  }
0x4b4: {  	s3 =	rddreg [dreg:$0x2];
	[bflag:$0x3] =	sbarrier.arrive $0xFFFF;
	s2 =	simm.s32 @!p0 $0x1C05  }
0x4b5: {  	[timem:s3], [sflag:s2] =	dma.local @!p0 [hbm:s0], s1  }
0x4b6: {  	s0 =	simm.s32 @!p0 $0x5  }
0x4b7: {  	_ =	swait.ge @!p0 [sflag:s0], s1  }
0x4b8: {  	s1 =	ssub.s32 @!p0 $0x0, s1;
	[sflag:s0] =	ssyncset.done @!p0 $0x0  }
0x4b9: {  	[sflag:s0] =	ssyncadd.s32 @!p0 s1  }
0x4ba: {  	[bflag:$0x3] =	sbarrier.arrive $0xFFFF  }
0x4bb: {  	_ =	shalt  }

// kernel: sparse-core-data-format-call.cloned.1.call-start
scs
called_computation_lowered:
.L_overlay_start_0:
0x0: {  	s2 =	sld [smem:$0x3FD9]  }
0x1: {  	s3 =	sld [smem:$0x3FFE];
	_ =	sdelay $0x1  }
0x2: {  	s1 =	srdreg.scid  }
0x3: {  	s0 =	sand.u32 $0x1, s1  }
0x4: {  	s18 =	sshll.u32 s0, $0xA;
	s2 =	sadd.s32 s3, s2  }
0x5: {  	s2 =	sadd.s32 s2, s18  }
0x6: {  	[smem:$0x3FC6] =	sst s2  }
0x7: {  	_ = 	snop  }
0x8: {  	s2 =	sld [smem:$0x3FC9];
	(tm) =	ssettm $0x1  }
0x9: {  	s19 =	sld [smem:$0x3FFB];
	_ =	sdelay $0x3  }
0xa: {  	_ =	strace s19  }
0xb: {  	s3 =	sld [smem:$0x3FFC];
	_ =	sdelay $0x3  }
0xc: {  	_ =	strace s3  }
0xd: {  	s3 =	sld [smem:$0x3FFD];
	_ =	sdelay $0x3  }
0xe: {  	_ =	strace s3  }
0xf: {  	_ =	strace $0x8FFFFFFF  }
0x10: {  	s20 =	sld [smem:$0x3FDB];
	_ =	sdelay $0x1  }
0x11: {  	s4 =	simm.s32 $_scs_section_size  }
0x12: {  	s5 =	simm.s32 $_size__tile_overlayer_lowered;
	s6 =	simm.s32 $_tile_overlayer_lowered  }
0x13: {  	s23 =	simm.s32 $0x1BFF;
	s22 =	sshll.u32 s6, $0x1;
	s3 =	sadd.s32 s4, s20  }
0x14: {  	s7 =	simm.s32 $0x0;
	s21 =	sshll.u32 s5, $0x1;
	s5 =	sadd.s32 s22, s3  }
0x15: {  	[timem:s7], [sflag:s23] =	dma.local [hbm:s5], s21  }
0x16: {  	_ =	swait.ge [sflag:s23], s21  }
0x17: {  	s4 =	ssub.s32 $0x0, s21;
	[sflag:s23] =	ssyncset.done $0x0  }
0x18: {  	[sflag:s23] =	ssyncadd.s32 s4;
	_ =	sdelay $0x1  }
0x19: {  	s24 =	simm.s32 $0x1B8B  }
0x1a: {  	_ =	swait.ge [sflag:s24], $0x1  }
0x1b: {  	[sflag:s24] =	ssyncset.done $0x0  }
0x1c: {  	s26 =	simm.s32 $0x1B8E;
	s25 =	sld [smem:$0x3FFE];
	[sflag:s24] =	ssyncadd.s32 $0xFFFFFFFF  }
0x1d: {  	s27 =	simm.s32 $execute0_lowered;
	[smem:$0x3FD2] =	sst s26  }
0x1e: {  	s5 =	sshll.u32 s27, $0x1;
	_ =	strace $0x80000046;
	[dreg:$0x1] =	wrdreg $0xFFFFFFFF  }
0x1f: {  	s28 =	simm.s32 $_size_execute0_lowered;
	s3 =	sadd.s32 s3, s5;
	[dreg:$0x0] =	wrdreg $0x0  }
0x20: {  	s5 =	sshll.u32 s28, $0x1;
	[dreg:$0x2] =	wrdreg s3  }
0x21: {  	[dreg:$0x3] =	wrdreg s5  }
0x22: {  	[dreg:$0x4] =	wrdreg $0xC0  }
0x23: {  	_ =	task [dreg:s7], $0x5FFFF  }
0x24: {  	[dreg:$0x1] =	wrdreg $0xFFFFFFFF  }
0x25: {  	[dreg:$0x0] =	wrdreg $0x60  }
0x26: {  	[dreg:$0x2] =	wrdreg s2  }
0x27: {  	[dreg:$0x3] =	wrdreg s25  }
0x28: {  	[dreg:$0x4] =	wrdreg $0x9  }
0x29: {  	_ =	task.clear_ibuf [dreg:s7], $0x5FFFF;
	_ =	strace $0x90000046  }
0x2a: {  	s29 =	simm.s32 $0x9;
	_ =	strace $0x80000048  }
0x2b: {  	_ =	swait.ge [sflag:s29], $0x1  }
0x2c: {  	[sflag:s29] =	ssyncadd.s32 $0xFFFFFFFF  }
0x2d: {  	_ =	strace $0x90000048  }
0x2e: {  	_ =	sfence  }
0x2f: {  	s30 =	sld [smem:$0x0];
	_ =	sdelay $0x2  }
0x30: {  	s31 =	sshll.u32 s1, $0xD;
	s1 =	sshrl.u32 s1, $0x2  }
0x31: {  	s3 =	sand.u32 $0x4000, s31;
	s1 =	sadd.s32 s1, s30  }
0x32: {  	s0 =	sor.u32 s3, s0;
	s1 =	sshll.u32 s1, $0x11  }
0x33: {  	s0 =	sor.u32 s1, s0  }
0x34: {  	s0 =	sadd.s32 $0x8F2B, s0  }
0x35: {  	[sflag:s0] =	ssyncadd.remote.s32 $0x1  }
0x36: {  	_ =	sfence.sel $0xFFFF  }
0x37: {  	[dreg:$0x0] =	wrdreg $0xFFFFFFFF;
	(pc) =	sbr.abs _section_cstart, $3  }
0x38: {  	[dreg:$0x1] =	wrdreg $0xFFFFFFFF  }
0x39: {  	_ =	task.clear_ibuf [dreg:s7], $0x2FFFF;
	_ =	strace $0x9FFFFFFF  }
0x3a: {  	(tm) =	ssettm $0x7FFFFFFF  }
0x3b: {  	_ =	shalt  }
tec
execute0_lowered:
.L_overlay_start_1:
0x0: {  	(tag) =	ssettag $0x1  }
0x1: {  	s2 =	rddreg [dreg:$0x0]  }
0x2: {  	s4 =	rddreg [dreg:$0x1]  }
0x3: {  	s1 =	stileid.u32;
	s0 =	rddreg [dreg:$0x2]  }
0x4: {  	s5 =	srdreg.scid;
	_ =	strace $0x80000047;
	s9 =	simm.s32 $0x2  }
0x5: {  	s20 =	simm.s32 $0x0;
	p0 =	por $0x0, $0x0;
	s10 =	simm.s32 $0x24000  }
0x6: {  	s11 =	simm.s32 $0x800;
	s18 =	simm.s32 $0x0;
	s17 =	simm.s32 $0x0  }
0x7: {  	s19 =	simm.s32 $0x0;
	s12 =	simm.s32 $0x0;
	s16 =	simm.s32 $0x0  }
0x8: {  	s3 =	sand.u32 $0x1, s1;
	s5 =	sshll.u32 s5, $0x4;
	s4 =	sadd.s32 $0x1200, s4  }
0x9: {  	s8 =	sshll.u32 s1, $0x6;
	s6 =	ssub.s32 $0x2, s3;
	s5 =	sand.u32 $0x10, s5  }
.Ltmp0:
0xa: {  	s7 =	sshrl.u32 s6, $0x1;
	s6 =	sand.u32 $0x1, s6;
	(pc) =	sbr.rel .LBB1_1-.Ltmp0, $4  }
0xb: {  	s8 =	sand.u32 $0x80, s8;
	s15 =	smov.u32 s3;
	s7 =	sadd.s32 s6, s7  }
0xc: {  	s5 =	sor.u32 s1, s5;
	s6 =	simm.s32 $0x1;
	s7 =	smul.u32 $0x90, s7  }
0xd: {  	s14 =	smov.u32 s8;
	s5 =	sshrl.u32 s5, $0x2;
	[sflag:s6] =	ssyncpa.u1 $0x0  }
0xe: {  	s13 =	smov.u32 s5;
	[sflag:s9] =	ssyncpa.u1 $0x0;
	s9 =	sor.u32 $0x1, s7  }
.LBB1_6:
0xf: {  	s26 =	sshll.u32 s20, $0x8;
	s27 =	sshll.u32 s17, $0x3;
	v5 =	vld [tilespmem:s24+$0xFFFFFFD0];
	[tilespmem:s23+$0x2040 ss:$0x81] =	vst.msk $0xffff, v4  }
0x10: {  	s30 =	sshll.u32 s20, $0x7;
	v58 =	vld [tilespmem:s24+$0xFFFFFFE0];
	[tilespmem:s23+$0x2850 ss:$0x81] =	vst.msk $0xffff, v2;
	s26 =	sand.u32 $0xFFFFF800, s26;
	s27 =	sand.u32 $0xFFFFFC00, s27  }
0x11: {  	s25 =	sshra.s32 s25, $0x2;
	v59 =	vld [tilespmem:s24+$0xFFFFFFF0];
	[tilespmem:s23+$0x3060 ss:$0x81] =	vst.msk $0xffff, v3;
	s31 =	sand.u32 $0x300, s30;
	s26 =	sadd.s32 s27, s26  }
0x12: {  	v60 =	vld [tilespmem:s24+$0x0];
	[tilespmem:s23+$0x0 ss:$0x81] =	vst.msk $0xffff, v0;
	s22 =	sadd.s32 s25, s22;
	s26 =	sor.u32 s31, s26  }
0x13: {  	v61 =	vld [tilespmem:s24+$0x10];
	s19 =	smul.u32 $0x480000, s19;
	[tilespmem:s22+$0x3870 ss:$0x81] =	vst.msk $0xffff, v1;
	s26 =	sshrl.u32 s26, $0x8  }
0x14: {  	v62 =	vld [tilespmem:s24+$0x20];
	s28 =	smulhi.u32 $0xAAAAAB, s26;
	[tilespmem:s22+$0x810 ss:$0x81] =	vst.msk $0xffff, v5  }
0x15: {  	v63 =	vld [tilespmem:s24+$0xFFFFFFC0];
	s18 =	smul.u32 $0x3000, s18;
	[tilespmem:s22+$0x1020 ss:$0x81] =	vst.msk $0xffff, v58  }
0x16: {  	s29 =	sand.u32 $0x78, s17;
	s20 =	sand.u32 $0x80, s30;
	[tilespmem:s22+$0x1830 ss:$0x81] =	vst.msk $0xffff, v59;
	s23 =	smul.u32 $0x180, s28  }
0x17: {  	s30 =	sand.u32 $0x7, s17;
	s20 =	sor.u32 s29, s20;
	s19 =	sadd.s32 s4, s19;
	[tilespmem:s22+$0x2040 ss:$0x81] =	vst.msk $0xffff, v60  }
0x18: {  	s20 =	sshrl.u32 s20, $0x3;
	s18 =	sadd.s32 s18, s19;
	[tilespmem:s22+$0x2850 ss:$0x81] =	vst.msk $0xffff, v61;
	s23 =	ssub.s32 s26, s23  }
0x19: {  	s17 =	sshll.u32 s30, $0x12;
	s18 =	sadd.s32 s20, s18;
	[tilespmem:s22+$0x3060 ss:$0x81] =	vst.msk $0xffff, v62;
	s31 =	sshll.u32 s23, $0x5  }
0x1a: {  	s17 =	sor.u32 $0x400, s17;
	[tilespmem:s22+$0x0 ss:$0x81] =	vst.msk $0xffff, v63;
	s18 =	sadd.s32 s31, s18  }
0x1b: {  	[hbm4b:s18+s17] =	stream.strided.scatter [tilespmem:s21], [sflag:$0x2], $0x4000, s11, s17, $0x20;
	[tilespmem:$0x10100] =	vst v63  }
.LBB1_7:
0x1c: {  	s21 =	sadd.s32 $0x80, s12  }
0x1d: {  	s17 =	sadd.s32 $0x8, s13;
	s22 =	smov.u32 s13;
	p2 =	sgt.s32 s21, $0x17F  }
0x1e: {  	s22 =	smov.u32 @p2 s17  }
0x1f: {  	s23 =	smov.u32 s14;
	s17 =	sadd.s32 $0x100, s14;
	p3 =	sgt.s32 s22, $0x17F  }
0x20: {  	s23 =	smov.u32 @p3 s17  }
0x21: {  	s24 =	smov.u32 s15;
	s17 =	sadd.s32 $0x2, s15;
	p4 =	sgt.s32 s23, $0xBF  }
0x22: {  	p1 =	slt.u32 s16, $0x2;
	s24 =	smov.u32 @p4 s17  }
0x23: {  	s20 =	smov.u32 s12;
	s21 =	simm.s32 @p2 $0x0;
	p2 =	sgt.s32 s24, $0x1  }
0x24: {  	s25 =	simm.s32 @!p1 $0x2;
	s24 =	smov.u32 @p2 s3;
	p2 =	sne.s32 s16, s9  }
.Ltmp1:
0x25: {  	s18 =	smov.u32 s13;
	_ =	swait.ge @!p1 [sflag:s25], $0x4000;
	(pc) =	sbr.rel @!p2 .LBB1_8-.Ltmp1, $4  }
0x26: {  	s19 =	smov.u32 s15;
	p0 =	por !p0, !p0;
	[sflag:s25] =	ssyncset.done @!p1 $0x0  }
0x27: {  	s12 =	smov.u32 s21;
	s22 =	smov.u32 @p3 s5;
	[sflag:s25] =	ssyncadd.s32 @!p1 $0xFFFFC000  }
0x28: {  	s13 =	smov.u32 s22;
	s23 =	smov.u32 @p4 s8;
	s17 =	smov.u32 s14  }
0x29: {  	s14 =	smov.u32 s23;
	s16 =	sadd.s32 $0x1, s16;
	s15 =	smov.u32 s24  }
.LBB1_1:
0x2a: {  	p1 =	sge.u32 s16, s7  }
.Ltmp2:
0x2b: {  	_ = 	snop;
	(pc) =	sbr.rel @p1 .LBB1_3-.Ltmp2, $1  }
0x2c: {  	_ =	sdelay $0x3  }
0x2d: {  	s21 =	sshrl.u32 s13, $0x3  }
0x2e: {  	s22 =	sshll.u32 s12, $0x3;
	s21 =	smul.u32 $0xC00, s21  }
0x2f: {  	s23 =	sshll.u32 s13, $0x7;
	s22 =	sand.u32 $0xFFFFFC00, s22  }
0x30: {  	s25 =	sand.u32 $0x380, s23;
	s21 =	sadd.s32 s21, s22  }
0x31: {  	s26 =	sand.u32 $0x7F, s12;
	s21 =	sor.u32 s25, s21  }
0x32: {  	s24 =	sshra.s32 s15, $0x1F;
	s22 =	sor.u32 s26, s21  }
0x33: {  	p1 =	sgt.s32 s15, $0x1;
	s24 =	sand.u32 s24, s15;
	s23 =	smulhi.u32 $0xAAAAAAAB, s22  }
0x34: {  	s28 =	sshra.s32 s14, $0x1F;
	s31 =	sshra.s32 s12, $0x1F;
	s24 =	sxor.u32 $0xFFFFFFFF, s24  }
0x35: {  	s25 =	smov.u32 s15;
	s21 =	smulhi.u32 $0xAAAAAAAB, s21;
	s23 =	sshrl.u32 s23, $0x8  }
0x36: {  	s26 =	sxor.u32 $0xFFFFFFFF, s16;
	s25 =	simm.s32 @!p1 $0x1;
	s23 =	smul.u32 $0x180, s23  }
0x37: {  	s27 =	sadd.s32 s24, s25;
	s24 =	smov.u32 s14;
	s25 =	sand.u32 s28, s14  }
0x38: {  	p1 =	sgt.s32 s27, $0x0;
	s22 =	ssub.s32 s22, s23;
	s23 =	ssub.s32 $0x1, s27  }
0x39: {  	s21 =	sshrl.u32 s21, $0x8;
	s23 =	simm.s32 @p1 $0x0;
	p1 =	sgt.s32 s14, $0x40  }
0x3a: {  	s29 =	smulhi.u32 $0xAAAAAB, s21;
	s27 =	sshra.s32 s13, $0x1F;
	s24 =	simm.s32 @!p1 $0x40  }
0x3b: {  	p1 =	sgt.s32 s13, $0x17F;
	s24 =	ssub.s32 s24, s25;
	s25 =	smov.u32 s13  }
0x3c: {  	s27 =	sand.u32 s27, s13;
	s28 =	sadd.s32 $0xFFFFFFC0, s24;
	s25 =	simm.s32 @!p1 $0x17F  }
0x3d: {  	s24 =	ssub.s32 $0xC0, s24;
	p1 =	sgt.s32 s28, $0x7F;
	s25 =	ssub.s32 s25, s27  }
0x3e: {  	s27 =	smul.u32 $0x180, s29;
	s24 =	simm.s32 @p1 $0x0;
	s30 =	sadd.s32 $0xFFFFFE81, s25  }
0x3f: {  	s23 =	smul.u32 s23, s24;
	p1 =	sgt.s32 s30, $0x0;
	s24 =	ssub.s32 $0x180, s25  }
0x40: {  	s25 =	smov.u32 s12;
	s24 =	simm.s32 @p1 $0x0;
	p1 =	sgt.s32 s12, $0x100  }
0x41: {  	s28 =	sand.u32 s31, s12;
	s31 =	smul.u32 $0x4800, s14;
	s25 =	simm.s32 @!p1 $0x100  }
0x42: {  	s21 =	ssub.s32 s21, s27;
	s30 =	smul.u32 $0x360000, s15;
	s25 =	ssub.s32 s25, s28  }
0x43: {  	s26 =	sshll.u32 s26, $0xE;
	s21 =	smul.u32 $0x30, s21;
	s29 =	sadd.s32 $0xFFFFFF00, s25  }
0x44: {  	s23 =	smul.u32 s24, s23;
	s25 =	ssub.s32 $0x180, s25;
	p1 =	sgt.s32 s29, $0x7F  }
0x45: {  	s24 =	sand.u32 $0x4000, s26;
	s27 =	sadd.s32 s2, s30;
	s25 =	simm.s32 @p1 $0x0  }
0x46: {  	s28 =	sadd.s32 s31, s27;
	s29 =	sand.u32 $0x7, s22;
	s23 =	smul.u32 s25, s23  }
0x47: {  	s21 =	sadd.s32 s21, s28;
	s22 =	sshrl.u32 s22, $0x3;
	s30 =	sshll.u32 s29, $0x12  }
0x48: {  	s21 =	sadd.s32 s22, s21;
	s31 =	sor.u32 $0x80, s30;
	s23 =	sand.u32 $0x3FFFFFFF, s23  }
0x49: {  	[tilespmem:s24], [sflag:$0x1] =	stream.strided.gather [hbm4b:s21+s31], s23, s10, s31, $0x38;
	[tilespmem:$0x10100] =	vst v63  }
.LBB1_3:
0x4a: {  	s21 =	sadd.s32 $0xFFFFFFFF, s16  }
0x4b: {  	p1 =	sge.u32 s21, s7  }
.Ltmp3:
0x4c: {  	_ = 	snop;
	(pc) =	sbr.rel @p1 .LBB1_7-.Ltmp3, $1  }
0x4d: {  	_ =	sdelay $0x3  }
0x4e: {  	p1 =	sgt.s32 s19, $0x1;
	s21 =	smov.u32 s19;
	s22 =	sshra.s32 s19, $0x1F  }
0x4f: {  	s23 =	smov.u32 s17;
	s24 =	sshra.s32 s17, $0x1F;
	s25 =	sshra.s32 s18, $0x1F  }
0x50: {  	s21 =	simm.s32 @!p1 $0x1;
	s22 =	sand.u32 s22, s19;
	p1 =	sgt.s32 s17, $0x40  }
0x51: {  	s24 =	sand.u32 s24, s17;
	s22 =	sxor.u32 $0xFFFFFFFF, s22;
	s23 =	simm.s32 @!p1 $0x40  }
0x52: {  	s27 =	sshra.s32 s20, $0x1F;
	s21 =	sadd.s32 s22, s21;
	s24 =	ssub.s32 s23, s24  }
0x53: {  	p1 =	sgt.s32 s21, $0x0;
	s21 =	ssub.s32 $0x1, s21;
	s23 =	sadd.s32 $0xFFFFFFC0, s24  }
0x54: {  	s22 =	ssub.s32 $0xC0, s24;
	s21 =	simm.s32 @p1 $0x0;
	p1 =	sgt.s32 s23, $0x7F  }
0x55: {  	s23 =	smov.u32 s18;
	s22 =	simm.s32 @p1 $0x0;
	p1 =	sgt.s32 s18, $0x17F  }
0x56: {  	s26 =	sand.u32 s25, s18;
	s21 =	smul.u32 s21, s22;
	s23 =	simm.s32 @!p1 $0x17F  }
0x57: {  	p1 =	sgt.s32 s20, $0x100;
	s22 =	ssub.s32 s23, s26;
	s23 =	smov.u32 s20  }
0x58: {  	s24 =	sand.u32 s27, s20;
	s25 =	sadd.s32 $0xFFFFFE81, s22;
	s23 =	simm.s32 @!p1 $0x100  }
0x59: {  	s22 =	ssub.s32 $0x180, s22;
	p1 =	sgt.s32 s25, $0x0;
	s23 =	ssub.s32 s23, s24  }
0x5a: {  	s22 =	simm.s32 @p1 $0x0;
	s24 =	sadd.s32 $0xFFFFFF00, s23  }
0x5b: {  	s21 =	smul.u32 s22, s21;
	p1 =	sgt.s32 s24, $0x7F;
	s22 =	ssub.s32 $0x180, s23  }
0x5c: {  	s22 =	simm.s32 @p1 $0x0  }
0x5d: {  	s21 =	smul.u32 s22, s21;
	_ =	sdelay $0x1  }
0x5e: {  	s22 =	simm.s32 $0x1;
	s21 =	sand.u32 $0x3FFFFFFF, s21  }
0x5f: {  	s22 =	simm.s32 @!p0 $0x0;
	_ =	swait.ge [sflag:s6], s21  }
0x60: {  	s28 =	sshll.u32 s22, $0xE;
	s21 =	ssub.s32 $0x0, s21;
	[sflag:s6] =	ssyncset.done $0x0  }
0x61: {  	s29 =	sor.u32 $0x40, s28;
	[sflag:s6] =	ssyncadd.s32 s21  }
0x62: {  	s30 =	smul.u32 $0x10200, s22;
	v0 =	vld [tilespmem:s29+$0x30]  }
0x63: {  	v1 =	vld [tilespmem:s29+$0xFFFFFFD0]  }
0x64: {  	s21 =	sshrl.u32 s30, $0x2;
	v5 =	vld [tilespmem:s29+$0xFFFFFFE0]  }
0x65: {  	s22 =	sor.u32 $0x8000, s21;
	v6 =	vld [tilespmem:s29+$0xFFFFFFF0]  }
0x66: {  	s31 =	sand.u32 $0x1, s16;
	v4 =	vld [tilespmem:s29+$0x0];
	s23 =	sadd.s32 $0x0, s22  }
0x67: {  	s21 =	smul.u32 $0x10200, s31;
	v2 =	vld [tilespmem:s29+$0x10];
	[tilespmem:s23+$0x3870 ss:$0x81] =	vst.msk $0xffff, v0  }
0x68: {  	v3 =	vld [tilespmem:s29+$0x20];
	[tilespmem:s23+$0x810 ss:$0x81] =	vst.msk $0xffff, v1  }
0x69: {  	s24 =	sadd.s32 $0x80, s29;
	s21 =	sshrl.u32 s21, $0x2;
	v0 =	vld [tilespmem:s29+$0xFFFFFFC0];
	[tilespmem:s23+$0x1020 ss:$0x81] =	vst.msk $0xffff, v5  }
0x6a: {  	s26 =	simm.s32 $0x8;
	s25 =	simm.s32 $0x4;
	s21 =	sor.u32 $0x8000, s21;
	v1 =	vld [tilespmem:s24+$0x30];
	[tilespmem:s23+$0x1830 ss:$0x81] =	vst.msk $0xffff, v6  }
.LBB1_5:
0x6b: {  	p1 =	sne.s32 s26, $0x1FC;
	v5 =	vld [tilespmem:s24+$0xFFFFFFD0];
	[tilespmem:s23+$0x2040 ss:$0x81] =	vst.msk $0xffff, v4  }
0x6c: {  	v6 =	vld [tilespmem:s24+$0xFFFFFFE0];
	[tilespmem:s23+$0x2850 ss:$0x81] =	vst.msk $0xffff, v2  }
0x6d: {  	s27 =	sshra.s32 s25, $0x2;
	s25 =	smov.u32 s26;
	v7 =	vld [tilespmem:s24+$0xFFFFFFF0];
	[tilespmem:s23+$0x3060 ss:$0x81] =	vst.msk $0xffff, v3  }
.Ltmp4:
0x6e: {  	v4 =	vld [tilespmem:s24+$0x0];
	[tilespmem:s23+$0x0 ss:$0x81] =	vst.msk $0xffff, v0;
	s23 =	sadd.s32 s27, s22;
	(pc) =	sbr.rel @p1 .LBB1_5-.Ltmp4, $4  }
0x6f: {  	v2 =	vld [tilespmem:s24+$0x10];
	[tilespmem:s23+$0x3870 ss:$0x81] =	vst.msk $0xffff, v1  }
0x70: {  	[tilespmem:s23+$0x810 ss:$0x81] =	vst.msk $0xffff, v5;
	v3 =	vld [tilespmem:s24+$0x20]  }
0x71: {  	v0 =	vld [tilespmem:s24+$0xFFFFFFC0];
	[tilespmem:s23+$0x1020 ss:$0x81] =	vst.msk $0xffff, v6;
	s24 =	sadd.s32 $0x80, s24  }
0x72: {  	s26 =	sadd.s32 $0x4, s26;
	v1 =	vld [tilespmem:s24+$0x30];
	[tilespmem:s23+$0x1830 ss:$0x81] =	vst.msk $0xffff, v7  }
.Ltmp5:
0x73: {  	_ = 	snop;
	(pc) =	sbr.rel .LBB1_6-.Ltmp5, $1  }
0x74: {  	_ =	sdelay $0x3  }
.LBB1_8:
0x75: {  	_ =	sfence.sel $0x180000  }
0x76: {  	s2 =	simm.s32 $0x1;
	[bflag:$0x0] =	sbarrier.arrive $0xFFFF  }
0x77: {  	s31 =	simm.s32 $0x2;
	[sflag:s2] =	ssyncpa.u1 $0x1  }
0x78: {  	[sflag:s31] =	ssyncpa.u1 $0x1  }
0x79: {  	p0 =	sne.s32 s1, $0x0;
	_ =	strace $0x90000047  }
0x7a: {  	s0 =	sadd.s32 @!p0 $0x100000, s0;
	[bflag:$0x2] =	sbarrier.arrive $0xFFFF  }
0x7b: {  	[sflag:s0] =	ssyncadd.tile.s32 @!p0 $0x1;
	_ =	shalt  }
.Lfunc_end1:
_tile_overlayer_lowered:
.L_overlay_start_2:
0x7c: {  	(tag) =	ssettag $0x2  }
0x7d: {  	s0 =	rddreg [dreg:$0x0];
	s2 =	stileid.u32  }
0x7e: {  	s1 =	rddreg [dreg:$0x1];
	p0 =	sne.s32 s2, $0x0  }
0x7f: {  	s3 =	rddreg [dreg:$0x2];
	[bflag:$0x3] =	sbarrier.arrive $0xFFFF;
	s2 =	simm.s32 @!p0 $0x1C01  }
0x80: {  	[timem:s3], [sflag:s2] =	dma.local @!p0 [hbm:s0], s1  }
0x81: {  	s0 =	simm.s32 @!p0 $0x1  }
0x82: {  	_ =	swait.ge @!p0 [sflag:s0], s1  }
0x83: {  	s1 =	ssub.s32 @!p0 $0x0, s1;
	[sflag:s0] =	ssyncset.done @!p0 $0x0  }
0x84: {  	[sflag:s0] =	ssyncadd.s32 @!p0 s1  }
0x85: {  	[bflag:$0x3] =	sbarrier.arrive $0xFFFF  }
0x86: {  	_ =	shalt  }

</sc_bundles>
